<compile_context>
chip_gen: v7x
topology: tpu7x:2x2x1
jax: 0.10.2.dev20260603
libtpu: 0.0.44.dev20260713+nightly
codegen_flags: <defaults>
</compile_context>

<pallas_src>
import functools

import jax
import jax.numpy as jnp
from jax import lax
from jax.experimental import pallas as pl
from jax.experimental.pallas import tpu as pltpu
from jax.experimental.pallas import tpu_sc as plsc

_EMB = 128
_BATCH = 512
_NWORKERS = 32
_RPW = _BATCH // _NWORKERS
_NCLS = 13
_NREL = 3
_PROWS = 4 * _RPW + 4
_NCHUNK = _EMB // 16
_UNROLL = 1



def _sc_stage():
    mesh = plsc.VectorSubcoreMesh(core_axis_name="c", subcore_axis_name="s")

    @functools.partial(
        pl.kernel,
        out_type=jax.ShapeDtypeStruct((_NWORKERS, _PROWS, 16), jnp.float32),
        mesh=mesh,
        scratch_types=[
            pltpu.VMEM((16, _RPW), jnp.int32),
            pltpu.VMEM((_NCLS, _RPW, 2 * _EMB), jnp.float32),
            pltpu.VMEM((_NREL, _RPW, _EMB), jnp.float32),
            pltpu.VMEM((_PROWS, 16), jnp.float32),
            [pltpu.SemaphoreType.DMA] * 6,
        ],
    )
    def sc_k(idx_hbm, cls_hbm, rel_hbm, out_hbm, idxv, cbuf, rbuf, sbuf, sems):
        wid = lax.axis_index("s") * 2 + lax.axis_index("c")
        pltpu.sync_copy(idx_hbm.at[wid], idxv)

        def cgather(t, dst, g):
            return pltpu.async_copy(cls_hbm.at[idxv[t, :]], cbuf.at[dst], sems[g])

        def rgather(t, dst, g):
            return pltpu.async_copy(rel_hbm.at[idxv[t, :]], rbuf.at[dst], sems[g])

        groups = [
            [cgather(0, 0, 0), cgather(1, 1, 0)],
            [cgather(2, 2, 1), cgather(3, 3, 1), cgather(4, 4, 1)],
            [cgather(5, 5, 2), cgather(7, 6, 2), rgather(6, 0, 2)],
            [cgather(9, 7, 3), cgather(10, 8, 3), rgather(8, 1, 3)],
            [cgather(11, 9, 4), cgather(12, 10, 4)],
            [cgather(13, 11, 5), cgather(15, 12, 5), rgather(14, 2, 5)],
        ]

        zero = jnp.zeros((16,), jnp.float32)

        def halves(t, r, ch):
            c = cbuf[t, r, pl.ds(ch * 16, 16)]
            o = jnp.abs(cbuf[t, r, pl.ds(_EMB + ch * 16, 16)])
            return c, o

        for d in groups[0]:
            d.wait()

        def row1(i, acc):
            r0 = i * _UNROLL
            for k in range(_UNROLL):
                r = r0 + k
                for ch in range(_NCHUNK):
                    cc, co = halves(0, r, ch)
                    dc, do = halves(1, r, ch)
                    u = jnp.maximum(jnp.abs(cc - dc) + co - do, 0.0)
                    acc = acc + u * u
            return acc

        acc1 = lax.fori_loop(0, _RPW // _UNROLL, row1, zero)

        for d in groups[1]:
            d.wait()

        def row2(i, _):
            r0 = i * _UNROLL
            for k in range(_UNROLL):
                r = r0 + k
                sa = zero
                sb = zero
                for ch in range(_NCHUNK):
                    cc, co = halves(2, r, ch)
                    dc, do = halves(3, r, ch)
                    ec, eo = halves(4, r, ch)
                    ll = jnp.maximum(cc - co, dc - do)
                    ur = jnp.minimum(cc + co, dc + do)
                    dlu = ll - ur
                    u = jnp.maximum(
                        jnp.abs((ll + ur) * 0.5 - ec) + jnp.abs(dlu) * 0.5 - eo,
                        0.0)
                    sa = sa + u * u
                    v = jnp.maximum(dlu, 0.0)
                    sb = sb + v * v
                sbuf[r, :] = sa
                sbuf[_RPW + r, :] = sb
            return 0

        lax.fori_loop(0, _RPW // _UNROLL, row2, 0)

        for d in groups[2]:
            d.wait()

        def row3(i, acc):
            r0 = i * _UNROLL
            for k in range(_UNROLL):
                r = r0 + k
                for ch in range(_NCHUNK):
                    cc, co = halves(5, r, ch)
                    dc, do = halves(6, r, ch)
                    rr = rbuf[0, r, pl.ds(ch * 16, 16)]
                    u = jnp.maximum(jnp.abs(cc + rr - dc) + co - do, 0.0)
                    acc = acc + u * u
            return acc

        acc3 = lax.fori_loop(0, _RPW // _UNROLL, row3, zero)

        for d in groups[3]:
            d.wait()

        def row4(i, acc):
            r0 = i * _UNROLL
            for k in range(_UNROLL):
                r = r0 + k
                for ch in range(_NCHUNK):
                    cc, co = halves(7, r, ch)
                    dc, do = halves(8, r, ch)
                    rr = rbuf[1, r, pl.ds(ch * 16, 16)]
                    u = jnp.maximum(jnp.abs(cc - rr - dc) + co - do, 0.0)
                    acc = acc + u * u
            return acc

        acc4 = lax.fori_loop(0, _RPW // _UNROLL, row4, zero)

        for d in groups[4]:
            d.wait()

        def rowd(i, _):
            r0 = i * _UNROLL
            for k in range(_UNROLL):
                r = r0 + k
                sd = zero
                for ch in range(_NCHUNK):
                    cc, co = halves(9, r, ch)
                    dc, do = halves(10, r, ch)
                    u = jnp.maximum(jnp.abs(cc - dc) - co - do, 0.0)
                    sd = sd + u * u
                sbuf[2 * _RPW + r, :] = sd
            return 0

        lax.fori_loop(0, _RPW // _UNROLL, rowd, 0)

        for d in groups[5]:
            d.wait()

        def rown(i, _):
            r0 = i * _UNROLL
            for k in range(_UNROLL):
                r = r0 + k
                sn = zero
                for ch in range(_NCHUNK):
                    cc, co = halves(11, r, ch)
                    dc, do = halves(12, r, ch)
                    rr = rbuf[2, r, pl.ds(ch * 16, 16)]
                    u = jnp.maximum(jnp.abs(cc + rr - dc) - co - do, 0.0)
                    sn = sn + u * u
                sbuf[3 * _RPW + r, :] = sn
            return 0

        lax.fori_loop(0, _RPW // _UNROLL, rown, 0)

        sbuf[4 * _RPW, :] = acc1
        sbuf[4 * _RPW + 1, :] = acc3
        sbuf[4 * _RPW + 2, :] = acc4
        sbuf[4 * _RPW + 3, :] = zero
        pltpu.sync_copy(sbuf, out_hbm.at[wid])

    return sc_k


def _combine_body(x_ref, o_ref):
    x = x_ref[...]
    inv_b = 1.0 / _BATCH
    sa = jnp.sum(x[:, 0:_RPW, :], axis=2)
    sb = jnp.sum(x[:, _RPW:2 * _RPW, :], axis=2)
    sd = jnp.sum(x[:, 2 * _RPW:3 * _RPW, :], axis=2)
    sn = jnp.sum(x[:, 3 * _RPW:4 * _RPW, :], axis=2)
    p0 = jnp.sum(x[:, 4 * _RPW, :])
    p5 = jnp.sum(x[:, 4 * _RPW + 1, :])
    p6 = jnp.sum(x[:, 4 * _RPW + 2, :])
    a = jnp.sqrt(sa)
    b = jnp.sqrt(sb)
    p1 = jnp.sum(a)
    p2 = jnp.sum(sa)
    p3 = jnp.sum(b)
    p4 = jnp.sum(sb)
    p7 = jnp.sum(jnp.maximum(2.0 - jnp.sqrt(sd), 0.0) ** 2)
    p8 = jnp.sum(jnp.sqrt(sn))
    p9 = jnp.sum(sn)
    loss = (p0 * inv_b
            + p2 * inv_b + 2.0 * (p1 * inv_b) * (p3 * inv_b) + p4 * inv_b
            + p7 * inv_b
            + p5 * inv_b + p6 * inv_b
            + 4.0 - 4.0 * p8 * inv_b + p9 * inv_b)
    o_ref[0, 0] = loss


def _tc_combine(partials):
    return pl.pallas_call(
        _combine_body,
        out_shape=jax.ShapeDtypeStruct((1, 1), jnp.float32),
        in_specs=[pl.BlockSpec(memory_space=pltpu.VMEM)],
        out_specs=pl.BlockSpec(memory_space=pltpu.SMEM),
    )(partials)


def kernel(nf1, nf2, nf3, nf4, disjoint, nf3_neg, class_emb, rel_emb):
    b = _BATCH
    cols = jnp.concatenate(
        [nf1[:b], nf2[:b], nf3[:b], nf4[:b], disjoint[:b], nf3_neg[:b]], axis=1)
    idx_w = cols.reshape(_NWORKERS, _RPW, 16).transpose(0, 2, 1)
    partials = _sc_stage()(idx_w, class_emb, rel_emb)
    return _tc_combine(partials)[0, 0]

# --- scband reference (transcript-rebuilt; emitter-appended) ---
"""Pipeline reference for scband-elbox-model-39960375722798 (READ-ONLY COPY).

The authoritative reference and input builder live on the scoring server;
editing this copy changes nothing except your own understanding.
"""

import jax, jax.numpy as jnp
import numpy as np

CLASS_NUM = 1000
REL_NUM = 1000
EMB = 128
BATCH = 512
MARGIN = 0.0
DISJOINT_DIST = 2.0
N_ROWS = 16384


def _norm_rows(w):
    return w / jnp.linalg.norm(w, axis=1, keepdims=True)


def setup_inputs(seed: int = 0) -> dict:
    key = jax.random.key(seed)
    ks = jax.random.split(key, 8)

    def idx(k, shape):
        return jax.random.randint(k, shape, 0, 900, dtype=jnp.int32)

    nf1 = idx(ks[0], (N_ROWS, 2))
    nf2 = idx(ks[1], (N_ROWS, 3))
    nf3 = idx(ks[2], (N_ROWS, 3))
    nf4 = idx(ks[3], (N_ROWS, 3))
    disjoint = idx(ks[4], (N_ROWS, 2))
    nf3_neg = idx(ks[5], (N_ROWS, 3))
    class_emb = _norm_rows(jax.random.uniform(ks[6], (CLASS_NUM, EMB * 2), minval=-1.0, maxval=1.0, dtype=jnp.float32))
    rel_emb = _norm_rows(jax.random.uniform(ks[7], (REL_NUM, EMB), minval=-1.0, maxval=1.0, dtype=jnp.float32))
    return {"nf1": nf1, "nf2": nf2, "nf3": nf3, "nf4": nf4, "disjoint": disjoint, "nf3_neg": nf3_neg, "class_emb": class_emb, "rel_emb": rel_emb}


def _boxes(e):
    return e[:, :EMB], jnp.abs(e[:, EMB:])


def _forward(class_emb, rel_emb, nf1, nf2, nf3, nf4, disjoint, nf3_neg):
    relu = jax.nn.relu
    # deterministic batch selection (original uses np.random.choice of size 512)
    nf1 = nf1[:BATCH]
    nf2 = nf2[:BATCH]
    nf3 = nf3[:BATCH]
    nf4 = nf4[:BATCH]
    disjoint = disjoint[:BATCH]
    nf3_neg = nf3_neg[:BATCH]

    # nf1 loss: C subsumed-by D
    cc, co = _boxes(jnp.take(class_emb, nf1[:, 0], axis=0))
    dc, do = _boxes(jnp.take(class_emb, nf1[:, 1], axis=0))
    dst1 = jnp.linalg.norm(relu(jnp.abs(cc - dc) + co - do - MARGIN), axis=1).reshape(-1, 1)
    loss1 = jnp.mean(dst1 ** 2)

    # nf2 loss: C and D subsumed-by E
    cc, co = _boxes(jnp.take(class_emb, nf2[:, 0], axis=0))
    dc, do = _boxes(jnp.take(class_emb, nf2[:, 1], axis=0))
    ec, eo = _boxes(jnp.take(class_emb, nf2[:, 2], axis=0))
    ll = jnp.maximum(cc - co, dc - do)
    ur = jnp.minimum(cc + co, dc + do)
    ioff = jnp.abs(ll - ur) / 2
    ictr = (ll + ur) / 2
    dst2 = jnp.linalg.norm(relu(jnp.abs(ictr - ec) + ioff - eo - MARGIN), axis=1).reshape(-1, 1)
    # NOTE: (B,1) + (B,) broadcasts to (B,B) exactly as in the torch original
    dst2 = dst2 + jnp.linalg.norm(relu(ll - ur), axis=1)
    loss2 = jnp.mean(dst2 ** 2)

    # nf3 loss: C subsumed-by R some D
    cc, co = _boxes(jnp.take(class_emb, nf3[:, 0], axis=0))
    r = jnp.take(rel_emb, nf3[:, 1], axis=0)
    dc, do = _boxes(jnp.take(class_emb, nf3[:, 2], axis=0))
    dst3 = jnp.linalg.norm(relu(jnp.abs(cc + r - dc) + co - do - MARGIN), axis=1).reshape(-1, 1)
    loss3 = jnp.mean(dst3 ** 2)

    # nf4 loss: R some C subsumed-by D  (note column order [r, c, d])
    r = jnp.take(rel_emb, nf4[:, 0], axis=0)
    cc, co = _boxes(jnp.take(class_emb, nf4[:, 1], axis=0))
    dc, do = _boxes(jnp.take(class_emb, nf4[:, 2], axis=0))
    dst4 = jnp.linalg.norm(relu(jnp.abs(cc - r - dc) + co - do - MARGIN), axis=1).reshape(-1, 1)
    loss4 = jnp.mean(dst4 ** 2)

    # disjoint loss
    cc, co = _boxes(jnp.take(class_emb, disjoint[:, 0], axis=0))
    dc, do = _boxes(jnp.take(class_emb, disjoint[:, 1], axis=0))
    dstd = jnp.linalg.norm(relu(jnp.abs(cc - dc) - co - do + MARGIN), axis=1).reshape(-1, 1)
    lossd = jnp.mean(relu(DISJOINT_DIST - dstd) ** 2)

    # negative nf3 loss
    cc, co = _boxes(jnp.take(class_emb, nf3_neg[:, 0], axis=0))
    r = jnp.take(rel_emb, nf3_neg[:, 1], axis=0)
    dc, do = _boxes(jnp.take(class_emb, nf3_neg[:, 2], axis=0))
    dstn = jnp.linalg.norm(relu(jnp.abs(cc + r - dc) - co - do + MARGIN), axis=1).reshape(-1, 1)
    lossn = jnp.mean((DISJOINT_DIST - dstn) ** 2)

    return loss1 + loss2 + lossd + loss3 + loss4 + lossn


def reference(nf1, nf2, nf3, nf4, disjoint, nf3_neg, class_emb, rel_emb):
    return _forward(class_emb, rel_emb, nf1, nf2, nf3, nf4, disjoint, nf3_neg)

if __name__ == "__main__":
    import jax
    _d = setup_inputs()
    print(jax.jit(kernel)(*tuple(_d.values())))

</pallas_src>

<mosaic_0001>
#map = affine_map<(d0, d1) -> (0, 0, 0)>
#map1 = affine_map<(d0, d1) -> (0, 0)>
module attributes {stable_mosaic.version = 14 : i64} {
  func.func @sc_k(%arg0: i32, %arg1: i32, %arg2: memref<32x16x16xi32, #tpu.memory_space<hbm>>, %arg3: memref<1000x256xf32, #tpu.memory_space<hbm>>, %arg4: memref<1000x128xf32, #tpu.memory_space<hbm>>, %arg5: memref<32x68x16xf32, #tpu.memory_space<hbm>>, %arg6: memref<16x16xi32, #tpu.memory_space<vmem>>, %arg7: memref<13x16x256xf32, #tpu.memory_space<vmem>>, %arg8: memref<3x16x128xf32, #tpu.memory_space<vmem>>, %arg9: memref<68x16xf32, #tpu.memory_space<vmem>>, %arg10: memref<!tpu.dma_semaphore, #tpu.memory_space<semaphore_mem>>, %arg11: memref<!tpu.dma_semaphore, #tpu.memory_space<semaphore_mem>>, %arg12: memref<!tpu.dma_semaphore, #tpu.memory_space<semaphore_mem>>, %arg13: memref<!tpu.dma_semaphore, #tpu.memory_space<semaphore_mem>>, %arg14: memref<!tpu.dma_semaphore, #tpu.memory_space<semaphore_mem>>, %arg15: memref<!tpu.dma_semaphore, #tpu.memory_space<semaphore_mem>>) attributes {dimension_semantics = [#tpu.dimension_semantics<core_parallel>, #tpu.dimension_semantics<subcore_parallel>], iteration_bounds = array<i64: 2, 16>, scalar_prefetch = 0 : i64, scratch_operands = 10 : i64, tpu.core_type = #tpu.core_type<sc_vector_subcore>, window_params = [{transform_indices = #map}, {transform_indices = #map1}, {transform_indices = #map1}, {transform_indices = #map}]} {
    %mul3A = arith.constant 2 : i32
    %mul3A_0 = arith.muli %arg1, %mul3A : i32
    %add3A = arith.addi %mul3A_0, %arg0 : i32
    "tpu.region"() ({
      %run_scoped3A = tpu.sem_alloc : memref<!tpu.dma_semaphore, #tpu.memory_space<semaphore_mem>>
      %dma_start3A_396 = arith.constant 0 : i32
      %dma_start3A_397 = arith.constant 0 : i32
      %dma_start3A_398 = tpu.memref_slice %arg2[%add3A, %dma_start3A_396, %dma_start3A_397] : memref<32x16x16xi32, #tpu.memory_space<hbm>> -> memref<1x16x16xi32, #tpu.memory_space<hbm>>
      %dma_start3A_399 = tpu.memref_squeeze %dma_start3A_398 : memref<1x16x16xi32, #tpu.memory_space<hbm>> -> memref<16x16xi32, #tpu.memory_space<hbm>>
      %dma_start3A_400 = arith.constant 0 : i32
      %dma_start3A_401 = arith.constant 0 : i32
      %dma_start3A_402 = tpu.memref_slice %arg2[%add3A, %dma_start3A_400, %dma_start3A_401] : memref<32x16x16xi32, #tpu.memory_space<hbm>> -> memref<1x16x16xi32, #tpu.memory_space<hbm>>
      %dma_start3A_403 = tpu.memref_squeeze %dma_start3A_402 : memref<1x16x16xi32, #tpu.memory_space<hbm>> -> memref<16x16xi32, #tpu.memory_space<hbm>>
      tpu.enqueue_dma source(%dma_start3A_403 : memref<16x16xi32, #tpu.memory_space<hbm>>) target(%arg6 : memref<16x16xi32, #tpu.memory_space<vmem>>) target_semaphore(%run_scoped3A : memref<!tpu.dma_semaphore, #tpu.memory_space<semaphore_mem>>)
      %dma_wait3A_404 = arith.constant 0 : i32
      %dma_wait3A_405 = arith.constant 0 : i32
      %dma_wait3A_406 = tpu.memref_slice %arg2[%add3A, %dma_wait3A_404, %dma_wait3A_405] : memref<32x16x16xi32, #tpu.memory_space<hbm>> -> memref<1x16x16xi32, #tpu.memory_space<hbm>>
      %dma_wait3A_407 = tpu.memref_squeeze %dma_wait3A_406 : memref<1x16x16xi32, #tpu.memory_space<hbm>> -> memref<16x16xi32, #tpu.memory_space<hbm>>
      %dma_wait3A_408 = arith.constant 0 : i32
      %dma_wait3A_409 = arith.constant 0 : i32
      %dma_wait3A_410 = tpu.memref_slice %arg2[%add3A, %dma_wait3A_408, %dma_wait3A_409] : memref<32x16x16xi32, #tpu.memory_space<hbm>> -> memref<1x16x16xi32, #tpu.memory_space<hbm>>
      %dma_wait3A_411 = tpu.memref_squeeze %dma_wait3A_410 : memref<1x16x16xi32, #tpu.memory_space<hbm>> -> memref<16x16xi32, #tpu.memory_space<hbm>>
      tpu.wait_dma2 semaphore(%run_scoped3A : memref<!tpu.dma_semaphore, #tpu.memory_space<semaphore_mem>>) src(%dma_wait3A_411 : memref<16x16xi32, #tpu.memory_space<hbm>>) dst(%arg6 : memref<16x16xi32, #tpu.memory_space<vmem>>)
      tpu.yield
    }) : () -> ()
    %get3A = arith.constant 0 : i32
    %get3A_1 = arith.index_cast %get3A : i32 to index
    %get3A_2 = arith.constant 0 : index
    %get3A_3 = tpu.vector_load %arg6[%get3A_1, %get3A_2] {strides = array<i32>} : memref<16x16xi32, #tpu.memory_space<vmem>>, vector<1x16xi32>,
    %get3A_4 = vector.shape_cast %get3A_3 : vector<1x16xi32> to vector<16xi32>
    %dma_start3A = arith.constant 0 : i32
    %dma_start3A_5 = arith.constant 0 : i32
    %dma_start3A_6 = arith.constant 0 : i32
    %dma_start3A_7 = tpu.memref_slice %arg7[%dma_start3A, %dma_start3A_5, %dma_start3A_6] : memref<13x16x256xf32, #tpu.memory_space<vmem>> -> memref<1x16x256xf32, #tpu.memory_space<vmem>>
    %dma_start3A_8 = tpu.memref_squeeze %dma_start3A_7 : memref<1x16x256xf32, #tpu.memory_space<vmem>> -> memref<16x256xf32, #tpu.memory_space<vmem>>
    %dma_start3A_9 = arith.constant 0 : i32
    %dma_start3A_10 = arith.constant 0 : i32
    %dma_start3A_11 = tpu.memref_slice %arg3[%dma_start3A_9, %dma_start3A_10] : memref<1000x256xf32, #tpu.memory_space<hbm>> -> memref<1000x256xf32, #tpu.memory_space<hbm>>
    tpu.enqueue_indirect_dma source(%dma_start3A_11 : memref<1000x256xf32, #tpu.memory_space<hbm>>) target(%dma_start3A_8 : memref<16x256xf32, #tpu.memory_space<vmem>>) offsets(%get3A_4 : vector<16xi32>) semaphore(%arg10 : memref<!tpu.dma_semaphore, #tpu.memory_space<semaphore_mem>>)
    %get3A_12 = arith.constant 1 : i32
    %get3A_13 = arith.index_cast %get3A_12 : i32 to index
    %get3A_14 = arith.constant 0 : index
    %get3A_15 = tpu.vector_load %arg6[%get3A_13, %get3A_14] {strides = array<i32>} : memref<16x16xi32, #tpu.memory_space<vmem>>, vector<1x16xi32>,
    %get3A_16 = vector.shape_cast %get3A_15 : vector<1x16xi32> to vector<16xi32>
    %dma_start3A_17 = arith.constant 1 : i32
    %dma_start3A_18 = arith.constant 0 : i32
    %dma_start3A_19 = arith.constant 0 : i32
    %dma_start3A_20 = tpu.memref_slice %arg7[%dma_start3A_17, %dma_start3A_18, %dma_start3A_19] : memref<13x16x256xf32, #tpu.memory_space<vmem>> -> memref<1x16x256xf32, #tpu.memory_space<vmem>>
    %dma_start3A_21 = tpu.memref_squeeze %dma_start3A_20 : memref<1x16x256xf32, #tpu.memory_space<vmem>> -> memref<16x256xf32, #tpu.memory_space<vmem>>
    %dma_start3A_22 = arith.constant 0 : i32
    %dma_start3A_23 = arith.constant 0 : i32
    %dma_start3A_24 = tpu.memref_slice %arg3[%dma_start3A_22, %dma_start3A_23] : memref<1000x256xf32, #tpu.memory_space<hbm>> -> memref<1000x256xf32, #tpu.memory_space<hbm>>
    tpu.enqueue_indirect_dma source(%dma_start3A_24 : memref<1000x256xf32, #tpu.memory_space<hbm>>) target(%dma_start3A_21 : memref<16x256xf32, #tpu.memory_space<vmem>>) offsets(%get3A_16 : vector<16xi32>) semaphore(%arg10 : memref<!tpu.dma_semaphore, #tpu.memory_space<semaphore_mem>>)
    %get3A_25 = arith.constant 2 : i32
    %get3A_26 = arith.index_cast %get3A_25 : i32 to index
    %get3A_27 = arith.constant 0 : index
    %get3A_28 = tpu.vector_load %arg6[%get3A_26, %get3A_27] {strides = array<i32>} : memref<16x16xi32, #tpu.memory_space<vmem>>, vector<1x16xi32>,
    %get3A_29 = vector.shape_cast %get3A_28 : vector<1x16xi32> to vector<16xi32>
    %dma_start3A_30 = arith.constant 2 : i32
    %dma_start3A_31 = arith.constant 0 : i32
    %dma_start3A_32 = arith.constant 0 : i32
    %dma_start3A_33 = tpu.memref_slice %arg7[%dma_start3A_30, %dma_start3A_31, %dma_start3A_32] : memref<13x16x256xf32, #tpu.memory_space<vmem>> -> memref<1x16x256xf32, #tpu.memory_space<vmem>>
    %dma_start3A_34 = tpu.memref_squeeze %dma_start3A_33 : memref<1x16x256xf32, #tpu.memory_space<vmem>> -> memref<16x256xf32, #tpu.memory_space<vmem>>
    %dma_start3A_35 = arith.constant 0 : i32
    %dma_start3A_36 = arith.constant 0 : i32
    %dma_start3A_37 = tpu.memref_slice %arg3[%dma_start3A_35, %dma_start3A_36] : memref<1000x256xf32, #tpu.memory_space<hbm>> -> memref<1000x256xf32, #tpu.memory_space<hbm>>
    tpu.enqueue_indirect_dma source(%dma_start3A_37 : memref<1000x256xf32, #tpu.memory_space<hbm>>) target(%dma_start3A_34 : memref<16x256xf32, #tpu.memory_space<vmem>>) offsets(%get3A_29 : vector<16xi32>) semaphore(%arg11 : memref<!tpu.dma_semaphore, #tpu.memory_space<semaphore_mem>>)
    %get3A_38 = arith.constant 3 : i32
    %get3A_39 = arith.index_cast %get3A_38 : i32 to index
    %get3A_40 = arith.constant 0 : index
    %get3A_41 = tpu.vector_load %arg6[%get3A_39, %get3A_40] {strides = array<i32>} : memref<16x16xi32, #tpu.memory_space<vmem>>, vector<1x16xi32>,
    %get3A_42 = vector.shape_cast %get3A_41 : vector<1x16xi32> to vector<16xi32>
    %dma_start3A_43 = arith.constant 3 : i32
    %dma_start3A_44 = arith.constant 0 : i32
    %dma_start3A_45 = arith.constant 0 : i32
    %dma_start3A_46 = tpu.memref_slice %arg7[%dma_start3A_43, %dma_start3A_44, %dma_start3A_45] : memref<13x16x256xf32, #tpu.memory_space<vmem>> -> memref<1x16x256xf32, #tpu.memory_space<vmem>>
    %dma_start3A_47 = tpu.memref_squeeze %dma_start3A_46 : memref<1x16x256xf32, #tpu.memory_space<vmem>> -> memref<16x256xf32, #tpu.memory_space<vmem>>
    %dma_start3A_48 = arith.constant 0 : i32
    %dma_start3A_49 = arith.constant 0 : i32
    %dma_start3A_50 = tpu.memref_slice %arg3[%dma_start3A_48, %dma_start3A_49] : memref<1000x256xf32, #tpu.memory_space<hbm>> -> memref<1000x256xf32, #tpu.memory_space<hbm>>
    tpu.enqueue_indirect_dma source(%dma_start3A_50 : memref<1000x256xf32, #tpu.memory_space<hbm>>) target(%dma_start3A_47 : memref<16x256xf32, #tpu.memory_space<vmem>>) offsets(%get3A_42 : vector<16xi32>) semaphore(%arg11 : memref<!tpu.dma_semaphore, #tpu.memory_space<semaphore_mem>>)
    %get3A_51 = arith.constant 4 : i32
    %get3A_52 = arith.index_cast %get3A_51 : i32 to index
    %get3A_53 = arith.constant 0 : index
    %get3A_54 = tpu.vector_load %arg6[%get3A_52, %get3A_53] {strides = array<i32>} : memref<16x16xi32, #tpu.memory_space<vmem>>, vector<1x16xi32>,
    %get3A_55 = vector.shape_cast %get3A_54 : vector<1x16xi32> to vector<16xi32>
    %dma_start3A_56 = arith.constant 4 : i32
    %dma_start3A_57 = arith.constant 0 : i32
    %dma_start3A_58 = arith.constant 0 : i32
    %dma_start3A_59 = tpu.memref_slice %arg7[%dma_start3A_56, %dma_start3A_57, %dma_start3A_58] : memref<13x16x256xf32, #tpu.memory_space<vmem>> -> memref<1x16x256xf32, #tpu.memory_space<vmem>>
    %dma_start3A_60 = tpu.memref_squeeze %dma_start3A_59 : memref<1x16x256xf32, #tpu.memory_space<vmem>> -> memref<16x256xf32, #tpu.memory_space<vmem>>
    %dma_start3A_61 = arith.constant 0 : i32
    %dma_start3A_62 = arith.constant 0 : i32
    %dma_start3A_63 = tpu.memref_slice %arg3[%dma_start3A_61, %dma_start3A_62] : memref<1000x256xf32, #tpu.memory_space<hbm>> -> memref<1000x256xf32, #tpu.memory_space<hbm>>
    tpu.enqueue_indirect_dma source(%dma_start3A_63 : memref<1000x256xf32, #tpu.memory_space<hbm>>) target(%dma_start3A_60 : memref<16x256xf32, #tpu.memory_space<vmem>>) offsets(%get3A_55 : vector<16xi32>) semaphore(%arg11 : memref<!tpu.dma_semaphore, #tpu.memory_space<semaphore_mem>>)
    %get3A_64 = arith.constant 5 : i32
    %get3A_65 = arith.index_cast %get3A_64 : i32 to index
    %get3A_66 = arith.constant 0 : index
    %get3A_67 = tpu.vector_load %arg6[%get3A_65, %get3A_66] {strides = array<i32>} : memref<16x16xi32, #tpu.memory_space<vmem>>, vector<1x16xi32>,
    %get3A_68 = vector.shape_cast %get3A_67 : vector<1x16xi32> to vector<16xi32>
    %dma_start3A_69 = arith.constant 5 : i32
    %dma_start3A_70 = arith.constant 0 : i32
    %dma_start3A_71 = arith.constant 0 : i32
    %dma_start3A_72 = tpu.memref_slice %arg7[%dma_start3A_69, %dma_start3A_70, %dma_start3A_71] : memref<13x16x256xf32, #tpu.memory_space<vmem>> -> memref<1x16x256xf32, #tpu.memory_space<vmem>>
    %dma_start3A_73 = tpu.memref_squeeze %dma_start3A_72 : memref<1x16x256xf32, #tpu.memory_space<vmem>> -> memref<16x256xf32, #tpu.memory_space<vmem>>
    %dma_start3A_74 = arith.constant 0 : i32
    %dma_start3A_75 = arith.constant 0 : i32
    %dma_start3A_76 = tpu.memref_slice %arg3[%dma_start3A_74, %dma_start3A_75] : memref<1000x256xf32, #tpu.memory_space<hbm>> -> memref<1000x256xf32, #tpu.memory_space<hbm>>
    tpu.enqueue_indirect_dma source(%dma_start3A_76 : memref<1000x256xf32, #tpu.memory_space<hbm>>) target(%dma_start3A_73 : memref<16x256xf32, #tpu.memory_space<vmem>>) offsets(%get3A_68 : vector<16xi32>) semaphore(%arg12 : memref<!tpu.dma_semaphore, #tpu.memory_space<semaphore_mem>>)
    %get3A_77 = arith.constant 7 : i32
    %get3A_78 = arith.index_cast %get3A_77 : i32 to index
    %get3A_79 = arith.constant 0 : index
    %get3A_80 = tpu.vector_load %arg6[%get3A_78, %get3A_79] {strides = array<i32>} : memref<16x16xi32, #tpu.memory_space<vmem>>, vector<1x16xi32>,
    %get3A_81 = vector.shape_cast %get3A_80 : vector<1x16xi32> to vector<16xi32>
    %dma_start3A_82 = arith.constant 6 : i32
    %dma_start3A_83 = arith.constant 0 : i32
    %dma_start3A_84 = arith.constant 0 : i32
    %dma_start3A_85 = tpu.memref_slice %arg7[%dma_start3A_82, %dma_start3A_83, %dma_start3A_84] : memref<13x16x256xf32, #tpu.memory_space<vmem>> -> memref<1x16x256xf32, #tpu.memory_space<vmem>>
    %dma_start3A_86 = tpu.memref_squeeze %dma_start3A_85 : memref<1x16x256xf32, #tpu.memory_space<vmem>> -> memref<16x256xf32, #tpu.memory_space<vmem>>
    %dma_start3A_87 = arith.constant 0 : i32
    %dma_start3A_88 = arith.constant 0 : i32
    %dma_start3A_89 = tpu.memref_slice %arg3[%dma_start3A_87, %dma_start3A_88] : memref<1000x256xf32, #tpu.memory_space<hbm>> -> memref<1000x256xf32, #tpu.memory_space<hbm>>
    tpu.enqueue_indirect_dma source(%dma_start3A_89 : memref<1000x256xf32, #tpu.memory_space<hbm>>) target(%dma_start3A_86 : memref<16x256xf32, #tpu.memory_space<vmem>>) offsets(%get3A_81 : vector<16xi32>) semaphore(%arg12 : memref<!tpu.dma_semaphore, #tpu.memory_space<semaphore_mem>>)
    %get3A_90 = arith.constant 6 : i32
    %get3A_91 = arith.index_cast %get3A_90 : i32 to index
    %get3A_92 = arith.constant 0 : index
    %get3A_93 = tpu.vector_load %arg6[%get3A_91, %get3A_92] {strides = array<i32>} : memref<16x16xi32, #tpu.memory_space<vmem>>, vector<1x16xi32>,
    %get3A_94 = vector.shape_cast %get3A_93 : vector<1x16xi32> to vector<16xi32>
    %dma_start3A_95 = arith.constant 0 : i32
    %dma_start3A_96 = arith.constant 0 : i32
    %dma_start3A_97 = arith.constant 0 : i32
    %dma_start3A_98 = tpu.memref_slice %arg8[%dma_start3A_95, %dma_start3A_96, %dma_start3A_97] : memref<3x16x128xf32, #tpu.memory_space<vmem>> -> memref<1x16x128xf32, #tpu.memory_space<vmem>>
    %dma_start3A_99 = tpu.memref_squeeze %dma_start3A_98 : memref<1x16x128xf32, #tpu.memory_space<vmem>> -> memref<16x128xf32, #tpu.memory_space<vmem>>
    %dma_start3A_100 = arith.constant 0 : i32
    %dma_start3A_101 = arith.constant 0 : i32
    %dma_start3A_102 = tpu.memref_slice %arg4[%dma_start3A_100, %dma_start3A_101] : memref<1000x128xf32, #tpu.memory_space<hbm>> -> memref<1000x128xf32, #tpu.memory_space<hbm>>
    tpu.enqueue_indirect_dma source(%dma_start3A_102 : memref<1000x128xf32, #tpu.memory_space<hbm>>) target(%dma_start3A_99 : memref<16x128xf32, #tpu.memory_space<vmem>>) offsets(%get3A_94 : vector<16xi32>) semaphore(%arg12 : memref<!tpu.dma_semaphore, #tpu.memory_space<semaphore_mem>>)
    %get3A_103 = arith.constant 9 : i32
    %get3A_104 = arith.index_cast %get3A_103 : i32 to index
    %get3A_105 = arith.constant 0 : index
    %get3A_106 = tpu.vector_load %arg6[%get3A_104, %get3A_105] {strides = array<i32>} : memref<16x16xi32, #tpu.memory_space<vmem>>, vector<1x16xi32>,
    %get3A_107 = vector.shape_cast %get3A_106 : vector<1x16xi32> to vector<16xi32>
    %dma_start3A_108 = arith.constant 7 : i32
    %dma_start3A_109 = arith.constant 0 : i32
    %dma_start3A_110 = arith.constant 0 : i32
    %dma_start3A_111 = tpu.memref_slice %arg7[%dma_start3A_108, %dma_start3A_109, %dma_start3A_110] : memref<13x16x256xf32, #tpu.memory_space<vmem>> -> memref<1x16x256xf32, #tpu.memory_space<vmem>>
    %dma_start3A_112 = tpu.memref_squeeze %dma_start3A_111 : memref<1x16x256xf32, #tpu.memory_space<vmem>> -> memref<16x256xf32, #tpu.memory_space<vmem>>
    %dma_start3A_113 = arith.constant 0 : i32
    %dma_start3A_114 = arith.constant 0 : i32
    %dma_start3A_115 = tpu.memref_slice %arg3[%dma_start3A_113, %dma_start3A_114] : memref<1000x256xf32, #tpu.memory_space<hbm>> -> memref<1000x256xf32, #tpu.memory_space<hbm>>
    tpu.enqueue_indirect_dma source(%dma_start3A_115 : memref<1000x256xf32, #tpu.memory_space<hbm>>) target(%dma_start3A_112 : memref<16x256xf32, #tpu.memory_space<vmem>>) offsets(%get3A_107 : vector<16xi32>) semaphore(%arg13 : memref<!tpu.dma_semaphore, #tpu.memory_space<semaphore_mem>>)
    %get3A_116 = arith.constant 10 : i32
    %get3A_117 = arith.index_cast %get3A_116 : i32 to index
    %get3A_118 = arith.constant 0 : index
    %get3A_119 = tpu.vector_load %arg6[%get3A_117, %get3A_118] {strides = array<i32>} : memref<16x16xi32, #tpu.memory_space<vmem>>, vector<1x16xi32>,
    %get3A_120 = vector.shape_cast %get3A_119 : vector<1x16xi32> to vector<16xi32>
    %dma_start3A_121 = arith.constant 8 : i32
    %dma_start3A_122 = arith.constant 0 : i32
    %dma_start3A_123 = arith.constant 0 : i32
    %dma_start3A_124 = tpu.memref_slice %arg7[%dma_start3A_121, %dma_start3A_122, %dma_start3A_123] : memref<13x16x256xf32, #tpu.memory_space<vmem>> -> memref<1x16x256xf32, #tpu.memory_space<vmem>>
    %dma_start3A_125 = tpu.memref_squeeze %dma_start3A_124 : memref<1x16x256xf32, #tpu.memory_space<vmem>> -> memref<16x256xf32, #tpu.memory_space<vmem>>
    %dma_start3A_126 = arith.constant 0 : i32
    %dma_start3A_127 = arith.constant 0 : i32
    %dma_start3A_128 = tpu.memref_slice %arg3[%dma_start3A_126, %dma_start3A_127] : memref<1000x256xf32, #tpu.memory_space<hbm>> -> memref<1000x256xf32, #tpu.memory_space<hbm>>
    tpu.enqueue_indirect_dma source(%dma_start3A_128 : memref<1000x256xf32, #tpu.memory_space<hbm>>) target(%dma_start3A_125 : memref<16x256xf32, #tpu.memory_space<vmem>>) offsets(%get3A_120 : vector<16xi32>) semaphore(%arg13 : memref<!tpu.dma_semaphore, #tpu.memory_space<semaphore_mem>>)
    %get3A_129 = arith.constant 8 : i32
    %get3A_130 = arith.index_cast %get3A_129 : i32 to index
    %get3A_131 = arith.constant 0 : index
    %get3A_132 = tpu.vector_load %arg6[%get3A_130, %get3A_131] {strides = array<i32>} : memref<16x16xi32, #tpu.memory_space<vmem>>, vector<1x16xi32>,
    %get3A_133 = vector.shape_cast %get3A_132 : vector<1x16xi32> to vector<16xi32>
    %dma_start3A_134 = arith.constant 1 : i32
    %dma_start3A_135 = arith.constant 0 : i32
    %dma_start3A_136 = arith.constant 0 : i32
    %dma_start3A_137 = tpu.memref_slice %arg8[%dma_start3A_134, %dma_start3A_135, %dma_start3A_136] : memref<3x16x128xf32, #tpu.memory_space<vmem>> -> memref<1x16x128xf32, #tpu.memory_space<vmem>>
    %dma_start3A_138 = tpu.memref_squeeze %dma_start3A_137 : memref<1x16x128xf32, #tpu.memory_space<vmem>> -> memref<16x128xf32, #tpu.memory_space<vmem>>
    %dma_start3A_139 = arith.constant 0 : i32
    %dma_start3A_140 = arith.constant 0 : i32
    %dma_start3A_141 = tpu.memref_slice %arg4[%dma_start3A_139, %dma_start3A_140] : memref<1000x128xf32, #tpu.memory_space<hbm>> -> memref<1000x128xf32, #tpu.memory_space<hbm>>
    tpu.enqueue_indirect_dma source(%dma_start3A_141 : memref<1000x128xf32, #tpu.memory_space<hbm>>) target(%dma_start3A_138 : memref<16x128xf32, #tpu.memory_space<vmem>>) offsets(%get3A_133 : vector<16xi32>) semaphore(%arg13 : memref<!tpu.dma_semaphore, #tpu.memory_space<semaphore_mem>>)
    %get3A_142 = arith.constant 11 : i32
    %get3A_143 = arith.index_cast %get3A_142 : i32 to index
    %get3A_144 = arith.constant 0 : index
    %get3A_145 = tpu.vector_load %arg6[%get3A_143, %get3A_144] {strides = array<i32>} : memref<16x16xi32, #tpu.memory_space<vmem>>, vector<1x16xi32>,
    %get3A_146 = vector.shape_cast %get3A_145 : vector<1x16xi32> to vector<16xi32>
    %dma_start3A_147 = arith.constant 9 : i32
    %dma_start3A_148 = arith.constant 0 : i32
    %dma_start3A_149 = arith.constant 0 : i32
    %dma_start3A_150 = tpu.memref_slice %arg7[%dma_start3A_147, %dma_start3A_148, %dma_start3A_149] : memref<13x16x256xf32, #tpu.memory_space<vmem>> -> memref<1x16x256xf32, #tpu.memory_space<vmem>>
    %dma_start3A_151 = tpu.memref_squeeze %dma_start3A_150 : memref<1x16x256xf32, #tpu.memory_space<vmem>> -> memref<16x256xf32, #tpu.memory_space<vmem>>
    %dma_start3A_152 = arith.constant 0 : i32
    %dma_start3A_153 = arith.constant 0 : i32
    %dma_start3A_154 = tpu.memref_slice %arg3[%dma_start3A_152, %dma_start3A_153] : memref<1000x256xf32, #tpu.memory_space<hbm>> -> memref<1000x256xf32, #tpu.memory_space<hbm>>
    tpu.enqueue_indirect_dma source(%dma_start3A_154 : memref<1000x256xf32, #tpu.memory_space<hbm>>) target(%dma_start3A_151 : memref<16x256xf32, #tpu.memory_space<vmem>>) offsets(%get3A_146 : vector<16xi32>) semaphore(%arg14 : memref<!tpu.dma_semaphore, #tpu.memory_space<semaphore_mem>>)
    %get3A_155 = arith.constant 12 : i32
    %get3A_156 = arith.index_cast %get3A_155 : i32 to index
    %get3A_157 = arith.constant 0 : index
    %get3A_158 = tpu.vector_load %arg6[%get3A_156, %get3A_157] {strides = array<i32>} : memref<16x16xi32, #tpu.memory_space<vmem>>, vector<1x16xi32>,
    %get3A_159 = vector.shape_cast %get3A_158 : vector<1x16xi32> to vector<16xi32>
    %dma_start3A_160 = arith.constant 10 : i32
    %dma_start3A_161 = arith.constant 0 : i32
    %dma_start3A_162 = arith.constant 0 : i32
    %dma_start3A_163 = tpu.memref_slice %arg7[%dma_start3A_160, %dma_start3A_161, %dma_start3A_162] : memref<13x16x256xf32, #tpu.memory_space<vmem>> -> memref<1x16x256xf32, #tpu.memory_space<vmem>>
    %dma_start3A_164 = tpu.memref_squeeze %dma_start3A_163 : memref<1x16x256xf32, #tpu.memory_space<vmem>> -> memref<16x256xf32, #tpu.memory_space<vmem>>
    %dma_start3A_165 = arith.constant 0 : i32
    %dma_start3A_166 = arith.constant 0 : i32
    %dma_start3A_167 = tpu.memref_slice %arg3[%dma_start3A_165, %dma_start3A_166] : memref<1000x256xf32, #tpu.memory_space<hbm>> -> memref<1000x256xf32, #tpu.memory_space<hbm>>
    tpu.enqueue_indirect_dma source(%dma_start3A_167 : memref<1000x256xf32, #tpu.memory_space<hbm>>) target(%dma_start3A_164 : memref<16x256xf32, #tpu.memory_space<vmem>>) offsets(%get3A_159 : vector<16xi32>) semaphore(%arg14 : memref<!tpu.dma_semaphore, #tpu.memory_space<semaphore_mem>>)
    %get3A_168 = arith.constant 13 : i32
    %get3A_169 = arith.index_cast %get3A_168 : i32 to index
    %get3A_170 = arith.constant 0 : index
    %get3A_171 = tpu.vector_load %arg6[%get3A_169, %get3A_170] {strides = array<i32>} : memref<16x16xi32, #tpu.memory_space<vmem>>, vector<1x16xi32>,
    %get3A_172 = vector.shape_cast %get3A_171 : vector<1x16xi32> to vector<16xi32>
    %dma_start3A_173 = arith.constant 11 : i32
    %dma_start3A_174 = arith.constant 0 : i32
    %dma_start3A_175 = arith.constant 0 : i32
    %dma_start3A_176 = tpu.memref_slice %arg7[%dma_start3A_173, %dma_start3A_174, %dma_start3A_175] : memref<13x16x256xf32, #tpu.memory_space<vmem>> -> memref<1x16x256xf32, #tpu.memory_space<vmem>>
    %dma_start3A_177 = tpu.memref_squeeze %dma_start3A_176 : memref<1x16x256xf32, #tpu.memory_space<vmem>> -> memref<16x256xf32, #tpu.memory_space<vmem>>
    %dma_start3A_178 = arith.constant 0 : i32
    %dma_start3A_179 = arith.constant 0 : i32
    %dma_start3A_180 = tpu.memref_slice %arg3[%dma_start3A_178, %dma_start3A_179] : memref<1000x256xf32, #tpu.memory_space<hbm>> -> memref<1000x256xf32, #tpu.memory_space<hbm>>
    tpu.enqueue_indirect_dma source(%dma_start3A_180 : memref<1000x256xf32, #tpu.memory_space<hbm>>) target(%dma_start3A_177 : memref<16x256xf32, #tpu.memory_space<vmem>>) offsets(%get3A_172 : vector<16xi32>) semaphore(%arg15 : memref<!tpu.dma_semaphore, #tpu.memory_space<semaphore_mem>>)
    %get3A_181 = arith.constant 15 : i32
    %get3A_182 = arith.index_cast %get3A_181 : i32 to index
    %get3A_183 = arith.constant 0 : index
    %get3A_184 = tpu.vector_load %arg6[%get3A_182, %get3A_183] {strides = array<i32>} : memref<16x16xi32, #tpu.memory_space<vmem>>, vector<1x16xi32>,
    %get3A_185 = vector.shape_cast %get3A_184 : vector<1x16xi32> to vector<16xi32>
    %dma_start3A_186 = arith.constant 12 : i32
    %dma_start3A_187 = arith.constant 0 : i32
    %dma_start3A_188 = arith.constant 0 : i32
    %dma_start3A_189 = tpu.memref_slice %arg7[%dma_start3A_186, %dma_start3A_187, %dma_start3A_188] : memref<13x16x256xf32, #tpu.memory_space<vmem>> -> memref<1x16x256xf32, #tpu.memory_space<vmem>>
    %dma_start3A_190 = tpu.memref_squeeze %dma_start3A_189 : memref<1x16x256xf32, #tpu.memory_space<vmem>> -> memref<16x256xf32, #tpu.memory_space<vmem>>
    %dma_start3A_191 = arith.constant 0 : i32
    %dma_start3A_192 = arith.constant 0 : i32
    %dma_start3A_193 = tpu.memref_slice %arg3[%dma_start3A_191, %dma_start3A_192] : memref<1000x256xf32, #tpu.memory_space<hbm>> -> memref<1000x256xf32, #tpu.memory_space<hbm>>
    tpu.enqueue_indirect_dma source(%dma_start3A_193 : memref<1000x256xf32, #tpu.memory_space<hbm>>) target(%dma_start3A_190 : memref<16x256xf32, #tpu.memory_space<vmem>>) offsets(%get3A_185 : vector<16xi32>) semaphore(%arg15 : memref<!tpu.dma_semaphore, #tpu.memory_space<semaphore_mem>>)
    %get3A_194 = arith.constant 14 : i32
    %get3A_195 = arith.index_cast %get3A_194 : i32 to index
    %get3A_196 = arith.constant 0 : index
    %get3A_197 = tpu.vector_load %arg6[%get3A_195, %get3A_196] {strides = array<i32>} : memref<16x16xi32, #tpu.memory_space<vmem>>, vector<1x16xi32>,
    %get3A_198 = vector.shape_cast %get3A_197 : vector<1x16xi32> to vector<16xi32>
    %dma_start3A_199 = arith.constant 2 : i32
    %dma_start3A_200 = arith.constant 0 : i32
    %dma_start3A_201 = arith.constant 0 : i32
    %dma_start3A_202 = tpu.memref_slice %arg8[%dma_start3A_199, %dma_start3A_200, %dma_start3A_201] : memref<3x16x128xf32, #tpu.memory_space<vmem>> -> memref<1x16x128xf32, #tpu.memory_space<vmem>>
    %dma_start3A_203 = tpu.memref_squeeze %dma_start3A_202 : memref<1x16x128xf32, #tpu.memory_space<vmem>> -> memref<16x128xf32, #tpu.memory_space<vmem>>
    %dma_start3A_204 = arith.constant 0 : i32
    %dma_start3A_205 = arith.constant 0 : i32
    %dma_start3A_206 = tpu.memref_slice %arg4[%dma_start3A_204, %dma_start3A_205] : memref<1000x128xf32, #tpu.memory_space<hbm>> -> memref<1000x128xf32, #tpu.memory_space<hbm>>
    tpu.enqueue_indirect_dma source(%dma_start3A_206 : memref<1000x128xf32, #tpu.memory_space<hbm>>) target(%dma_start3A_203 : memref<16x128xf32, #tpu.memory_space<vmem>>) offsets(%get3A_198 : vector<16xi32>) semaphore(%arg15 : memref<!tpu.dma_semaphore, #tpu.memory_space<semaphore_mem>>)
    %broadcast_in_dim3A = arith.constant 0.000000e+00 : f32
    %broadcast_in_dim3A_207 = vector.broadcast %broadcast_in_dim3A : f32 to vector<16xf32>
    %dma_wait3A = arith.constant 0 : i32
    %dma_wait3A_208 = arith.constant 0 : i32
    %dma_wait3A_209 = arith.constant 0 : i32
    %dma_wait3A_210 = tpu.memref_slice %arg7[%dma_wait3A, %dma_wait3A_208, %dma_wait3A_209] : memref<13x16x256xf32, #tpu.memory_space<vmem>> -> memref<1x16x256xf32, #tpu.memory_space<vmem>>
    %dma_wait3A_211 = tpu.memref_squeeze %dma_wait3A_210 : memref<1x16x256xf32, #tpu.memory_space<vmem>> -> memref<16x256xf32, #tpu.memory_space<vmem>>
    %dma_wait3A_212 = arith.constant 0 : i32
    %dma_wait3A_213 = arith.constant 0 : i32
    %dma_wait3A_214 = tpu.memref_slice %arg3[%dma_wait3A_212, %dma_wait3A_213] : memref<1000x256xf32, #tpu.memory_space<hbm>> -> memref<1000x256xf32, #tpu.memory_space<hbm>>
    tpu.wait_indirect_dma semaphore(%arg10 : memref<!tpu.dma_semaphore, #tpu.memory_space<semaphore_mem>>) src(%dma_wait3A_214 : memref<1000x256xf32, #tpu.memory_space<hbm>>) dst(%dma_wait3A_211 : memref<16x256xf32, #tpu.memory_space<vmem>>)
    %dma_wait3A_215 = arith.constant 1 : i32
    %dma_wait3A_216 = arith.constant 0 : i32
    %dma_wait3A_217 = arith.constant 0 : i32
    %dma_wait3A_218 = tpu.memref_slice %arg7[%dma_wait3A_215, %dma_wait3A_216, %dma_wait3A_217] : memref<13x16x256xf32, #tpu.memory_space<vmem>> -> memref<1x16x256xf32, #tpu.memory_space<vmem>>
    %dma_wait3A_219 = tpu.memref_squeeze %dma_wait3A_218 : memref<1x16x256xf32, #tpu.memory_space<vmem>> -> memref<16x256xf32, #tpu.memory_space<vmem>>
    %dma_wait3A_220 = arith.constant 0 : i32
    %dma_wait3A_221 = arith.constant 0 : i32
    %dma_wait3A_222 = tpu.memref_slice %arg3[%dma_wait3A_220, %dma_wait3A_221] : memref<1000x256xf32, #tpu.memory_space<hbm>> -> memref<1000x256xf32, #tpu.memory_space<hbm>>
    tpu.wait_indirect_dma semaphore(%arg10 : memref<!tpu.dma_semaphore, #tpu.memory_space<semaphore_mem>>) src(%dma_wait3A_222 : memref<1000x256xf32, #tpu.memory_space<hbm>>) dst(%dma_wait3A_219 : memref<16x256xf32, #tpu.memory_space<vmem>>)
    %scan3A = arith.constant 0 : i32
    %scan3A_223 = arith.constant 16 : i32
    %scan3A_224 = arith.addi %scan3A, %scan3A_223 : i32
    %scan3A_225 = arith.constant 1 : i32
    %scan3A_226 = scf.for %scan3A_396 = %scan3A to %scan3A_224 step %scan3A_225 iter_args(%scan3A_397 = %broadcast_in_dim3A_207) -> (vector<16xf32>)  : i32 {
      %mul3A_398 = arith.constant 1 : i32
      %mul3A_399 = arith.muli %scan3A_396, %mul3A_398 : i32
      %add3A_400 = arith.constant 0 : i32
      %add3A_401 = arith.addi %mul3A_399, %add3A_400 : i32
      %get3A_402 = arith.constant 0 : i32
      %get3A_403 = arith.index_cast %get3A_402 : i32 to index
      %get3A_404 = arith.index_cast %add3A_401 : i32 to index
      %get3A_405 = arith.constant 0 : index
      %get3A_406 = tpu.vector_load %arg7[%get3A_403, %get3A_404, %get3A_405] {strides = array<i32>} : memref<13x16x256xf32, #tpu.memory_space<vmem>>, vector<1x1x16xf32>,
      %get3A_407 = vector.shape_cast %get3A_406 : vector<1x1x16xf32> to vector<16xf32>
      %get3A_408 = arith.constant 0 : i32
      %get3A_409 = arith.index_cast %get3A_408 : i32 to index
      %get3A_410 = arith.index_cast %add3A_401 : i32 to index
      %get3A_411 = arith.constant 128 : index
      %get3A_412 = tpu.vector_load %arg7[%get3A_409, %get3A_410, %get3A_411] {strides = array<i32>} : memref<13x16x256xf32, #tpu.memory_space<vmem>>, vector<1x1x16xf32>,
      %get3A_413 = vector.shape_cast %get3A_412 : vector<1x1x16xf32> to vector<16xf32>
      %abs3A = math.absf %get3A_413 : vector<16xf32>
      %get3A_414 = arith.constant 1 : i32
      %get3A_415 = arith.index_cast %get3A_414 : i32 to index
      %get3A_416 = arith.index_cast %add3A_401 : i32 to index
      %get3A_417 = arith.constant 0 : index
      %get3A_418 = tpu.vector_load %arg7[%get3A_415, %get3A_416, %get3A_417] {strides = array<i32>} : memref<13x16x256xf32, #tpu.memory_space<vmem>>, vector<1x1x16xf32>,
      %get3A_419 = vector.shape_cast %get3A_418 : vector<1x1x16xf32> to vector<16xf32>
      %get3A_420 = arith.constant 1 : i32
      %get3A_421 = arith.index_cast %get3A_420 : i32 to index
      %get3A_422 = arith.index_cast %add3A_401 : i32 to index
      %get3A_423 = arith.constant 128 : index
      %get3A_424 = tpu.vector_load %arg7[%get3A_421, %get3A_422, %get3A_423] {strides = array<i32>} : memref<13x16x256xf32, #tpu.memory_space<vmem>>, vector<1x1x16xf32>,
      %get3A_425 = vector.shape_cast %get3A_424 : vector<1x1x16xf32> to vector<16xf32>
      %abs3A_426 = math.absf %get3A_425 : vector<16xf32>
      %sub3A = arith.subf %get3A_407, %get3A_419 : vector<16xf32>
      %abs3A_427 = math.absf %sub3A : vector<16xf32>
      %add3A_428 = arith.addf %abs3A_427, %abs3A : vector<16xf32>
      %sub3A_429 = arith.subf %add3A_428, %abs3A_426 : vector<16xf32>
      %max3A = arith.constant 0.000000e+00 : f32
      %max3A_430 = vector.broadcast %max3A : f32 to vector<16xf32>
      %max3A_431 = arith.maximumf %sub3A_429, %max3A_430 : vector<16xf32>
      %mul3A_432 = arith.mulf %max3A_431, %max3A_431 : vector<16xf32>
      %add3A_433 = arith.addf %scan3A_397, %mul3A_432 : vector<16xf32>
      %get3A_434 = arith.constant 0 : i32
      %get3A_435 = arith.index_cast %get3A_434 : i32 to index
      %get3A_436 = arith.index_cast %add3A_401 : i32 to index
      %get3A_437 = arith.constant 16 : index
      %get3A_438 = tpu.vector_load %arg7[%get3A_435, %get3A_436, %get3A_437] {strides = array<i32>} : memref<13x16x256xf32, #tpu.memory_space<vmem>>, vector<1x1x16xf32>,
      %get3A_439 = vector.shape_cast %get3A_438 : vector<1x1x16xf32> to vector<16xf32>
      %get3A_440 = arith.constant 0 : i32
      %get3A_441 = arith.index_cast %get3A_440 : i32 to index
      %get3A_442 = arith.index_cast %add3A_401 : i32 to index
      %get3A_443 = arith.constant 144 : index
      %get3A_444 = tpu.vector_load %arg7[%get3A_441, %get3A_442, %get3A_443] {strides = array<i32>} : memref<13x16x256xf32, #tpu.memory_space<vmem>>, vector<1x1x16xf32>,
      %get3A_445 = vector.shape_cast %get3A_444 : vector<1x1x16xf32> to vector<16xf32>
      %abs3A_446 = math.absf %get3A_445 : vector<16xf32>
      %get3A_447 = arith.constant 1 : i32
      %get3A_448 = arith.index_cast %get3A_447 : i32 to index
      %get3A_449 = arith.index_cast %add3A_401 : i32 to index
      %get3A_450 = arith.constant 16 : index
      %get3A_451 = tpu.vector_load %arg7[%get3A_448, %get3A_449, %get3A_450] {strides = array<i32>} : memref<13x16x256xf32, #tpu.memory_space<vmem>>, vector<1x1x16xf32>,
      %get3A_452 = vector.shape_cast %get3A_451 : vector<1x1x16xf32> to vector<16xf32>
      %get3A_453 = arith.constant 1 : i32
      %get3A_454 = arith.index_cast %get3A_453 : i32 to index
      %get3A_455 = arith.index_cast %add3A_401 : i32 to index
      %get3A_456 = arith.constant 144 : index
      %get3A_457 = tpu.vector_load %arg7[%get3A_454, %get3A_455, %get3A_456] {strides = array<i32>} : memref<13x16x256xf32, #tpu.memory_space<vmem>>, vector<1x1x16xf32>,
      %get3A_458 = vector.shape_cast %get3A_457 : vector<1x1x16xf32> to vector<16xf32>
      %abs3A_459 = math.absf %get3A_458 : vector<16xf32>
      %sub3A_460 = arith.subf %get3A_439, %get3A_452 : vector<16xf32>
      %abs3A_461 = math.absf %sub3A_460 : vector<16xf32>
      %add3A_462 = arith.addf %abs3A_461, %abs3A_446 : vector<16xf32>
      %sub3A_463 = arith.subf %add3A_462, %abs3A_459 : vector<16xf32>
      %max3A_464 = arith.constant 0.000000e+00 : f32
      %max3A_465 = vector.broadcast %max3A_464 : f32 to vector<16xf32>
      %max3A_466 = arith.maximumf %sub3A_463, %max3A_465 : vector<16xf32>
      %mul3A_467 = arith.mulf %max3A_466, %max3A_466 : vector<16xf32>
      %add3A_468 = arith.addf %add3A_433, %mul3A_467 : vector<16xf32>
      %get3A_469 = arith.constant 0 : i32
      %get3A_470 = arith.index_cast %get3A_469 : i32 to index
      %get3A_471 = arith.index_cast %add3A_401 : i32 to index
      %get3A_472 = arith.constant 32 : index
      %get3A_473 = tpu.vector_load %arg7[%get3A_470, %get3A_471, %get3A_472] {strides = array<i32>} : memref<13x16x256xf32, #tpu.memory_space<vmem>>, vector<1x1x16xf32>,
      %get3A_474 = vector.shape_cast %get3A_473 : vector<1x1x16xf32> to vector<16xf32>
      %get3A_475 = arith.constant 0 : i32
      %get3A_476 = arith.index_cast %get3A_475 : i32 to index
      %get3A_477 = arith.index_cast %add3A_401 : i32 to index
      %get3A_478 = arith.constant 160 : index
      %get3A_479 = tpu.vector_load %arg7[%get3A_476, %get3A_477, %get3A_478] {strides = array<i32>} : memref<13x16x256xf32, #tpu.memory_space<vmem>>, vector<1x1x16xf32>,
      %get3A_480 = vector.shape_cast %get3A_479 : vector<1x1x16xf32> to vector<16xf32>
      %abs3A_481 = math.absf %get3A_480 : vector<16xf32>
      %get3A_482 = arith.constant 1 : i32
      %get3A_483 = arith.index_cast %get3A_482 : i32 to index
      %get3A_484 = arith.index_cast %add3A_401 : i32 to index
      %get3A_485 = arith.constant 32 : index
      %get3A_486 = tpu.vector_load %arg7[%get3A_483, %get3A_484, %get3A_485] {strides = array<i32>} : memref<13x16x256xf32, #tpu.memory_space<vmem>>, vector<1x1x16xf32>,
      %get3A_487 = vector.shape_cast %get3A_486 : vector<1x1x16xf32> to vector<16xf32>
      %get3A_488 = arith.constant 1 : i32
      %get3A_489 = arith.index_cast %get3A_488 : i32 to index
      %get3A_490 = arith.index_cast %add3A_401 : i32 to index
      %get3A_491 = arith.constant 160 : index
      %get3A_492 = tpu.vector_load %arg7[%get3A_489, %get3A_490, %get3A_491] {strides = array<i32>} : memref<13x16x256xf32, #tpu.memory_space<vmem>>, vector<1x1x16xf32>,
      %get3A_493 = vector.shape_cast %get3A_492 : vector<1x1x16xf32> to vector<16xf32>
      %abs3A_494 = math.absf %get3A_493 : vector<16xf32>
      %sub3A_495 = arith.subf %get3A_474, %get3A_487 : vector<16xf32>
      %abs3A_496 = math.absf %sub3A_495 : vector<16xf32>
      %add3A_497 = arith.addf %abs3A_496, %abs3A_481 : vector<16xf32>
      %sub3A_498 = arith.subf %add3A_497, %abs3A_494 : vector<16xf32>
      %max3A_499 = arith.constant 0.000000e+00 : f32
      %max3A_500 = vector.broadcast %max3A_499 : f32 to vector<16xf32>
      %max3A_501 = arith.maximumf %sub3A_498, %max3A_500 : vector<16xf32>
      %mul3A_502 = arith.mulf %max3A_501, %max3A_501 : vector<16xf32>
      %add3A_503 = arith.addf %add3A_468, %mul3A_502 : vector<16xf32>
      %get3A_504 = arith.constant 0 : i32
      %get3A_505 = arith.index_cast %get3A_504 : i32 to index
      %get3A_506 = arith.index_cast %add3A_401 : i32 to index
      %get3A_507 = arith.constant 48 : index
      %get3A_508 = tpu.vector_load %arg7[%get3A_505, %get3A_506, %get3A_507] {strides = array<i32>} : memref<13x16x256xf32, #tpu.memory_space<vmem>>, vector<1x1x16xf32>,
      %get3A_509 = vector.shape_cast %get3A_508 : vector<1x1x16xf32> to vector<16xf32>
      %get3A_510 = arith.constant 0 : i32
      %get3A_511 = arith.index_cast %get3A_510 : i32 to index
      %get3A_512 = arith.index_cast %add3A_401 : i32 to index
      %get3A_513 = arith.constant 176 : index
      %get3A_514 = tpu.vector_load %arg7[%get3A_511, %get3A_512, %get3A_513] {strides = array<i32>} : memref<13x16x256xf32, #tpu.memory_space<vmem>>, vector<1x1x16xf32>,
      %get3A_515 = vector.shape_cast %get3A_514 : vector<1x1x16xf32> to vector<16xf32>
      %abs3A_516 = math.absf %get3A_515 : vector<16xf32>
      %get3A_517 = arith.constant 1 : i32
      %get3A_518 = arith.index_cast %get3A_517 : i32 to index
      %get3A_519 = arith.index_cast %add3A_401 : i32 to index
      %get3A_520 = arith.constant 48 : index
      %get3A_521 = tpu.vector_load %arg7[%get3A_518, %get3A_519, %get3A_520] {strides = array<i32>} : memref<13x16x256xf32, #tpu.memory_space<vmem>>, vector<1x1x16xf32>,
      %get3A_522 = vector.shape_cast %get3A_521 : vector<1x1x16xf32> to vector<16xf32>
      %get3A_523 = arith.constant 1 : i32
      %get3A_524 = arith.index_cast %get3A_523 : i32 to index
      %get3A_525 = arith.index_cast %add3A_401 : i32 to index
      %get3A_526 = arith.constant 176 : index
      %get3A_527 = tpu.vector_load %arg7[%get3A_524, %get3A_525, %get3A_526] {strides = array<i32>} : memref<13x16x256xf32, #tpu.memory_space<vmem>>, vector<1x1x16xf32>,
      %get3A_528 = vector.shape_cast %get3A_527 : vector<1x1x16xf32> to vector<16xf32>
      %abs3A_529 = math.absf %get3A_528 : vector<16xf32>
      %sub3A_530 = arith.subf %get3A_509, %get3A_522 : vector<16xf32>
      %abs3A_531 = math.absf %sub3A_530 : vector<16xf32>
      %add3A_532 = arith.addf %abs3A_531, %abs3A_516 : vector<16xf32>
      %sub3A_533 = arith.subf %add3A_532, %abs3A_529 : vector<16xf32>
      %max3A_534 = arith.constant 0.000000e+00 : f32
      %max3A_535 = vector.broadcast %max3A_534 : f32 to vector<16xf32>
      %max3A_536 = arith.maximumf %sub3A_533, %max3A_535 : vector<16xf32>
      %mul3A_537 = arith.mulf %max3A_536, %max3A_536 : vector<16xf32>
      %add3A_538 = arith.addf %add3A_503, %mul3A_537 : vector<16xf32>
      %get3A_539 = arith.constant 0 : i32
      %get3A_540 = arith.index_cast %get3A_539 : i32 to index
      %get3A_541 = arith.index_cast %add3A_401 : i32 to index
      %get3A_542 = arith.constant 64 : index
      %get3A_543 = tpu.vector_load %arg7[%get3A_540, %get3A_541, %get3A_542] {strides = array<i32>} : memref<13x16x256xf32, #tpu.memory_space<vmem>>, vector<1x1x16xf32>,
      %get3A_544 = vector.shape_cast %get3A_543 : vector<1x1x16xf32> to vector<16xf32>
      %get3A_545 = arith.constant 0 : i32
      %get3A_546 = arith.index_cast %get3A_545 : i32 to index
      %get3A_547 = arith.index_cast %add3A_401 : i32 to index
      %get3A_548 = arith.constant 192 : index
      %get3A_549 = tpu.vector_load %arg7[%get3A_546, %get3A_547, %get3A_548] {strides = array<i32>} : memref<13x16x256xf32, #tpu.memory_space<vmem>>, vector<1x1x16xf32>,
      %get3A_550 = vector.shape_cast %get3A_549 : vector<1x1x16xf32> to vector<16xf32>
      %abs3A_551 = math.absf %get3A_550 : vector<16xf32>
      %get3A_552 = arith.constant 1 : i32
      %get3A_553 = arith.index_cast %get3A_552 : i32 to index
      %get3A_554 = arith.index_cast %add3A_401 : i32 to index
      %get3A_555 = arith.constant 64 : index
      %get3A_556 = tpu.vector_load %arg7[%get3A_553, %get3A_554, %get3A_555] {strides = array<i32>} : memref<13x16x256xf32, #tpu.memory_space<vmem>>, vector<1x1x16xf32>,
      %get3A_557 = vector.shape_cast %get3A_556 : vector<1x1x16xf32> to vector<16xf32>
      %get3A_558 = arith.constant 1 : i32
      %get3A_559 = arith.index_cast %get3A_558 : i32 to index
      %get3A_560 = arith.index_cast %add3A_401 : i32 to index
      %get3A_561 = arith.constant 192 : index
      %get3A_562 = tpu.vector_load %arg7[%get3A_559, %get3A_560, %get3A_561] {strides = array<i32>} : memref<13x16x256xf32, #tpu.memory_space<vmem>>, vector<1x1x16xf32>,
      %get3A_563 = vector.shape_cast %get3A_562 : vector<1x1x16xf32> to vector<16xf32>
      %abs3A_564 = math.absf %get3A_563 : vector<16xf32>
      %sub3A_565 = arith.subf %get3A_544, %get3A_557 : vector<16xf32>
      %abs3A_566 = math.absf %sub3A_565 : vector<16xf32>
      %add3A_567 = arith.addf %abs3A_566, %abs3A_551 : vector<16xf32>
      %sub3A_568 = arith.subf %add3A_567, %abs3A_564 : vector<16xf32>
      %max3A_569 = arith.constant 0.000000e+00 : f32
      %max3A_570 = vector.broadcast %max3A_569 : f32 to vector<16xf32>
      %max3A_571 = arith.maximumf %sub3A_568, %max3A_570 : vector<16xf32>
      %mul3A_572 = arith.mulf %max3A_571, %max3A_571 : vector<16xf32>
      %add3A_573 = arith.addf %add3A_538, %mul3A_572 : vector<16xf32>
      %get3A_574 = arith.constant 0 : i32
      %get3A_575 = arith.index_cast %get3A_574 : i32 to index
      %get3A_576 = arith.index_cast %add3A_401 : i32 to index
      %get3A_577 = arith.constant 80 : index
      %get3A_578 = tpu.vector_load %arg7[%get3A_575, %get3A_576, %get3A_577] {strides = array<i32>} : memref<13x16x256xf32, #tpu.memory_space<vmem>>, vector<1x1x16xf32>,
      %get3A_579 = vector.shape_cast %get3A_578 : vector<1x1x16xf32> to vector<16xf32>
      %get3A_580 = arith.constant 0 : i32
      %get3A_581 = arith.index_cast %get3A_580 : i32 to index
      %get3A_582 = arith.index_cast %add3A_401 : i32 to index
      %get3A_583 = arith.constant 208 : index
      %get3A_584 = tpu.vector_load %arg7[%get3A_581, %get3A_582, %get3A_583] {strides = array<i32>} : memref<13x16x256xf32, #tpu.memory_space<vmem>>, vector<1x1x16xf32>,
      %get3A_585 = vector.shape_cast %get3A_584 : vector<1x1x16xf32> to vector<16xf32>
      %abs3A_586 = math.absf %get3A_585 : vector<16xf32>
      %get3A_587 = arith.constant 1 : i32
      %get3A_588 = arith.index_cast %get3A_587 : i32 to index
      %get3A_589 = arith.index_cast %add3A_401 : i32 to index
      %get3A_590 = arith.constant 80 : index
      %get3A_591 = tpu.vector_load %arg7[%get3A_588, %get3A_589, %get3A_590] {strides = array<i32>} : memref<13x16x256xf32, #tpu.memory_space<vmem>>, vector<1x1x16xf32>,
      %get3A_592 = vector.shape_cast %get3A_591 : vector<1x1x16xf32> to vector<16xf32>
      %get3A_593 = arith.constant 1 : i32
      %get3A_594 = arith.index_cast %get3A_593 : i32 to index
      %get3A_595 = arith.index_cast %add3A_401 : i32 to index
      %get3A_596 = arith.constant 208 : index
      %get3A_597 = tpu.vector_load %arg7[%get3A_594, %get3A_595, %get3A_596] {strides = array<i32>} : memref<13x16x256xf32, #tpu.memory_space<vmem>>, vector<1x1x16xf32>,
      %get3A_598 = vector.shape_cast %get3A_597 : vector<1x1x16xf32> to vector<16xf32>
      %abs3A_599 = math.absf %get3A_598 : vector<16xf32>
      %sub3A_600 = arith.subf %get3A_579, %get3A_592 : vector<16xf32>
      %abs3A_601 = math.absf %sub3A_600 : vector<16xf32>
      %add3A_602 = arith.addf %abs3A_601, %abs3A_586 : vector<16xf32>
      %sub3A_603 = arith.subf %add3A_602, %abs3A_599 : vector<16xf32>
      %max3A_604 = arith.constant 0.000000e+00 : f32
      %max3A_605 = vector.broadcast %max3A_604 : f32 to vector<16xf32>
      %max3A_606 = arith.maximumf %sub3A_603, %max3A_605 : vector<16xf32>
      %mul3A_607 = arith.mulf %max3A_606, %max3A_606 : vector<16xf32>
      %add3A_608 = arith.addf %add3A_573, %mul3A_607 : vector<16xf32>
      %get3A_609 = arith.constant 0 : i32
      %get3A_610 = arith.index_cast %get3A_609 : i32 to index
      %get3A_611 = arith.index_cast %add3A_401 : i32 to index
      %get3A_612 = arith.constant 96 : index
      %get3A_613 = tpu.vector_load %arg7[%get3A_610, %get3A_611, %get3A_612] {strides = array<i32>} : memref<13x16x256xf32, #tpu.memory_space<vmem>>, vector<1x1x16xf32>,
      %get3A_614 = vector.shape_cast %get3A_613 : vector<1x1x16xf32> to vector<16xf32>
      %get3A_615 = arith.constant 0 : i32
      %get3A_616 = arith.index_cast %get3A_615 : i32 to index
      %get3A_617 = arith.index_cast %add3A_401 : i32 to index
      %get3A_618 = arith.constant 224 : index
      %get3A_619 = tpu.vector_load %arg7[%get3A_616, %get3A_617, %get3A_618] {strides = array<i32>} : memref<13x16x256xf32, #tpu.memory_space<vmem>>, vector<1x1x16xf32>,
      %get3A_620 = vector.shape_cast %get3A_619 : vector<1x1x16xf32> to vector<16xf32>
      %abs3A_621 = math.absf %get3A_620 : vector<16xf32>
      %get3A_622 = arith.constant 1 : i32
      %get3A_623 = arith.index_cast %get3A_622 : i32 to index
      %get3A_624 = arith.index_cast %add3A_401 : i32 to index
      %get3A_625 = arith.constant 96 : index
      %get3A_626 = tpu.vector_load %arg7[%get3A_623, %get3A_624, %get3A_625] {strides = array<i32>} : memref<13x16x256xf32, #tpu.memory_space<vmem>>, vector<1x1x16xf32>,
      %get3A_627 = vector.shape_cast %get3A_626 : vector<1x1x16xf32> to vector<16xf32>
      %get3A_628 = arith.constant 1 : i32
      %get3A_629 = arith.index_cast %get3A_628 : i32 to index
      %get3A_630 = arith.index_cast %add3A_401 : i32 to index
      %get3A_631 = arith.constant 224 : index
      %get3A_632 = tpu.vector_load %arg7[%get3A_629, %get3A_630, %get3A_631] {strides = array<i32>} : memref<13x16x256xf32, #tpu.memory_space<vmem>>, vector<1x1x16xf32>,
      %get3A_633 = vector.shape_cast %get3A_632 : vector<1x1x16xf32> to vector<16xf32>
      %abs3A_634 = math.absf %get3A_633 : vector<16xf32>
      %sub3A_635 = arith.subf %get3A_614, %get3A_627 : vector<16xf32>
      %abs3A_636 = math.absf %sub3A_635 : vector<16xf32>
      %add3A_637 = arith.addf %abs3A_636, %abs3A_621 : vector<16xf32>
      %sub3A_638 = arith.subf %add3A_637, %abs3A_634 : vector<16xf32>
      %max3A_639 = arith.constant 0.000000e+00 : f32
      %max3A_640 = vector.broadcast %max3A_639 : f32 to vector<16xf32>
      %max3A_641 = arith.maximumf %sub3A_638, %max3A_640 : vector<16xf32>
      %mul3A_642 = arith.mulf %max3A_641, %max3A_641 : vector<16xf32>
      %add3A_643 = arith.addf %add3A_608, %mul3A_642 : vector<16xf32>
      %get3A_644 = arith.constant 0 : i32
      %get3A_645 = arith.index_cast %get3A_644 : i32 to index
      %get3A_646 = arith.index_cast %add3A_401 : i32 to index
      %get3A_647 = arith.constant 112 : index
      %get3A_648 = tpu.vector_load %arg7[%get3A_645, %get3A_646, %get3A_647] {strides = array<i32>} : memref<13x16x256xf32, #tpu.memory_space<vmem>>, vector<1x1x16xf32>,
      %get3A_649 = vector.shape_cast %get3A_648 : vector<1x1x16xf32> to vector<16xf32>
      %get3A_650 = arith.constant 0 : i32
      %get3A_651 = arith.index_cast %get3A_650 : i32 to index
      %get3A_652 = arith.index_cast %add3A_401 : i32 to index
      %get3A_653 = arith.constant 240 : index
      %get3A_654 = tpu.vector_load %arg7[%get3A_651, %get3A_652, %get3A_653] {strides = array<i32>} : memref<13x16x256xf32, #tpu.memory_space<vmem>>, vector<1x1x16xf32>,
      %get3A_655 = vector.shape_cast %get3A_654 : vector<1x1x16xf32> to vector<16xf32>
      %abs3A_656 = math.absf %get3A_655 : vector<16xf32>
      %get3A_657 = arith.constant 1 : i32
      %get3A_658 = arith.index_cast %get3A_657 : i32 to index
      %get3A_659 = arith.index_cast %add3A_401 : i32 to index
      %get3A_660 = arith.constant 112 : index
      %get3A_661 = tpu.vector_load %arg7[%get3A_658, %get3A_659, %get3A_660] {strides = array<i32>} : memref<13x16x256xf32, #tpu.memory_space<vmem>>, vector<1x1x16xf32>,
      %get3A_662 = vector.shape_cast %get3A_661 : vector<1x1x16xf32> to vector<16xf32>
      %get3A_663 = arith.constant 1 : i32
      %get3A_664 = arith.index_cast %get3A_663 : i32 to index
      %get3A_665 = arith.index_cast %add3A_401 : i32 to index
      %get3A_666 = arith.constant 240 : index
      %get3A_667 = tpu.vector_load %arg7[%get3A_664, %get3A_665, %get3A_666] {strides = array<i32>} : memref<13x16x256xf32, #tpu.memory_space<vmem>>, vector<1x1x16xf32>,
      %get3A_668 = vector.shape_cast %get3A_667 : vector<1x1x16xf32> to vector<16xf32>
      %abs3A_669 = math.absf %get3A_668 : vector<16xf32>
      %sub3A_670 = arith.subf %get3A_649, %get3A_662 : vector<16xf32>
      %abs3A_671 = math.absf %sub3A_670 : vector<16xf32>
      %add3A_672 = arith.addf %abs3A_671, %abs3A_656 : vector<16xf32>
      %sub3A_673 = arith.subf %add3A_672, %abs3A_669 : vector<16xf32>
      %max3A_674 = arith.constant 0.000000e+00 : f32
      %max3A_675 = vector.broadcast %max3A_674 : f32 to vector<16xf32>
      %max3A_676 = arith.maximumf %sub3A_673, %max3A_675 : vector<16xf32>
      %mul3A_677 = arith.mulf %max3A_676, %max3A_676 : vector<16xf32>
      %add3A_678 = arith.addf %add3A_643, %mul3A_677 : vector<16xf32>
      scf.yield %add3A_678 : vector<16xf32>
    }
    %scan3A_227 = arith.constant 16 : i32
    %dma_wait3A_228 = arith.constant 2 : i32
    %dma_wait3A_229 = arith.constant 0 : i32
    %dma_wait3A_230 = arith.constant 0 : i32
    %dma_wait3A_231 = tpu.memref_slice %arg7[%dma_wait3A_228, %dma_wait3A_229, %dma_wait3A_230] : memref<13x16x256xf32, #tpu.memory_space<vmem>> -> memref<1x16x256xf32, #tpu.memory_space<vmem>>
    %dma_wait3A_232 = tpu.memref_squeeze %dma_wait3A_231 : memref<1x16x256xf32, #tpu.memory_space<vmem>> -> memref<16x256xf32, #tpu.memory_space<vmem>>
    %dma_wait3A_233 = arith.constant 0 : i32
    %dma_wait3A_234 = arith.constant 0 : i32
    %dma_wait3A_235 = tpu.memref_slice %arg3[%dma_wait3A_233, %dma_wait3A_234] : memref<1000x256xf32, #tpu.memory_space<hbm>> -> memref<1000x256xf32, #tpu.memory_space<hbm>>
    tpu.wait_indirect_dma semaphore(%arg11 : memref<!tpu.dma_semaphore, #tpu.memory_space<semaphore_mem>>) src(%dma_wait3A_235 : memref<1000x256xf32, #tpu.memory_space<hbm>>) dst(%dma_wait3A_232 : memref<16x256xf32, #tpu.memory_space<vmem>>)
    %dma_wait3A_236 = arith.constant 3 : i32
    %dma_wait3A_237 = arith.constant 0 : i32
    %dma_wait3A_238 = arith.constant 0 : i32
    %dma_wait3A_239 = tpu.memref_slice %arg7[%dma_wait3A_236, %dma_wait3A_237, %dma_wait3A_238] : memref<13x16x256xf32, #tpu.memory_space<vmem>> -> memref<1x16x256xf32, #tpu.memory_space<vmem>>
    %dma_wait3A_240 = tpu.memref_squeeze %dma_wait3A_239 : memref<1x16x256xf32, #tpu.memory_space<vmem>> -> memref<16x256xf32, #tpu.memory_space<vmem>>
    %dma_wait3A_241 = arith.constant 0 : i32
    %dma_wait3A_242 = arith.constant 0 : i32
    %dma_wait3A_243 = tpu.memref_slice %arg3[%dma_wait3A_241, %dma_wait3A_242] : memref<1000x256xf32, #tpu.memory_space<hbm>> -> memref<1000x256xf32, #tpu.memory_space<hbm>>
    tpu.wait_indirect_dma semaphore(%arg11 : memref<!tpu.dma_semaphore, #tpu.memory_space<semaphore_mem>>) src(%dma_wait3A_243 : memref<1000x256xf32, #tpu.memory_space<hbm>>) dst(%dma_wait3A_240 : memref<16x256xf32, #tpu.memory_space<vmem>>)
    %dma_wait3A_244 = arith.constant 4 : i32
    %dma_wait3A_245 = arith.constant 0 : i32
    %dma_wait3A_246 = arith.constant 0 : i32
    %dma_wait3A_247 = tpu.memref_slice %arg7[%dma_wait3A_244, %dma_wait3A_245, %dma_wait3A_246] : memref<13x16x256xf32, #tpu.memory_space<vmem>> -> memref<1x16x256xf32, #tpu.memory_space<vmem>>
    %dma_wait3A_248 = tpu.memref_squeeze %dma_wait3A_247 : memref<1x16x256xf32, #tpu.memory_space<vmem>> -> memref<16x256xf32, #tpu.memory_space<vmem>>
    %dma_wait3A_249 = arith.constant 0 : i32
    %dma_wait3A_250 = arith.constant 0 : i32
    %dma_wait3A_251 = tpu.memref_slice %arg3[%dma_wait3A_249, %dma_wait3A_250] : memref<1000x256xf32, #tpu.memory_space<hbm>> -> memref<1000x256xf32, #tpu.memory_space<hbm>>
    tpu.wait_indirect_dma semaphore(%arg11 : memref<!tpu.dma_semaphore, #tpu.memory_space<semaphore_mem>>) src(%dma_wait3A_251 : memref<1000x256xf32, #tpu.memory_space<hbm>>) dst(%dma_wait3A_248 : memref<16x256xf32, #tpu.memory_space<vmem>>)
    %scan3A_252 = arith.constant 0 : i32
    %scan3A_253 = arith.constant 0 : i32
    %scan3A_254 = arith.constant 16 : i32
    %scan3A_255 = arith.addi %scan3A_253, %scan3A_254 : i32
    %scan3A_256 = arith.constant 1 : i32
    %scan3A_257 = scf.for %scan3A_396 = %scan3A_253 to %scan3A_255 step %scan3A_256 iter_args(%scan3A_397 = %scan3A_252) -> (i32)  : i32 {
      %mul3A_398 = arith.constant 1 : i32
      %mul3A_399 = arith.muli %scan3A_396, %mul3A_398 : i32
      %add3A_400 = arith.constant 0 : i32
      %add3A_401 = arith.addi %mul3A_399, %add3A_400 : i32
      %get3A_402 = arith.constant 2 : i32
      %get3A_403 = arith.index_cast %get3A_402 : i32 to index
      %get3A_404 = arith.index_cast %add3A_401 : i32 to index
      %get3A_405 = arith.constant 0 : index
      %get3A_406 = tpu.vector_load %arg7[%get3A_403, %get3A_404, %get3A_405] {strides = array<i32>} : memref<13x16x256xf32, #tpu.memory_space<vmem>>, vector<1x1x16xf32>,
      %get3A_407 = vector.shape_cast %get3A_406 : vector<1x1x16xf32> to vector<16xf32>
      %get3A_408 = arith.constant 2 : i32
      %get3A_409 = arith.index_cast %get3A_408 : i32 to index
      %get3A_410 = arith.index_cast %add3A_401 : i32 to index
      %get3A_411 = arith.constant 128 : index
      %get3A_412 = tpu.vector_load %arg7[%get3A_409, %get3A_410, %get3A_411] {strides = array<i32>} : memref<13x16x256xf32, #tpu.memory_space<vmem>>, vector<1x1x16xf32>,
      %get3A_413 = vector.shape_cast %get3A_412 : vector<1x1x16xf32> to vector<16xf32>
      %abs3A = math.absf %get3A_413 : vector<16xf32>
      %get3A_414 = arith.constant 3 : i32
      %get3A_415 = arith.index_cast %get3A_414 : i32 to index
      %get3A_416 = arith.index_cast %add3A_401 : i32 to index
      %get3A_417 = arith.constant 0 : index
      %get3A_418 = tpu.vector_load %arg7[%get3A_415, %get3A_416, %get3A_417] {strides = array<i32>} : memref<13x16x256xf32, #tpu.memory_space<vmem>>, vector<1x1x16xf32>,
      %get3A_419 = vector.shape_cast %get3A_418 : vector<1x1x16xf32> to vector<16xf32>
      %get3A_420 = arith.constant 3 : i32
      %get3A_421 = arith.index_cast %get3A_420 : i32 to index
      %get3A_422 = arith.index_cast %add3A_401 : i32 to index
      %get3A_423 = arith.constant 128 : index
      %get3A_424 = tpu.vector_load %arg7[%get3A_421, %get3A_422, %get3A_423] {strides = array<i32>} : memref<13x16x256xf32, #tpu.memory_space<vmem>>, vector<1x1x16xf32>,
      %get3A_425 = vector.shape_cast %get3A_424 : vector<1x1x16xf32> to vector<16xf32>
      %abs3A_426 = math.absf %get3A_425 : vector<16xf32>
      %get3A_427 = arith.constant 4 : i32
      %get3A_428 = arith.index_cast %get3A_427 : i32 to index
      %get3A_429 = arith.index_cast %add3A_401 : i32 to index
      %get3A_430 = arith.constant 0 : index
      %get3A_431 = tpu.vector_load %arg7[%get3A_428, %get3A_429, %get3A_430] {strides = array<i32>} : memref<13x16x256xf32, #tpu.memory_space<vmem>>, vector<1x1x16xf32>,
      %get3A_432 = vector.shape_cast %get3A_431 : vector<1x1x16xf32> to vector<16xf32>
      %get3A_433 = arith.constant 4 : i32
      %get3A_434 = arith.index_cast %get3A_433 : i32 to index
      %get3A_435 = arith.index_cast %add3A_401 : i32 to index
      %get3A_436 = arith.constant 128 : index
      %get3A_437 = tpu.vector_load %arg7[%get3A_434, %get3A_435, %get3A_436] {strides = array<i32>} : memref<13x16x256xf32, #tpu.memory_space<vmem>>, vector<1x1x16xf32>,
      %get3A_438 = vector.shape_cast %get3A_437 : vector<1x1x16xf32> to vector<16xf32>
      %abs3A_439 = math.absf %get3A_438 : vector<16xf32>
      %sub3A = arith.subf %get3A_407, %abs3A : vector<16xf32>
      %sub3A_440 = arith.subf %get3A_419, %abs3A_426 : vector<16xf32>
      %max3A = arith.maximumf %sub3A, %sub3A_440 : vector<16xf32>
      %add3A_441 = arith.addf %get3A_407, %abs3A : vector<16xf32>
      %add3A_442 = arith.addf %get3A_419, %abs3A_426 : vector<16xf32>
      %min3A = arith.minimumf %add3A_441, %add3A_442 : vector<16xf32>
      %sub3A_443 = arith.subf %max3A, %min3A : vector<16xf32>
      %add3A_444 = arith.addf %max3A, %min3A : vector<16xf32>
      %mul3A_445 = arith.constant 5.000000e-01 : f32
      %mul3A_446 = vector.broadcast %mul3A_445 : f32 to vector<16xf32>
      %mul3A_447 = arith.mulf %add3A_444, %mul3A_446 : vector<16xf32>
      %sub3A_448 = arith.subf %mul3A_447, %get3A_432 : vector<16xf32>
      %abs3A_449 = math.absf %sub3A_448 : vector<16xf32>
      %abs3A_450 = math.absf %sub3A_443 : vector<16xf32>
      %mul3A_451 = arith.constant 5.000000e-01 : f32
      %mul3A_452 = vector.broadcast %mul3A_451 : f32 to vector<16xf32>
      %mul3A_453 = arith.mulf %abs3A_450, %mul3A_452 : vector<16xf32>
      %add3A_454 = arith.addf %abs3A_449, %mul3A_453 : vector<16xf32>
      %sub3A_455 = arith.subf %add3A_454, %abs3A_439 : vector<16xf32>
      %max3A_456 = arith.constant 0.000000e+00 : f32
      %max3A_457 = vector.broadcast %max3A_456 : f32 to vector<16xf32>
      %max3A_458 = arith.maximumf %sub3A_455, %max3A_457 : vector<16xf32>
      %mul3A_459 = arith.mulf %max3A_458, %max3A_458 : vector<16xf32>
      %add3A_460 = arith.addf %broadcast_in_dim3A_207, %mul3A_459 : vector<16xf32>
      %max3A_461 = arith.constant 0.000000e+00 : f32
      %max3A_462 = vector.broadcast %max3A_461 : f32 to vector<16xf32>
      %max3A_463 = arith.maximumf %sub3A_443, %max3A_462 : vector<16xf32>
      %mul3A_464 = arith.mulf %max3A_463, %max3A_463 : vector<16xf32>
      %add3A_465 = arith.addf %broadcast_in_dim3A_207, %mul3A_464 : vector<16xf32>
      %get3A_466 = arith.constant 2 : i32
      %get3A_467 = arith.index_cast %get3A_466 : i32 to index
      %get3A_468 = arith.index_cast %add3A_401 : i32 to index
      %get3A_469 = arith.constant 16 : index
      %get3A_470 = tpu.vector_load %arg7[%get3A_467, %get3A_468, %get3A_469] {strides = array<i32>} : memref<13x16x256xf32, #tpu.memory_space<vmem>>, vector<1x1x16xf32>,
      %get3A_471 = vector.shape_cast %get3A_470 : vector<1x1x16xf32> to vector<16xf32>
      %get3A_472 = arith.constant 2 : i32
      %get3A_473 = arith.index_cast %get3A_472 : i32 to index
      %get3A_474 = arith.index_cast %add3A_401 : i32 to index
      %get3A_475 = arith.constant 144 : index
      %get3A_476 = tpu.vector_load %arg7[%get3A_473, %get3A_474, %get3A_475] {strides = array<i32>} : memref<13x16x256xf32, #tpu.memory_space<vmem>>, vector<1x1x16xf32>,
      %get3A_477 = vector.shape_cast %get3A_476 : vector<1x1x16xf32> to vector<16xf32>
      %abs3A_478 = math.absf %get3A_477 : vector<16xf32>
      %get3A_479 = arith.constant 3 : i32
      %get3A_480 = arith.index_cast %get3A_479 : i32 to index
      %get3A_481 = arith.index_cast %add3A_401 : i32 to index
      %get3A_482 = arith.constant 16 : index
      %get3A_483 = tpu.vector_load %arg7[%get3A_480, %get3A_481, %get3A_482] {strides = array<i32>} : memref<13x16x256xf32, #tpu.memory_space<vmem>>, vector<1x1x16xf32>,
      %get3A_484 = vector.shape_cast %get3A_483 : vector<1x1x16xf32> to vector<16xf32>
      %get3A_485 = arith.constant 3 : i32
      %get3A_486 = arith.index_cast %get3A_485 : i32 to index
      %get3A_487 = arith.index_cast %add3A_401 : i32 to index
      %get3A_488 = arith.constant 144 : index
      %get3A_489 = tpu.vector_load %arg7[%get3A_486, %get3A_487, %get3A_488] {strides = array<i32>} : memref<13x16x256xf32, #tpu.memory_space<vmem>>, vector<1x1x16xf32>,
      %get3A_490 = vector.shape_cast %get3A_489 : vector<1x1x16xf32> to vector<16xf32>
      %abs3A_491 = math.absf %get3A_490 : vector<16xf32>
      %get3A_492 = arith.constant 4 : i32
      %get3A_493 = arith.index_cast %get3A_492 : i32 to index
      %get3A_494 = arith.index_cast %add3A_401 : i32 to index
      %get3A_495 = arith.constant 16 : index
      %get3A_496 = tpu.vector_load %arg7[%get3A_493, %get3A_494, %get3A_495] {strides = array<i32>} : memref<13x16x256xf32, #tpu.memory_space<vmem>>, vector<1x1x16xf32>,
      %get3A_497 = vector.shape_cast %get3A_496 : vector<1x1x16xf32> to vector<16xf32>
      %get3A_498 = arith.constant 4 : i32
      %get3A_499 = arith.index_cast %get3A_498 : i32 to index
      %get3A_500 = arith.index_cast %add3A_401 : i32 to index
      %get3A_501 = arith.constant 144 : index
      %get3A_502 = tpu.vector_load %arg7[%get3A_499, %get3A_500, %get3A_501] {strides = array<i32>} : memref<13x16x256xf32, #tpu.memory_space<vmem>>, vector<1x1x16xf32>,
      %get3A_503 = vector.shape_cast %get3A_502 : vector<1x1x16xf32> to vector<16xf32>
      %abs3A_504 = math.absf %get3A_503 : vector<16xf32>
      %sub3A_505 = arith.subf %get3A_471, %abs3A_478 : vector<16xf32>
      %sub3A_506 = arith.subf %get3A_484, %abs3A_491 : vector<16xf32>
      %max3A_507 = arith.maximumf %sub3A_505, %sub3A_506 : vector<16xf32>
      %add3A_508 = arith.addf %get3A_471, %abs3A_478 : vector<16xf32>
      %add3A_509 = arith.addf %get3A_484, %abs3A_491 : vector<16xf32>
      %min3A_510 = arith.minimumf %add3A_508, %add3A_509 : vector<16xf32>
      %sub3A_511 = arith.subf %max3A_507, %min3A_510 : vector<16xf32>
      %add3A_512 = arith.addf %max3A_507, %min3A_510 : vector<16xf32>
      %mul3A_513 = arith.constant 5.000000e-01 : f32
      %mul3A_514 = vector.broadcast %mul3A_513 : f32 to vector<16xf32>
      %mul3A_515 = arith.mulf %add3A_512, %mul3A_514 : vector<16xf32>
      %sub3A_516 = arith.subf %mul3A_515, %get3A_497 : vector<16xf32>
      %abs3A_517 = math.absf %sub3A_516 : vector<16xf32>
      %abs3A_518 = math.absf %sub3A_511 : vector<16xf32>
      %mul3A_519 = arith.constant 5.000000e-01 : f32
      %mul3A_520 = vector.broadcast %mul3A_519 : f32 to vector<16xf32>
      %mul3A_521 = arith.mulf %abs3A_518, %mul3A_520 : vector<16xf32>
      %add3A_522 = arith.addf %abs3A_517, %mul3A_521 : vector<16xf32>
      %sub3A_523 = arith.subf %add3A_522, %abs3A_504 : vector<16xf32>
      %max3A_524 = arith.constant 0.000000e+00 : f32
      %max3A_525 = vector.broadcast %max3A_524 : f32 to vector<16xf32>
      %max3A_526 = arith.maximumf %sub3A_523, %max3A_525 : vector<16xf32>
      %mul3A_527 = arith.mulf %max3A_526, %max3A_526 : vector<16xf32>
      %add3A_528 = arith.addf %add3A_460, %mul3A_527 : vector<16xf32>
      %max3A_529 = arith.constant 0.000000e+00 : f32
      %max3A_530 = vector.broadcast %max3A_529 : f32 to vector<16xf32>
      %max3A_531 = arith.maximumf %sub3A_511, %max3A_530 : vector<16xf32>
      %mul3A_532 = arith.mulf %max3A_531, %max3A_531 : vector<16xf32>
      %add3A_533 = arith.addf %add3A_465, %mul3A_532 : vector<16xf32>
      %get3A_534 = arith.constant 2 : i32
      %get3A_535 = arith.index_cast %get3A_534 : i32 to index
      %get3A_536 = arith.index_cast %add3A_401 : i32 to index
      %get3A_537 = arith.constant 32 : index
      %get3A_538 = tpu.vector_load %arg7[%get3A_535, %get3A_536, %get3A_537] {strides = array<i32>} : memref<13x16x256xf32, #tpu.memory_space<vmem>>, vector<1x1x16xf32>,
      %get3A_539 = vector.shape_cast %get3A_538 : vector<1x1x16xf32> to vector<16xf32>
      %get3A_540 = arith.constant 2 : i32
      %get3A_541 = arith.index_cast %get3A_540 : i32 to index
      %get3A_542 = arith.index_cast %add3A_401 : i32 to index
      %get3A_543 = arith.constant 160 : index
      %get3A_544 = tpu.vector_load %arg7[%get3A_541, %get3A_542, %get3A_543] {strides = array<i32>} : memref<13x16x256xf32, #tpu.memory_space<vmem>>, vector<1x1x16xf32>,
      %get3A_545 = vector.shape_cast %get3A_544 : vector<1x1x16xf32> to vector<16xf32>
      %abs3A_546 = math.absf %get3A_545 : vector<16xf32>
      %get3A_547 = arith.constant 3 : i32
      %get3A_548 = arith.index_cast %get3A_547 : i32 to index
      %get3A_549 = arith.index_cast %add3A_401 : i32 to index
      %get3A_550 = arith.constant 32 : index
      %get3A_551 = tpu.vector_load %arg7[%get3A_548, %get3A_549, %get3A_550] {strides = array<i32>} : memref<13x16x256xf32, #tpu.memory_space<vmem>>, vector<1x1x16xf32>,
      %get3A_552 = vector.shape_cast %get3A_551 : vector<1x1x16xf32> to vector<16xf32>
      %get3A_553 = arith.constant 3 : i32
      %get3A_554 = arith.index_cast %get3A_553 : i32 to index
      %get3A_555 = arith.index_cast %add3A_401 : i32 to index
      %get3A_556 = arith.constant 160 : index
      %get3A_557 = tpu.vector_load %arg7[%get3A_554, %get3A_555, %get3A_556] {strides = array<i32>} : memref<13x16x256xf32, #tpu.memory_space<vmem>>, vector<1x1x16xf32>,
      %get3A_558 = vector.shape_cast %get3A_557 : vector<1x1x16xf32> to vector<16xf32>
      %abs3A_559 = math.absf %get3A_558 : vector<16xf32>
      %get3A_560 = arith.constant 4 : i32
      %get3A_561 = arith.index_cast %get3A_560 : i32 to index
      %get3A_562 = arith.index_cast %add3A_401 : i32 to index
      %get3A_563 = arith.constant 32 : index
      %get3A_564 = tpu.vector_load %arg7[%get3A_561, %get3A_562, %get3A_563] {strides = array<i32>} : memref<13x16x256xf32, #tpu.memory_space<vmem>>, vector<1x1x16xf32>,
      %get3A_565 = vector.shape_cast %get3A_564 : vector<1x1x16xf32> to vector<16xf32>
      %get3A_566 = arith.constant 4 : i32
      %get3A_567 = arith.index_cast %get3A_566 : i32 to index
      %get3A_568 = arith.index_cast %add3A_401 : i32 to index
      %get3A_569 = arith.constant 160 : index
      %get3A_570 = tpu.vector_load %arg7[%get3A_567, %get3A_568, %get3A_569] {strides = array<i32>} : memref<13x16x256xf32, #tpu.memory_space<vmem>>, vector<1x1x16xf32>,
      %get3A_571 = vector.shape_cast %get3A_570 : vector<1x1x16xf32> to vector<16xf32>
      %abs3A_572 = math.absf %get3A_571 : vector<16xf32>
      %sub3A_573 = arith.subf %get3A_539, %abs3A_546 : vector<16xf32>
      %sub3A_574 = arith.subf %get3A_552, %abs3A_559 : vector<16xf32>
      %max3A_575 = arith.maximumf %sub3A_573, %sub3A_574 : vector<16xf32>
      %add3A_576 = arith.addf %get3A_539, %abs3A_546 : vector<16xf32>
      %add3A_577 = arith.addf %get3A_552, %abs3A_559 : vector<16xf32>
      %min3A_578 = arith.minimumf %add3A_576, %add3A_577 : vector<16xf32>
      %sub3A_579 = arith.subf %max3A_575, %min3A_578 : vector<16xf32>
      %add3A_580 = arith.addf %max3A_575, %min3A_578 : vector<16xf32>
      %mul3A_581 = arith.constant 5.000000e-01 : f32
      %mul3A_582 = vector.broadcast %mul3A_581 : f32 to vector<16xf32>
      %mul3A_583 = arith.mulf %add3A_580, %mul3A_582 : vector<16xf32>
      %sub3A_584 = arith.subf %mul3A_583, %get3A_565 : vector<16xf32>
      %abs3A_585 = math.absf %sub3A_584 : vector<16xf32>
      %abs3A_586 = math.absf %sub3A_579 : vector<16xf32>
      %mul3A_587 = arith.constant 5.000000e-01 : f32
      %mul3A_588 = vector.broadcast %mul3A_587 : f32 to vector<16xf32>
      %mul3A_589 = arith.mulf %abs3A_586, %mul3A_588 : vector<16xf32>
      %add3A_590 = arith.addf %abs3A_585, %mul3A_589 : vector<16xf32>
      %sub3A_591 = arith.subf %add3A_590, %abs3A_572 : vector<16xf32>
      %max3A_592 = arith.constant 0.000000e+00 : f32
      %max3A_593 = vector.broadcast %max3A_592 : f32 to vector<16xf32>
      %max3A_594 = arith.maximumf %sub3A_591, %max3A_593 : vector<16xf32>
      %mul3A_595 = arith.mulf %max3A_594, %max3A_594 : vector<16xf32>
      %add3A_596 = arith.addf %add3A_528, %mul3A_595 : vector<16xf32>
      %max3A_597 = arith.constant 0.000000e+00 : f32
      %max3A_598 = vector.broadcast %max3A_597 : f32 to vector<16xf32>
      %max3A_599 = arith.maximumf %sub3A_579, %max3A_598 : vector<16xf32>
      %mul3A_600 = arith.mulf %max3A_599, %max3A_599 : vector<16xf32>
      %add3A_601 = arith.addf %add3A_533, %mul3A_600 : vector<16xf32>
      %get3A_602 = arith.constant 2 : i32
      %get3A_603 = arith.index_cast %get3A_602 : i32 to index
      %get3A_604 = arith.index_cast %add3A_401 : i32 to index
      %get3A_605 = arith.constant 48 : index
      %get3A_606 = tpu.vector_load %arg7[%get3A_603, %get3A_604, %get3A_605] {strides = array<i32>} : memref<13x16x256xf32, #tpu.memory_space<vmem>>, vector<1x1x16xf32>,
      %get3A_607 = vector.shape_cast %get3A_606 : vector<1x1x16xf32> to vector<16xf32>
      %get3A_608 = arith.constant 2 : i32
      %get3A_609 = arith.index_cast %get3A_608 : i32 to index
      %get3A_610 = arith.index_cast %add3A_401 : i32 to index
      %get3A_611 = arith.constant 176 : index
      %get3A_612 = tpu.vector_load %arg7[%get3A_609, %get3A_610, %get3A_611] {strides = array<i32>} : memref<13x16x256xf32, #tpu.memory_space<vmem>>, vector<1x1x16xf32>,
      %get3A_613 = vector.shape_cast %get3A_612 : vector<1x1x16xf32> to vector<16xf32>
      %abs3A_614 = math.absf %get3A_613 : vector<16xf32>
      %get3A_615 = arith.constant 3 : i32
      %get3A_616 = arith.index_cast %get3A_615 : i32 to index
      %get3A_617 = arith.index_cast %add3A_401 : i32 to index
      %get3A_618 = arith.constant 48 : index
      %get3A_619 = tpu.vector_load %arg7[%get3A_616, %get3A_617, %get3A_618] {strides = array<i32>} : memref<13x16x256xf32, #tpu.memory_space<vmem>>, vector<1x1x16xf32>,
      %get3A_620 = vector.shape_cast %get3A_619 : vector<1x1x16xf32> to vector<16xf32>
      %get3A_621 = arith.constant 3 : i32
      %get3A_622 = arith.index_cast %get3A_621 : i32 to index
      %get3A_623 = arith.index_cast %add3A_401 : i32 to index
      %get3A_624 = arith.constant 176 : index
      %get3A_625 = tpu.vector_load %arg7[%get3A_622, %get3A_623, %get3A_624] {strides = array<i32>} : memref<13x16x256xf32, #tpu.memory_space<vmem>>, vector<1x1x16xf32>,
      %get3A_626 = vector.shape_cast %get3A_625 : vector<1x1x16xf32> to vector<16xf32>
      %abs3A_627 = math.absf %get3A_626 : vector<16xf32>
      %get3A_628 = arith.constant 4 : i32
      %get3A_629 = arith.index_cast %get3A_628 : i32 to index
      %get3A_630 = arith.index_cast %add3A_401 : i32 to index
      %get3A_631 = arith.constant 48 : index
      %get3A_632 = tpu.vector_load %arg7[%get3A_629, %get3A_630, %get3A_631] {strides = array<i32>} : memref<13x16x256xf32, #tpu.memory_space<vmem>>, vector<1x1x16xf32>,
      %get3A_633 = vector.shape_cast %get3A_632 : vector<1x1x16xf32> to vector<16xf32>
      %get3A_634 = arith.constant 4 : i32
      %get3A_635 = arith.index_cast %get3A_634 : i32 to index
      %get3A_636 = arith.index_cast %add3A_401 : i32 to index
      %get3A_637 = arith.constant 176 : index
      %get3A_638 = tpu.vector_load %arg7[%get3A_635, %get3A_636, %get3A_637] {strides = array<i32>} : memref<13x16x256xf32, #tpu.memory_space<vmem>>, vector<1x1x16xf32>,
      %get3A_639 = vector.shape_cast %get3A_638 : vector<1x1x16xf32> to vector<16xf32>
      %abs3A_640 = math.absf %get3A_639 : vector<16xf32>
      %sub3A_641 = arith.subf %get3A_607, %abs3A_614 : vector<16xf32>
      %sub3A_642 = arith.subf %get3A_620, %abs3A_627 : vector<16xf32>
      %max3A_643 = arith.maximumf %sub3A_641, %sub3A_642 : vector<16xf32>
      %add3A_644 = arith.addf %get3A_607, %abs3A_614 : vector<16xf32>
      %add3A_645 = arith.addf %get3A_620, %abs3A_627 : vector<16xf32>
      %min3A_646 = arith.minimumf %add3A_644, %add3A_645 : vector<16xf32>
      %sub3A_647 = arith.subf %max3A_643, %min3A_646 : vector<16xf32>
      %add3A_648 = arith.addf %max3A_643, %min3A_646 : vector<16xf32>
      %mul3A_649 = arith.constant 5.000000e-01 : f32
      %mul3A_650 = vector.broadcast %mul3A_649 : f32 to vector<16xf32>
      %mul3A_651 = arith.mulf %add3A_648, %mul3A_650 : vector<16xf32>
      %sub3A_652 = arith.subf %mul3A_651, %get3A_633 : vector<16xf32>
      %abs3A_653 = math.absf %sub3A_652 : vector<16xf32>
      %abs3A_654 = math.absf %sub3A_647 : vector<16xf32>
      %mul3A_655 = arith.constant 5.000000e-01 : f32
      %mul3A_656 = vector.broadcast %mul3A_655 : f32 to vector<16xf32>
      %mul3A_657 = arith.mulf %abs3A_654, %mul3A_656 : vector<16xf32>
      %add3A_658 = arith.addf %abs3A_653, %mul3A_657 : vector<16xf32>
      %sub3A_659 = arith.subf %add3A_658, %abs3A_640 : vector<16xf32>
      %max3A_660 = arith.constant 0.000000e+00 : f32
      %max3A_661 = vector.broadcast %max3A_660 : f32 to vector<16xf32>
      %max3A_662 = arith.maximumf %sub3A_659, %max3A_661 : vector<16xf32>
      %mul3A_663 = arith.mulf %max3A_662, %max3A_662 : vector<16xf32>
      %add3A_664 = arith.addf %add3A_596, %mul3A_663 : vector<16xf32>
      %max3A_665 = arith.constant 0.000000e+00 : f32
      %max3A_666 = vector.broadcast %max3A_665 : f32 to vector<16xf32>
      %max3A_667 = arith.maximumf %sub3A_647, %max3A_666 : vector<16xf32>
      %mul3A_668 = arith.mulf %max3A_667, %max3A_667 : vector<16xf32>
      %add3A_669 = arith.addf %add3A_601, %mul3A_668 : vector<16xf32>
      %get3A_670 = arith.constant 2 : i32
      %get3A_671 = arith.index_cast %get3A_670 : i32 to index
      %get3A_672 = arith.index_cast %add3A_401 : i32 to index
      %get3A_673 = arith.constant 64 : index
      %get3A_674 = tpu.vector_load %arg7[%get3A_671, %get3A_672, %get3A_673] {strides = array<i32>} : memref<13x16x256xf32, #tpu.memory_space<vmem>>, vector<1x1x16xf32>,
      %get3A_675 = vector.shape_cast %get3A_674 : vector<1x1x16xf32> to vector<16xf32>
      %get3A_676 = arith.constant 2 : i32
      %get3A_677 = arith.index_cast %get3A_676 : i32 to index
      %get3A_678 = arith.index_cast %add3A_401 : i32 to index
      %get3A_679 = arith.constant 192 : index
      %get3A_680 = tpu.vector_load %arg7[%get3A_677, %get3A_678, %get3A_679] {strides = array<i32>} : memref<13x16x256xf32, #tpu.memory_space<vmem>>, vector<1x1x16xf32>,
      %get3A_681 = vector.shape_cast %get3A_680 : vector<1x1x16xf32> to vector<16xf32>
      %abs3A_682 = math.absf %get3A_681 : vector<16xf32>
      %get3A_683 = arith.constant 3 : i32
      %get3A_684 = arith.index_cast %get3A_683 : i32 to index
      %get3A_685 = arith.index_cast %add3A_401 : i32 to index
      %get3A_686 = arith.constant 64 : index
      %get3A_687 = tpu.vector_load %arg7[%get3A_684, %get3A_685, %get3A_686] {strides = array<i32>} : memref<13x16x256xf32, #tpu.memory_space<vmem>>, vector<1x1x16xf32>,
      %get3A_688 = vector.shape_cast %get3A_687 : vector<1x1x16xf32> to vector<16xf32>
      %get3A_689 = arith.constant 3 : i32
      %get3A_690 = arith.index_cast %get3A_689 : i32 to index
      %get3A_691 = arith.index_cast %add3A_401 : i32 to index
      %get3A_692 = arith.constant 192 : index
      %get3A_693 = tpu.vector_load %arg7[%get3A_690, %get3A_691, %get3A_692] {strides = array<i32>} : memref<13x16x256xf32, #tpu.memory_space<vmem>>, vector<1x1x16xf32>,
      %get3A_694 = vector.shape_cast %get3A_693 : vector<1x1x16xf32> to vector<16xf32>
      %abs3A_695 = math.absf %get3A_694 : vector<16xf32>
      %get3A_696 = arith.constant 4 : i32
      %get3A_697 = arith.index_cast %get3A_696 : i32 to index
      %get3A_698 = arith.index_cast %add3A_401 : i32 to index
      %get3A_699 = arith.constant 64 : index
      %get3A_700 = tpu.vector_load %arg7[%get3A_697, %get3A_698, %get3A_699] {strides = array<i32>} : memref<13x16x256xf32, #tpu.memory_space<vmem>>, vector<1x1x16xf32>,
      %get3A_701 = vector.shape_cast %get3A_700 : vector<1x1x16xf32> to vector<16xf32>
      %get3A_702 = arith.constant 4 : i32
      %get3A_703 = arith.index_cast %get3A_702 : i32 to index
      %get3A_704 = arith.index_cast %add3A_401 : i32 to index
      %get3A_705 = arith.constant 192 : index
      %get3A_706 = tpu.vector_load %arg7[%get3A_703, %get3A_704, %get3A_705] {strides = array<i32>} : memref<13x16x256xf32, #tpu.memory_space<vmem>>, vector<1x1x16xf32>,
      %get3A_707 = vector.shape_cast %get3A_706 : vector<1x1x16xf32> to vector<16xf32>
      %abs3A_708 = math.absf %get3A_707 : vector<16xf32>
      %sub3A_709 = arith.subf %get3A_675, %abs3A_682 : vector<16xf32>
      %sub3A_710 = arith.subf %get3A_688, %abs3A_695 : vector<16xf32>
      %max3A_711 = arith.maximumf %sub3A_709, %sub3A_710 : vector<16xf32>
      %add3A_712 = arith.addf %get3A_675, %abs3A_682 : vector<16xf32>
      %add3A_713 = arith.addf %get3A_688, %abs3A_695 : vector<16xf32>
      %min3A_714 = arith.minimumf %add3A_712, %add3A_713 : vector<16xf32>
      %sub3A_715 = arith.subf %max3A_711, %min3A_714 : vector<16xf32>
      %add3A_716 = arith.addf %max3A_711, %min3A_714 : vector<16xf32>
      %mul3A_717 = arith.constant 5.000000e-01 : f32
      %mul3A_718 = vector.broadcast %mul3A_717 : f32 to vector<16xf32>
      %mul3A_719 = arith.mulf %add3A_716, %mul3A_718 : vector<16xf32>
      %sub3A_720 = arith.subf %mul3A_719, %get3A_701 : vector<16xf32>
      %abs3A_721 = math.absf %sub3A_720 : vector<16xf32>
      %abs3A_722 = math.absf %sub3A_715 : vector<16xf32>
      %mul3A_723 = arith.constant 5.000000e-01 : f32
      %mul3A_724 = vector.broadcast %mul3A_723 : f32 to vector<16xf32>
      %mul3A_725 = arith.mulf %abs3A_722, %mul3A_724 : vector<16xf32>
      %add3A_726 = arith.addf %abs3A_721, %mul3A_725 : vector<16xf32>
      %sub3A_727 = arith.subf %add3A_726, %abs3A_708 : vector<16xf32>
      %max3A_728 = arith.constant 0.000000e+00 : f32
      %max3A_729 = vector.broadcast %max3A_728 : f32 to vector<16xf32>
      %max3A_730 = arith.maximumf %sub3A_727, %max3A_729 : vector<16xf32>
      %mul3A_731 = arith.mulf %max3A_730, %max3A_730 : vector<16xf32>
      %add3A_732 = arith.addf %add3A_664, %mul3A_731 : vector<16xf32>
      %max3A_733 = arith.constant 0.000000e+00 : f32
      %max3A_734 = vector.broadcast %max3A_733 : f32 to vector<16xf32>
      %max3A_735 = arith.maximumf %sub3A_715, %max3A_734 : vector<16xf32>
      %mul3A_736 = arith.mulf %max3A_735, %max3A_735 : vector<16xf32>
      %add3A_737 = arith.addf %add3A_669, %mul3A_736 : vector<16xf32>
      %get3A_738 = arith.constant 2 : i32
      %get3A_739 = arith.index_cast %get3A_738 : i32 to index
      %get3A_740 = arith.index_cast %add3A_401 : i32 to index
      %get3A_741 = arith.constant 80 : index
      %get3A_742 = tpu.vector_load %arg7[%get3A_739, %get3A_740, %get3A_741] {strides = array<i32>} : memref<13x16x256xf32, #tpu.memory_space<vmem>>, vector<1x1x16xf32>,
      %get3A_743 = vector.shape_cast %get3A_742 : vector<1x1x16xf32> to vector<16xf32>
      %get3A_744 = arith.constant 2 : i32
      %get3A_745 = arith.index_cast %get3A_744 : i32 to index
      %get3A_746 = arith.index_cast %add3A_401 : i32 to index
      %get3A_747 = arith.constant 208 : index
      %get3A_748 = tpu.vector_load %arg7[%get3A_745, %get3A_746, %get3A_747] {strides = array<i32>} : memref<13x16x256xf32, #tpu.memory_space<vmem>>, vector<1x1x16xf32>,
      %get3A_749 = vector.shape_cast %get3A_748 : vector<1x1x16xf32> to vector<16xf32>
      %abs3A_750 = math.absf %get3A_749 : vector<16xf32>
      %get3A_751 = arith.constant 3 : i32
      %get3A_752 = arith.index_cast %get3A_751 : i32 to index
      %get3A_753 = arith.index_cast %add3A_401 : i32 to index
      %get3A_754 = arith.constant 80 : index
      %get3A_755 = tpu.vector_load %arg7[%get3A_752, %get3A_753, %get3A_754] {strides = array<i32>} : memref<13x16x256xf32, #tpu.memory_space<vmem>>, vector<1x1x16xf32>,
      %get3A_756 = vector.shape_cast %get3A_755 : vector<1x1x16xf32> to vector<16xf32>
      %get3A_757 = arith.constant 3 : i32
      %get3A_758 = arith.index_cast %get3A_757 : i32 to index
      %get3A_759 = arith.index_cast %add3A_401 : i32 to index
      %get3A_760 = arith.constant 208 : index
      %get3A_761 = tpu.vector_load %arg7[%get3A_758, %get3A_759, %get3A_760] {strides = array<i32>} : memref<13x16x256xf32, #tpu.memory_space<vmem>>, vector<1x1x16xf32>,
      %get3A_762 = vector.shape_cast %get3A_761 : vector<1x1x16xf32> to vector<16xf32>
      %abs3A_763 = math.absf %get3A_762 : vector<16xf32>
      %get3A_764 = arith.constant 4 : i32
      %get3A_765 = arith.index_cast %get3A_764 : i32 to index
      %get3A_766 = arith.index_cast %add3A_401 : i32 to index
      %get3A_767 = arith.constant 80 : index
      %get3A_768 = tpu.vector_load %arg7[%get3A_765, %get3A_766, %get3A_767] {strides = array<i32>} : memref<13x16x256xf32, #tpu.memory_space<vmem>>, vector<1x1x16xf32>,
      %get3A_769 = vector.shape_cast %get3A_768 : vector<1x1x16xf32> to vector<16xf32>
      %get3A_770 = arith.constant 4 : i32
      %get3A_771 = arith.index_cast %get3A_770 : i32 to index
      %get3A_772 = arith.index_cast %add3A_401 : i32 to index
      %get3A_773 = arith.constant 208 : index
      %get3A_774 = tpu.vector_load %arg7[%get3A_771, %get3A_772, %get3A_773] {strides = array<i32>} : memref<13x16x256xf32, #tpu.memory_space<vmem>>, vector<1x1x16xf32>,
      %get3A_775 = vector.shape_cast %get3A_774 : vector<1x1x16xf32> to vector<16xf32>
      %abs3A_776 = math.absf %get3A_775 : vector<16xf32>
      %sub3A_777 = arith.subf %get3A_743, %abs3A_750 : vector<16xf32>
      %sub3A_778 = arith.subf %get3A_756, %abs3A_763 : vector<16xf32>
      %max3A_779 = arith.maximumf %sub3A_777, %sub3A_778 : vector<16xf32>
      %add3A_780 = arith.addf %get3A_743, %abs3A_750 : vector<16xf32>
      %add3A_781 = arith.addf %get3A_756, %abs3A_763 : vector<16xf32>
      %min3A_782 = arith.minimumf %add3A_780, %add3A_781 : vector<16xf32>
      %sub3A_783 = arith.subf %max3A_779, %min3A_782 : vector<16xf32>
      %add3A_784 = arith.addf %max3A_779, %min3A_782 : vector<16xf32>
      %mul3A_785 = arith.constant 5.000000e-01 : f32
      %mul3A_786 = vector.broadcast %mul3A_785 : f32 to vector<16xf32>
      %mul3A_787 = arith.mulf %add3A_784, %mul3A_786 : vector<16xf32>
      %sub3A_788 = arith.subf %mul3A_787, %get3A_769 : vector<16xf32>
      %abs3A_789 = math.absf %sub3A_788 : vector<16xf32>
      %abs3A_790 = math.absf %sub3A_783 : vector<16xf32>
      %mul3A_791 = arith.constant 5.000000e-01 : f32
      %mul3A_792 = vector.broadcast %mul3A_791 : f32 to vector<16xf32>
      %mul3A_793 = arith.mulf %abs3A_790, %mul3A_792 : vector<16xf32>
      %add3A_794 = arith.addf %abs3A_789, %mul3A_793 : vector<16xf32>
      %sub3A_795 = arith.subf %add3A_794, %abs3A_776 : vector<16xf32>
      %max3A_796 = arith.constant 0.000000e+00 : f32
      %max3A_797 = vector.broadcast %max3A_796 : f32 to vector<16xf32>
      %max3A_798 = arith.maximumf %sub3A_795, %max3A_797 : vector<16xf32>
      %mul3A_799 = arith.mulf %max3A_798, %max3A_798 : vector<16xf32>
      %add3A_800 = arith.addf %add3A_732, %mul3A_799 : vector<16xf32>
      %max3A_801 = arith.constant 0.000000e+00 : f32
      %max3A_802 = vector.broadcast %max3A_801 : f32 to vector<16xf32>
      %max3A_803 = arith.maximumf %sub3A_783, %max3A_802 : vector<16xf32>
      %mul3A_804 = arith.mulf %max3A_803, %max3A_803 : vector<16xf32>
      %add3A_805 = arith.addf %add3A_737, %mul3A_804 : vector<16xf32>
      %get3A_806 = arith.constant 2 : i32
      %get3A_807 = arith.index_cast %get3A_806 : i32 to index
      %get3A_808 = arith.index_cast %add3A_401 : i32 to index
      %get3A_809 = arith.constant 96 : index
      %get3A_810 = tpu.vector_load %arg7[%get3A_807, %get3A_808, %get3A_809] {strides = array<i32>} : memref<13x16x256xf32, #tpu.memory_space<vmem>>, vector<1x1x16xf32>,
      %get3A_811 = vector.shape_cast %get3A_810 : vector<1x1x16xf32> to vector<16xf32>
      %get3A_812 = arith.constant 2 : i32
      %get3A_813 = arith.index_cast %get3A_812 : i32 to index
      %get3A_814 = arith.index_cast %add3A_401 : i32 to index
      %get3A_815 = arith.constant 224 : index
      %get3A_816 = tpu.vector_load %arg7[%get3A_813, %get3A_814, %get3A_815] {strides = array<i32>} : memref<13x16x256xf32, #tpu.memory_space<vmem>>, vector<1x1x16xf32>,
      %get3A_817 = vector.shape_cast %get3A_816 : vector<1x1x16xf32> to vector<16xf32>
      %abs3A_818 = math.absf %get3A_817 : vector<16xf32>
      %get3A_819 = arith.constant 3 : i32
      %get3A_820 = arith.index_cast %get3A_819 : i32 to index
      %get3A_821 = arith.index_cast %add3A_401 : i32 to index
      %get3A_822 = arith.constant 96 : index
      %get3A_823 = tpu.vector_load %arg7[%get3A_820, %get3A_821, %get3A_822] {strides = array<i32>} : memref<13x16x256xf32, #tpu.memory_space<vmem>>, vector<1x1x16xf32>,
      %get3A_824 = vector.shape_cast %get3A_823 : vector<1x1x16xf32> to vector<16xf32>
      %get3A_825 = arith.constant 3 : i32
      %get3A_826 = arith.index_cast %get3A_825 : i32 to index
      %get3A_827 = arith.index_cast %add3A_401 : i32 to index
      %get3A_828 = arith.constant 224 : index
      %get3A_829 = tpu.vector_load %arg7[%get3A_826, %get3A_827, %get3A_828] {strides = array<i32>} : memref<13x16x256xf32, #tpu.memory_space<vmem>>, vector<1x1x16xf32>,
      %get3A_830 = vector.shape_cast %get3A_829 : vector<1x1x16xf32> to vector<16xf32>
      %abs3A_831 = math.absf %get3A_830 : vector<16xf32>
      %get3A_832 = arith.constant 4 : i32
      %get3A_833 = arith.index_cast %get3A_832 : i32 to index
      %get3A_834 = arith.index_cast %add3A_401 : i32 to index
      %get3A_835 = arith.constant 96 : index
      %get3A_836 = tpu.vector_load %arg7[%get3A_833, %get3A_834, %get3A_835] {strides = array<i32>} : memref<13x16x256xf32, #tpu.memory_space<vmem>>, vector<1x1x16xf32>,
      %get3A_837 = vector.shape_cast %get3A_836 : vector<1x1x16xf32> to vector<16xf32>
      %get3A_838 = arith.constant 4 : i32
      %get3A_839 = arith.index_cast %get3A_838 : i32 to index
      %get3A_840 = arith.index_cast %add3A_401 : i32 to index
      %get3A_841 = arith.constant 224 : index
      %get3A_842 = tpu.vector_load %arg7[%get3A_839, %get3A_840, %get3A_841] {strides = array<i32>} : memref<13x16x256xf32, #tpu.memory_space<vmem>>, vector<1x1x16xf32>,
      %get3A_843 = vector.shape_cast %get3A_842 : vector<1x1x16xf32> to vector<16xf32>
      %abs3A_844 = math.absf %get3A_843 : vector<16xf32>
      %sub3A_845 = arith.subf %get3A_811, %abs3A_818 : vector<16xf32>
      %sub3A_846 = arith.subf %get3A_824, %abs3A_831 : vector<16xf32>
      %max3A_847 = arith.maximumf %sub3A_845, %sub3A_846 : vector<16xf32>
      %add3A_848 = arith.addf %get3A_811, %abs3A_818 : vector<16xf32>
      %add3A_849 = arith.addf %get3A_824, %abs3A_831 : vector<16xf32>
      %min3A_850 = arith.minimumf %add3A_848, %add3A_849 : vector<16xf32>
      %sub3A_851 = arith.subf %max3A_847, %min3A_850 : vector<16xf32>
      %add3A_852 = arith.addf %max3A_847, %min3A_850 : vector<16xf32>
      %mul3A_853 = arith.constant 5.000000e-01 : f32
      %mul3A_854 = vector.broadcast %mul3A_853 : f32 to vector<16xf32>
      %mul3A_855 = arith.mulf %add3A_852, %mul3A_854 : vector<16xf32>
      %sub3A_856 = arith.subf %mul3A_855, %get3A_837 : vector<16xf32>
      %abs3A_857 = math.absf %sub3A_856 : vector<16xf32>
      %abs3A_858 = math.absf %sub3A_851 : vector<16xf32>
      %mul3A_859 = arith.constant 5.000000e-01 : f32
      %mul3A_860 = vector.broadcast %mul3A_859 : f32 to vector<16xf32>
      %mul3A_861 = arith.mulf %abs3A_858, %mul3A_860 : vector<16xf32>
      %add3A_862 = arith.addf %abs3A_857, %mul3A_861 : vector<16xf32>
      %sub3A_863 = arith.subf %add3A_862, %abs3A_844 : vector<16xf32>
      %max3A_864 = arith.constant 0.000000e+00 : f32
      %max3A_865 = vector.broadcast %max3A_864 : f32 to vector<16xf32>
      %max3A_866 = arith.maximumf %sub3A_863, %max3A_865 : vector<16xf32>
      %mul3A_867 = arith.mulf %max3A_866, %max3A_866 : vector<16xf32>
      %add3A_868 = arith.addf %add3A_800, %mul3A_867 : vector<16xf32>
      %max3A_869 = arith.constant 0.000000e+00 : f32
      %max3A_870 = vector.broadcast %max3A_869 : f32 to vector<16xf32>
      %max3A_871 = arith.maximumf %sub3A_851, %max3A_870 : vector<16xf32>
      %mul3A_872 = arith.mulf %max3A_871, %max3A_871 : vector<16xf32>
      %add3A_873 = arith.addf %add3A_805, %mul3A_872 : vector<16xf32>
      %get3A_874 = arith.constant 2 : i32
      %get3A_875 = arith.index_cast %get3A_874 : i32 to index
      %get3A_876 = arith.index_cast %add3A_401 : i32 to index
      %get3A_877 = arith.constant 112 : index
      %get3A_878 = tpu.vector_load %arg7[%get3A_875, %get3A_876, %get3A_877] {strides = array<i32>} : memref<13x16x256xf32, #tpu.memory_space<vmem>>, vector<1x1x16xf32>,
      %get3A_879 = vector.shape_cast %get3A_878 : vector<1x1x16xf32> to vector<16xf32>
      %get3A_880 = arith.constant 2 : i32
      %get3A_881 = arith.index_cast %get3A_880 : i32 to index
      %get3A_882 = arith.index_cast %add3A_401 : i32 to index
      %get3A_883 = arith.constant 240 : index
      %get3A_884 = tpu.vector_load %arg7[%get3A_881, %get3A_882, %get3A_883] {strides = array<i32>} : memref<13x16x256xf32, #tpu.memory_space<vmem>>, vector<1x1x16xf32>,
      %get3A_885 = vector.shape_cast %get3A_884 : vector<1x1x16xf32> to vector<16xf32>
      %abs3A_886 = math.absf %get3A_885 : vector<16xf32>
      %get3A_887 = arith.constant 3 : i32
      %get3A_888 = arith.index_cast %get3A_887 : i32 to index
      %get3A_889 = arith.index_cast %add3A_401 : i32 to index
      %get3A_890 = arith.constant 112 : index
      %get3A_891 = tpu.vector_load %arg7[%get3A_888, %get3A_889, %get3A_890] {strides = array<i32>} : memref<13x16x256xf32, #tpu.memory_space<vmem>>, vector<1x1x16xf32>,
      %get3A_892 = vector.shape_cast %get3A_891 : vector<1x1x16xf32> to vector<16xf32>
      %get3A_893 = arith.constant 3 : i32
      %get3A_894 = arith.index_cast %get3A_893 : i32 to index
      %get3A_895 = arith.index_cast %add3A_401 : i32 to index
      %get3A_896 = arith.constant 240 : index
      %get3A_897 = tpu.vector_load %arg7[%get3A_894, %get3A_895, %get3A_896] {strides = array<i32>} : memref<13x16x256xf32, #tpu.memory_space<vmem>>, vector<1x1x16xf32>,
      %get3A_898 = vector.shape_cast %get3A_897 : vector<1x1x16xf32> to vector<16xf32>
      %abs3A_899 = math.absf %get3A_898 : vector<16xf32>
      %get3A_900 = arith.constant 4 : i32
      %get3A_901 = arith.index_cast %get3A_900 : i32 to index
      %get3A_902 = arith.index_cast %add3A_401 : i32 to index
      %get3A_903 = arith.constant 112 : index
      %get3A_904 = tpu.vector_load %arg7[%get3A_901, %get3A_902, %get3A_903] {strides = array<i32>} : memref<13x16x256xf32, #tpu.memory_space<vmem>>, vector<1x1x16xf32>,
      %get3A_905 = vector.shape_cast %get3A_904 : vector<1x1x16xf32> to vector<16xf32>
      %get3A_906 = arith.constant 4 : i32
      %get3A_907 = arith.index_cast %get3A_906 : i32 to index
      %get3A_908 = arith.index_cast %add3A_401 : i32 to index
      %get3A_909 = arith.constant 240 : index
      %get3A_910 = tpu.vector_load %arg7[%get3A_907, %get3A_908, %get3A_909] {strides = array<i32>} : memref<13x16x256xf32, #tpu.memory_space<vmem>>, vector<1x1x16xf32>,
      %get3A_911 = vector.shape_cast %get3A_910 : vector<1x1x16xf32> to vector<16xf32>
      %abs3A_912 = math.absf %get3A_911 : vector<16xf32>
      %sub3A_913 = arith.subf %get3A_879, %abs3A_886 : vector<16xf32>
      %sub3A_914 = arith.subf %get3A_892, %abs3A_899 : vector<16xf32>
      %max3A_915 = arith.maximumf %sub3A_913, %sub3A_914 : vector<16xf32>
      %add3A_916 = arith.addf %get3A_879, %abs3A_886 : vector<16xf32>
      %add3A_917 = arith.addf %get3A_892, %abs3A_899 : vector<16xf32>
      %min3A_918 = arith.minimumf %add3A_916, %add3A_917 : vector<16xf32>
      %sub3A_919 = arith.subf %max3A_915, %min3A_918 : vector<16xf32>
      %add3A_920 = arith.addf %max3A_915, %min3A_918 : vector<16xf32>
      %mul3A_921 = arith.constant 5.000000e-01 : f32
      %mul3A_922 = vector.broadcast %mul3A_921 : f32 to vector<16xf32>
      %mul3A_923 = arith.mulf %add3A_920, %mul3A_922 : vector<16xf32>
      %sub3A_924 = arith.subf %mul3A_923, %get3A_905 : vector<16xf32>
      %abs3A_925 = math.absf %sub3A_924 : vector<16xf32>
      %abs3A_926 = math.absf %sub3A_919 : vector<16xf32>
      %mul3A_927 = arith.constant 5.000000e-01 : f32
      %mul3A_928 = vector.broadcast %mul3A_927 : f32 to vector<16xf32>
      %mul3A_929 = arith.mulf %abs3A_926, %mul3A_928 : vector<16xf32>
      %add3A_930 = arith.addf %abs3A_925, %mul3A_929 : vector<16xf32>
      %sub3A_931 = arith.subf %add3A_930, %abs3A_912 : vector<16xf32>
      %max3A_932 = arith.constant 0.000000e+00 : f32
      %max3A_933 = vector.broadcast %max3A_932 : f32 to vector<16xf32>
      %max3A_934 = arith.maximumf %sub3A_931, %max3A_933 : vector<16xf32>
      %mul3A_935 = arith.mulf %max3A_934, %max3A_934 : vector<16xf32>
      %add3A_936 = arith.addf %add3A_868, %mul3A_935 : vector<16xf32>
      %max3A_937 = arith.constant 0.000000e+00 : f32
      %max3A_938 = vector.broadcast %max3A_937 : f32 to vector<16xf32>
      %max3A_939 = arith.maximumf %sub3A_919, %max3A_938 : vector<16xf32>
      %mul3A_940 = arith.mulf %max3A_939, %max3A_939 : vector<16xf32>
      %add3A_941 = arith.addf %add3A_873, %mul3A_940 : vector<16xf32>
      %swap3A_942 = arith.index_cast %add3A_401 : i32 to index
      %swap3A_943 = arith.constant 0 : index
      %swap3A_944 = tpu.vector_load %arg9[%swap3A_942, %swap3A_943] {strides = array<i32>} : memref<68x16xf32, #tpu.memory_space<vmem>>, vector<1x16xf32>,
      %swap3A_945 = vector.shape_cast %swap3A_944 : vector<1x16xf32> to vector<16xf32>
      %swap3A_946 = vector.shape_cast %add3A_936 : vector<16xf32> to vector<1x16xf32>
      tpu.vector_store %arg9[%swap3A_942, %swap3A_943], %swap3A_946 {strides = array<i32>} : memref<68x16xf32, #tpu.memory_space<vmem>>, vector<1x16xf32>,
      %add3A_947 = arith.constant 16 : i32
      %add3A_948 = arith.addi %add3A_947, %add3A_401 : i32
      %swap3A_949 = arith.index_cast %add3A_948 : i32 to index
      %swap3A_950 = arith.constant 0 : index
      %swap3A_951 = tpu.vector_load %arg9[%swap3A_949, %swap3A_950] {strides = array<i32>} : memref<68x16xf32, #tpu.memory_space<vmem>>, vector<1x16xf32>,
      %swap3A_952 = vector.shape_cast %swap3A_951 : vector<1x16xf32> to vector<16xf32>
      %swap3A_953 = vector.shape_cast %add3A_941 : vector<16xf32> to vector<1x16xf32>
      tpu.vector_store %arg9[%swap3A_949, %swap3A_950], %swap3A_953 {strides = array<i32>} : memref<68x16xf32, #tpu.memory_space<vmem>>, vector<1x16xf32>,
      %scan3A_954 = arith.constant 0 : i32
      scf.yield %scan3A_954 : i32
    }
    %scan3A_258 = arith.constant 16 : i32
    %dma_wait3A_259 = arith.constant 5 : i32
    %dma_wait3A_260 = arith.constant 0 : i32
    %dma_wait3A_261 = arith.constant 0 : i32
    %dma_wait3A_262 = tpu.memref_slice %arg7[%dma_wait3A_259, %dma_wait3A_260, %dma_wait3A_261] : memref<13x16x256xf32, #tpu.memory_space<vmem>> -> memref<1x16x256xf32, #tpu.memory_space<vmem>>
    %dma_wait3A_263 = tpu.memref_squeeze %dma_wait3A_262 : memref<1x16x256xf32, #tpu.memory_space<vmem>> -> memref<16x256xf32, #tpu.memory_space<vmem>>
    %dma_wait3A_264 = arith.constant 0 : i32
    %dma_wait3A_265 = arith.constant 0 : i32
    %dma_wait3A_266 = tpu.memref_slice %arg3[%dma_wait3A_264, %dma_wait3A_265] : memref<1000x256xf32, #tpu.memory_space<hbm>> -> memref<1000x256xf32, #tpu.memory_space<hbm>>
    tpu.wait_indirect_dma semaphore(%arg12 : memref<!tpu.dma_semaphore, #tpu.memory_space<semaphore_mem>>) src(%dma_wait3A_266 : memref<1000x256xf32, #tpu.memory_space<hbm>>) dst(%dma_wait3A_263 : memref<16x256xf32, #tpu.memory_space<vmem>>)
    %dma_wait3A_267 = arith.constant 6 : i32
    %dma_wait3A_268 = arith.constant 0 : i32
    %dma_wait3A_269 = arith.constant 0 : i32
    %dma_wait3A_270 = tpu.memref_slice %arg7[%dma_wait3A_267, %dma_wait3A_268, %dma_wait3A_269] : memref<13x16x256xf32, #tpu.memory_space<vmem>> -> memref<1x16x256xf32, #tpu.memory_space<vmem>>
    %dma_wait3A_271 = tpu.memref_squeeze %dma_wait3A_270 : memref<1x16x256xf32, #tpu.memory_space<vmem>> -> memref<16x256xf32, #tpu.memory_space<vmem>>
    %dma_wait3A_272 = arith.constant 0 : i32
    %dma_wait3A_273 = arith.constant 0 : i32
    %dma_wait3A_274 = tpu.memref_slice %arg3[%dma_wait3A_272, %dma_wait3A_273] : memref<1000x256xf32, #tpu.memory_space<hbm>> -> memref<1000x256xf32, #tpu.memory_space<hbm>>
    tpu.wait_indirect_dma semaphore(%arg12 : memref<!tpu.dma_semaphore, #tpu.memory_space<semaphore_mem>>) src(%dma_wait3A_274 : memref<1000x256xf32, #tpu.memory_space<hbm>>) dst(%dma_wait3A_271 : memref<16x256xf32, #tpu.memory_space<vmem>>)
    %dma_wait3A_275 = arith.constant 0 : i32
    %dma_wait3A_276 = arith.constant 0 : i32
    %dma_wait3A_277 = arith.constant 0 : i32
    %dma_wait3A_278 = tpu.memref_slice %arg8[%dma_wait3A_275, %dma_wait3A_276, %dma_wait3A_277] : memref<3x16x128xf32, #tpu.memory_space<vmem>> -> memref<1x16x128xf32, #tpu.memory_space<vmem>>
    %dma_wait3A_279 = tpu.memref_squeeze %dma_wait3A_278 : memref<1x16x128xf32, #tpu.memory_space<vmem>> -> memref<16x128xf32, #tpu.memory_space<vmem>>
    %dma_wait3A_280 = arith.constant 0 : i32
    %dma_wait3A_281 = arith.constant 0 : i32
    %dma_wait3A_282 = tpu.memref_slice %arg4[%dma_wait3A_280, %dma_wait3A_281] : memref<1000x128xf32, #tpu.memory_space<hbm>> -> memref<1000x128xf32, #tpu.memory_space<hbm>>
    tpu.wait_indirect_dma semaphore(%arg12 : memref<!tpu.dma_semaphore, #tpu.memory_space<semaphore_mem>>) src(%dma_wait3A_282 : memref<1000x128xf32, #tpu.memory_space<hbm>>) dst(%dma_wait3A_279 : memref<16x128xf32, #tpu.memory_space<vmem>>)
    %scan3A_283 = arith.constant 0 : i32
    %scan3A_284 = arith.constant 16 : i32
    %scan3A_285 = arith.addi %scan3A_283, %scan3A_284 : i32
    %scan3A_286 = arith.constant 1 : i32
    %scan3A_287 = scf.for %scan3A_396 = %scan3A_283 to %scan3A_285 step %scan3A_286 iter_args(%scan3A_397 = %broadcast_in_dim3A_207) -> (vector<16xf32>)  : i32 {
      %mul3A_398 = arith.constant 1 : i32
      %mul3A_399 = arith.muli %scan3A_396, %mul3A_398 : i32
      %add3A_400 = arith.constant 0 : i32
      %add3A_401 = arith.addi %mul3A_399, %add3A_400 : i32
      %get3A_402 = arith.constant 5 : i32
      %get3A_403 = arith.index_cast %get3A_402 : i32 to index
      %get3A_404 = arith.index_cast %add3A_401 : i32 to index
      %get3A_405 = arith.constant 0 : index
      %get3A_406 = tpu.vector_load %arg7[%get3A_403, %get3A_404, %get3A_405] {strides = array<i32>} : memref<13x16x256xf32, #tpu.memory_space<vmem>>, vector<1x1x16xf32>,
      %get3A_407 = vector.shape_cast %get3A_406 : vector<1x1x16xf32> to vector<16xf32>
      %get3A_408 = arith.constant 5 : i32
      %get3A_409 = arith.index_cast %get3A_408 : i32 to index
      %get3A_410 = arith.index_cast %add3A_401 : i32 to index
      %get3A_411 = arith.constant 128 : index
      %get3A_412 = tpu.vector_load %arg7[%get3A_409, %get3A_410, %get3A_411] {strides = array<i32>} : memref<13x16x256xf32, #tpu.memory_space<vmem>>, vector<1x1x16xf32>,
      %get3A_413 = vector.shape_cast %get3A_412 : vector<1x1x16xf32> to vector<16xf32>
      %abs3A = math.absf %get3A_413 : vector<16xf32>
      %get3A_414 = arith.constant 6 : i32
      %get3A_415 = arith.index_cast %get3A_414 : i32 to index
      %get3A_416 = arith.index_cast %add3A_401 : i32 to index
      %get3A_417 = arith.constant 0 : index
      %get3A_418 = tpu.vector_load %arg7[%get3A_415, %get3A_416, %get3A_417] {strides = array<i32>} : memref<13x16x256xf32, #tpu.memory_space<vmem>>, vector<1x1x16xf32>,
      %get3A_419 = vector.shape_cast %get3A_418 : vector<1x1x16xf32> to vector<16xf32>
      %get3A_420 = arith.constant 6 : i32
      %get3A_421 = arith.index_cast %get3A_420 : i32 to index
      %get3A_422 = arith.index_cast %add3A_401 : i32 to index
      %get3A_423 = arith.constant 128 : index
      %get3A_424 = tpu.vector_load %arg7[%get3A_421, %get3A_422, %get3A_423] {strides = array<i32>} : memref<13x16x256xf32, #tpu.memory_space<vmem>>, vector<1x1x16xf32>,
      %get3A_425 = vector.shape_cast %get3A_424 : vector<1x1x16xf32> to vector<16xf32>
      %abs3A_426 = math.absf %get3A_425 : vector<16xf32>
      %get3A_427 = arith.constant 0 : i32
      %get3A_428 = arith.index_cast %get3A_427 : i32 to index
      %get3A_429 = arith.index_cast %add3A_401 : i32 to index
      %get3A_430 = arith.constant 0 : index
      %get3A_431 = tpu.vector_load %arg8[%get3A_428, %get3A_429, %get3A_430] {strides = array<i32>} : memref<3x16x128xf32, #tpu.memory_space<vmem>>, vector<1x1x16xf32>,
      %get3A_432 = vector.shape_cast %get3A_431 : vector<1x1x16xf32> to vector<16xf32>
      %add3A_433 = arith.addf %get3A_407, %get3A_432 : vector<16xf32>
      %sub3A = arith.subf %add3A_433, %get3A_419 : vector<16xf32>
      %abs3A_434 = math.absf %sub3A : vector<16xf32>
      %add3A_435 = arith.addf %abs3A_434, %abs3A : vector<16xf32>
      %sub3A_436 = arith.subf %add3A_435, %abs3A_426 : vector<16xf32>
      %max3A = arith.constant 0.000000e+00 : f32
      %max3A_437 = vector.broadcast %max3A : f32 to vector<16xf32>
      %max3A_438 = arith.maximumf %sub3A_436, %max3A_437 : vector<16xf32>
      %mul3A_439 = arith.mulf %max3A_438, %max3A_438 : vector<16xf32>
      %add3A_440 = arith.addf %scan3A_397, %mul3A_439 : vector<16xf32>
      %get3A_441 = arith.constant 5 : i32
      %get3A_442 = arith.index_cast %get3A_441 : i32 to index
      %get3A_443 = arith.index_cast %add3A_401 : i32 to index
      %get3A_444 = arith.constant 16 : index
      %get3A_445 = tpu.vector_load %arg7[%get3A_442, %get3A_443, %get3A_444] {strides = array<i32>} : memref<13x16x256xf32, #tpu.memory_space<vmem>>, vector<1x1x16xf32>,
      %get3A_446 = vector.shape_cast %get3A_445 : vector<1x1x16xf32> to vector<16xf32>
      %get3A_447 = arith.constant 5 : i32
      %get3A_448 = arith.index_cast %get3A_447 : i32 to index
      %get3A_449 = arith.index_cast %add3A_401 : i32 to index
      %get3A_450 = arith.constant 144 : index
      %get3A_451 = tpu.vector_load %arg7[%get3A_448, %get3A_449, %get3A_450] {strides = array<i32>} : memref<13x16x256xf32, #tpu.memory_space<vmem>>, vector<1x1x16xf32>,
      %get3A_452 = vector.shape_cast %get3A_451 : vector<1x1x16xf32> to vector<16xf32>
      %abs3A_453 = math.absf %get3A_452 : vector<16xf32>
      %get3A_454 = arith.constant 6 : i32
      %get3A_455 = arith.index_cast %get3A_454 : i32 to index
      %get3A_456 = arith.index_cast %add3A_401 : i32 to index
      %get3A_457 = arith.constant 16 : index
      %get3A_458 = tpu.vector_load %arg7[%get3A_455, %get3A_456, %get3A_457] {strides = array<i32>} : memref<13x16x256xf32, #tpu.memory_space<vmem>>, vector<1x1x16xf32>,
      %get3A_459 = vector.shape_cast %get3A_458 : vector<1x1x16xf32> to vector<16xf32>
      %get3A_460 = arith.constant 6 : i32
      %get3A_461 = arith.index_cast %get3A_460 : i32 to index
      %get3A_462 = arith.index_cast %add3A_401 : i32 to index
      %get3A_463 = arith.constant 144 : index
      %get3A_464 = tpu.vector_load %arg7[%get3A_461, %get3A_462, %get3A_463] {strides = array<i32>} : memref<13x16x256xf32, #tpu.memory_space<vmem>>, vector<1x1x16xf32>,
      %get3A_465 = vector.shape_cast %get3A_464 : vector<1x1x16xf32> to vector<16xf32>
      %abs3A_466 = math.absf %get3A_465 : vector<16xf32>
      %get3A_467 = arith.constant 0 : i32
      %get3A_468 = arith.index_cast %get3A_467 : i32 to index
      %get3A_469 = arith.index_cast %add3A_401 : i32 to index
      %get3A_470 = arith.constant 16 : index
      %get3A_471 = tpu.vector_load %arg8[%get3A_468, %get3A_469, %get3A_470] {strides = array<i32>} : memref<3x16x128xf32, #tpu.memory_space<vmem>>, vector<1x1x16xf32>,
      %get3A_472 = vector.shape_cast %get3A_471 : vector<1x1x16xf32> to vector<16xf32>
      %add3A_473 = arith.addf %get3A_446, %get3A_472 : vector<16xf32>
      %sub3A_474 = arith.subf %add3A_473, %get3A_459 : vector<16xf32>
      %abs3A_475 = math.absf %sub3A_474 : vector<16xf32>
      %add3A_476 = arith.addf %abs3A_475, %abs3A_453 : vector<16xf32>
      %sub3A_477 = arith.subf %add3A_476, %abs3A_466 : vector<16xf32>
      %max3A_478 = arith.constant 0.000000e+00 : f32
      %max3A_479 = vector.broadcast %max3A_478 : f32 to vector<16xf32>
      %max3A_480 = arith.maximumf %sub3A_477, %max3A_479 : vector<16xf32>
      %mul3A_481 = arith.mulf %max3A_480, %max3A_480 : vector<16xf32>
      %add3A_482 = arith.addf %add3A_440, %mul3A_481 : vector<16xf32>
      %get3A_483 = arith.constant 5 : i32
      %get3A_484 = arith.index_cast %get3A_483 : i32 to index
      %get3A_485 = arith.index_cast %add3A_401 : i32 to index
      %get3A_486 = arith.constant 32 : index
      %get3A_487 = tpu.vector_load %arg7[%get3A_484, %get3A_485, %get3A_486] {strides = array<i32>} : memref<13x16x256xf32, #tpu.memory_space<vmem>>, vector<1x1x16xf32>,
      %get3A_488 = vector.shape_cast %get3A_487 : vector<1x1x16xf32> to vector<16xf32>
      %get3A_489 = arith.constant 5 : i32
      %get3A_490 = arith.index_cast %get3A_489 : i32 to index
      %get3A_491 = arith.index_cast %add3A_401 : i32 to index
      %get3A_492 = arith.constant 160 : index
      %get3A_493 = tpu.vector_load %arg7[%get3A_490, %get3A_491, %get3A_492] {strides = array<i32>} : memref<13x16x256xf32, #tpu.memory_space<vmem>>, vector<1x1x16xf32>,
      %get3A_494 = vector.shape_cast %get3A_493 : vector<1x1x16xf32> to vector<16xf32>
      %abs3A_495 = math.absf %get3A_494 : vector<16xf32>
      %get3A_496 = arith.constant 6 : i32
      %get3A_497 = arith.index_cast %get3A_496 : i32 to index
      %get3A_498 = arith.index_cast %add3A_401 : i32 to index
      %get3A_499 = arith.constant 32 : index
      %get3A_500 = tpu.vector_load %arg7[%get3A_497, %get3A_498, %get3A_499] {strides = array<i32>} : memref<13x16x256xf32, #tpu.memory_space<vmem>>, vector<1x1x16xf32>,
      %get3A_501 = vector.shape_cast %get3A_500 : vector<1x1x16xf32> to vector<16xf32>
      %get3A_502 = arith.constant 6 : i32
      %get3A_503 = arith.index_cast %get3A_502 : i32 to index
      %get3A_504 = arith.index_cast %add3A_401 : i32 to index
      %get3A_505 = arith.constant 160 : index
      %get3A_506 = tpu.vector_load %arg7[%get3A_503, %get3A_504, %get3A_505] {strides = array<i32>} : memref<13x16x256xf32, #tpu.memory_space<vmem>>, vector<1x1x16xf32>,
      %get3A_507 = vector.shape_cast %get3A_506 : vector<1x1x16xf32> to vector<16xf32>
      %abs3A_508 = math.absf %get3A_507 : vector<16xf32>
      %get3A_509 = arith.constant 0 : i32
      %get3A_510 = arith.index_cast %get3A_509 : i32 to index
      %get3A_511 = arith.index_cast %add3A_401 : i32 to index
      %get3A_512 = arith.constant 32 : index
      %get3A_513 = tpu.vector_load %arg8[%get3A_510, %get3A_511, %get3A_512] {strides = array<i32>} : memref<3x16x128xf32, #tpu.memory_space<vmem>>, vector<1x1x16xf32>,
      %get3A_514 = vector.shape_cast %get3A_513 : vector<1x1x16xf32> to vector<16xf32>
      %add3A_515 = arith.addf %get3A_488, %get3A_514 : vector<16xf32>
      %sub3A_516 = arith.subf %add3A_515, %get3A_501 : vector<16xf32>
      %abs3A_517 = math.absf %sub3A_516 : vector<16xf32>
      %add3A_518 = arith.addf %abs3A_517, %abs3A_495 : vector<16xf32>
      %sub3A_519 = arith.subf %add3A_518, %abs3A_508 : vector<16xf32>
      %max3A_520 = arith.constant 0.000000e+00 : f32
      %max3A_521 = vector.broadcast %max3A_520 : f32 to vector<16xf32>
      %max3A_522 = arith.maximumf %sub3A_519, %max3A_521 : vector<16xf32>
      %mul3A_523 = arith.mulf %max3A_522, %max3A_522 : vector<16xf32>
      %add3A_524 = arith.addf %add3A_482, %mul3A_523 : vector<16xf32>
      %get3A_525 = arith.constant 5 : i32
      %get3A_526 = arith.index_cast %get3A_525 : i32 to index
      %get3A_527 = arith.index_cast %add3A_401 : i32 to index
      %get3A_528 = arith.constant 48 : index
      %get3A_529 = tpu.vector_load %arg7[%get3A_526, %get3A_527, %get3A_528] {strides = array<i32>} : memref<13x16x256xf32, #tpu.memory_space<vmem>>, vector<1x1x16xf32>,
      %get3A_530 = vector.shape_cast %get3A_529 : vector<1x1x16xf32> to vector<16xf32>
      %get3A_531 = arith.constant 5 : i32
      %get3A_532 = arith.index_cast %get3A_531 : i32 to index
      %get3A_533 = arith.index_cast %add3A_401 : i32 to index
      %get3A_534 = arith.constant 176 : index
      %get3A_535 = tpu.vector_load %arg7[%get3A_532, %get3A_533, %get3A_534] {strides = array<i32>} : memref<13x16x256xf32, #tpu.memory_space<vmem>>, vector<1x1x16xf32>,
      %get3A_536 = vector.shape_cast %get3A_535 : vector<1x1x16xf32> to vector<16xf32>
      %abs3A_537 = math.absf %get3A_536 : vector<16xf32>
      %get3A_538 = arith.constant 6 : i32
      %get3A_539 = arith.index_cast %get3A_538 : i32 to index
      %get3A_540 = arith.index_cast %add3A_401 : i32 to index
      %get3A_541 = arith.constant 48 : index
      %get3A_542 = tpu.vector_load %arg7[%get3A_539, %get3A_540, %get3A_541] {strides = array<i32>} : memref<13x16x256xf32, #tpu.memory_space<vmem>>, vector<1x1x16xf32>,
      %get3A_543 = vector.shape_cast %get3A_542 : vector<1x1x16xf32> to vector<16xf32>
      %get3A_544 = arith.constant 6 : i32
      %get3A_545 = arith.index_cast %get3A_544 : i32 to index
      %get3A_546 = arith.index_cast %add3A_401 : i32 to index
      %get3A_547 = arith.constant 176 : index
      %get3A_548 = tpu.vector_load %arg7[%get3A_545, %get3A_546, %get3A_547] {strides = array<i32>} : memref<13x16x256xf32, #tpu.memory_space<vmem>>, vector<1x1x16xf32>,
      %get3A_549 = vector.shape_cast %get3A_548 : vector<1x1x16xf32> to vector<16xf32>
      %abs3A_550 = math.absf %get3A_549 : vector<16xf32>
      %get3A_551 = arith.constant 0 : i32
      %get3A_552 = arith.index_cast %get3A_551 : i32 to index
      %get3A_553 = arith.index_cast %add3A_401 : i32 to index
      %get3A_554 = arith.constant 48 : index
      %get3A_555 = tpu.vector_load %arg8[%get3A_552, %get3A_553, %get3A_554] {strides = array<i32>} : memref<3x16x128xf32, #tpu.memory_space<vmem>>, vector<1x1x16xf32>,
      %get3A_556 = vector.shape_cast %get3A_555 : vector<1x1x16xf32> to vector<16xf32>
      %add3A_557 = arith.addf %get3A_530, %get3A_556 : vector<16xf32>
      %sub3A_558 = arith.subf %add3A_557, %get3A_543 : vector<16xf32>
      %abs3A_559 = math.absf %sub3A_558 : vector<16xf32>
      %add3A_560 = arith.addf %abs3A_559, %abs3A_537 : vector<16xf32>
      %sub3A_561 = arith.subf %add3A_560, %abs3A_550 : vector<16xf32>
      %max3A_562 = arith.constant 0.000000e+00 : f32
      %max3A_563 = vector.broadcast %max3A_562 : f32 to vector<16xf32>
      %max3A_564 = arith.maximumf %sub3A_561, %max3A_563 : vector<16xf32>
      %mul3A_565 = arith.mulf %max3A_564, %max3A_564 : vector<16xf32>
      %add3A_566 = arith.addf %add3A_524, %mul3A_565 : vector<16xf32>
      %get3A_567 = arith.constant 5 : i32
      %get3A_568 = arith.index_cast %get3A_567 : i32 to index
      %get3A_569 = arith.index_cast %add3A_401 : i32 to index
      %get3A_570 = arith.constant 64 : index
      %get3A_571 = tpu.vector_load %arg7[%get3A_568, %get3A_569, %get3A_570] {strides = array<i32>} : memref<13x16x256xf32, #tpu.memory_space<vmem>>, vector<1x1x16xf32>,
      %get3A_572 = vector.shape_cast %get3A_571 : vector<1x1x16xf32> to vector<16xf32>
      %get3A_573 = arith.constant 5 : i32
      %get3A_574 = arith.index_cast %get3A_573 : i32 to index
      %get3A_575 = arith.index_cast %add3A_401 : i32 to index
      %get3A_576 = arith.constant 192 : index
      %get3A_577 = tpu.vector_load %arg7[%get3A_574, %get3A_575, %get3A_576] {strides = array<i32>} : memref<13x16x256xf32, #tpu.memory_space<vmem>>, vector<1x1x16xf32>,
      %get3A_578 = vector.shape_cast %get3A_577 : vector<1x1x16xf32> to vector<16xf32>
      %abs3A_579 = math.absf %get3A_578 : vector<16xf32>
      %get3A_580 = arith.constant 6 : i32
      %get3A_581 = arith.index_cast %get3A_580 : i32 to index
      %get3A_582 = arith.index_cast %add3A_401 : i32 to index
      %get3A_583 = arith.constant 64 : index
      %get3A_584 = tpu.vector_load %arg7[%get3A_581, %get3A_582, %get3A_583] {strides = array<i32>} : memref<13x16x256xf32, #tpu.memory_space<vmem>>, vector<1x1x16xf32>,
      %get3A_585 = vector.shape_cast %get3A_584 : vector<1x1x16xf32> to vector<16xf32>
      %get3A_586 = arith.constant 6 : i32
      %get3A_587 = arith.index_cast %get3A_586 : i32 to index
      %get3A_588 = arith.index_cast %add3A_401 : i32 to index
      %get3A_589 = arith.constant 192 : index
      %get3A_590 = tpu.vector_load %arg7[%get3A_587, %get3A_588, %get3A_589] {strides = array<i32>} : memref<13x16x256xf32, #tpu.memory_space<vmem>>, vector<1x1x16xf32>,
      %get3A_591 = vector.shape_cast %get3A_590 : vector<1x1x16xf32> to vector<16xf32>
      %abs3A_592 = math.absf %get3A_591 : vector<16xf32>
      %get3A_593 = arith.constant 0 : i32
      %get3A_594 = arith.index_cast %get3A_593 : i32 to index
      %get3A_595 = arith.index_cast %add3A_401 : i32 to index
      %get3A_596 = arith.constant 64 : index
      %get3A_597 = tpu.vector_load %arg8[%get3A_594, %get3A_595, %get3A_596] {strides = array<i32>} : memref<3x16x128xf32, #tpu.memory_space<vmem>>, vector<1x1x16xf32>,
      %get3A_598 = vector.shape_cast %get3A_597 : vector<1x1x16xf32> to vector<16xf32>
      %add3A_599 = arith.addf %get3A_572, %get3A_598 : vector<16xf32>
      %sub3A_600 = arith.subf %add3A_599, %get3A_585 : vector<16xf32>
      %abs3A_601 = math.absf %sub3A_600 : vector<16xf32>
      %add3A_602 = arith.addf %abs3A_601, %abs3A_579 : vector<16xf32>
      %sub3A_603 = arith.subf %add3A_602, %abs3A_592 : vector<16xf32>
      %max3A_604 = arith.constant 0.000000e+00 : f32
      %max3A_605 = vector.broadcast %max3A_604 : f32 to vector<16xf32>
      %max3A_606 = arith.maximumf %sub3A_603, %max3A_605 : vector<16xf32>
      %mul3A_607 = arith.mulf %max3A_606, %max3A_606 : vector<16xf32>
      %add3A_608 = arith.addf %add3A_566, %mul3A_607 : vector<16xf32>
      %get3A_609 = arith.constant 5 : i32
      %get3A_610 = arith.index_cast %get3A_609 : i32 to index
      %get3A_611 = arith.index_cast %add3A_401 : i32 to index
      %get3A_612 = arith.constant 80 : index
      %get3A_613 = tpu.vector_load %arg7[%get3A_610, %get3A_611, %get3A_612] {strides = array<i32>} : memref<13x16x256xf32, #tpu.memory_space<vmem>>, vector<1x1x16xf32>,
      %get3A_614 = vector.shape_cast %get3A_613 : vector<1x1x16xf32> to vector<16xf32>
      %get3A_615 = arith.constant 5 : i32
      %get3A_616 = arith.index_cast %get3A_615 : i32 to index
      %get3A_617 = arith.index_cast %add3A_401 : i32 to index
      %get3A_618 = arith.constant 208 : index
      %get3A_619 = tpu.vector_load %arg7[%get3A_616, %get3A_617, %get3A_618] {strides = array<i32>} : memref<13x16x256xf32, #tpu.memory_space<vmem>>, vector<1x1x16xf32>,
      %get3A_620 = vector.shape_cast %get3A_619 : vector<1x1x16xf32> to vector<16xf32>
      %abs3A_621 = math.absf %get3A_620 : vector<16xf32>
      %get3A_622 = arith.constant 6 : i32
      %get3A_623 = arith.index_cast %get3A_622 : i32 to index
      %get3A_624 = arith.index_cast %add3A_401 : i32 to index
      %get3A_625 = arith.constant 80 : index
      %get3A_626 = tpu.vector_load %arg7[%get3A_623, %get3A_624, %get3A_625] {strides = array<i32>} : memref<13x16x256xf32, #tpu.memory_space<vmem>>, vector<1x1x16xf32>,
      %get3A_627 = vector.shape_cast %get3A_626 : vector<1x1x16xf32> to vector<16xf32>
      %get3A_628 = arith.constant 6 : i32
      %get3A_629 = arith.index_cast %get3A_628 : i32 to index
      %get3A_630 = arith.index_cast %add3A_401 : i32 to index
      %get3A_631 = arith.constant 208 : index
      %get3A_632 = tpu.vector_load %arg7[%get3A_629, %get3A_630, %get3A_631] {strides = array<i32>} : memref<13x16x256xf32, #tpu.memory_space<vmem>>, vector<1x1x16xf32>,
      %get3A_633 = vector.shape_cast %get3A_632 : vector<1x1x16xf32> to vector<16xf32>
      %abs3A_634 = math.absf %get3A_633 : vector<16xf32>
      %get3A_635 = arith.constant 0 : i32
      %get3A_636 = arith.index_cast %get3A_635 : i32 to index
      %get3A_637 = arith.index_cast %add3A_401 : i32 to index
      %get3A_638 = arith.constant 80 : index
      %get3A_639 = tpu.vector_load %arg8[%get3A_636, %get3A_637, %get3A_638] {strides = array<i32>} : memref<3x16x128xf32, #tpu.memory_space<vmem>>, vector<1x1x16xf32>,
      %get3A_640 = vector.shape_cast %get3A_639 : vector<1x1x16xf32> to vector<16xf32>
      %add3A_641 = arith.addf %get3A_614, %get3A_640 : vector<16xf32>
      %sub3A_642 = arith.subf %add3A_641, %get3A_627 : vector<16xf32>
      %abs3A_643 = math.absf %sub3A_642 : vector<16xf32>
      %add3A_644 = arith.addf %abs3A_643, %abs3A_621 : vector<16xf32>
      %sub3A_645 = arith.subf %add3A_644, %abs3A_634 : vector<16xf32>
      %max3A_646 = arith.constant 0.000000e+00 : f32
      %max3A_647 = vector.broadcast %max3A_646 : f32 to vector<16xf32>
      %max3A_648 = arith.maximumf %sub3A_645, %max3A_647 : vector<16xf32>
      %mul3A_649 = arith.mulf %max3A_648, %max3A_648 : vector<16xf32>
      %add3A_650 = arith.addf %add3A_608, %mul3A_649 : vector<16xf32>
      %get3A_651 = arith.constant 5 : i32
      %get3A_652 = arith.index_cast %get3A_651 : i32 to index
      %get3A_653 = arith.index_cast %add3A_401 : i32 to index
      %get3A_654 = arith.constant 96 : index
      %get3A_655 = tpu.vector_load %arg7[%get3A_652, %get3A_653, %get3A_654] {strides = array<i32>} : memref<13x16x256xf32, #tpu.memory_space<vmem>>, vector<1x1x16xf32>,
      %get3A_656 = vector.shape_cast %get3A_655 : vector<1x1x16xf32> to vector<16xf32>
      %get3A_657 = arith.constant 5 : i32
      %get3A_658 = arith.index_cast %get3A_657 : i32 to index
      %get3A_659 = arith.index_cast %add3A_401 : i32 to index
      %get3A_660 = arith.constant 224 : index
      %get3A_661 = tpu.vector_load %arg7[%get3A_658, %get3A_659, %get3A_660] {strides = array<i32>} : memref<13x16x256xf32, #tpu.memory_space<vmem>>, vector<1x1x16xf32>,
      %get3A_662 = vector.shape_cast %get3A_661 : vector<1x1x16xf32> to vector<16xf32>
      %abs3A_663 = math.absf %get3A_662 : vector<16xf32>
      %get3A_664 = arith.constant 6 : i32
      %get3A_665 = arith.index_cast %get3A_664 : i32 to index
      %get3A_666 = arith.index_cast %add3A_401 : i32 to index
      %get3A_667 = arith.constant 96 : index
      %get3A_668 = tpu.vector_load %arg7[%get3A_665, %get3A_666, %get3A_667] {strides = array<i32>} : memref<13x16x256xf32, #tpu.memory_space<vmem>>, vector<1x1x16xf32>,
      %get3A_669 = vector.shape_cast %get3A_668 : vector<1x1x16xf32> to vector<16xf32>
      %get3A_670 = arith.constant 6 : i32
      %get3A_671 = arith.index_cast %get3A_670 : i32 to index
      %get3A_672 = arith.index_cast %add3A_401 : i32 to index
      %get3A_673 = arith.constant 224 : index
      %get3A_674 = tpu.vector_load %arg7[%get3A_671, %get3A_672, %get3A_673] {strides = array<i32>} : memref<13x16x256xf32, #tpu.memory_space<vmem>>, vector<1x1x16xf32>,
      %get3A_675 = vector.shape_cast %get3A_674 : vector<1x1x16xf32> to vector<16xf32>
      %abs3A_676 = math.absf %get3A_675 : vector<16xf32>
      %get3A_677 = arith.constant 0 : i32
      %get3A_678 = arith.index_cast %get3A_677 : i32 to index
      %get3A_679 = arith.index_cast %add3A_401 : i32 to index
      %get3A_680 = arith.constant 96 : index
      %get3A_681 = tpu.vector_load %arg8[%get3A_678, %get3A_679, %get3A_680] {strides = array<i32>} : memref<3x16x128xf32, #tpu.memory_space<vmem>>, vector<1x1x16xf32>,
      %get3A_682 = vector.shape_cast %get3A_681 : vector<1x1x16xf32> to vector<16xf32>
      %add3A_683 = arith.addf %get3A_656, %get3A_682 : vector<16xf32>
      %sub3A_684 = arith.subf %add3A_683, %get3A_669 : vector<16xf32>
      %abs3A_685 = math.absf %sub3A_684 : vector<16xf32>
      %add3A_686 = arith.addf %abs3A_685, %abs3A_663 : vector<16xf32>
      %sub3A_687 = arith.subf %add3A_686, %abs3A_676 : vector<16xf32>
      %max3A_688 = arith.constant 0.000000e+00 : f32
      %max3A_689 = vector.broadcast %max3A_688 : f32 to vector<16xf32>
      %max3A_690 = arith.maximumf %sub3A_687, %max3A_689 : vector<16xf32>
      %mul3A_691 = arith.mulf %max3A_690, %max3A_690 : vector<16xf32>
      %add3A_692 = arith.addf %add3A_650, %mul3A_691 : vector<16xf32>
      %get3A_693 = arith.constant 5 : i32
      %get3A_694 = arith.index_cast %get3A_693 : i32 to index
      %get3A_695 = arith.index_cast %add3A_401 : i32 to index
      %get3A_696 = arith.constant 112 : index
      %get3A_697 = tpu.vector_load %arg7[%get3A_694, %get3A_695, %get3A_696] {strides = array<i32>} : memref<13x16x256xf32, #tpu.memory_space<vmem>>, vector<1x1x16xf32>,
      %get3A_698 = vector.shape_cast %get3A_697 : vector<1x1x16xf32> to vector<16xf32>
      %get3A_699 = arith.constant 5 : i32
      %get3A_700 = arith.index_cast %get3A_699 : i32 to index
      %get3A_701 = arith.index_cast %add3A_401 : i32 to index
      %get3A_702 = arith.constant 240 : index
      %get3A_703 = tpu.vector_load %arg7[%get3A_700, %get3A_701, %get3A_702] {strides = array<i32>} : memref<13x16x256xf32, #tpu.memory_space<vmem>>, vector<1x1x16xf32>,
      %get3A_704 = vector.shape_cast %get3A_703 : vector<1x1x16xf32> to vector<16xf32>
      %abs3A_705 = math.absf %get3A_704 : vector<16xf32>
      %get3A_706 = arith.constant 6 : i32
      %get3A_707 = arith.index_cast %get3A_706 : i32 to index
      %get3A_708 = arith.index_cast %add3A_401 : i32 to index
      %get3A_709 = arith.constant 112 : index
      %get3A_710 = tpu.vector_load %arg7[%get3A_707, %get3A_708, %get3A_709] {strides = array<i32>} : memref<13x16x256xf32, #tpu.memory_space<vmem>>, vector<1x1x16xf32>,
      %get3A_711 = vector.shape_cast %get3A_710 : vector<1x1x16xf32> to vector<16xf32>
      %get3A_712 = arith.constant 6 : i32
      %get3A_713 = arith.index_cast %get3A_712 : i32 to index
      %get3A_714 = arith.index_cast %add3A_401 : i32 to index
      %get3A_715 = arith.constant 240 : index
      %get3A_716 = tpu.vector_load %arg7[%get3A_713, %get3A_714, %get3A_715] {strides = array<i32>} : memref<13x16x256xf32, #tpu.memory_space<vmem>>, vector<1x1x16xf32>,
      %get3A_717 = vector.shape_cast %get3A_716 : vector<1x1x16xf32> to vector<16xf32>
      %abs3A_718 = math.absf %get3A_717 : vector<16xf32>
      %get3A_719 = arith.constant 0 : i32
      %get3A_720 = arith.index_cast %get3A_719 : i32 to index
      %get3A_721 = arith.index_cast %add3A_401 : i32 to index
      %get3A_722 = arith.constant 112 : index
      %get3A_723 = tpu.vector_load %arg8[%get3A_720, %get3A_721, %get3A_722] {strides = array<i32>} : memref<3x16x128xf32, #tpu.memory_space<vmem>>, vector<1x1x16xf32>,
      %get3A_724 = vector.shape_cast %get3A_723 : vector<1x1x16xf32> to vector<16xf32>
      %add3A_725 = arith.addf %get3A_698, %get3A_724 : vector<16xf32>
      %sub3A_726 = arith.subf %add3A_725, %get3A_711 : vector<16xf32>
      %abs3A_727 = math.absf %sub3A_726 : vector<16xf32>
      %add3A_728 = arith.addf %abs3A_727, %abs3A_705 : vector<16xf32>
      %sub3A_729 = arith.subf %add3A_728, %abs3A_718 : vector<16xf32>
      %max3A_730 = arith.constant 0.000000e+00 : f32
      %max3A_731 = vector.broadcast %max3A_730 : f32 to vector<16xf32>
      %max3A_732 = arith.maximumf %sub3A_729, %max3A_731 : vector<16xf32>
      %mul3A_733 = arith.mulf %max3A_732, %max3A_732 : vector<16xf32>
      %add3A_734 = arith.addf %add3A_692, %mul3A_733 : vector<16xf32>
      scf.yield %add3A_734 : vector<16xf32>
    }
    %scan3A_288 = arith.constant 16 : i32
    %dma_wait3A_289 = arith.constant 7 : i32
    %dma_wait3A_290 = arith.constant 0 : i32
    %dma_wait3A_291 = arith.constant 0 : i32
    %dma_wait3A_292 = tpu.memref_slice %arg7[%dma_wait3A_289, %dma_wait3A_290, %dma_wait3A_291] : memref<13x16x256xf32, #tpu.memory_space<vmem>> -> memref<1x16x256xf32, #tpu.memory_space<vmem>>
    %dma_wait3A_293 = tpu.memref_squeeze %dma_wait3A_292 : memref<1x16x256xf32, #tpu.memory_space<vmem>> -> memref<16x256xf32, #tpu.memory_space<vmem>>
    %dma_wait3A_294 = arith.constant 0 : i32
    %dma_wait3A_295 = arith.constant 0 : i32
    %dma_wait3A_296 = tpu.memref_slice %arg3[%dma_wait3A_294, %dma_wait3A_295] : memref<1000x256xf32, #tpu.memory_space<hbm>> -> memref<1000x256xf32, #tpu.memory_space<hbm>>
    tpu.wait_indirect_dma semaphore(%arg13 : memref<!tpu.dma_semaphore, #tpu.memory_space<semaphore_mem>>) src(%dma_wait3A_296 : memref<1000x256xf32, #tpu.memory_space<hbm>>) dst(%dma_wait3A_293 : memref<16x256xf32, #tpu.memory_space<vmem>>)
    %dma_wait3A_297 = arith.constant 8 : i32
    %dma_wait3A_298 = arith.constant 0 : i32
    %dma_wait3A_299 = arith.constant 0 : i32
    %dma_wait3A_300 = tpu.memref_slice %arg7[%dma_wait3A_297, %dma_wait3A_298, %dma_wait3A_299] : memref<13x16x256xf32, #tpu.memory_space<vmem>> -> memref<1x16x256xf32, #tpu.memory_space<vmem>>
    %dma_wait3A_301 = tpu.memref_squeeze %dma_wait3A_300 : memref<1x16x256xf32, #tpu.memory_space<vmem>> -> memref<16x256xf32, #tpu.memory_space<vmem>>
    %dma_wait3A_302 = arith.constant 0 : i32
    %dma_wait3A_303 = arith.constant 0 : i32
    %dma_wait3A_304 = tpu.memref_slice %arg3[%dma_wait3A_302, %dma_wait3A_303] : memref<1000x256xf32, #tpu.memory_space<hbm>> -> memref<1000x256xf32, #tpu.memory_space<hbm>>
    tpu.wait_indirect_dma semaphore(%arg13 : memref<!tpu.dma_semaphore, #tpu.memory_space<semaphore_mem>>) src(%dma_wait3A_304 : memref<1000x256xf32, #tpu.memory_space<hbm>>) dst(%dma_wait3A_301 : memref<16x256xf32, #tpu.memory_space<vmem>>)
    %dma_wait3A_305 = arith.constant 1 : i32
    %dma_wait3A_306 = arith.constant 0 : i32
    %dma_wait3A_307 = arith.constant 0 : i32
    %dma_wait3A_308 = tpu.memref_slice %arg8[%dma_wait3A_305, %dma_wait3A_306, %dma_wait3A_307] : memref<3x16x128xf32, #tpu.memory_space<vmem>> -> memref<1x16x128xf32, #tpu.memory_space<vmem>>
    %dma_wait3A_309 = tpu.memref_squeeze %dma_wait3A_308 : memref<1x16x128xf32, #tpu.memory_space<vmem>> -> memref<16x128xf32, #tpu.memory_space<vmem>>
    %dma_wait3A_310 = arith.constant 0 : i32
    %dma_wait3A_311 = arith.constant 0 : i32
    %dma_wait3A_312 = tpu.memref_slice %arg4[%dma_wait3A_310, %dma_wait3A_311] : memref<1000x128xf32, #tpu.memory_space<hbm>> -> memref<1000x128xf32, #tpu.memory_space<hbm>>
    tpu.wait_indirect_dma semaphore(%arg13 : memref<!tpu.dma_semaphore, #tpu.memory_space<semaphore_mem>>) src(%dma_wait3A_312 : memref<1000x128xf32, #tpu.memory_space<hbm>>) dst(%dma_wait3A_309 : memref<16x128xf32, #tpu.memory_space<vmem>>)
    %scan3A_313 = arith.constant 0 : i32
    %scan3A_314 = arith.constant 16 : i32
    %scan3A_315 = arith.addi %scan3A_313, %scan3A_314 : i32
    %scan3A_316 = arith.constant 1 : i32
    %scan3A_317 = scf.for %scan3A_396 = %scan3A_313 to %scan3A_315 step %scan3A_316 iter_args(%scan3A_397 = %broadcast_in_dim3A_207) -> (vector<16xf32>)  : i32 {
      %mul3A_398 = arith.constant 1 : i32
      %mul3A_399 = arith.muli %scan3A_396, %mul3A_398 : i32
      %add3A_400 = arith.constant 0 : i32
      %add3A_401 = arith.addi %mul3A_399, %add3A_400 : i32
      %get3A_402 = arith.constant 7 : i32
      %get3A_403 = arith.index_cast %get3A_402 : i32 to index
      %get3A_404 = arith.index_cast %add3A_401 : i32 to index
      %get3A_405 = arith.constant 0 : index
      %get3A_406 = tpu.vector_load %arg7[%get3A_403, %get3A_404, %get3A_405] {strides = array<i32>} : memref<13x16x256xf32, #tpu.memory_space<vmem>>, vector<1x1x16xf32>,
      %get3A_407 = vector.shape_cast %get3A_406 : vector<1x1x16xf32> to vector<16xf32>
      %get3A_408 = arith.constant 7 : i32
      %get3A_409 = arith.index_cast %get3A_408 : i32 to index
      %get3A_410 = arith.index_cast %add3A_401 : i32 to index
      %get3A_411 = arith.constant 128 : index
      %get3A_412 = tpu.vector_load %arg7[%get3A_409, %get3A_410, %get3A_411] {strides = array<i32>} : memref<13x16x256xf32, #tpu.memory_space<vmem>>, vector<1x1x16xf32>,
      %get3A_413 = vector.shape_cast %get3A_412 : vector<1x1x16xf32> to vector<16xf32>
      %abs3A = math.absf %get3A_413 : vector<16xf32>
      %get3A_414 = arith.constant 8 : i32
      %get3A_415 = arith.index_cast %get3A_414 : i32 to index
      %get3A_416 = arith.index_cast %add3A_401 : i32 to index
      %get3A_417 = arith.constant 0 : index
      %get3A_418 = tpu.vector_load %arg7[%get3A_415, %get3A_416, %get3A_417] {strides = array<i32>} : memref<13x16x256xf32, #tpu.memory_space<vmem>>, vector<1x1x16xf32>,
      %get3A_419 = vector.shape_cast %get3A_418 : vector<1x1x16xf32> to vector<16xf32>
      %get3A_420 = arith.constant 8 : i32
      %get3A_421 = arith.index_cast %get3A_420 : i32 to index
      %get3A_422 = arith.index_cast %add3A_401 : i32 to index
      %get3A_423 = arith.constant 128 : index
      %get3A_424 = tpu.vector_load %arg7[%get3A_421, %get3A_422, %get3A_423] {strides = array<i32>} : memref<13x16x256xf32, #tpu.memory_space<vmem>>, vector<1x1x16xf32>,
      %get3A_425 = vector.shape_cast %get3A_424 : vector<1x1x16xf32> to vector<16xf32>
      %abs3A_426 = math.absf %get3A_425 : vector<16xf32>
      %get3A_427 = arith.constant 1 : i32
      %get3A_428 = arith.index_cast %get3A_427 : i32 to index
      %get3A_429 = arith.index_cast %add3A_401 : i32 to index
      %get3A_430 = arith.constant 0 : index
      %get3A_431 = tpu.vector_load %arg8[%get3A_428, %get3A_429, %get3A_430] {strides = array<i32>} : memref<3x16x128xf32, #tpu.memory_space<vmem>>, vector<1x1x16xf32>,
      %get3A_432 = vector.shape_cast %get3A_431 : vector<1x1x16xf32> to vector<16xf32>
      %sub3A = arith.subf %get3A_407, %get3A_432 : vector<16xf32>
      %sub3A_433 = arith.subf %sub3A, %get3A_419 : vector<16xf32>
      %abs3A_434 = math.absf %sub3A_433 : vector<16xf32>
      %add3A_435 = arith.addf %abs3A_434, %abs3A : vector<16xf32>
      %sub3A_436 = arith.subf %add3A_435, %abs3A_426 : vector<16xf32>
      %max3A = arith.constant 0.000000e+00 : f32
      %max3A_437 = vector.broadcast %max3A : f32 to vector<16xf32>
      %max3A_438 = arith.maximumf %sub3A_436, %max3A_437 : vector<16xf32>
      %mul3A_439 = arith.mulf %max3A_438, %max3A_438 : vector<16xf32>
      %add3A_440 = arith.addf %scan3A_397, %mul3A_439 : vector<16xf32>
      %get3A_441 = arith.constant 7 : i32
      %get3A_442 = arith.index_cast %get3A_441 : i32 to index
      %get3A_443 = arith.index_cast %add3A_401 : i32 to index
      %get3A_444 = arith.constant 16 : index
      %get3A_445 = tpu.vector_load %arg7[%get3A_442, %get3A_443, %get3A_444] {strides = array<i32>} : memref<13x16x256xf32, #tpu.memory_space<vmem>>, vector<1x1x16xf32>,
      %get3A_446 = vector.shape_cast %get3A_445 : vector<1x1x16xf32> to vector<16xf32>
      %get3A_447 = arith.constant 7 : i32
      %get3A_448 = arith.index_cast %get3A_447 : i32 to index
      %get3A_449 = arith.index_cast %add3A_401 : i32 to index
      %get3A_450 = arith.constant 144 : index
      %get3A_451 = tpu.vector_load %arg7[%get3A_448, %get3A_449, %get3A_450] {strides = array<i32>} : memref<13x16x256xf32, #tpu.memory_space<vmem>>, vector<1x1x16xf32>,
      %get3A_452 = vector.shape_cast %get3A_451 : vector<1x1x16xf32> to vector<16xf32>
      %abs3A_453 = math.absf %get3A_452 : vector<16xf32>
      %get3A_454 = arith.constant 8 : i32
      %get3A_455 = arith.index_cast %get3A_454 : i32 to index
      %get3A_456 = arith.index_cast %add3A_401 : i32 to index
      %get3A_457 = arith.constant 16 : index
      %get3A_458 = tpu.vector_load %arg7[%get3A_455, %get3A_456, %get3A_457] {strides = array<i32>} : memref<13x16x256xf32, #tpu.memory_space<vmem>>, vector<1x1x16xf32>,
      %get3A_459 = vector.shape_cast %get3A_458 : vector<1x1x16xf32> to vector<16xf32>
      %get3A_460 = arith.constant 8 : i32
      %get3A_461 = arith.index_cast %get3A_460 : i32 to index
      %get3A_462 = arith.index_cast %add3A_401 : i32 to index
      %get3A_463 = arith.constant 144 : index
      %get3A_464 = tpu.vector_load %arg7[%get3A_461, %get3A_462, %get3A_463] {strides = array<i32>} : memref<13x16x256xf32, #tpu.memory_space<vmem>>, vector<1x1x16xf32>,
      %get3A_465 = vector.shape_cast %get3A_464 : vector<1x1x16xf32> to vector<16xf32>
      %abs3A_466 = math.absf %get3A_465 : vector<16xf32>
      %get3A_467 = arith.constant 1 : i32
      %get3A_468 = arith.index_cast %get3A_467 : i32 to index
      %get3A_469 = arith.index_cast %add3A_401 : i32 to index
      %get3A_470 = arith.constant 16 : index
      %get3A_471 = tpu.vector_load %arg8[%get3A_468, %get3A_469, %get3A_470] {strides = array<i32>} : memref<3x16x128xf32, #tpu.memory_space<vmem>>, vector<1x1x16xf32>,
      %get3A_472 = vector.shape_cast %get3A_471 : vector<1x1x16xf32> to vector<16xf32>
      %sub3A_473 = arith.subf %get3A_446, %get3A_472 : vector<16xf32>
      %sub3A_474 = arith.subf %sub3A_473, %get3A_459 : vector<16xf32>
      %abs3A_475 = math.absf %sub3A_474 : vector<16xf32>
      %add3A_476 = arith.addf %abs3A_475, %abs3A_453 : vector<16xf32>
      %sub3A_477 = arith.subf %add3A_476, %abs3A_466 : vector<16xf32>
      %max3A_478 = arith.constant 0.000000e+00 : f32
      %max3A_479 = vector.broadcast %max3A_478 : f32 to vector<16xf32>
      %max3A_480 = arith.maximumf %sub3A_477, %max3A_479 : vector<16xf32>
      %mul3A_481 = arith.mulf %max3A_480, %max3A_480 : vector<16xf32>
      %add3A_482 = arith.addf %add3A_440, %mul3A_481 : vector<16xf32>
      %get3A_483 = arith.constant 7 : i32
      %get3A_484 = arith.index_cast %get3A_483 : i32 to index
      %get3A_485 = arith.index_cast %add3A_401 : i32 to index
      %get3A_486 = arith.constant 32 : index
      %get3A_487 = tpu.vector_load %arg7[%get3A_484, %get3A_485, %get3A_486] {strides = array<i32>} : memref<13x16x256xf32, #tpu.memory_space<vmem>>, vector<1x1x16xf32>,
      %get3A_488 = vector.shape_cast %get3A_487 : vector<1x1x16xf32> to vector<16xf32>
      %get3A_489 = arith.constant 7 : i32
      %get3A_490 = arith.index_cast %get3A_489 : i32 to index
      %get3A_491 = arith.index_cast %add3A_401 : i32 to index
      %get3A_492 = arith.constant 160 : index
      %get3A_493 = tpu.vector_load %arg7[%get3A_490, %get3A_491, %get3A_492] {strides = array<i32>} : memref<13x16x256xf32, #tpu.memory_space<vmem>>, vector<1x1x16xf32>,
      %get3A_494 = vector.shape_cast %get3A_493 : vector<1x1x16xf32> to vector<16xf32>
      %abs3A_495 = math.absf %get3A_494 : vector<16xf32>
      %get3A_496 = arith.constant 8 : i32
      %get3A_497 = arith.index_cast %get3A_496 : i32 to index
      %get3A_498 = arith.index_cast %add3A_401 : i32 to index
      %get3A_499 = arith.constant 32 : index
      %get3A_500 = tpu.vector_load %arg7[%get3A_497, %get3A_498, %get3A_499] {strides = array<i32>} : memref<13x16x256xf32, #tpu.memory_space<vmem>>, vector<1x1x16xf32>,
      %get3A_501 = vector.shape_cast %get3A_500 : vector<1x1x16xf32> to vector<16xf32>
      %get3A_502 = arith.constant 8 : i32
      %get3A_503 = arith.index_cast %get3A_502 : i32 to index
      %get3A_504 = arith.index_cast %add3A_401 : i32 to index
      %get3A_505 = arith.constant 160 : index
      %get3A_506 = tpu.vector_load %arg7[%get3A_503, %get3A_504, %get3A_505] {strides = array<i32>} : memref<13x16x256xf32, #tpu.memory_space<vmem>>, vector<1x1x16xf32>,
      %get3A_507 = vector.shape_cast %get3A_506 : vector<1x1x16xf32> to vector<16xf32>
      %abs3A_508 = math.absf %get3A_507 : vector<16xf32>
      %get3A_509 = arith.constant 1 : i32
      %get3A_510 = arith.index_cast %get3A_509 : i32 to index
      %get3A_511 = arith.index_cast %add3A_401 : i32 to index
      %get3A_512 = arith.constant 32 : index
      %get3A_513 = tpu.vector_load %arg8[%get3A_510, %get3A_511, %get3A_512] {strides = array<i32>} : memref<3x16x128xf32, #tpu.memory_space<vmem>>, vector<1x1x16xf32>,
      %get3A_514 = vector.shape_cast %get3A_513 : vector<1x1x16xf32> to vector<16xf32>
      %sub3A_515 = arith.subf %get3A_488, %get3A_514 : vector<16xf32>
      %sub3A_516 = arith.subf %sub3A_515, %get3A_501 : vector<16xf32>
      %abs3A_517 = math.absf %sub3A_516 : vector<16xf32>
      %add3A_518 = arith.addf %abs3A_517, %abs3A_495 : vector<16xf32>
      %sub3A_519 = arith.subf %add3A_518, %abs3A_508 : vector<16xf32>
      %max3A_520 = arith.constant 0.000000e+00 : f32
      %max3A_521 = vector.broadcast %max3A_520 : f32 to vector<16xf32>
      %max3A_522 = arith.maximumf %sub3A_519, %max3A_521 : vector<16xf32>
      %mul3A_523 = arith.mulf %max3A_522, %max3A_522 : vector<16xf32>
      %add3A_524 = arith.addf %add3A_482, %mul3A_523 : vector<16xf32>
      %get3A_525 = arith.constant 7 : i32
      %get3A_526 = arith.index_cast %get3A_525 : i32 to index
      %get3A_527 = arith.index_cast %add3A_401 : i32 to index
      %get3A_528 = arith.constant 48 : index
      %get3A_529 = tpu.vector_load %arg7[%get3A_526, %get3A_527, %get3A_528] {strides = array<i32>} : memref<13x16x256xf32, #tpu.memory_space<vmem>>, vector<1x1x16xf32>,
      %get3A_530 = vector.shape_cast %get3A_529 : vector<1x1x16xf32> to vector<16xf32>
      %get3A_531 = arith.constant 7 : i32
      %get3A_532 = arith.index_cast %get3A_531 : i32 to index
      %get3A_533 = arith.index_cast %add3A_401 : i32 to index
      %get3A_534 = arith.constant 176 : index
      %get3A_535 = tpu.vector_load %arg7[%get3A_532, %get3A_533, %get3A_534] {strides = array<i32>} : memref<13x16x256xf32, #tpu.memory_space<vmem>>, vector<1x1x16xf32>,
      %get3A_536 = vector.shape_cast %get3A_535 : vector<1x1x16xf32> to vector<16xf32>
      %abs3A_537 = math.absf %get3A_536 : vector<16xf32>
      %get3A_538 = arith.constant 8 : i32
      %get3A_539 = arith.index_cast %get3A_538 : i32 to index
      %get3A_540 = arith.index_cast %add3A_401 : i32 to index
      %get3A_541 = arith.constant 48 : index
      %get3A_542 = tpu.vector_load %arg7[%get3A_539, %get3A_540, %get3A_541] {strides = array<i32>} : memref<13x16x256xf32, #tpu.memory_space<vmem>>, vector<1x1x16xf32>,
      %get3A_543 = vector.shape_cast %get3A_542 : vector<1x1x16xf32> to vector<16xf32>
      %get3A_544 = arith.constant 8 : i32
      %get3A_545 = arith.index_cast %get3A_544 : i32 to index
      %get3A_546 = arith.index_cast %add3A_401 : i32 to index
      %get3A_547 = arith.constant 176 : index
      %get3A_548 = tpu.vector_load %arg7[%get3A_545, %get3A_546, %get3A_547] {strides = array<i32>} : memref<13x16x256xf32, #tpu.memory_space<vmem>>, vector<1x1x16xf32>,
      %get3A_549 = vector.shape_cast %get3A_548 : vector<1x1x16xf32> to vector<16xf32>
      %abs3A_550 = math.absf %get3A_549 : vector<16xf32>
      %get3A_551 = arith.constant 1 : i32
      %get3A_552 = arith.index_cast %get3A_551 : i32 to index
      %get3A_553 = arith.index_cast %add3A_401 : i32 to index
      %get3A_554 = arith.constant 48 : index
      %get3A_555 = tpu.vector_load %arg8[%get3A_552, %get3A_553, %get3A_554] {strides = array<i32>} : memref<3x16x128xf32, #tpu.memory_space<vmem>>, vector<1x1x16xf32>,
      %get3A_556 = vector.shape_cast %get3A_555 : vector<1x1x16xf32> to vector<16xf32>
      %sub3A_557 = arith.subf %get3A_530, %get3A_556 : vector<16xf32>
      %sub3A_558 = arith.subf %sub3A_557, %get3A_543 : vector<16xf32>
      %abs3A_559 = math.absf %sub3A_558 : vector<16xf32>
      %add3A_560 = arith.addf %abs3A_559, %abs3A_537 : vector<16xf32>
      %sub3A_561 = arith.subf %add3A_560, %abs3A_550 : vector<16xf32>
      %max3A_562 = arith.constant 0.000000e+00 : f32
      %max3A_563 = vector.broadcast %max3A_562 : f32 to vector<16xf32>
      %max3A_564 = arith.maximumf %sub3A_561, %max3A_563 : vector<16xf32>
      %mul3A_565 = arith.mulf %max3A_564, %max3A_564 : vector<16xf32>
      %add3A_566 = arith.addf %add3A_524, %mul3A_565 : vector<16xf32>
      %get3A_567 = arith.constant 7 : i32
      %get3A_568 = arith.index_cast %get3A_567 : i32 to index
      %get3A_569 = arith.index_cast %add3A_401 : i32 to index
      %get3A_570 = arith.constant 64 : index
      %get3A_571 = tpu.vector_load %arg7[%get3A_568, %get3A_569, %get3A_570] {strides = array<i32>} : memref<13x16x256xf32, #tpu.memory_space<vmem>>, vector<1x1x16xf32>,
      %get3A_572 = vector.shape_cast %get3A_571 : vector<1x1x16xf32> to vector<16xf32>
      %get3A_573 = arith.constant 7 : i32
      %get3A_574 = arith.index_cast %get3A_573 : i32 to index
      %get3A_575 = arith.index_cast %add3A_401 : i32 to index
      %get3A_576 = arith.constant 192 : index
      %get3A_577 = tpu.vector_load %arg7[%get3A_574, %get3A_575, %get3A_576] {strides = array<i32>} : memref<13x16x256xf32, #tpu.memory_space<vmem>>, vector<1x1x16xf32>,
      %get3A_578 = vector.shape_cast %get3A_577 : vector<1x1x16xf32> to vector<16xf32>
      %abs3A_579 = math.absf %get3A_578 : vector<16xf32>
      %get3A_580 = arith.constant 8 : i32
      %get3A_581 = arith.index_cast %get3A_580 : i32 to index
      %get3A_582 = arith.index_cast %add3A_401 : i32 to index
      %get3A_583 = arith.constant 64 : index
      %get3A_584 = tpu.vector_load %arg7[%get3A_581, %get3A_582, %get3A_583] {strides = array<i32>} : memref<13x16x256xf32, #tpu.memory_space<vmem>>, vector<1x1x16xf32>,
      %get3A_585 = vector.shape_cast %get3A_584 : vector<1x1x16xf32> to vector<16xf32>
      %get3A_586 = arith.constant 8 : i32
      %get3A_587 = arith.index_cast %get3A_586 : i32 to index
      %get3A_588 = arith.index_cast %add3A_401 : i32 to index
      %get3A_589 = arith.constant 192 : index
      %get3A_590 = tpu.vector_load %arg7[%get3A_587, %get3A_588, %get3A_589] {strides = array<i32>} : memref<13x16x256xf32, #tpu.memory_space<vmem>>, vector<1x1x16xf32>,
      %get3A_591 = vector.shape_cast %get3A_590 : vector<1x1x16xf32> to vector<16xf32>
      %abs3A_592 = math.absf %get3A_591 : vector<16xf32>
      %get3A_593 = arith.constant 1 : i32
      %get3A_594 = arith.index_cast %get3A_593 : i32 to index
      %get3A_595 = arith.index_cast %add3A_401 : i32 to index
      %get3A_596 = arith.constant 64 : index
      %get3A_597 = tpu.vector_load %arg8[%get3A_594, %get3A_595, %get3A_596] {strides = array<i32>} : memref<3x16x128xf32, #tpu.memory_space<vmem>>, vector<1x1x16xf32>,
      %get3A_598 = vector.shape_cast %get3A_597 : vector<1x1x16xf32> to vector<16xf32>
      %sub3A_599 = arith.subf %get3A_572, %get3A_598 : vector<16xf32>
      %sub3A_600 = arith.subf %sub3A_599, %get3A_585 : vector<16xf32>
      %abs3A_601 = math.absf %sub3A_600 : vector<16xf32>
      %add3A_602 = arith.addf %abs3A_601, %abs3A_579 : vector<16xf32>
      %sub3A_603 = arith.subf %add3A_602, %abs3A_592 : vector<16xf32>
      %max3A_604 = arith.constant 0.000000e+00 : f32
      %max3A_605 = vector.broadcast %max3A_604 : f32 to vector<16xf32>
      %max3A_606 = arith.maximumf %sub3A_603, %max3A_605 : vector<16xf32>
      %mul3A_607 = arith.mulf %max3A_606, %max3A_606 : vector<16xf32>
      %add3A_608 = arith.addf %add3A_566, %mul3A_607 : vector<16xf32>
      %get3A_609 = arith.constant 7 : i32
      %get3A_610 = arith.index_cast %get3A_609 : i32 to index
      %get3A_611 = arith.index_cast %add3A_401 : i32 to index
      %get3A_612 = arith.constant 80 : index
      %get3A_613 = tpu.vector_load %arg7[%get3A_610, %get3A_611, %get3A_612] {strides = array<i32>} : memref<13x16x256xf32, #tpu.memory_space<vmem>>, vector<1x1x16xf32>,
      %get3A_614 = vector.shape_cast %get3A_613 : vector<1x1x16xf32> to vector<16xf32>
      %get3A_615 = arith.constant 7 : i32
      %get3A_616 = arith.index_cast %get3A_615 : i32 to index
      %get3A_617 = arith.index_cast %add3A_401 : i32 to index
      %get3A_618 = arith.constant 208 : index
      %get3A_619 = tpu.vector_load %arg7[%get3A_616, %get3A_617, %get3A_618] {strides = array<i32>} : memref<13x16x256xf32, #tpu.memory_space<vmem>>, vector<1x1x16xf32>,
      %get3A_620 = vector.shape_cast %get3A_619 : vector<1x1x16xf32> to vector<16xf32>
      %abs3A_621 = math.absf %get3A_620 : vector<16xf32>
      %get3A_622 = arith.constant 8 : i32
      %get3A_623 = arith.index_cast %get3A_622 : i32 to index
      %get3A_624 = arith.index_cast %add3A_401 : i32 to index
      %get3A_625 = arith.constant 80 : index
      %get3A_626 = tpu.vector_load %arg7[%get3A_623, %get3A_624, %get3A_625] {strides = array<i32>} : memref<13x16x256xf32, #tpu.memory_space<vmem>>, vector<1x1x16xf32>,
      %get3A_627 = vector.shape_cast %get3A_626 : vector<1x1x16xf32> to vector<16xf32>
      %get3A_628 = arith.constant 8 : i32
      %get3A_629 = arith.index_cast %get3A_628 : i32 to index
      %get3A_630 = arith.index_cast %add3A_401 : i32 to index
      %get3A_631 = arith.constant 208 : index
      %get3A_632 = tpu.vector_load %arg7[%get3A_629, %get3A_630, %get3A_631] {strides = array<i32>} : memref<13x16x256xf32, #tpu.memory_space<vmem>>, vector<1x1x16xf32>,
      %get3A_633 = vector.shape_cast %get3A_632 : vector<1x1x16xf32> to vector<16xf32>
      %abs3A_634 = math.absf %get3A_633 : vector<16xf32>
      %get3A_635 = arith.constant 1 : i32
      %get3A_636 = arith.index_cast %get3A_635 : i32 to index
      %get3A_637 = arith.index_cast %add3A_401 : i32 to index
      %get3A_638 = arith.constant 80 : index
      %get3A_639 = tpu.vector_load %arg8[%get3A_636, %get3A_637, %get3A_638] {strides = array<i32>} : memref<3x16x128xf32, #tpu.memory_space<vmem>>, vector<1x1x16xf32>,
      %get3A_640 = vector.shape_cast %get3A_639 : vector<1x1x16xf32> to vector<16xf32>
      %sub3A_641 = arith.subf %get3A_614, %get3A_640 : vector<16xf32>
      %sub3A_642 = arith.subf %sub3A_641, %get3A_627 : vector<16xf32>
      %abs3A_643 = math.absf %sub3A_642 : vector<16xf32>
      %add3A_644 = arith.addf %abs3A_643, %abs3A_621 : vector<16xf32>
      %sub3A_645 = arith.subf %add3A_644, %abs3A_634 : vector<16xf32>
      %max3A_646 = arith.constant 0.000000e+00 : f32
      %max3A_647 = vector.broadcast %max3A_646 : f32 to vector<16xf32>
      %max3A_648 = arith.maximumf %sub3A_645, %max3A_647 : vector<16xf32>
      %mul3A_649 = arith.mulf %max3A_648, %max3A_648 : vector<16xf32>
      %add3A_650 = arith.addf %add3A_608, %mul3A_649 : vector<16xf32>
      %get3A_651 = arith.constant 7 : i32
      %get3A_652 = arith.index_cast %get3A_651 : i32 to index
      %get3A_653 = arith.index_cast %add3A_401 : i32 to index
      %get3A_654 = arith.constant 96 : index
      %get3A_655 = tpu.vector_load %arg7[%get3A_652, %get3A_653, %get3A_654] {strides = array<i32>} : memref<13x16x256xf32, #tpu.memory_space<vmem>>, vector<1x1x16xf32>,
      %get3A_656 = vector.shape_cast %get3A_655 : vector<1x1x16xf32> to vector<16xf32>
      %get3A_657 = arith.constant 7 : i32
      %get3A_658 = arith.index_cast %get3A_657 : i32 to index
      %get3A_659 = arith.index_cast %add3A_401 : i32 to index
      %get3A_660 = arith.constant 224 : index
      %get3A_661 = tpu.vector_load %arg7[%get3A_658, %get3A_659, %get3A_660] {strides = array<i32>} : memref<13x16x256xf32, #tpu.memory_space<vmem>>, vector<1x1x16xf32>,
      %get3A_662 = vector.shape_cast %get3A_661 : vector<1x1x16xf32> to vector<16xf32>
      %abs3A_663 = math.absf %get3A_662 : vector<16xf32>
      %get3A_664 = arith.constant 8 : i32
      %get3A_665 = arith.index_cast %get3A_664 : i32 to index
      %get3A_666 = arith.index_cast %add3A_401 : i32 to index
      %get3A_667 = arith.constant 96 : index
      %get3A_668 = tpu.vector_load %arg7[%get3A_665, %get3A_666, %get3A_667] {strides = array<i32>} : memref<13x16x256xf32, #tpu.memory_space<vmem>>, vector<1x1x16xf32>,
      %get3A_669 = vector.shape_cast %get3A_668 : vector<1x1x16xf32> to vector<16xf32>
      %get3A_670 = arith.constant 8 : i32
      %get3A_671 = arith.index_cast %get3A_670 : i32 to index
      %get3A_672 = arith.index_cast %add3A_401 : i32 to index
      %get3A_673 = arith.constant 224 : index
      %get3A_674 = tpu.vector_load %arg7[%get3A_671, %get3A_672, %get3A_673] {strides = array<i32>} : memref<13x16x256xf32, #tpu.memory_space<vmem>>, vector<1x1x16xf32>,
      %get3A_675 = vector.shape_cast %get3A_674 : vector<1x1x16xf32> to vector<16xf32>
      %abs3A_676 = math.absf %get3A_675 : vector<16xf32>
      %get3A_677 = arith.constant 1 : i32
      %get3A_678 = arith.index_cast %get3A_677 : i32 to index
      %get3A_679 = arith.index_cast %add3A_401 : i32 to index
      %get3A_680 = arith.constant 96 : index
      %get3A_681 = tpu.vector_load %arg8[%get3A_678, %get3A_679, %get3A_680] {strides = array<i32>} : memref<3x16x128xf32, #tpu.memory_space<vmem>>, vector<1x1x16xf32>,
      %get3A_682 = vector.shape_cast %get3A_681 : vector<1x1x16xf32> to vector<16xf32>
      %sub3A_683 = arith.subf %get3A_656, %get3A_682 : vector<16xf32>
      %sub3A_684 = arith.subf %sub3A_683, %get3A_669 : vector<16xf32>
      %abs3A_685 = math.absf %sub3A_684 : vector<16xf32>
      %add3A_686 = arith.addf %abs3A_685, %abs3A_663 : vector<16xf32>
      %sub3A_687 = arith.subf %add3A_686, %abs3A_676 : vector<16xf32>
      %max3A_688 = arith.constant 0.000000e+00 : f32
      %max3A_689 = vector.broadcast %max3A_688 : f32 to vector<16xf32>
      %max3A_690 = arith.maximumf %sub3A_687, %max3A_689 : vector<16xf32>
      %mul3A_691 = arith.mulf %max3A_690, %max3A_690 : vector<16xf32>
      %add3A_692 = arith.addf %add3A_650, %mul3A_691 : vector<16xf32>
      %get3A_693 = arith.constant 7 : i32
      %get3A_694 = arith.index_cast %get3A_693 : i32 to index
      %get3A_695 = arith.index_cast %add3A_401 : i32 to index
      %get3A_696 = arith.constant 112 : index
      %get3A_697 = tpu.vector_load %arg7[%get3A_694, %get3A_695, %get3A_696] {strides = array<i32>} : memref<13x16x256xf32, #tpu.memory_space<vmem>>, vector<1x1x16xf32>,
      %get3A_698 = vector.shape_cast %get3A_697 : vector<1x1x16xf32> to vector<16xf32>
      %get3A_699 = arith.constant 7 : i32
      %get3A_700 = arith.index_cast %get3A_699 : i32 to index
      %get3A_701 = arith.index_cast %add3A_401 : i32 to index
      %get3A_702 = arith.constant 240 : index
      %get3A_703 = tpu.vector_load %arg7[%get3A_700, %get3A_701, %get3A_702] {strides = array<i32>} : memref<13x16x256xf32, #tpu.memory_space<vmem>>, vector<1x1x16xf32>,
      %get3A_704 = vector.shape_cast %get3A_703 : vector<1x1x16xf32> to vector<16xf32>
      %abs3A_705 = math.absf %get3A_704 : vector<16xf32>
      %get3A_706 = arith.constant 8 : i32
      %get3A_707 = arith.index_cast %get3A_706 : i32 to index
      %get3A_708 = arith.index_cast %add3A_401 : i32 to index
      %get3A_709 = arith.constant 112 : index
      %get3A_710 = tpu.vector_load %arg7[%get3A_707, %get3A_708, %get3A_709] {strides = array<i32>} : memref<13x16x256xf32, #tpu.memory_space<vmem>>, vector<1x1x16xf32>,
      %get3A_711 = vector.shape_cast %get3A_710 : vector<1x1x16xf32> to vector<16xf32>
      %get3A_712 = arith.constant 8 : i32
      %get3A_713 = arith.index_cast %get3A_712 : i32 to index
      %get3A_714 = arith.index_cast %add3A_401 : i32 to index
      %get3A_715 = arith.constant 240 : index
      %get3A_716 = tpu.vector_load %arg7[%get3A_713, %get3A_714, %get3A_715] {strides = array<i32>} : memref<13x16x256xf32, #tpu.memory_space<vmem>>, vector<1x1x16xf32>,
      %get3A_717 = vector.shape_cast %get3A_716 : vector<1x1x16xf32> to vector<16xf32>
      %abs3A_718 = math.absf %get3A_717 : vector<16xf32>
      %get3A_719 = arith.constant 1 : i32
      %get3A_720 = arith.index_cast %get3A_719 : i32 to index
      %get3A_721 = arith.index_cast %add3A_401 : i32 to index
      %get3A_722 = arith.constant 112 : index
      %get3A_723 = tpu.vector_load %arg8[%get3A_720, %get3A_721, %get3A_722] {strides = array<i32>} : memref<3x16x128xf32, #tpu.memory_space<vmem>>, vector<1x1x16xf32>,
      %get3A_724 = vector.shape_cast %get3A_723 : vector<1x1x16xf32> to vector<16xf32>
      %sub3A_725 = arith.subf %get3A_698, %get3A_724 : vector<16xf32>
      %sub3A_726 = arith.subf %sub3A_725, %get3A_711 : vector<16xf32>
      %abs3A_727 = math.absf %sub3A_726 : vector<16xf32>
      %add3A_728 = arith.addf %abs3A_727, %abs3A_705 : vector<16xf32>
      %sub3A_729 = arith.subf %add3A_728, %abs3A_718 : vector<16xf32>
      %max3A_730 = arith.constant 0.000000e+00 : f32
      %max3A_731 = vector.broadcast %max3A_730 : f32 to vector<16xf32>
      %max3A_732 = arith.maximumf %sub3A_729, %max3A_731 : vector<16xf32>
      %mul3A_733 = arith.mulf %max3A_732, %max3A_732 : vector<16xf32>
      %add3A_734 = arith.addf %add3A_692, %mul3A_733 : vector<16xf32>
      scf.yield %add3A_734 : vector<16xf32>
    }
    %scan3A_318 = arith.constant 16 : i32
    %dma_wait3A_319 = arith.constant 9 : i32
    %dma_wait3A_320 = arith.constant 0 : i32
    %dma_wait3A_321 = arith.constant 0 : i32
    %dma_wait3A_322 = tpu.memref_slice %arg7[%dma_wait3A_319, %dma_wait3A_320, %dma_wait3A_321] : memref<13x16x256xf32, #tpu.memory_space<vmem>> -> memref<1x16x256xf32, #tpu.memory_space<vmem>>
    %dma_wait3A_323 = tpu.memref_squeeze %dma_wait3A_322 : memref<1x16x256xf32, #tpu.memory_space<vmem>> -> memref<16x256xf32, #tpu.memory_space<vmem>>
    %dma_wait3A_324 = arith.constant 0 : i32
    %dma_wait3A_325 = arith.constant 0 : i32
    %dma_wait3A_326 = tpu.memref_slice %arg3[%dma_wait3A_324, %dma_wait3A_325] : memref<1000x256xf32, #tpu.memory_space<hbm>> -> memref<1000x256xf32, #tpu.memory_space<hbm>>
    tpu.wait_indirect_dma semaphore(%arg14 : memref<!tpu.dma_semaphore, #tpu.memory_space<semaphore_mem>>) src(%dma_wait3A_326 : memref<1000x256xf32, #tpu.memory_space<hbm>>) dst(%dma_wait3A_323 : memref<16x256xf32, #tpu.memory_space<vmem>>)
    %dma_wait3A_327 = arith.constant 10 : i32
    %dma_wait3A_328 = arith.constant 0 : i32
    %dma_wait3A_329 = arith.constant 0 : i32
    %dma_wait3A_330 = tpu.memref_slice %arg7[%dma_wait3A_327, %dma_wait3A_328, %dma_wait3A_329] : memref<13x16x256xf32, #tpu.memory_space<vmem>> -> memref<1x16x256xf32, #tpu.memory_space<vmem>>
    %dma_wait3A_331 = tpu.memref_squeeze %dma_wait3A_330 : memref<1x16x256xf32, #tpu.memory_space<vmem>> -> memref<16x256xf32, #tpu.memory_space<vmem>>
    %dma_wait3A_332 = arith.constant 0 : i32
    %dma_wait3A_333 = arith.constant 0 : i32
    %dma_wait3A_334 = tpu.memref_slice %arg3[%dma_wait3A_332, %dma_wait3A_333] : memref<1000x256xf32, #tpu.memory_space<hbm>> -> memref<1000x256xf32, #tpu.memory_space<hbm>>
    tpu.wait_indirect_dma semaphore(%arg14 : memref<!tpu.dma_semaphore, #tpu.memory_space<semaphore_mem>>) src(%dma_wait3A_334 : memref<1000x256xf32, #tpu.memory_space<hbm>>) dst(%dma_wait3A_331 : memref<16x256xf32, #tpu.memory_space<vmem>>)
    %scan3A_335 = arith.constant 0 : i32
    %scan3A_336 = arith.constant 0 : i32
    %scan3A_337 = arith.constant 16 : i32
    %scan3A_338 = arith.addi %scan3A_336, %scan3A_337 : i32
    %scan3A_339 = arith.constant 1 : i32
    %scan3A_340 = scf.for %scan3A_396 = %scan3A_336 to %scan3A_338 step %scan3A_339 iter_args(%scan3A_397 = %scan3A_335) -> (i32)  : i32 {
      %mul3A_398 = arith.constant 1 : i32
      %mul3A_399 = arith.muli %scan3A_396, %mul3A_398 : i32
      %add3A_400 = arith.constant 0 : i32
      %add3A_401 = arith.addi %mul3A_399, %add3A_400 : i32
      %get3A_402 = arith.constant 9 : i32
      %get3A_403 = arith.index_cast %get3A_402 : i32 to index
      %get3A_404 = arith.index_cast %add3A_401 : i32 to index
      %get3A_405 = arith.constant 0 : index
      %get3A_406 = tpu.vector_load %arg7[%get3A_403, %get3A_404, %get3A_405] {strides = array<i32>} : memref<13x16x256xf32, #tpu.memory_space<vmem>>, vector<1x1x16xf32>,
      %get3A_407 = vector.shape_cast %get3A_406 : vector<1x1x16xf32> to vector<16xf32>
      %get3A_408 = arith.constant 9 : i32
      %get3A_409 = arith.index_cast %get3A_408 : i32 to index
      %get3A_410 = arith.index_cast %add3A_401 : i32 to index
      %get3A_411 = arith.constant 128 : index
      %get3A_412 = tpu.vector_load %arg7[%get3A_409, %get3A_410, %get3A_411] {strides = array<i32>} : memref<13x16x256xf32, #tpu.memory_space<vmem>>, vector<1x1x16xf32>,
      %get3A_413 = vector.shape_cast %get3A_412 : vector<1x1x16xf32> to vector<16xf32>
      %abs3A = math.absf %get3A_413 : vector<16xf32>
      %get3A_414 = arith.constant 10 : i32
      %get3A_415 = arith.index_cast %get3A_414 : i32 to index
      %get3A_416 = arith.index_cast %add3A_401 : i32 to index
      %get3A_417 = arith.constant 0 : index
      %get3A_418 = tpu.vector_load %arg7[%get3A_415, %get3A_416, %get3A_417] {strides = array<i32>} : memref<13x16x256xf32, #tpu.memory_space<vmem>>, vector<1x1x16xf32>,
      %get3A_419 = vector.shape_cast %get3A_418 : vector<1x1x16xf32> to vector<16xf32>
      %get3A_420 = arith.constant 10 : i32
      %get3A_421 = arith.index_cast %get3A_420 : i32 to index
      %get3A_422 = arith.index_cast %add3A_401 : i32 to index
      %get3A_423 = arith.constant 128 : index
      %get3A_424 = tpu.vector_load %arg7[%get3A_421, %get3A_422, %get3A_423] {strides = array<i32>} : memref<13x16x256xf32, #tpu.memory_space<vmem>>, vector<1x1x16xf32>,
      %get3A_425 = vector.shape_cast %get3A_424 : vector<1x1x16xf32> to vector<16xf32>
      %abs3A_426 = math.absf %get3A_425 : vector<16xf32>
      %sub3A = arith.subf %get3A_407, %get3A_419 : vector<16xf32>
      %abs3A_427 = math.absf %sub3A : vector<16xf32>
      %sub3A_428 = arith.subf %abs3A_427, %abs3A : vector<16xf32>
      %sub3A_429 = arith.subf %sub3A_428, %abs3A_426 : vector<16xf32>
      %max3A = arith.constant 0.000000e+00 : f32
      %max3A_430 = vector.broadcast %max3A : f32 to vector<16xf32>
      %max3A_431 = arith.maximumf %sub3A_429, %max3A_430 : vector<16xf32>
      %mul3A_432 = arith.mulf %max3A_431, %max3A_431 : vector<16xf32>
      %add3A_433 = arith.addf %broadcast_in_dim3A_207, %mul3A_432 : vector<16xf32>
      %get3A_434 = arith.constant 9 : i32
      %get3A_435 = arith.index_cast %get3A_434 : i32 to index
      %get3A_436 = arith.index_cast %add3A_401 : i32 to index
      %get3A_437 = arith.constant 16 : index
      %get3A_438 = tpu.vector_load %arg7[%get3A_435, %get3A_436, %get3A_437] {strides = array<i32>} : memref<13x16x256xf32, #tpu.memory_space<vmem>>, vector<1x1x16xf32>,
      %get3A_439 = vector.shape_cast %get3A_438 : vector<1x1x16xf32> to vector<16xf32>
      %get3A_440 = arith.constant 9 : i32
      %get3A_441 = arith.index_cast %get3A_440 : i32 to index
      %get3A_442 = arith.index_cast %add3A_401 : i32 to index
      %get3A_443 = arith.constant 144 : index
      %get3A_444 = tpu.vector_load %arg7[%get3A_441, %get3A_442, %get3A_443] {strides = array<i32>} : memref<13x16x256xf32, #tpu.memory_space<vmem>>, vector<1x1x16xf32>,
      %get3A_445 = vector.shape_cast %get3A_444 : vector<1x1x16xf32> to vector<16xf32>
      %abs3A_446 = math.absf %get3A_445 : vector<16xf32>
      %get3A_447 = arith.constant 10 : i32
      %get3A_448 = arith.index_cast %get3A_447 : i32 to index
      %get3A_449 = arith.index_cast %add3A_401 : i32 to index
      %get3A_450 = arith.constant 16 : index
      %get3A_451 = tpu.vector_load %arg7[%get3A_448, %get3A_449, %get3A_450] {strides = array<i32>} : memref<13x16x256xf32, #tpu.memory_space<vmem>>, vector<1x1x16xf32>,
      %get3A_452 = vector.shape_cast %get3A_451 : vector<1x1x16xf32> to vector<16xf32>
      %get3A_453 = arith.constant 10 : i32
      %get3A_454 = arith.index_cast %get3A_453 : i32 to index
      %get3A_455 = arith.index_cast %add3A_401 : i32 to index
      %get3A_456 = arith.constant 144 : index
      %get3A_457 = tpu.vector_load %arg7[%get3A_454, %get3A_455, %get3A_456] {strides = array<i32>} : memref<13x16x256xf32, #tpu.memory_space<vmem>>, vector<1x1x16xf32>,
      %get3A_458 = vector.shape_cast %get3A_457 : vector<1x1x16xf32> to vector<16xf32>
      %abs3A_459 = math.absf %get3A_458 : vector<16xf32>
      %sub3A_460 = arith.subf %get3A_439, %get3A_452 : vector<16xf32>
      %abs3A_461 = math.absf %sub3A_460 : vector<16xf32>
      %sub3A_462 = arith.subf %abs3A_461, %abs3A_446 : vector<16xf32>
      %sub3A_463 = arith.subf %sub3A_462, %abs3A_459 : vector<16xf32>
      %max3A_464 = arith.constant 0.000000e+00 : f32
      %max3A_465 = vector.broadcast %max3A_464 : f32 to vector<16xf32>
      %max3A_466 = arith.maximumf %sub3A_463, %max3A_465 : vector<16xf32>
      %mul3A_467 = arith.mulf %max3A_466, %max3A_466 : vector<16xf32>
      %add3A_468 = arith.addf %add3A_433, %mul3A_467 : vector<16xf32>
      %get3A_469 = arith.constant 9 : i32
      %get3A_470 = arith.index_cast %get3A_469 : i32 to index
      %get3A_471 = arith.index_cast %add3A_401 : i32 to index
      %get3A_472 = arith.constant 32 : index
      %get3A_473 = tpu.vector_load %arg7[%get3A_470, %get3A_471, %get3A_472] {strides = array<i32>} : memref<13x16x256xf32, #tpu.memory_space<vmem>>, vector<1x1x16xf32>,
      %get3A_474 = vector.shape_cast %get3A_473 : vector<1x1x16xf32> to vector<16xf32>
      %get3A_475 = arith.constant 9 : i32
      %get3A_476 = arith.index_cast %get3A_475 : i32 to index
      %get3A_477 = arith.index_cast %add3A_401 : i32 to index
      %get3A_478 = arith.constant 160 : index
      %get3A_479 = tpu.vector_load %arg7[%get3A_476, %get3A_477, %get3A_478] {strides = array<i32>} : memref<13x16x256xf32, #tpu.memory_space<vmem>>, vector<1x1x16xf32>,
      %get3A_480 = vector.shape_cast %get3A_479 : vector<1x1x16xf32> to vector<16xf32>
      %abs3A_481 = math.absf %get3A_480 : vector<16xf32>
      %get3A_482 = arith.constant 10 : i32
      %get3A_483 = arith.index_cast %get3A_482 : i32 to index
      %get3A_484 = arith.index_cast %add3A_401 : i32 to index
      %get3A_485 = arith.constant 32 : index
      %get3A_486 = tpu.vector_load %arg7[%get3A_483, %get3A_484, %get3A_485] {strides = array<i32>} : memref<13x16x256xf32, #tpu.memory_space<vmem>>, vector<1x1x16xf32>,
      %get3A_487 = vector.shape_cast %get3A_486 : vector<1x1x16xf32> to vector<16xf32>
      %get3A_488 = arith.constant 10 : i32
      %get3A_489 = arith.index_cast %get3A_488 : i32 to index
      %get3A_490 = arith.index_cast %add3A_401 : i32 to index
      %get3A_491 = arith.constant 160 : index
      %get3A_492 = tpu.vector_load %arg7[%get3A_489, %get3A_490, %get3A_491] {strides = array<i32>} : memref<13x16x256xf32, #tpu.memory_space<vmem>>, vector<1x1x16xf32>,
      %get3A_493 = vector.shape_cast %get3A_492 : vector<1x1x16xf32> to vector<16xf32>
      %abs3A_494 = math.absf %get3A_493 : vector<16xf32>
      %sub3A_495 = arith.subf %get3A_474, %get3A_487 : vector<16xf32>
      %abs3A_496 = math.absf %sub3A_495 : vector<16xf32>
      %sub3A_497 = arith.subf %abs3A_496, %abs3A_481 : vector<16xf32>
      %sub3A_498 = arith.subf %sub3A_497, %abs3A_494 : vector<16xf32>
      %max3A_499 = arith.constant 0.000000e+00 : f32
      %max3A_500 = vector.broadcast %max3A_499 : f32 to vector<16xf32>
      %max3A_501 = arith.maximumf %sub3A_498, %max3A_500 : vector<16xf32>
      %mul3A_502 = arith.mulf %max3A_501, %max3A_501 : vector<16xf32>
      %add3A_503 = arith.addf %add3A_468, %mul3A_502 : vector<16xf32>
      %get3A_504 = arith.constant 9 : i32
      %get3A_505 = arith.index_cast %get3A_504 : i32 to index
      %get3A_506 = arith.index_cast %add3A_401 : i32 to index
      %get3A_507 = arith.constant 48 : index
      %get3A_508 = tpu.vector_load %arg7[%get3A_505, %get3A_506, %get3A_507] {strides = array<i32>} : memref<13x16x256xf32, #tpu.memory_space<vmem>>, vector<1x1x16xf32>,
      %get3A_509 = vector.shape_cast %get3A_508 : vector<1x1x16xf32> to vector<16xf32>
      %get3A_510 = arith.constant 9 : i32
      %get3A_511 = arith.index_cast %get3A_510 : i32 to index
      %get3A_512 = arith.index_cast %add3A_401 : i32 to index
      %get3A_513 = arith.constant 176 : index
      %get3A_514 = tpu.vector_load %arg7[%get3A_511, %get3A_512, %get3A_513] {strides = array<i32>} : memref<13x16x256xf32, #tpu.memory_space<vmem>>, vector<1x1x16xf32>,
      %get3A_515 = vector.shape_cast %get3A_514 : vector<1x1x16xf32> to vector<16xf32>
      %abs3A_516 = math.absf %get3A_515 : vector<16xf32>
      %get3A_517 = arith.constant 10 : i32
      %get3A_518 = arith.index_cast %get3A_517 : i32 to index
      %get3A_519 = arith.index_cast %add3A_401 : i32 to index
      %get3A_520 = arith.constant 48 : index
      %get3A_521 = tpu.vector_load %arg7[%get3A_518, %get3A_519, %get3A_520] {strides = array<i32>} : memref<13x16x256xf32, #tpu.memory_space<vmem>>, vector<1x1x16xf32>,
      %get3A_522 = vector.shape_cast %get3A_521 : vector<1x1x16xf32> to vector<16xf32>
      %get3A_523 = arith.constant 10 : i32
      %get3A_524 = arith.index_cast %get3A_523 : i32 to index
      %get3A_525 = arith.index_cast %add3A_401 : i32 to index
      %get3A_526 = arith.constant 176 : index
      %get3A_527 = tpu.vector_load %arg7[%get3A_524, %get3A_525, %get3A_526] {strides = array<i32>} : memref<13x16x256xf32, #tpu.memory_space<vmem>>, vector<1x1x16xf32>,
      %get3A_528 = vector.shape_cast %get3A_527 : vector<1x1x16xf32> to vector<16xf32>
      %abs3A_529 = math.absf %get3A_528 : vector<16xf32>
      %sub3A_530 = arith.subf %get3A_509, %get3A_522 : vector<16xf32>
      %abs3A_531 = math.absf %sub3A_530 : vector<16xf32>
      %sub3A_532 = arith.subf %abs3A_531, %abs3A_516 : vector<16xf32>
      %sub3A_533 = arith.subf %sub3A_532, %abs3A_529 : vector<16xf32>
      %max3A_534 = arith.constant 0.000000e+00 : f32
      %max3A_535 = vector.broadcast %max3A_534 : f32 to vector<16xf32>
      %max3A_536 = arith.maximumf %sub3A_533, %max3A_535 : vector<16xf32>
      %mul3A_537 = arith.mulf %max3A_536, %max3A_536 : vector<16xf32>
      %add3A_538 = arith.addf %add3A_503, %mul3A_537 : vector<16xf32>
      %get3A_539 = arith.constant 9 : i32
      %get3A_540 = arith.index_cast %get3A_539 : i32 to index
      %get3A_541 = arith.index_cast %add3A_401 : i32 to index
      %get3A_542 = arith.constant 64 : index
      %get3A_543 = tpu.vector_load %arg7[%get3A_540, %get3A_541, %get3A_542] {strides = array<i32>} : memref<13x16x256xf32, #tpu.memory_space<vmem>>, vector<1x1x16xf32>,
      %get3A_544 = vector.shape_cast %get3A_543 : vector<1x1x16xf32> to vector<16xf32>
      %get3A_545 = arith.constant 9 : i32
      %get3A_546 = arith.index_cast %get3A_545 : i32 to index
      %get3A_547 = arith.index_cast %add3A_401 : i32 to index
      %get3A_548 = arith.constant 192 : index
      %get3A_549 = tpu.vector_load %arg7[%get3A_546, %get3A_547, %get3A_548] {strides = array<i32>} : memref<13x16x256xf32, #tpu.memory_space<vmem>>, vector<1x1x16xf32>,
      %get3A_550 = vector.shape_cast %get3A_549 : vector<1x1x16xf32> to vector<16xf32>
      %abs3A_551 = math.absf %get3A_550 : vector<16xf32>
      %get3A_552 = arith.constant 10 : i32
      %get3A_553 = arith.index_cast %get3A_552 : i32 to index
      %get3A_554 = arith.index_cast %add3A_401 : i32 to index
      %get3A_555 = arith.constant 64 : index
      %get3A_556 = tpu.vector_load %arg7[%get3A_553, %get3A_554, %get3A_555] {strides = array<i32>} : memref<13x16x256xf32, #tpu.memory_space<vmem>>, vector<1x1x16xf32>,
      %get3A_557 = vector.shape_cast %get3A_556 : vector<1x1x16xf32> to vector<16xf32>
      %get3A_558 = arith.constant 10 : i32
      %get3A_559 = arith.index_cast %get3A_558 : i32 to index
      %get3A_560 = arith.index_cast %add3A_401 : i32 to index
      %get3A_561 = arith.constant 192 : index
      %get3A_562 = tpu.vector_load %arg7[%get3A_559, %get3A_560, %get3A_561] {strides = array<i32>} : memref<13x16x256xf32, #tpu.memory_space<vmem>>, vector<1x1x16xf32>,
      %get3A_563 = vector.shape_cast %get3A_562 : vector<1x1x16xf32> to vector<16xf32>
      %abs3A_564 = math.absf %get3A_563 : vector<16xf32>
      %sub3A_565 = arith.subf %get3A_544, %get3A_557 : vector<16xf32>
      %abs3A_566 = math.absf %sub3A_565 : vector<16xf32>
      %sub3A_567 = arith.subf %abs3A_566, %abs3A_551 : vector<16xf32>
      %sub3A_568 = arith.subf %sub3A_567, %abs3A_564 : vector<16xf32>
      %max3A_569 = arith.constant 0.000000e+00 : f32
      %max3A_570 = vector.broadcast %max3A_569 : f32 to vector<16xf32>
      %max3A_571 = arith.maximumf %sub3A_568, %max3A_570 : vector<16xf32>
      %mul3A_572 = arith.mulf %max3A_571, %max3A_571 : vector<16xf32>
      %add3A_573 = arith.addf %add3A_538, %mul3A_572 : vector<16xf32>
      %get3A_574 = arith.constant 9 : i32
      %get3A_575 = arith.index_cast %get3A_574 : i32 to index
      %get3A_576 = arith.index_cast %add3A_401 : i32 to index
      %get3A_577 = arith.constant 80 : index
      %get3A_578 = tpu.vector_load %arg7[%get3A_575, %get3A_576, %get3A_577] {strides = array<i32>} : memref<13x16x256xf32, #tpu.memory_space<vmem>>, vector<1x1x16xf32>,
      %get3A_579 = vector.shape_cast %get3A_578 : vector<1x1x16xf32> to vector<16xf32>
      %get3A_580 = arith.constant 9 : i32
      %get3A_581 = arith.index_cast %get3A_580 : i32 to index
      %get3A_582 = arith.index_cast %add3A_401 : i32 to index
      %get3A_583 = arith.constant 208 : index
      %get3A_584 = tpu.vector_load %arg7[%get3A_581, %get3A_582, %get3A_583] {strides = array<i32>} : memref<13x16x256xf32, #tpu.memory_space<vmem>>, vector<1x1x16xf32>,
      %get3A_585 = vector.shape_cast %get3A_584 : vector<1x1x16xf32> to vector<16xf32>
      %abs3A_586 = math.absf %get3A_585 : vector<16xf32>
      %get3A_587 = arith.constant 10 : i32
      %get3A_588 = arith.index_cast %get3A_587 : i32 to index
      %get3A_589 = arith.index_cast %add3A_401 : i32 to index
      %get3A_590 = arith.constant 80 : index
      %get3A_591 = tpu.vector_load %arg7[%get3A_588, %get3A_589, %get3A_590] {strides = array<i32>} : memref<13x16x256xf32, #tpu.memory_space<vmem>>, vector<1x1x16xf32>,
      %get3A_592 = vector.shape_cast %get3A_591 : vector<1x1x16xf32> to vector<16xf32>
      %get3A_593 = arith.constant 10 : i32
      %get3A_594 = arith.index_cast %get3A_593 : i32 to index
      %get3A_595 = arith.index_cast %add3A_401 : i32 to index
      %get3A_596 = arith.constant 208 : index
      %get3A_597 = tpu.vector_load %arg7[%get3A_594, %get3A_595, %get3A_596] {strides = array<i32>} : memref<13x16x256xf32, #tpu.memory_space<vmem>>, vector<1x1x16xf32>,
      %get3A_598 = vector.shape_cast %get3A_597 : vector<1x1x16xf32> to vector<16xf32>
      %abs3A_599 = math.absf %get3A_598 : vector<16xf32>
      %sub3A_600 = arith.subf %get3A_579, %get3A_592 : vector<16xf32>
      %abs3A_601 = math.absf %sub3A_600 : vector<16xf32>
      %sub3A_602 = arith.subf %abs3A_601, %abs3A_586 : vector<16xf32>
      %sub3A_603 = arith.subf %sub3A_602, %abs3A_599 : vector<16xf32>
      %max3A_604 = arith.constant 0.000000e+00 : f32
      %max3A_605 = vector.broadcast %max3A_604 : f32 to vector<16xf32>
      %max3A_606 = arith.maximumf %sub3A_603, %max3A_605 : vector<16xf32>
      %mul3A_607 = arith.mulf %max3A_606, %max3A_606 : vector<16xf32>
      %add3A_608 = arith.addf %add3A_573, %mul3A_607 : vector<16xf32>
      %get3A_609 = arith.constant 9 : i32
      %get3A_610 = arith.index_cast %get3A_609 : i32 to index
      %get3A_611 = arith.index_cast %add3A_401 : i32 to index
      %get3A_612 = arith.constant 96 : index
      %get3A_613 = tpu.vector_load %arg7[%get3A_610, %get3A_611, %get3A_612] {strides = array<i32>} : memref<13x16x256xf32, #tpu.memory_space<vmem>>, vector<1x1x16xf32>,
      %get3A_614 = vector.shape_cast %get3A_613 : vector<1x1x16xf32> to vector<16xf32>
      %get3A_615 = arith.constant 9 : i32
      %get3A_616 = arith.index_cast %get3A_615 : i32 to index
      %get3A_617 = arith.index_cast %add3A_401 : i32 to index
      %get3A_618 = arith.constant 224 : index
      %get3A_619 = tpu.vector_load %arg7[%get3A_616, %get3A_617, %get3A_618] {strides = array<i32>} : memref<13x16x256xf32, #tpu.memory_space<vmem>>, vector<1x1x16xf32>,
      %get3A_620 = vector.shape_cast %get3A_619 : vector<1x1x16xf32> to vector<16xf32>
      %abs3A_621 = math.absf %get3A_620 : vector<16xf32>
      %get3A_622 = arith.constant 10 : i32
      %get3A_623 = arith.index_cast %get3A_622 : i32 to index
      %get3A_624 = arith.index_cast %add3A_401 : i32 to index
      %get3A_625 = arith.constant 96 : index
      %get3A_626 = tpu.vector_load %arg7[%get3A_623, %get3A_624, %get3A_625] {strides = array<i32>} : memref<13x16x256xf32, #tpu.memory_space<vmem>>, vector<1x1x16xf32>,
      %get3A_627 = vector.shape_cast %get3A_626 : vector<1x1x16xf32> to vector<16xf32>
      %get3A_628 = arith.constant 10 : i32
      %get3A_629 = arith.index_cast %get3A_628 : i32 to index
      %get3A_630 = arith.index_cast %add3A_401 : i32 to index
      %get3A_631 = arith.constant 224 : index
      %get3A_632 = tpu.vector_load %arg7[%get3A_629, %get3A_630, %get3A_631] {strides = array<i32>} : memref<13x16x256xf32, #tpu.memory_space<vmem>>, vector<1x1x16xf32>,
      %get3A_633 = vector.shape_cast %get3A_632 : vector<1x1x16xf32> to vector<16xf32>
      %abs3A_634 = math.absf %get3A_633 : vector<16xf32>
      %sub3A_635 = arith.subf %get3A_614, %get3A_627 : vector<16xf32>
      %abs3A_636 = math.absf %sub3A_635 : vector<16xf32>
      %sub3A_637 = arith.subf %abs3A_636, %abs3A_621 : vector<16xf32>
      %sub3A_638 = arith.subf %sub3A_637, %abs3A_634 : vector<16xf32>
      %max3A_639 = arith.constant 0.000000e+00 : f32
      %max3A_640 = vector.broadcast %max3A_639 : f32 to vector<16xf32>
      %max3A_641 = arith.maximumf %sub3A_638, %max3A_640 : vector<16xf32>
      %mul3A_642 = arith.mulf %max3A_641, %max3A_641 : vector<16xf32>
      %add3A_643 = arith.addf %add3A_608, %mul3A_642 : vector<16xf32>
      %get3A_644 = arith.constant 9 : i32
      %get3A_645 = arith.index_cast %get3A_644 : i32 to index
      %get3A_646 = arith.index_cast %add3A_401 : i32 to index
      %get3A_647 = arith.constant 112 : index
      %get3A_648 = tpu.vector_load %arg7[%get3A_645, %get3A_646, %get3A_647] {strides = array<i32>} : memref<13x16x256xf32, #tpu.memory_space<vmem>>, vector<1x1x16xf32>,
      %get3A_649 = vector.shape_cast %get3A_648 : vector<1x1x16xf32> to vector<16xf32>
      %get3A_650 = arith.constant 9 : i32
      %get3A_651 = arith.index_cast %get3A_650 : i32 to index
      %get3A_652 = arith.index_cast %add3A_401 : i32 to index
      %get3A_653 = arith.constant 240 : index
      %get3A_654 = tpu.vector_load %arg7[%get3A_651, %get3A_652, %get3A_653] {strides = array<i32>} : memref<13x16x256xf32, #tpu.memory_space<vmem>>, vector<1x1x16xf32>,
      %get3A_655 = vector.shape_cast %get3A_654 : vector<1x1x16xf32> to vector<16xf32>
      %abs3A_656 = math.absf %get3A_655 : vector<16xf32>
      %get3A_657 = arith.constant 10 : i32
      %get3A_658 = arith.index_cast %get3A_657 : i32 to index
      %get3A_659 = arith.index_cast %add3A_401 : i32 to index
      %get3A_660 = arith.constant 112 : index
      %get3A_661 = tpu.vector_load %arg7[%get3A_658, %get3A_659, %get3A_660] {strides = array<i32>} : memref<13x16x256xf32, #tpu.memory_space<vmem>>, vector<1x1x16xf32>,
      %get3A_662 = vector.shape_cast %get3A_661 : vector<1x1x16xf32> to vector<16xf32>
      %get3A_663 = arith.constant 10 : i32
      %get3A_664 = arith.index_cast %get3A_663 : i32 to index
      %get3A_665 = arith.index_cast %add3A_401 : i32 to index
      %get3A_666 = arith.constant 240 : index
      %get3A_667 = tpu.vector_load %arg7[%get3A_664, %get3A_665, %get3A_666] {strides = array<i32>} : memref<13x16x256xf32, #tpu.memory_space<vmem>>, vector<1x1x16xf32>,
      %get3A_668 = vector.shape_cast %get3A_667 : vector<1x1x16xf32> to vector<16xf32>
      %abs3A_669 = math.absf %get3A_668 : vector<16xf32>
      %sub3A_670 = arith.subf %get3A_649, %get3A_662 : vector<16xf32>
      %abs3A_671 = math.absf %sub3A_670 : vector<16xf32>
      %sub3A_672 = arith.subf %abs3A_671, %abs3A_656 : vector<16xf32>
      %sub3A_673 = arith.subf %sub3A_672, %abs3A_669 : vector<16xf32>
      %max3A_674 = arith.constant 0.000000e+00 : f32
      %max3A_675 = vector.broadcast %max3A_674 : f32 to vector<16xf32>
      %max3A_676 = arith.maximumf %sub3A_673, %max3A_675 : vector<16xf32>
      %mul3A_677 = arith.mulf %max3A_676, %max3A_676 : vector<16xf32>
      %add3A_678 = arith.addf %add3A_643, %mul3A_677 : vector<16xf32>
      %add3A_679 = arith.constant 32 : i32
      %add3A_680 = arith.addi %add3A_679, %add3A_401 : i32
      %swap3A_681 = arith.index_cast %add3A_680 : i32 to index
      %swap3A_682 = arith.constant 0 : index
      %swap3A_683 = tpu.vector_load %arg9[%swap3A_681, %swap3A_682] {strides = array<i32>} : memref<68x16xf32, #tpu.memory_space<vmem>>, vector<1x16xf32>,
      %swap3A_684 = vector.shape_cast %swap3A_683 : vector<1x16xf32> to vector<16xf32>
      %swap3A_685 = vector.shape_cast %add3A_678 : vector<16xf32> to vector<1x16xf32>
      tpu.vector_store %arg9[%swap3A_681, %swap3A_682], %swap3A_685 {strides = array<i32>} : memref<68x16xf32, #tpu.memory_space<vmem>>, vector<1x16xf32>,
      %scan3A_686 = arith.constant 0 : i32
      scf.yield %scan3A_686 : i32
    }
    %scan3A_341 = arith.constant 16 : i32
    %dma_wait3A_342 = arith.constant 11 : i32
    %dma_wait3A_343 = arith.constant 0 : i32
    %dma_wait3A_344 = arith.constant 0 : i32
    %dma_wait3A_345 = tpu.memref_slice %arg7[%dma_wait3A_342, %dma_wait3A_343, %dma_wait3A_344] : memref<13x16x256xf32, #tpu.memory_space<vmem>> -> memref<1x16x256xf32, #tpu.memory_space<vmem>>
    %dma_wait3A_346 = tpu.memref_squeeze %dma_wait3A_345 : memref<1x16x256xf32, #tpu.memory_space<vmem>> -> memref<16x256xf32, #tpu.memory_space<vmem>>
    %dma_wait3A_347 = arith.constant 0 : i32
    %dma_wait3A_348 = arith.constant 0 : i32
    %dma_wait3A_349 = tpu.memref_slice %arg3[%dma_wait3A_347, %dma_wait3A_348] : memref<1000x256xf32, #tpu.memory_space<hbm>> -> memref<1000x256xf32, #tpu.memory_space<hbm>>
    tpu.wait_indirect_dma semaphore(%arg15 : memref<!tpu.dma_semaphore, #tpu.memory_space<semaphore_mem>>) src(%dma_wait3A_349 : memref<1000x256xf32, #tpu.memory_space<hbm>>) dst(%dma_wait3A_346 : memref<16x256xf32, #tpu.memory_space<vmem>>)
    %dma_wait3A_350 = arith.constant 12 : i32
    %dma_wait3A_351 = arith.constant 0 : i32
    %dma_wait3A_352 = arith.constant 0 : i32
    %dma_wait3A_353 = tpu.memref_slice %arg7[%dma_wait3A_350, %dma_wait3A_351, %dma_wait3A_352] : memref<13x16x256xf32, #tpu.memory_space<vmem>> -> memref<1x16x256xf32, #tpu.memory_space<vmem>>
    %dma_wait3A_354 = tpu.memref_squeeze %dma_wait3A_353 : memref<1x16x256xf32, #tpu.memory_space<vmem>> -> memref<16x256xf32, #tpu.memory_space<vmem>>
    %dma_wait3A_355 = arith.constant 0 : i32
    %dma_wait3A_356 = arith.constant 0 : i32
    %dma_wait3A_357 = tpu.memref_slice %arg3[%dma_wait3A_355, %dma_wait3A_356] : memref<1000x256xf32, #tpu.memory_space<hbm>> -> memref<1000x256xf32, #tpu.memory_space<hbm>>
    tpu.wait_indirect_dma semaphore(%arg15 : memref<!tpu.dma_semaphore, #tpu.memory_space<semaphore_mem>>) src(%dma_wait3A_357 : memref<1000x256xf32, #tpu.memory_space<hbm>>) dst(%dma_wait3A_354 : memref<16x256xf32, #tpu.memory_space<vmem>>)
    %dma_wait3A_358 = arith.constant 2 : i32
    %dma_wait3A_359 = arith.constant 0 : i32
    %dma_wait3A_360 = arith.constant 0 : i32
    %dma_wait3A_361 = tpu.memref_slice %arg8[%dma_wait3A_358, %dma_wait3A_359, %dma_wait3A_360] : memref<3x16x128xf32, #tpu.memory_space<vmem>> -> memref<1x16x128xf32, #tpu.memory_space<vmem>>
    %dma_wait3A_362 = tpu.memref_squeeze %dma_wait3A_361 : memref<1x16x128xf32, #tpu.memory_space<vmem>> -> memref<16x128xf32, #tpu.memory_space<vmem>>
    %dma_wait3A_363 = arith.constant 0 : i32
    %dma_wait3A_364 = arith.constant 0 : i32
    %dma_wait3A_365 = tpu.memref_slice %arg4[%dma_wait3A_363, %dma_wait3A_364] : memref<1000x128xf32, #tpu.memory_space<hbm>> -> memref<1000x128xf32, #tpu.memory_space<hbm>>
    tpu.wait_indirect_dma semaphore(%arg15 : memref<!tpu.dma_semaphore, #tpu.memory_space<semaphore_mem>>) src(%dma_wait3A_365 : memref<1000x128xf32, #tpu.memory_space<hbm>>) dst(%dma_wait3A_362 : memref<16x128xf32, #tpu.memory_space<vmem>>)
    %scan3A_366 = arith.constant 0 : i32
    %scan3A_367 = arith.constant 0 : i32
    %scan3A_368 = arith.constant 16 : i32
    %scan3A_369 = arith.addi %scan3A_367, %scan3A_368 : i32
    %scan3A_370 = arith.constant 1 : i32
    %scan3A_371 = scf.for %scan3A_396 = %scan3A_367 to %scan3A_369 step %scan3A_370 iter_args(%scan3A_397 = %scan3A_366) -> (i32)  : i32 {
      %mul3A_398 = arith.constant 1 : i32
      %mul3A_399 = arith.muli %scan3A_396, %mul3A_398 : i32
      %add3A_400 = arith.constant 0 : i32
      %add3A_401 = arith.addi %mul3A_399, %add3A_400 : i32
      %get3A_402 = arith.constant 11 : i32
      %get3A_403 = arith.index_cast %get3A_402 : i32 to index
      %get3A_404 = arith.index_cast %add3A_401 : i32 to index
      %get3A_405 = arith.constant 0 : index
      %get3A_406 = tpu.vector_load %arg7[%get3A_403, %get3A_404, %get3A_405] {strides = array<i32>} : memref<13x16x256xf32, #tpu.memory_space<vmem>>, vector<1x1x16xf32>,
      %get3A_407 = vector.shape_cast %get3A_406 : vector<1x1x16xf32> to vector<16xf32>
      %get3A_408 = arith.constant 11 : i32
      %get3A_409 = arith.index_cast %get3A_408 : i32 to index
      %get3A_410 = arith.index_cast %add3A_401 : i32 to index
      %get3A_411 = arith.constant 128 : index
      %get3A_412 = tpu.vector_load %arg7[%get3A_409, %get3A_410, %get3A_411] {strides = array<i32>} : memref<13x16x256xf32, #tpu.memory_space<vmem>>, vector<1x1x16xf32>,
      %get3A_413 = vector.shape_cast %get3A_412 : vector<1x1x16xf32> to vector<16xf32>
      %abs3A = math.absf %get3A_413 : vector<16xf32>
      %get3A_414 = arith.constant 12 : i32
      %get3A_415 = arith.index_cast %get3A_414 : i32 to index
      %get3A_416 = arith.index_cast %add3A_401 : i32 to index
      %get3A_417 = arith.constant 0 : index
      %get3A_418 = tpu.vector_load %arg7[%get3A_415, %get3A_416, %get3A_417] {strides = array<i32>} : memref<13x16x256xf32, #tpu.memory_space<vmem>>, vector<1x1x16xf32>,
      %get3A_419 = vector.shape_cast %get3A_418 : vector<1x1x16xf32> to vector<16xf32>
      %get3A_420 = arith.constant 12 : i32
      %get3A_421 = arith.index_cast %get3A_420 : i32 to index
      %get3A_422 = arith.index_cast %add3A_401 : i32 to index
      %get3A_423 = arith.constant 128 : index
      %get3A_424 = tpu.vector_load %arg7[%get3A_421, %get3A_422, %get3A_423] {strides = array<i32>} : memref<13x16x256xf32, #tpu.memory_space<vmem>>, vector<1x1x16xf32>,
      %get3A_425 = vector.shape_cast %get3A_424 : vector<1x1x16xf32> to vector<16xf32>
      %abs3A_426 = math.absf %get3A_425 : vector<16xf32>
      %get3A_427 = arith.constant 2 : i32
      %get3A_428 = arith.index_cast %get3A_427 : i32 to index
      %get3A_429 = arith.index_cast %add3A_401 : i32 to index
      %get3A_430 = arith.constant 0 : index
      %get3A_431 = tpu.vector_load %arg8[%get3A_428, %get3A_429, %get3A_430] {strides = array<i32>} : memref<3x16x128xf32, #tpu.memory_space<vmem>>, vector<1x1x16xf32>,
      %get3A_432 = vector.shape_cast %get3A_431 : vector<1x1x16xf32> to vector<16xf32>
      %add3A_433 = arith.addf %get3A_407, %get3A_432 : vector<16xf32>
      %sub3A = arith.subf %add3A_433, %get3A_419 : vector<16xf32>
      %abs3A_434 = math.absf %sub3A : vector<16xf32>
      %sub3A_435 = arith.subf %abs3A_434, %abs3A : vector<16xf32>
      %sub3A_436 = arith.subf %sub3A_435, %abs3A_426 : vector<16xf32>
      %max3A = arith.constant 0.000000e+00 : f32
      %max3A_437 = vector.broadcast %max3A : f32 to vector<16xf32>
      %max3A_438 = arith.maximumf %sub3A_436, %max3A_437 : vector<16xf32>
      %mul3A_439 = arith.mulf %max3A_438, %max3A_438 : vector<16xf32>
      %add3A_440 = arith.addf %broadcast_in_dim3A_207, %mul3A_439 : vector<16xf32>
      %get3A_441 = arith.constant 11 : i32
      %get3A_442 = arith.index_cast %get3A_441 : i32 to index
      %get3A_443 = arith.index_cast %add3A_401 : i32 to index
      %get3A_444 = arith.constant 16 : index
      %get3A_445 = tpu.vector_load %arg7[%get3A_442, %get3A_443, %get3A_444] {strides = array<i32>} : memref<13x16x256xf32, #tpu.memory_space<vmem>>, vector<1x1x16xf32>,
      %get3A_446 = vector.shape_cast %get3A_445 : vector<1x1x16xf32> to vector<16xf32>
      %get3A_447 = arith.constant 11 : i32
      %get3A_448 = arith.index_cast %get3A_447 : i32 to index
      %get3A_449 = arith.index_cast %add3A_401 : i32 to index
      %get3A_450 = arith.constant 144 : index
      %get3A_451 = tpu.vector_load %arg7[%get3A_448, %get3A_449, %get3A_450] {strides = array<i32>} : memref<13x16x256xf32, #tpu.memory_space<vmem>>, vector<1x1x16xf32>,
      %get3A_452 = vector.shape_cast %get3A_451 : vector<1x1x16xf32> to vector<16xf32>
      %abs3A_453 = math.absf %get3A_452 : vector<16xf32>
      %get3A_454 = arith.constant 12 : i32
      %get3A_455 = arith.index_cast %get3A_454 : i32 to index
      %get3A_456 = arith.index_cast %add3A_401 : i32 to index
      %get3A_457 = arith.constant 16 : index
      %get3A_458 = tpu.vector_load %arg7[%get3A_455, %get3A_456, %get3A_457] {strides = array<i32>} : memref<13x16x256xf32, #tpu.memory_space<vmem>>, vector<1x1x16xf32>,
      %get3A_459 = vector.shape_cast %get3A_458 : vector<1x1x16xf32> to vector<16xf32>
      %get3A_460 = arith.constant 12 : i32
      %get3A_461 = arith.index_cast %get3A_460 : i32 to index
      %get3A_462 = arith.index_cast %add3A_401 : i32 to index
      %get3A_463 = arith.constant 144 : index
      %get3A_464 = tpu.vector_load %arg7[%get3A_461, %get3A_462, %get3A_463] {strides = array<i32>} : memref<13x16x256xf32, #tpu.memory_space<vmem>>, vector<1x1x16xf32>,
      %get3A_465 = vector.shape_cast %get3A_464 : vector<1x1x16xf32> to vector<16xf32>
      %abs3A_466 = math.absf %get3A_465 : vector<16xf32>
      %get3A_467 = arith.constant 2 : i32
      %get3A_468 = arith.index_cast %get3A_467 : i32 to index
      %get3A_469 = arith.index_cast %add3A_401 : i32 to index
      %get3A_470 = arith.constant 16 : index
      %get3A_471 = tpu.vector_load %arg8[%get3A_468, %get3A_469, %get3A_470] {strides = array<i32>} : memref<3x16x128xf32, #tpu.memory_space<vmem>>, vector<1x1x16xf32>,
      %get3A_472 = vector.shape_cast %get3A_471 : vector<1x1x16xf32> to vector<16xf32>
      %add3A_473 = arith.addf %get3A_446, %get3A_472 : vector<16xf32>
      %sub3A_474 = arith.subf %add3A_473, %get3A_459 : vector<16xf32>
      %abs3A_475 = math.absf %sub3A_474 : vector<16xf32>
      %sub3A_476 = arith.subf %abs3A_475, %abs3A_453 : vector<16xf32>
      %sub3A_477 = arith.subf %sub3A_476, %abs3A_466 : vector<16xf32>
      %max3A_478 = arith.constant 0.000000e+00 : f32
      %max3A_479 = vector.broadcast %max3A_478 : f32 to vector<16xf32>
      %max3A_480 = arith.maximumf %sub3A_477, %max3A_479 : vector<16xf32>
      %mul3A_481 = arith.mulf %max3A_480, %max3A_480 : vector<16xf32>
      %add3A_482 = arith.addf %add3A_440, %mul3A_481 : vector<16xf32>
      %get3A_483 = arith.constant 11 : i32
      %get3A_484 = arith.index_cast %get3A_483 : i32 to index
      %get3A_485 = arith.index_cast %add3A_401 : i32 to index
      %get3A_486 = arith.constant 32 : index
      %get3A_487 = tpu.vector_load %arg7[%get3A_484, %get3A_485, %get3A_486] {strides = array<i32>} : memref<13x16x256xf32, #tpu.memory_space<vmem>>, vector<1x1x16xf32>,
      %get3A_488 = vector.shape_cast %get3A_487 : vector<1x1x16xf32> to vector<16xf32>
      %get3A_489 = arith.constant 11 : i32
      %get3A_490 = arith.index_cast %get3A_489 : i32 to index
      %get3A_491 = arith.index_cast %add3A_401 : i32 to index
      %get3A_492 = arith.constant 160 : index
      %get3A_493 = tpu.vector_load %arg7[%get3A_490, %get3A_491, %get3A_492] {strides = array<i32>} : memref<13x16x256xf32, #tpu.memory_space<vmem>>, vector<1x1x16xf32>,
      %get3A_494 = vector.shape_cast %get3A_493 : vector<1x1x16xf32> to vector<16xf32>
      %abs3A_495 = math.absf %get3A_494 : vector<16xf32>
      %get3A_496 = arith.constant 12 : i32
      %get3A_497 = arith.index_cast %get3A_496 : i32 to index
      %get3A_498 = arith.index_cast %add3A_401 : i32 to index
      %get3A_499 = arith.constant 32 : index
      %get3A_500 = tpu.vector_load %arg7[%get3A_497, %get3A_498, %get3A_499] {strides = array<i32>} : memref<13x16x256xf32, #tpu.memory_space<vmem>>, vector<1x1x16xf32>,
      %get3A_501 = vector.shape_cast %get3A_500 : vector<1x1x16xf32> to vector<16xf32>
      %get3A_502 = arith.constant 12 : i32
      %get3A_503 = arith.index_cast %get3A_502 : i32 to index
      %get3A_504 = arith.index_cast %add3A_401 : i32 to index
      %get3A_505 = arith.constant 160 : index
      %get3A_506 = tpu.vector_load %arg7[%get3A_503, %get3A_504, %get3A_505] {strides = array<i32>} : memref<13x16x256xf32, #tpu.memory_space<vmem>>, vector<1x1x16xf32>,
      %get3A_507 = vector.shape_cast %get3A_506 : vector<1x1x16xf32> to vector<16xf32>
      %abs3A_508 = math.absf %get3A_507 : vector<16xf32>
      %get3A_509 = arith.constant 2 : i32
      %get3A_510 = arith.index_cast %get3A_509 : i32 to index
      %get3A_511 = arith.index_cast %add3A_401 : i32 to index
      %get3A_512 = arith.constant 32 : index
      %get3A_513 = tpu.vector_load %arg8[%get3A_510, %get3A_511, %get3A_512] {strides = array<i32>} : memref<3x16x128xf32, #tpu.memory_space<vmem>>, vector<1x1x16xf32>,
      %get3A_514 = vector.shape_cast %get3A_513 : vector<1x1x16xf32> to vector<16xf32>
      %add3A_515 = arith.addf %get3A_488, %get3A_514 : vector<16xf32>
      %sub3A_516 = arith.subf %add3A_515, %get3A_501 : vector<16xf32>
      %abs3A_517 = math.absf %sub3A_516 : vector<16xf32>
      %sub3A_518 = arith.subf %abs3A_517, %abs3A_495 : vector<16xf32>
      %sub3A_519 = arith.subf %sub3A_518, %abs3A_508 : vector<16xf32>
      %max3A_520 = arith.constant 0.000000e+00 : f32
      %max3A_521 = vector.broadcast %max3A_520 : f32 to vector<16xf32>
      %max3A_522 = arith.maximumf %sub3A_519, %max3A_521 : vector<16xf32>
      %mul3A_523 = arith.mulf %max3A_522, %max3A_522 : vector<16xf32>
      %add3A_524 = arith.addf %add3A_482, %mul3A_523 : vector<16xf32>
      %get3A_525 = arith.constant 11 : i32
      %get3A_526 = arith.index_cast %get3A_525 : i32 to index
      %get3A_527 = arith.index_cast %add3A_401 : i32 to index
      %get3A_528 = arith.constant 48 : index
      %get3A_529 = tpu.vector_load %arg7[%get3A_526, %get3A_527, %get3A_528] {strides = array<i32>} : memref<13x16x256xf32, #tpu.memory_space<vmem>>, vector<1x1x16xf32>,
      %get3A_530 = vector.shape_cast %get3A_529 : vector<1x1x16xf32> to vector<16xf32>
      %get3A_531 = arith.constant 11 : i32
      %get3A_532 = arith.index_cast %get3A_531 : i32 to index
      %get3A_533 = arith.index_cast %add3A_401 : i32 to index
      %get3A_534 = arith.constant 176 : index
      %get3A_535 = tpu.vector_load %arg7[%get3A_532, %get3A_533, %get3A_534] {strides = array<i32>} : memref<13x16x256xf32, #tpu.memory_space<vmem>>, vector<1x1x16xf32>,
      %get3A_536 = vector.shape_cast %get3A_535 : vector<1x1x16xf32> to vector<16xf32>
      %abs3A_537 = math.absf %get3A_536 : vector<16xf32>
      %get3A_538 = arith.constant 12 : i32
      %get3A_539 = arith.index_cast %get3A_538 : i32 to index
      %get3A_540 = arith.index_cast %add3A_401 : i32 to index
      %get3A_541 = arith.constant 48 : index
      %get3A_542 = tpu.vector_load %arg7[%get3A_539, %get3A_540, %get3A_541] {strides = array<i32>} : memref<13x16x256xf32, #tpu.memory_space<vmem>>, vector<1x1x16xf32>,
      %get3A_543 = vector.shape_cast %get3A_542 : vector<1x1x16xf32> to vector<16xf32>
      %get3A_544 = arith.constant 12 : i32
      %get3A_545 = arith.index_cast %get3A_544 : i32 to index
      %get3A_546 = arith.index_cast %add3A_401 : i32 to index
      %get3A_547 = arith.constant 176 : index
      %get3A_548 = tpu.vector_load %arg7[%get3A_545, %get3A_546, %get3A_547] {strides = array<i32>} : memref<13x16x256xf32, #tpu.memory_space<vmem>>, vector<1x1x16xf32>,
      %get3A_549 = vector.shape_cast %get3A_548 : vector<1x1x16xf32> to vector<16xf32>
      %abs3A_550 = math.absf %get3A_549 : vector<16xf32>
      %get3A_551 = arith.constant 2 : i32
      %get3A_552 = arith.index_cast %get3A_551 : i32 to index
      %get3A_553 = arith.index_cast %add3A_401 : i32 to index
      %get3A_554 = arith.constant 48 : index
      %get3A_555 = tpu.vector_load %arg8[%get3A_552, %get3A_553, %get3A_554] {strides = array<i32>} : memref<3x16x128xf32, #tpu.memory_space<vmem>>, vector<1x1x16xf32>,
      %get3A_556 = vector.shape_cast %get3A_555 : vector<1x1x16xf32> to vector<16xf32>
      %add3A_557 = arith.addf %get3A_530, %get3A_556 : vector<16xf32>
      %sub3A_558 = arith.subf %add3A_557, %get3A_543 : vector<16xf32>
      %abs3A_559 = math.absf %sub3A_558 : vector<16xf32>
      %sub3A_560 = arith.subf %abs3A_559, %abs3A_537 : vector<16xf32>
      %sub3A_561 = arith.subf %sub3A_560, %abs3A_550 : vector<16xf32>
      %max3A_562 = arith.constant 0.000000e+00 : f32
      %max3A_563 = vector.broadcast %max3A_562 : f32 to vector<16xf32>
      %max3A_564 = arith.maximumf %sub3A_561, %max3A_563 : vector<16xf32>
      %mul3A_565 = arith.mulf %max3A_564, %max3A_564 : vector<16xf32>
      %add3A_566 = arith.addf %add3A_524, %mul3A_565 : vector<16xf32>
      %get3A_567 = arith.constant 11 : i32
      %get3A_568 = arith.index_cast %get3A_567 : i32 to index
      %get3A_569 = arith.index_cast %add3A_401 : i32 to index
      %get3A_570 = arith.constant 64 : index
      %get3A_571 = tpu.vector_load %arg7[%get3A_568, %get3A_569, %get3A_570] {strides = array<i32>} : memref<13x16x256xf32, #tpu.memory_space<vmem>>, vector<1x1x16xf32>,
      %get3A_572 = vector.shape_cast %get3A_571 : vector<1x1x16xf32> to vector<16xf32>
      %get3A_573 = arith.constant 11 : i32
      %get3A_574 = arith.index_cast %get3A_573 : i32 to index
      %get3A_575 = arith.index_cast %add3A_401 : i32 to index
      %get3A_576 = arith.constant 192 : index
      %get3A_577 = tpu.vector_load %arg7[%get3A_574, %get3A_575, %get3A_576] {strides = array<i32>} : memref<13x16x256xf32, #tpu.memory_space<vmem>>, vector<1x1x16xf32>,
      %get3A_578 = vector.shape_cast %get3A_577 : vector<1x1x16xf32> to vector<16xf32>
      %abs3A_579 = math.absf %get3A_578 : vector<16xf32>
      %get3A_580 = arith.constant 12 : i32
      %get3A_581 = arith.index_cast %get3A_580 : i32 to index
      %get3A_582 = arith.index_cast %add3A_401 : i32 to index
      %get3A_583 = arith.constant 64 : index
      %get3A_584 = tpu.vector_load %arg7[%get3A_581, %get3A_582, %get3A_583] {strides = array<i32>} : memref<13x16x256xf32, #tpu.memory_space<vmem>>, vector<1x1x16xf32>,
      %get3A_585 = vector.shape_cast %get3A_584 : vector<1x1x16xf32> to vector<16xf32>
      %get3A_586 = arith.constant 12 : i32
      %get3A_587 = arith.index_cast %get3A_586 : i32 to index
      %get3A_588 = arith.index_cast %add3A_401 : i32 to index
      %get3A_589 = arith.constant 192 : index
      %get3A_590 = tpu.vector_load %arg7[%get3A_587, %get3A_588, %get3A_589] {strides = array<i32>} : memref<13x16x256xf32, #tpu.memory_space<vmem>>, vector<1x1x16xf32>,
      %get3A_591 = vector.shape_cast %get3A_590 : vector<1x1x16xf32> to vector<16xf32>
      %abs3A_592 = math.absf %get3A_591 : vector<16xf32>
      %get3A_593 = arith.constant 2 : i32
      %get3A_594 = arith.index_cast %get3A_593 : i32 to index
      %get3A_595 = arith.index_cast %add3A_401 : i32 to index
      %get3A_596 = arith.constant 64 : index
      %get3A_597 = tpu.vector_load %arg8[%get3A_594, %get3A_595, %get3A_596] {strides = array<i32>} : memref<3x16x128xf32, #tpu.memory_space<vmem>>, vector<1x1x16xf32>,
      %get3A_598 = vector.shape_cast %get3A_597 : vector<1x1x16xf32> to vector<16xf32>
      %add3A_599 = arith.addf %get3A_572, %get3A_598 : vector<16xf32>
      %sub3A_600 = arith.subf %add3A_599, %get3A_585 : vector<16xf32>
      %abs3A_601 = math.absf %sub3A_600 : vector<16xf32>
      %sub3A_602 = arith.subf %abs3A_601, %abs3A_579 : vector<16xf32>
      %sub3A_603 = arith.subf %sub3A_602, %abs3A_592 : vector<16xf32>
      %max3A_604 = arith.constant 0.000000e+00 : f32
      %max3A_605 = vector.broadcast %max3A_604 : f32 to vector<16xf32>
      %max3A_606 = arith.maximumf %sub3A_603, %max3A_605 : vector<16xf32>
      %mul3A_607 = arith.mulf %max3A_606, %max3A_606 : vector<16xf32>
      %add3A_608 = arith.addf %add3A_566, %mul3A_607 : vector<16xf32>
      %get3A_609 = arith.constant 11 : i32
      %get3A_610 = arith.index_cast %get3A_609 : i32 to index
      %get3A_611 = arith.index_cast %add3A_401 : i32 to index
      %get3A_612 = arith.constant 80 : index
      %get3A_613 = tpu.vector_load %arg7[%get3A_610, %get3A_611, %get3A_612] {strides = array<i32>} : memref<13x16x256xf32, #tpu.memory_space<vmem>>, vector<1x1x16xf32>,
      %get3A_614 = vector.shape_cast %get3A_613 : vector<1x1x16xf32> to vector<16xf32>
      %get3A_615 = arith.constant 11 : i32
      %get3A_616 = arith.index_cast %get3A_615 : i32 to index
      %get3A_617 = arith.index_cast %add3A_401 : i32 to index
      %get3A_618 = arith.constant 208 : index
      %get3A_619 = tpu.vector_load %arg7[%get3A_616, %get3A_617, %get3A_618] {strides = array<i32>} : memref<13x16x256xf32, #tpu.memory_space<vmem>>, vector<1x1x16xf32>,
      %get3A_620 = vector.shape_cast %get3A_619 : vector<1x1x16xf32> to vector<16xf32>
      %abs3A_621 = math.absf %get3A_620 : vector<16xf32>
      %get3A_622 = arith.constant 12 : i32
      %get3A_623 = arith.index_cast %get3A_622 : i32 to index
      %get3A_624 = arith.index_cast %add3A_401 : i32 to index
      %get3A_625 = arith.constant 80 : index
      %get3A_626 = tpu.vector_load %arg7[%get3A_623, %get3A_624, %get3A_625] {strides = array<i32>} : memref<13x16x256xf32, #tpu.memory_space<vmem>>, vector<1x1x16xf32>,
      %get3A_627 = vector.shape_cast %get3A_626 : vector<1x1x16xf32> to vector<16xf32>
      %get3A_628 = arith.constant 12 : i32
      %get3A_629 = arith.index_cast %get3A_628 : i32 to index
      %get3A_630 = arith.index_cast %add3A_401 : i32 to index
      %get3A_631 = arith.constant 208 : index
      %get3A_632 = tpu.vector_load %arg7[%get3A_629, %get3A_630, %get3A_631] {strides = array<i32>} : memref<13x16x256xf32, #tpu.memory_space<vmem>>, vector<1x1x16xf32>,
      %get3A_633 = vector.shape_cast %get3A_632 : vector<1x1x16xf32> to vector<16xf32>
      %abs3A_634 = math.absf %get3A_633 : vector<16xf32>
      %get3A_635 = arith.constant 2 : i32
      %get3A_636 = arith.index_cast %get3A_635 : i32 to index
      %get3A_637 = arith.index_cast %add3A_401 : i32 to index
      %get3A_638 = arith.constant 80 : index
      %get3A_639 = tpu.vector_load %arg8[%get3A_636, %get3A_637, %get3A_638] {strides = array<i32>} : memref<3x16x128xf32, #tpu.memory_space<vmem>>, vector<1x1x16xf32>,
      %get3A_640 = vector.shape_cast %get3A_639 : vector<1x1x16xf32> to vector<16xf32>
      %add3A_641 = arith.addf %get3A_614, %get3A_640 : vector<16xf32>
      %sub3A_642 = arith.subf %add3A_641, %get3A_627 : vector<16xf32>
      %abs3A_643 = math.absf %sub3A_642 : vector<16xf32>
      %sub3A_644 = arith.subf %abs3A_643, %abs3A_621 : vector<16xf32>
      %sub3A_645 = arith.subf %sub3A_644, %abs3A_634 : vector<16xf32>
      %max3A_646 = arith.constant 0.000000e+00 : f32
      %max3A_647 = vector.broadcast %max3A_646 : f32 to vector<16xf32>
      %max3A_648 = arith.maximumf %sub3A_645, %max3A_647 : vector<16xf32>
      %mul3A_649 = arith.mulf %max3A_648, %max3A_648 : vector<16xf32>
      %add3A_650 = arith.addf %add3A_608, %mul3A_649 : vector<16xf32>
      %get3A_651 = arith.constant 11 : i32
      %get3A_652 = arith.index_cast %get3A_651 : i32 to index
      %get3A_653 = arith.index_cast %add3A_401 : i32 to index
      %get3A_654 = arith.constant 96 : index
      %get3A_655 = tpu.vector_load %arg7[%get3A_652, %get3A_653, %get3A_654] {strides = array<i32>} : memref<13x16x256xf32, #tpu.memory_space<vmem>>, vector<1x1x16xf32>,
      %get3A_656 = vector.shape_cast %get3A_655 : vector<1x1x16xf32> to vector<16xf32>
      %get3A_657 = arith.constant 11 : i32
      %get3A_658 = arith.index_cast %get3A_657 : i32 to index
      %get3A_659 = arith.index_cast %add3A_401 : i32 to index
      %get3A_660 = arith.constant 224 : index
      %get3A_661 = tpu.vector_load %arg7[%get3A_658, %get3A_659, %get3A_660] {strides = array<i32>} : memref<13x16x256xf32, #tpu.memory_space<vmem>>, vector<1x1x16xf32>,
      %get3A_662 = vector.shape_cast %get3A_661 : vector<1x1x16xf32> to vector<16xf32>
      %abs3A_663 = math.absf %get3A_662 : vector<16xf32>
      %get3A_664 = arith.constant 12 : i32
      %get3A_665 = arith.index_cast %get3A_664 : i32 to index
      %get3A_666 = arith.index_cast %add3A_401 : i32 to index
      %get3A_667 = arith.constant 96 : index
      %get3A_668 = tpu.vector_load %arg7[%get3A_665, %get3A_666, %get3A_667] {strides = array<i32>} : memref<13x16x256xf32, #tpu.memory_space<vmem>>, vector<1x1x16xf32>,
      %get3A_669 = vector.shape_cast %get3A_668 : vector<1x1x16xf32> to vector<16xf32>
      %get3A_670 = arith.constant 12 : i32
      %get3A_671 = arith.index_cast %get3A_670 : i32 to index
      %get3A_672 = arith.index_cast %add3A_401 : i32 to index
      %get3A_673 = arith.constant 224 : index
      %get3A_674 = tpu.vector_load %arg7[%get3A_671, %get3A_672, %get3A_673] {strides = array<i32>} : memref<13x16x256xf32, #tpu.memory_space<vmem>>, vector<1x1x16xf32>,
      %get3A_675 = vector.shape_cast %get3A_674 : vector<1x1x16xf32> to vector<16xf32>
      %abs3A_676 = math.absf %get3A_675 : vector<16xf32>
      %get3A_677 = arith.constant 2 : i32
      %get3A_678 = arith.index_cast %get3A_677 : i32 to index
      %get3A_679 = arith.index_cast %add3A_401 : i32 to index
      %get3A_680 = arith.constant 96 : index
      %get3A_681 = tpu.vector_load %arg8[%get3A_678, %get3A_679, %get3A_680] {strides = array<i32>} : memref<3x16x128xf32, #tpu.memory_space<vmem>>, vector<1x1x16xf32>,
      %get3A_682 = vector.shape_cast %get3A_681 : vector<1x1x16xf32> to vector<16xf32>
      %add3A_683 = arith.addf %get3A_656, %get3A_682 : vector<16xf32>
      %sub3A_684 = arith.subf %add3A_683, %get3A_669 : vector<16xf32>
      %abs3A_685 = math.absf %sub3A_684 : vector<16xf32>
      %sub3A_686 = arith.subf %abs3A_685, %abs3A_663 : vector<16xf32>
      %sub3A_687 = arith.subf %sub3A_686, %abs3A_676 : vector<16xf32>
      %max3A_688 = arith.constant 0.000000e+00 : f32
      %max3A_689 = vector.broadcast %max3A_688 : f32 to vector<16xf32>
      %max3A_690 = arith.maximumf %sub3A_687, %max3A_689 : vector<16xf32>
      %mul3A_691 = arith.mulf %max3A_690, %max3A_690 : vector<16xf32>
      %add3A_692 = arith.addf %add3A_650, %mul3A_691 : vector<16xf32>
      %get3A_693 = arith.constant 11 : i32
      %get3A_694 = arith.index_cast %get3A_693 : i32 to index
      %get3A_695 = arith.index_cast %add3A_401 : i32 to index
      %get3A_696 = arith.constant 112 : index
      %get3A_697 = tpu.vector_load %arg7[%get3A_694, %get3A_695, %get3A_696] {strides = array<i32>} : memref<13x16x256xf32, #tpu.memory_space<vmem>>, vector<1x1x16xf32>,
      %get3A_698 = vector.shape_cast %get3A_697 : vector<1x1x16xf32> to vector<16xf32>
      %get3A_699 = arith.constant 11 : i32
      %get3A_700 = arith.index_cast %get3A_699 : i32 to index
      %get3A_701 = arith.index_cast %add3A_401 : i32 to index
      %get3A_702 = arith.constant 240 : index
      %get3A_703 = tpu.vector_load %arg7[%get3A_700, %get3A_701, %get3A_702] {strides = array<i32>} : memref<13x16x256xf32, #tpu.memory_space<vmem>>, vector<1x1x16xf32>,
      %get3A_704 = vector.shape_cast %get3A_703 : vector<1x1x16xf32> to vector<16xf32>
      %abs3A_705 = math.absf %get3A_704 : vector<16xf32>
      %get3A_706 = arith.constant 12 : i32
      %get3A_707 = arith.index_cast %get3A_706 : i32 to index
      %get3A_708 = arith.index_cast %add3A_401 : i32 to index
      %get3A_709 = arith.constant 112 : index
      %get3A_710 = tpu.vector_load %arg7[%get3A_707, %get3A_708, %get3A_709] {strides = array<i32>} : memref<13x16x256xf32, #tpu.memory_space<vmem>>, vector<1x1x16xf32>,
      %get3A_711 = vector.shape_cast %get3A_710 : vector<1x1x16xf32> to vector<16xf32>
      %get3A_712 = arith.constant 12 : i32
      %get3A_713 = arith.index_cast %get3A_712 : i32 to index
      %get3A_714 = arith.index_cast %add3A_401 : i32 to index
      %get3A_715 = arith.constant 240 : index
      %get3A_716 = tpu.vector_load %arg7[%get3A_713, %get3A_714, %get3A_715] {strides = array<i32>} : memref<13x16x256xf32, #tpu.memory_space<vmem>>, vector<1x1x16xf32>,
      %get3A_717 = vector.shape_cast %get3A_716 : vector<1x1x16xf32> to vector<16xf32>
      %abs3A_718 = math.absf %get3A_717 : vector<16xf32>
      %get3A_719 = arith.constant 2 : i32
      %get3A_720 = arith.index_cast %get3A_719 : i32 to index
      %get3A_721 = arith.index_cast %add3A_401 : i32 to index
      %get3A_722 = arith.constant 112 : index
      %get3A_723 = tpu.vector_load %arg8[%get3A_720, %get3A_721, %get3A_722] {strides = array<i32>} : memref<3x16x128xf32, #tpu.memory_space<vmem>>, vector<1x1x16xf32>,
      %get3A_724 = vector.shape_cast %get3A_723 : vector<1x1x16xf32> to vector<16xf32>
      %add3A_725 = arith.addf %get3A_698, %get3A_724 : vector<16xf32>
      %sub3A_726 = arith.subf %add3A_725, %get3A_711 : vector<16xf32>
      %abs3A_727 = math.absf %sub3A_726 : vector<16xf32>
      %sub3A_728 = arith.subf %abs3A_727, %abs3A_705 : vector<16xf32>
      %sub3A_729 = arith.subf %sub3A_728, %abs3A_718 : vector<16xf32>
      %max3A_730 = arith.constant 0.000000e+00 : f32
      %max3A_731 = vector.broadcast %max3A_730 : f32 to vector<16xf32>
      %max3A_732 = arith.maximumf %sub3A_729, %max3A_731 : vector<16xf32>
      %mul3A_733 = arith.mulf %max3A_732, %max3A_732 : vector<16xf32>
      %add3A_734 = arith.addf %add3A_692, %mul3A_733 : vector<16xf32>
      %add3A_735 = arith.constant 48 : i32
      %add3A_736 = arith.addi %add3A_735, %add3A_401 : i32
      %swap3A_737 = arith.index_cast %add3A_736 : i32 to index
      %swap3A_738 = arith.constant 0 : index
      %swap3A_739 = tpu.vector_load %arg9[%swap3A_737, %swap3A_738] {strides = array<i32>} : memref<68x16xf32, #tpu.memory_space<vmem>>, vector<1x16xf32>,
      %swap3A_740 = vector.shape_cast %swap3A_739 : vector<1x16xf32> to vector<16xf32>
      %swap3A_741 = vector.shape_cast %add3A_734 : vector<16xf32> to vector<1x16xf32>
      tpu.vector_store %arg9[%swap3A_737, %swap3A_738], %swap3A_741 {strides = array<i32>} : memref<68x16xf32, #tpu.memory_space<vmem>>, vector<1x16xf32>,
      %scan3A_742 = arith.constant 0 : i32
      scf.yield %scan3A_742 : i32
    }
    %scan3A_372 = arith.constant 16 : i32
    %swap3A = arith.constant 64 : i32
    %swap3A_373 = arith.index_cast %swap3A : i32 to index
    %swap3A_374 = arith.constant 0 : index
    %swap3A_375 = tpu.vector_load %arg9[%swap3A_373, %swap3A_374] {strides = array<i32>} : memref<68x16xf32, #tpu.memory_space<vmem>>, vector<1x16xf32>,
    %swap3A_376 = vector.shape_cast %swap3A_375 : vector<1x16xf32> to vector<16xf32>
    %swap3A_377 = vector.shape_cast %scan3A_226 : vector<16xf32> to vector<1x16xf32>
    tpu.vector_store %arg9[%swap3A_373, %swap3A_374], %swap3A_377 {strides = array<i32>} : memref<68x16xf32, #tpu.memory_space<vmem>>, vector<1x16xf32>,
    %swap3A_378 = arith.constant 65 : i32
    %swap3A_379 = arith.index_cast %swap3A_378 : i32 to index
    %swap3A_380 = arith.constant 0 : index
    %swap3A_381 = tpu.vector_load %arg9[%swap3A_379, %swap3A_380] {strides = array<i32>} : memref<68x16xf32, #tpu.memory_space<vmem>>, vector<1x16xf32>,
    %swap3A_382 = vector.shape_cast %swap3A_381 : vector<1x16xf32> to vector<16xf32>
    %swap3A_383 = vector.shape_cast %scan3A_287 : vector<16xf32> to vector<1x16xf32>
    tpu.vector_store %arg9[%swap3A_379, %swap3A_380], %swap3A_383 {strides = array<i32>} : memref<68x16xf32, #tpu.memory_space<vmem>>, vector<1x16xf32>,
    %swap3A_384 = arith.constant 66 : i32
    %swap3A_385 = arith.index_cast %swap3A_384 : i32 to index
    %swap3A_386 = arith.constant 0 : index
    %swap3A_387 = tpu.vector_load %arg9[%swap3A_385, %swap3A_386] {strides = array<i32>} : memref<68x16xf32, #tpu.memory_space<vmem>>, vector<1x16xf32>,
    %swap3A_388 = vector.shape_cast %swap3A_387 : vector<1x16xf32> to vector<16xf32>
    %swap3A_389 = vector.shape_cast %scan3A_317 : vector<16xf32> to vector<1x16xf32>
    tpu.vector_store %arg9[%swap3A_385, %swap3A_386], %swap3A_389 {strides = array<i32>} : memref<68x16xf32, #tpu.memory_space<vmem>>, vector<1x16xf32>,
    %swap3A_390 = arith.constant 67 : i32
    %swap3A_391 = arith.index_cast %swap3A_390 : i32 to index
    %swap3A_392 = arith.constant 0 : index
    %swap3A_393 = tpu.vector_load %arg9[%swap3A_391, %swap3A_392] {strides = array<i32>} : memref<68x16xf32, #tpu.memory_space<vmem>>, vector<1x16xf32>,
    %swap3A_394 = vector.shape_cast %swap3A_393 : vector<1x16xf32> to vector<16xf32>
    %swap3A_395 = vector.shape_cast %broadcast_in_dim3A_207 : vector<16xf32> to vector<1x16xf32>
    tpu.vector_store %arg9[%swap3A_391, %swap3A_392], %swap3A_395 {strides = array<i32>} : memref<68x16xf32, #tpu.memory_space<vmem>>, vector<1x16xf32>,
    "tpu.region"() ({
      %run_scoped3A = tpu.sem_alloc : memref<!tpu.dma_semaphore, #tpu.memory_space<semaphore_mem>>
      %dma_start3A_396 = arith.constant 0 : i32
      %dma_start3A_397 = arith.constant 0 : i32
      %dma_start3A_398 = tpu.memref_slice %arg5[%add3A, %dma_start3A_396, %dma_start3A_397] : memref<32x68x16xf32, #tpu.memory_space<hbm>> -> memref<1x68x16xf32, #tpu.memory_space<hbm>>
      %dma_start3A_399 = tpu.memref_squeeze %dma_start3A_398 : memref<1x68x16xf32, #tpu.memory_space<hbm>> -> memref<68x16xf32, #tpu.memory_space<hbm>>
      %dma_start3A_400 = arith.constant 0 : i32
      %dma_start3A_401 = arith.constant 0 : i32
      %dma_start3A_402 = tpu.memref_slice %arg5[%add3A, %dma_start3A_400, %dma_start3A_401] : memref<32x68x16xf32, #tpu.memory_space<hbm>> -> memref<1x68x16xf32, #tpu.memory_space<hbm>>
      %dma_start3A_403 = tpu.memref_squeeze %dma_start3A_402 : memref<1x68x16xf32, #tpu.memory_space<hbm>> -> memref<68x16xf32, #tpu.memory_space<hbm>>
      tpu.enqueue_dma source(%arg9 : memref<68x16xf32, #tpu.memory_space<vmem>>) target(%dma_start3A_403 : memref<68x16xf32, #tpu.memory_space<hbm>>) target_semaphore(%run_scoped3A : memref<!tpu.dma_semaphore, #tpu.memory_space<semaphore_mem>>)
      %dma_wait3A_404 = arith.constant 0 : i32
      %dma_wait3A_405 = arith.constant 0 : i32
      %dma_wait3A_406 = tpu.memref_slice %arg5[%add3A, %dma_wait3A_404, %dma_wait3A_405] : memref<32x68x16xf32, #tpu.memory_space<hbm>> -> memref<1x68x16xf32, #tpu.memory_space<hbm>>
      %dma_wait3A_407 = tpu.memref_squeeze %dma_wait3A_406 : memref<1x68x16xf32, #tpu.memory_space<hbm>> -> memref<68x16xf32, #tpu.memory_space<hbm>>
      %dma_wait3A_408 = arith.constant 0 : i32
      %dma_wait3A_409 = arith.constant 0 : i32
      %dma_wait3A_410 = tpu.memref_slice %arg5[%add3A, %dma_wait3A_408, %dma_wait3A_409] : memref<32x68x16xf32, #tpu.memory_space<hbm>> -> memref<1x68x16xf32, #tpu.memory_space<hbm>>
      %dma_wait3A_411 = tpu.memref_squeeze %dma_wait3A_410 : memref<1x68x16xf32, #tpu.memory_space<hbm>> -> memref<68x16xf32, #tpu.memory_space<hbm>>
      tpu.wait_dma2 semaphore(%run_scoped3A : memref<!tpu.dma_semaphore, #tpu.memory_space<semaphore_mem>>) src(%arg9 : memref<68x16xf32, #tpu.memory_space<vmem>>) dst(%dma_wait3A_411 : memref<68x16xf32, #tpu.memory_space<hbm>>)
      tpu.yield
    }) : () -> ()
    return
  }
}

module attributes {stable_mosaic.version = 14 : i64} {
  func.func @_combine_body(%arg0: memref<32x68x16xf32, #tpu.memory_space<vmem>>, %arg1: memref<1x1xf32, #tpu.memory_space<smem>>) attributes {dimension_semantics = [], scalar_prefetch = 0 : i64, scratch_operands = 0 : i64, tpu.core_type = #tpu.core_type<tc>} {
    %get3A = arith.constant 0 : index
    %get3A_0 = arith.constant 0 : index
    %get3A_1 = arith.constant 0 : index
    %get3A_2 = vector.load %arg0[%get3A, %get3A_0, %get3A_1] : memref<32x68x16xf32, #tpu.memory_space<vmem>>, vector<32x68x16xf32>
    %slice3A = vector.extract_strided_slice %get3A_2 {offsets = [0, 0, 0], sizes = [32, 16, 16], strides = [1, 1, 1]} : vector<32x68x16xf32> to vector<32x16x16xf32>
    %reduce_sum3A = arith.constant dense<0.000000e+00> : vector<32x16xf32>
    %reduce_sum3A_3 = vector.multi_reduction <add>, %slice3A, %reduce_sum3A [2] : vector<32x16x16xf32> to vector<32x16xf32>
    %slice3A_4 = vector.extract_strided_slice %get3A_2 {offsets = [0, 16, 0], sizes = [32, 16, 16], strides = [1, 1, 1]} : vector<32x68x16xf32> to vector<32x16x16xf32>
    %reduce_sum3A_5 = arith.constant dense<0.000000e+00> : vector<32x16xf32>
    %reduce_sum3A_6 = vector.multi_reduction <add>, %slice3A_4, %reduce_sum3A_5 [2] : vector<32x16x16xf32> to vector<32x16xf32>
    %slice3A_7 = vector.extract_strided_slice %get3A_2 {offsets = [0, 32, 0], sizes = [32, 16, 16], strides = [1, 1, 1]} : vector<32x68x16xf32> to vector<32x16x16xf32>
    %reduce_sum3A_8 = arith.constant dense<0.000000e+00> : vector<32x16xf32>
    %reduce_sum3A_9 = vector.multi_reduction <add>, %slice3A_7, %reduce_sum3A_8 [2] : vector<32x16x16xf32> to vector<32x16xf32>
    %slice3A_10 = vector.extract_strided_slice %get3A_2 {offsets = [0, 48, 0], sizes = [32, 16, 16], strides = [1, 1, 1]} : vector<32x68x16xf32> to vector<32x16x16xf32>
    %reduce_sum3A_11 = arith.constant dense<0.000000e+00> : vector<32x16xf32>
    %reduce_sum3A_12 = vector.multi_reduction <add>, %slice3A_10, %reduce_sum3A_11 [2] : vector<32x16x16xf32> to vector<32x16xf32>
    %slice3A_13 = vector.extract_strided_slice %get3A_2 {offsets = [0, 64, 0], sizes = [32, 1, 16], strides = [1, 1, 1]} : vector<32x68x16xf32> to vector<32x1x16xf32>
    %squeeze3A = vector.shape_cast %slice3A_13 : vector<32x1x16xf32> to vector<32x16xf32>
    %reduce_sum3A_14 = vector.shape_cast %squeeze3A : vector<32x16xf32> to vector<1x32x16xf32>
    %reduce_sum3A_15 = arith.constant dense<0.000000e+00> : vector<1xf32>
    %reduce_sum3A_16 = vector.multi_reduction <add>, %reduce_sum3A_14, %reduce_sum3A_15 [1, 2] : vector<1x32x16xf32> to vector<1xf32>
    %reduce_sum3A_17 = vector.shape_cast %reduce_sum3A_16 : vector<1xf32> to vector<1x1x1xf32>
    %reduce_sum3A_18 = vector.extract %reduce_sum3A_17[0, 0, 0] : f32 from vector<1x1x1xf32>
    %slice3A_19 = vector.extract_strided_slice %get3A_2 {offsets = [0, 65, 0], sizes = [32, 1, 16], strides = [1, 1, 1]} : vector<32x68x16xf32> to vector<32x1x16xf32>
    %squeeze3A_20 = vector.shape_cast %slice3A_19 : vector<32x1x16xf32> to vector<32x16xf32>
    %reduce_sum3A_21 = vector.shape_cast %squeeze3A_20 : vector<32x16xf32> to vector<1x32x16xf32>
    %reduce_sum3A_22 = arith.constant dense<0.000000e+00> : vector<1xf32>
    %reduce_sum3A_23 = vector.multi_reduction <add>, %reduce_sum3A_21, %reduce_sum3A_22 [1, 2] : vector<1x32x16xf32> to vector<1xf32>
    %reduce_sum3A_24 = vector.shape_cast %reduce_sum3A_23 : vector<1xf32> to vector<1x1x1xf32>
    %reduce_sum3A_25 = vector.extract %reduce_sum3A_24[0, 0, 0] : f32 from vector<1x1x1xf32>
    %slice3A_26 = vector.extract_strided_slice %get3A_2 {offsets = [0, 66, 0], sizes = [32, 1, 16], strides = [1, 1, 1]} : vector<32x68x16xf32> to vector<32x1x16xf32>
    %squeeze3A_27 = vector.shape_cast %slice3A_26 : vector<32x1x16xf32> to vector<32x16xf32>
    %reduce_sum3A_28 = vector.shape_cast %squeeze3A_27 : vector<32x16xf32> to vector<1x32x16xf32>
    %reduce_sum3A_29 = arith.constant dense<0.000000e+00> : vector<1xf32>
    %reduce_sum3A_30 = vector.multi_reduction <add>, %reduce_sum3A_28, %reduce_sum3A_29 [1, 2] : vector<1x32x16xf32> to vector<1xf32>
    %reduce_sum3A_31 = vector.shape_cast %reduce_sum3A_30 : vector<1xf32> to vector<1x1x1xf32>
    %reduce_sum3A_32 = vector.extract %reduce_sum3A_31[0, 0, 0] : f32 from vector<1x1x1xf32>
    %sqrt3A = math.sqrt %reduce_sum3A_3 : vector<32x16xf32>
    %sqrt3A_33 = math.sqrt %reduce_sum3A_6 : vector<32x16xf32>
    %reduce_sum3A_34 = vector.shape_cast %sqrt3A : vector<32x16xf32> to vector<1x32x16xf32>
    %reduce_sum3A_35 = arith.constant dense<0.000000e+00> : vector<1xf32>
    %reduce_sum3A_36 = vector.multi_reduction <add>, %reduce_sum3A_34, %reduce_sum3A_35 [1, 2] : vector<1x32x16xf32> to vector<1xf32>
    %reduce_sum3A_37 = vector.shape_cast %reduce_sum3A_36 : vector<1xf32> to vector<1x1x1xf32>
    %reduce_sum3A_38 = vector.extract %reduce_sum3A_37[0, 0, 0] : f32 from vector<1x1x1xf32>
    %reduce_sum3A_39 = vector.shape_cast %reduce_sum3A_3 : vector<32x16xf32> to vector<1x32x16xf32>
    %reduce_sum3A_40 = arith.constant dense<0.000000e+00> : vector<1xf32>
    %reduce_sum3A_41 = vector.multi_reduction <add>, %reduce_sum3A_39, %reduce_sum3A_40 [1, 2] : vector<1x32x16xf32> to vector<1xf32>
    %reduce_sum3A_42 = vector.shape_cast %reduce_sum3A_41 : vector<1xf32> to vector<1x1x1xf32>
    %reduce_sum3A_43 = vector.extract %reduce_sum3A_42[0, 0, 0] : f32 from vector<1x1x1xf32>
    %reduce_sum3A_44 = vector.shape_cast %sqrt3A_33 : vector<32x16xf32> to vector<1x32x16xf32>
    %reduce_sum3A_45 = arith.constant dense<0.000000e+00> : vector<1xf32>
    %reduce_sum3A_46 = vector.multi_reduction <add>, %reduce_sum3A_44, %reduce_sum3A_45 [1, 2] : vector<1x32x16xf32> to vector<1xf32>
    %reduce_sum3A_47 = vector.shape_cast %reduce_sum3A_46 : vector<1xf32> to vector<1x1x1xf32>
    %reduce_sum3A_48 = vector.extract %reduce_sum3A_47[0, 0, 0] : f32 from vector<1x1x1xf32>
    %reduce_sum3A_49 = vector.shape_cast %reduce_sum3A_6 : vector<32x16xf32> to vector<1x32x16xf32>
    %reduce_sum3A_50 = arith.constant dense<0.000000e+00> : vector<1xf32>
    %reduce_sum3A_51 = vector.multi_reduction <add>, %reduce_sum3A_49, %reduce_sum3A_50 [1, 2] : vector<1x32x16xf32> to vector<1xf32>
    %reduce_sum3A_52 = vector.shape_cast %reduce_sum3A_51 : vector<1xf32> to vector<1x1x1xf32>
    %reduce_sum3A_53 = vector.extract %reduce_sum3A_52[0, 0, 0] : f32 from vector<1x1x1xf32>
    %sqrt3A_54 = math.sqrt %reduce_sum3A_9 : vector<32x16xf32>
    %sub3A = arith.constant 2.000000e+00 : f32
    %sub3A_55 = vector.broadcast %sub3A : f32 to vector<32x16xf32>
    %sub3A_56 = arith.subf %sub3A_55, %sqrt3A_54 : vector<32x16xf32>
    %max3A = arith.constant 0.000000e+00 : f32
    %max3A_57 = vector.broadcast %max3A : f32 to vector<32x16xf32>
    %max3A_58 = arith.maximumf %sub3A_56, %max3A_57 : vector<32x16xf32>
    %integer_pow3A = arith.mulf %max3A_58, %max3A_58 : vector<32x16xf32>
    %reduce_sum3A_59 = vector.shape_cast %integer_pow3A : vector<32x16xf32> to vector<1x32x16xf32>
    %reduce_sum3A_60 = arith.constant dense<0.000000e+00> : vector<1xf32>
    %reduce_sum3A_61 = vector.multi_reduction <add>, %reduce_sum3A_59, %reduce_sum3A_60 [1, 2] : vector<1x32x16xf32> to vector<1xf32>
    %reduce_sum3A_62 = vector.shape_cast %reduce_sum3A_61 : vector<1xf32> to vector<1x1x1xf32>
    %reduce_sum3A_63 = vector.extract %reduce_sum3A_62[0, 0, 0] : f32 from vector<1x1x1xf32>
    %sqrt3A_64 = math.sqrt %reduce_sum3A_12 : vector<32x16xf32>
    %reduce_sum3A_65 = vector.shape_cast %sqrt3A_64 : vector<32x16xf32> to vector<1x32x16xf32>
    %reduce_sum3A_66 = arith.constant dense<0.000000e+00> : vector<1xf32>
    %reduce_sum3A_67 = vector.multi_reduction <add>, %reduce_sum3A_65, %reduce_sum3A_66 [1, 2] : vector<1x32x16xf32> to vector<1xf32>
    %reduce_sum3A_68 = vector.shape_cast %reduce_sum3A_67 : vector<1xf32> to vector<1x1x1xf32>
    %reduce_sum3A_69 = vector.extract %reduce_sum3A_68[0, 0, 0] : f32 from vector<1x1x1xf32>
    %reduce_sum3A_70 = vector.shape_cast %reduce_sum3A_12 : vector<32x16xf32> to vector<1x32x16xf32>
    %reduce_sum3A_71 = arith.constant dense<0.000000e+00> : vector<1xf32>
    %reduce_sum3A_72 = vector.multi_reduction <add>, %reduce_sum3A_70, %reduce_sum3A_71 [1, 2] : vector<1x32x16xf32> to vector<1xf32>
    %reduce_sum3A_73 = vector.shape_cast %reduce_sum3A_72 : vector<1xf32> to vector<1x1x1xf32>
    %reduce_sum3A_74 = vector.extract %reduce_sum3A_73[0, 0, 0] : f32 from vector<1x1x1xf32>
    %mul3A = arith.constant 0.001953125 : f32
    %mul3A_75 = arith.mulf %reduce_sum3A_18, %mul3A : f32
    %mul3A_76 = arith.constant 0.001953125 : f32
    %mul3A_77 = arith.mulf %reduce_sum3A_43, %mul3A_76 : f32
    %add3A = arith.addf %mul3A_75, %mul3A_77 : f32
    %mul3A_78 = arith.constant 0.001953125 : f32
    %mul3A_79 = arith.mulf %reduce_sum3A_38, %mul3A_78 : f32
    %mul3A_80 = arith.constant 2.000000e+00 : f32
    %mul3A_81 = arith.mulf %mul3A_80, %mul3A_79 : f32
    %mul3A_82 = arith.constant 0.001953125 : f32
    %mul3A_83 = arith.mulf %reduce_sum3A_48, %mul3A_82 : f32
    %mul3A_84 = arith.mulf %mul3A_81, %mul3A_83 : f32
    %add3A_85 = arith.addf %add3A, %mul3A_84 : f32
    %mul3A_86 = arith.constant 0.001953125 : f32
    %mul3A_87 = arith.mulf %reduce_sum3A_53, %mul3A_86 : f32
    %add3A_88 = arith.addf %add3A_85, %mul3A_87 : f32
    %mul3A_89 = arith.constant 0.001953125 : f32
    %mul3A_90 = arith.mulf %reduce_sum3A_63, %mul3A_89 : f32
    %add3A_91 = arith.addf %add3A_88, %mul3A_90 : f32
    %mul3A_92 = arith.constant 0.001953125 : f32
    %mul3A_93 = arith.mulf %reduce_sum3A_25, %mul3A_92 : f32
    %add3A_94 = arith.addf %add3A_91, %mul3A_93 : f32
    %mul3A_95 = arith.constant 0.001953125 : f32
    %mul3A_96 = arith.mulf %reduce_sum3A_32, %mul3A_95 : f32
    %add3A_97 = arith.addf %add3A_94, %mul3A_96 : f32
    %add3A_98 = arith.constant 4.000000e+00 : f32
    %add3A_99 = arith.addf %add3A_97, %add3A_98 : f32
    %mul3A_100 = arith.constant 4.000000e+00 : f32
    %mul3A_101 = arith.mulf %mul3A_100, %reduce_sum3A_69 : f32
    %mul3A_102 = arith.constant 0.001953125 : f32
    %mul3A_103 = arith.mulf %mul3A_101, %mul3A_102 : f32
    %sub3A_104 = arith.subf %add3A_99, %mul3A_103 : f32
    %mul3A_105 = arith.constant 0.001953125 : f32
    %mul3A_106 = arith.mulf %reduce_sum3A_74, %mul3A_105 : f32
    %add3A_107 = arith.addf %sub3A_104, %mul3A_106 : f32
    %swap3A = arith.constant 0 : index
    %swap3A_108 = arith.constant 0 : index
    %swap3A_109 = memref.load %arg1[%swap3A, %swap3A_108] : memref<1x1xf32, #tpu.memory_space<smem>>
    memref.store %add3A_107, %arg1[%swap3A, %swap3A_108] : memref<1x1xf32, #tpu.memory_space<smem>>
    return
  }
}

</mosaic_0001>

<sc_bundles>
// kernel: kernel.4.cloned.1.call-start
scs
__scs_entry_jumppad:
0x0: {  	(pc) =	sbr.rel $0x88, $3  }
0x1: {  	(tag) =	ssettag $0x0;
	lr =	simm.s32 $0x1  }
0x2: {  	[smem:$0x3F99] =	sst lr;
	_ =	strace $0xD0000000  }
0x3: {  	_ = 	snop  }
0x4: {  	_ = 	snop  }
0x5: {  	_ = 	snop  }
0x6: {  	_ = 	snop  }
0x7: {  	_ = 	snop  }
__scs_overlays_trampoline_lowered:
0x8: {  	[smem:$0x3FA8] =	sst s0  }
0x9: {  	[smem:$0x3FA9] =	sst s1  }
0xa: {  	[smem:$0x3FAA] =	sst s2  }
0xb: {  	[smem:$0x3FAB] =	sst s3  }
0xc: {  	[smem:$0x3FAC] =	sst s4  }
0xd: {  	[smem:$0x3FAD] =	sst s5  }
0xe: {  	[smem:$0x3FAE] =	sst s6  }
0xf: {  	[smem:$0x3FAF] =	sst s7  }
0x10: {  	[smem:$0x3FB0] =	sst s8  }
0x11: {  	[smem:$0x3FB1] =	sst s9;
	s0 =	simm.s32 @!p0 $0x0  }
0x12: {  	s1 =	sld [smem:$0x3F97];
	s0 =	simm.s32 @p0 $0x1  }
0x13: {  	[smem:$0x3FB2] =	sst s0;
	s0 =	simm.s32 @!p1 $0x0  }
0x14: {  	s2 =	sld [smem:$0x3F96];
	s0 =	simm.s32 @p1 $0x1  }
0x15: {  	[smem:$0x3FB3] =	sst s0;
	s0 =	simm.s32 @!p2 $0x0  }
0x16: {  	s3 =	sld [smem:$0x3FDB];
	s0 =	simm.s32 @p2 $0x1  }
0x17: {  	s4 =	simm.s32 $0x1BF5;
	[smem:$0x3FB5] =	sst s0  }
0x18: {  	s0 =	sld [smem:$0x3F98];
	_ =	swait.ge [sflag:s4], $0x0  }
0x19: {  	s7 =	sld [smem:$0x3F99]  }
0x1a: {  	s8 =	sadd.s32 $0xFFFFE003, lr  }
0x1b: {  	s9 =	sadd.s32 $0xFFFFFEF7, lr;
	s5 =	simm.s32 $0xFFFFFFFF;
	p2 =	slt.u32 s8, $0xFFFFF086  }
0x1c: {  	p1 =	slt.u32 s9, $0xF7A;
	s5 =	simm.s32 @!p2 $0x0  }
0x1d: {  	s5 =	simm.s32 @p1 $0x1;
	p0 =	seq.s32 s7, s2  }
0x1e: {  	s7 =	smul.u32 @!p0 $0xF7A, s2;
	p2 =	seq.s32 @!p0 s5, $0x0  }
0x1f: {  	s9 =	smul.u32 $0xF7A, s1;
	s8 =	simm.s32 @!p0 $0x1BF5;
	p2 =	por !p2, p0  }
0x20: {  	[sflag:s8] =	ssyncset.s32 @!p0 $0xFFFFF086;
	s6 =	sadd.s32 @!p0 s3, s7;
	s7 =	simm.s32 @!p0 $0x108  }
0x21: {  	s3 =	sadd.s32 s3, s9;
	s6 =	sadd.s32 @!p0 $0x88, s6;
	s7 =	simm.s32 @p2 $0x1082  }
0x22: {  	[simem:s7], [sflag:s8] =	dma.local @!p0 [hbm:s6], $0xF7A  }
0x23: {  	s9 =	sor.u32 $0xD0000000, s2;
	s6 =	simm.s32 $0x108;
	_ =	swait.ge @!p0 [sflag:s8], $0x0  }
0x24: {  	s3 =	sadd.s32 $0x88, s3;
	s6 =	simm.s32 @!p1 $0x1082;
	[sflag:s4] =	ssyncset.s32 $0xFFFFF086  }
0x25: {  	[simem:s6], [sflag:s4] =	dma.local [hbm:s3], $0xF7A  }
0x26: {  	[smem:$0x3F99] =	sst s1;
	(tag) =	ssettag s2;
	_ =	strace s9  }
0x27: {  	s1 =	sld [smem:$0x3FA9]  }
0x28: {  	s2 =	sld [smem:$0x3FAA]  }
0x29: {  	s4 =	sld [smem:$0x3FAC]  }
0x2a: {  	p0 =	seq.s32 s5, $0x0;
	s5 =	sld [smem:$0x3FAD]  }
0x2b: {  	s6 =	sld [smem:$0x3FAE]  }
0x2c: {  	s7 =	sld [smem:$0x3FAF]  }
0x2d: {  	s3 =	simm.s32 $0x108;
	s8 =	sld [smem:$0x3FB0]  }
0x2e: {  	s3 =	simm.s32 @!p0 $0x1082;
	s9 =	sld [smem:$0x3FB1]  }
0x2f: {  	lr =	sadd.s32 s0, s3;
	s0 =	sld [smem:$0x3FA8]  }
0x30: {  	s3 =	sld [smem:$0x3FAB]  }
0x31: {  	[smem:$0x3FB4] =	sst s10  }
0x32: {  	s10 =	sld [smem:$0x3FB2];
	_ =	sdelay $0x3  }
0x33: {  	p0 =	seq.s32 s10, $0x1;
	s10 =	sld [smem:$0x3FB4];
	_ =	sdelay $0x3  }
0x34: {  	[smem:$0x3FB4] =	sst s10  }
0x35: {  	s10 =	sld [smem:$0x3FB3];
	_ =	sdelay $0x3  }
0x36: {  	p1 =	seq.s32 s10, $0x1;
	s10 =	sld [smem:$0x3FB4];
	_ =	sdelay $0x3  }
0x37: {  	[smem:$0x3FB4] =	sst s10  }
0x38: {  	s10 =	sld [smem:$0x3FB5]  }
0x39: {  	_ = 	snop;
	(pc) =	sbr.ind lr, $3  }
0x3a: {  	_ = 	snop  }
0x3b: {  	_ = 	snop  }
0x3c: {  	p2 =	seq.s32 s10, $0x1;
	s10 =	sld [smem:$0x3FB4]  }
0x3d: {  	_ =	shalt  }
0x3e: {  	_ =	shalt  }
0x3f: {  	_ =	shalt  }
0x40: {  	_ =	shalt  }
0x41: {  	_ =	shalt  }
0x42: {  	_ =	shalt  }
0x43: {  	_ =	shalt  }
0x44: {  	_ =	shalt  }
0x45: {  	_ =	shalt  }
0x46: {  	_ =	shalt  }
0x47: {  	_ =	shalt  }
0x48: {  	_ =	shalt  }
0x49: {  	_ =	shalt  }
0x4a: {  	_ =	shalt  }
0x4b: {  	_ =	shalt  }
0x4c: {  	_ =	shalt  }
0x4d: {  	_ =	shalt  }
0x4e: {  	_ =	shalt  }
0x4f: {  	_ =	shalt  }
0x50: {  	_ =	shalt  }
0x51: {  	_ =	shalt  }
0x52: {  	_ =	shalt  }
0x53: {  	_ =	shalt  }
0x54: {  	_ =	shalt  }
0x55: {  	_ =	shalt  }
0x56: {  	_ =	shalt  }
0x57: {  	_ =	shalt  }
0x58: {  	_ =	shalt  }
0x59: {  	_ =	shalt  }
0x5a: {  	_ =	shalt  }
0x5b: {  	_ =	shalt  }
0x5c: {  	_ =	shalt  }
0x5d: {  	_ =	shalt  }
0x5e: {  	_ =	shalt  }
0x5f: {  	_ =	shalt  }
0x60: {  	_ =	shalt  }
0x61: {  	_ =	shalt  }
0x62: {  	_ =	shalt  }
0x63: {  	_ =	shalt  }
0x64: {  	_ =	shalt  }
0x65: {  	_ =	shalt  }
0x66: {  	_ =	shalt  }
0x67: {  	_ =	shalt  }
0x68: {  	_ =	shalt  }
0x69: {  	_ =	shalt  }
0x6a: {  	_ =	shalt  }
0x6b: {  	_ =	shalt  }
0x6c: {  	_ =	shalt  }
0x6d: {  	_ =	shalt  }
0x6e: {  	_ =	shalt  }
0x6f: {  	_ =	shalt  }
0x70: {  	_ =	shalt  }
0x71: {  	_ =	shalt  }
0x72: {  	_ =	shalt  }
0x73: {  	_ =	shalt  }
0x74: {  	_ =	shalt  }
0x75: {  	_ =	shalt  }
0x76: {  	_ =	shalt  }
0x77: {  	_ =	shalt  }
0x78: {  	_ =	shalt  }
0x79: {  	_ =	shalt  }
0x7a: {  	_ =	shalt  }
0x7b: {  	_ =	shalt  }
0x7c: {  	_ =	shalt  }
0x7d: {  	_ =	shalt  }
0x7e: {  	_ =	shalt  }
0x7f: {  	_ =	shalt  }
0x80: {  	_ =	shalt  }
0x81: {  	_ =	shalt  }
0x82: {  	_ =	shalt  }
0x83: {  	_ =	shalt  }
0x84: {  	_ =	shalt  }
0x85: {  	_ =	shalt  }
0x86: {  	_ =	shalt  }
0x87: {  	_ =	shalt  }
.Lfunc_end0:
.L_simem_size_0:
called_computation_lowered:
.L_overlay_start_0:
0x88: {  	s2 =	sld [smem:$0x3FD9]  }
0x89: {  	s3 =	sld [smem:$0x3FFE];
	_ =	sdelay $0x1  }
0x8a: {  	s1 =	srdreg.scid  }
0x8b: {  	s0 =	sand.u32 $0x1, s1  }
0x8c: {  	s17 =	sshll.u32 s0, $0xA;
	s2 =	sadd.s32 s3, s2  }
0x8d: {  	s2 =	sadd.s32 s2, s17  }
0x8e: {  	[smem:$0x3FC0] =	sst s2  }
0x8f: {  	_ = 	snop  }
0x90: {  	s2 =	sld [smem:$0x3FC3]  }
0x91: {  	s18 =	sld [smem:$0x3FC2];
	(tm) =	ssettm $0x1  }
0x92: {  	s4 =	sld [smem:$0x3FFB];
	_ =	sdelay $0x3  }
0x93: {  	_ =	strace s4  }
0x94: {  	s4 =	sld [smem:$0x3FFC];
	_ =	sdelay $0x3  }
0x95: {  	_ =	strace s4  }
0x96: {  	s4 =	sld [smem:$0x3FFD];
	_ =	sdelay $0x3  }
0x97: {  	_ =	strace s4  }
0x98: {  	_ =	strace $0x8FFFFFFF  }
0x99: {  	s19 =	sld [smem:$0x3FDB];
	_ =	sdelay $0x1  }
0x9a: {  	s5 =	simm.s32 $_scs_section_size  }
0x9b: {  	s6 =	simm.s32 $_size__tile_overlayer_lowered;
	s7 =	simm.s32 $_tile_overlayer_lowered  }
0x9c: {  	s22 =	simm.s32 $0x1BFF;
	s21 =	sshll.u32 s7, $0x1;
	s4 =	sadd.s32 s5, s19  }
0x9d: {  	s8 =	simm.s32 $0x0;
	s20 =	sshll.u32 s6, $0x1;
	s6 =	sadd.s32 s21, s4  }
0x9e: {  	[timem:s8], [sflag:s22] =	dma.local [hbm:s6], s20  }
0x9f: {  	_ =	swait.ge [sflag:s22], s20  }
0xa0: {  	s5 =	ssub.s32 $0x0, s20;
	[sflag:s22] =	ssyncset.done $0x0  }
0xa1: {  	[sflag:s22] =	ssyncadd.s32 s5;
	_ =	sdelay $0x1  }
0xa2: {  	s23 =	simm.s32 $0x1B8B  }
0xa3: {  	_ =	swait.ge [sflag:s23], $0x1  }
0xa4: {  	[sflag:s23] =	ssyncset.done $0x0  }
0xa5: {  	s25 =	simm.s32 $0x1B8E;
	s24 =	sld [smem:$0x3FFE];
	[sflag:s23] =	ssyncadd.s32 $0xFFFFFFFF  }
0xa6: {  	s26 =	simm.s32 $execute0_lowered;
	[smem:$0x3FD2] =	sst s25  }
0xa7: {  	s6 =	sshll.u32 s26, $0x1;
	_ =	strace $0x80000046;
	[dreg:$0x1] =	wrdreg $0xFFFFFFFF  }
0xa8: {  	s28 =	simm.s32 $_size_execute0_lowered;
	s4 =	sadd.s32 s4, s6;
	[dreg:$0x0] =	wrdreg $0x0  }
0xa9: {  	s6 =	sshll.u32 s28, $0x1;
	[dreg:$0x2] =	wrdreg s4  }
0xaa: {  	[dreg:$0x3] =	wrdreg s6  }
0xab: {  	[dreg:$0x4] =	wrdreg $0xC0  }
0xac: {  	_ =	task [dreg:s8], $0x5FFFF  }
0xad: {  	[dreg:$0x1] =	wrdreg $0xFFFFFFFF  }
0xae: {  	[dreg:$0x0] =	wrdreg $0x60  }
0xaf: {  	[dreg:$0x2] =	wrdreg s24  }
0xb0: {  	[dreg:$0x3] =	wrdreg s2  }
0xb1: {  	[dreg:$0x4] =	wrdreg s18  }
0xb2: {  	[dreg:$0x5] =	wrdreg $0x9  }
0xb3: {  	_ =	task.clear_ibuf [dreg:s8], $0x6FFFF;
	_ =	strace $0x90000046  }
0xb4: {  	s29 =	simm.s32 $0x9;
	_ =	strace $0x80000048  }
0xb5: {  	_ =	swait.ge [sflag:s29], $0x1  }
0xb6: {  	[sflag:s29] =	ssyncadd.s32 $0xFFFFFFFF  }
0xb7: {  	_ =	strace $0x90000048  }
0xb8: {  	_ =	sfence  }
0xb9: {  	s30 =	sld [smem:$0x0];
	_ =	sdelay $0x2  }
0xba: {  	s31 =	sshll.u32 s1, $0xD;
	s1 =	sshrl.u32 s1, $0x2  }
0xbb: {  	s3 =	sand.u32 $0x4000, s31;
	s1 =	sadd.s32 s1, s30  }
0xbc: {  	s0 =	sor.u32 s3, s0;
	s1 =	sshll.u32 s1, $0x11  }
0xbd: {  	s0 =	sor.u32 s1, s0  }
0xbe: {  	s0 =	sadd.s32 $0x8F2B, s0  }
0xbf: {  	[sflag:s0] =	ssyncadd.remote.s32 $0x1  }
0xc0: {  	_ =	sfence.sel $0xFFFF  }
0xc1: {  	[dreg:$0x0] =	wrdreg $0xFFFFFFFF;
	(pc) =	sbr.abs _section_cstart, $3  }
0xc2: {  	[dreg:$0x1] =	wrdreg $0xFFFFFFFF  }
0xc3: {  	_ =	task.clear_ibuf [dreg:s8], $0x2FFFF;
	_ =	strace $0x9FFFFFFF  }
0xc4: {  	(tm) =	ssettm $0x7FFFFFFF  }
0xc5: {  	_ =	shalt  }
tec
execute0_lowered:
.L_overlay_start_1:
0x0: {  	(tag) =	ssettag $0x1  }
0x1: {  	s0 =	rddreg [dreg:$0x0]  }
0x2: {  	s2 =	rddreg [dreg:$0x1]  }
0x3: {  	s1 =	srdreg.scid;
	s4 =	stileid.u32  }
0x4: {  	s3 =	rddreg [dreg:$0x2];
	s8 =	simm.s32 $0x7;
	s9 =	simm.s32 $0xB800  }
0x5: {  	s10 =	simm.s32 $0xC000;
	s11 =	simm.s32 $0xC800;
	s12 =	simm.s32 $0xD000  }
0x6: {  	s13 =	simm.s32 $0xE800;
	s14 =	simm.s32 $0x1;
	s15 =	simm.s32 $0x2  }
0x7: {  	s16 =	simm.s32 $0x3;
	s17 =	simm.s32 $0x4;
	s18 =	simm.s32 $0x5  }
0x8: {  	s19 =	simm.s32 $0x6;
	s20 =	simm.s32 $0xF000;
	s21 =	simm.s32 $0x0  }
0x9: {  	s1 =	sand.u32 $0x1, s1;
	s5 =	sshll.u32 s4, $0x1;
	s4 =	simm.s32 $0x0  }
0xa: {  	s5 =	sor.u32 s1, s5;
	[smem:$0x7FF] =	sst s4;
	s1 =	ssub.s32 $0x2, s1  }
0xb: {  	s6 =	smul.u32 $0x480, s5;
	s5 =	sshll.u32 s5, $0x8;
	s31 =	sshrl.u32 s1, $0x1  }
0xc: {  	v2 =	vlaneseq.u32;
	_ =	strace $0x80000047;
	s5 =	sadd.s32 s5, s0;
	s1 =	ssub.s32 s1, s31  }
0xd: {  	vm0 =	vmmov $0xffff;
	v3 =	vimm.f32 $0.0e+00;
	v1 =	vshrl.u32 v2, $0x3;
	s0 =	sadd.s32 s6, s0;
	s5 =	sadd.s32 $0x600, s5;
	s7 =	smax.u32 s1, $0x1  }
0xe: {  	v0 =	vand.u32 $0x7, v2;
	v2 =	vor.u32 $0x8, v2;
	v1 =	vmul.u32 $0x8, v1;
	s1 =	simm.s32 $0xA800;
	s6 =	sadd.s32 $0x2600, s0;
	s0 =	simm.s32 $0xB000  }
.LBB2_1:
0xf: {  	[tilespmem:s4], [sflag:$0x7] =	stream.linear.gather [hbm4b:s5+s4], $0x800, $0x38;
	[tilespmem:$0x11400] =	vst v63  }
0x10: {  	_ =	swait.ge [sflag:s8], $0x800  }
0x11: {  	[sflag:s8] =	ssyncset.done $0x0  }
0x12: {  	[sflag:s8] =	ssyncadd.s32 $0xFFFFF800  }
0x13: {  	v4 =	vld [tilespmem:$0x0];
	_ =	sdelay $0x4  }
0x14: {  	v5 =	vshll.u32 v4, $0x1  }
0x15: {  	v4 =	vand.u32 $0x7, v4;
	v5 =	vand.u32 $0xFFFFFFF0, v5  }
0x16: {  	v4 =	vor.u32 v4, v5  }
0x17: {  	v5 =	vperm.xlane v4, v0;
	_ =	sdelay $0x1  }
0x18: {  	v4 =	vperm.xlane v4, v2;
	v5 =	vadd.s32 v1, v5;
	_ =	sdelay $0x1  }
0x19: {  	v4 =	vadd.s32 v1, v4;
	_ =	sdelay $0x1  }
0x1a: {  	s22 =	simm.s32 $0x800  }
0x1b: {  	[tilespmem:s22], [sflag:$0x1] =	stream.indirect_vreg.gather [hbm4b:s2+s4], $0x80, v5, vm0, $0xb8;
	[tilespmem:$0x11400] =	vst v63  }
0x1c: {  	s25 =	simm.s32 $0x1000  }
0x1d: {  	[tilespmem:s25], [sflag:$0x1] =	stream.indirect_vreg.gather [hbm4b:s2+s4], $0x80, v4, vm0, $0xb8;
	[tilespmem:$0x11400] =	vst v63  }
0x1e: {  	v4 =	vld [tilespmem:$0x80];
	_ =	sdelay $0x4  }
0x1f: {  	v5 =	vshll.u32 v4, $0x1  }
0x20: {  	v4 =	vand.u32 $0x7, v4;
	v5 =	vand.u32 $0xFFFFFFF0, v5  }
0x21: {  	v4 =	vor.u32 v4, v5  }
0x22: {  	v5 =	vperm.xlane v4, v0;
	_ =	sdelay $0x1  }
0x23: {  	v4 =	vperm.xlane v4, v2;
	v5 =	vadd.s32 v1, v5;
	_ =	sdelay $0x1  }
0x24: {  	v4 =	vadd.s32 v1, v4;
	_ =	sdelay $0x1  }
0x25: {  	s26 =	simm.s32 $0x1800  }
0x26: {  	[tilespmem:s26], [sflag:$0x1] =	stream.indirect_vreg.gather [hbm4b:s2+s4], $0x80, v5, vm0, $0xb8;
	[tilespmem:$0x11400] =	vst v63  }
0x27: {  	s28 =	simm.s32 $0x2000  }
0x28: {  	[tilespmem:s28], [sflag:$0x1] =	stream.indirect_vreg.gather [hbm4b:s2+s4], $0x80, v4, vm0, $0xb8;
	[tilespmem:$0x11400] =	vst v63  }
0x29: {  	v4 =	vld [tilespmem:$0x100];
	_ =	sdelay $0x4  }
0x2a: {  	v5 =	vshll.u32 v4, $0x1  }
0x2b: {  	v4 =	vand.u32 $0x7, v4;
	v5 =	vand.u32 $0xFFFFFFF0, v5  }
0x2c: {  	v4 =	vor.u32 v4, v5  }
0x2d: {  	v5 =	vperm.xlane v4, v0;
	_ =	sdelay $0x1  }
0x2e: {  	v4 =	vperm.xlane v4, v2;
	v5 =	vadd.s32 v1, v5;
	_ =	sdelay $0x1  }
0x2f: {  	v4 =	vadd.s32 v1, v4;
	_ =	sdelay $0x1  }
0x30: {  	s29 =	simm.s32 $0x2800  }
0x31: {  	[tilespmem:s29], [sflag:$0x2] =	stream.indirect_vreg.gather [hbm4b:s2+s4], $0x80, v5, vm0, $0xb8;
	[tilespmem:$0x11400] =	vst v63  }
0x32: {  	s30 =	simm.s32 $0x3000  }
0x33: {  	[tilespmem:s30], [sflag:$0x2] =	stream.indirect_vreg.gather [hbm4b:s2+s4], $0x80, v4, vm0, $0xb8;
	[tilespmem:$0x11400] =	vst v63  }
0x34: {  	v4 =	vld [tilespmem:$0x180];
	_ =	sdelay $0x4  }
0x35: {  	v5 =	vshll.u32 v4, $0x1  }
0x36: {  	v4 =	vand.u32 $0x7, v4;
	v5 =	vand.u32 $0xFFFFFFF0, v5  }
0x37: {  	v4 =	vor.u32 v4, v5  }
0x38: {  	v5 =	vperm.xlane v4, v0;
	_ =	sdelay $0x1  }
0x39: {  	v4 =	vperm.xlane v4, v2;
	v5 =	vadd.s32 v1, v5;
	_ =	sdelay $0x1  }
0x3a: {  	v4 =	vadd.s32 v1, v4;
	_ =	sdelay $0x1  }
0x3b: {  	s31 =	simm.s32 $0x3800  }
0x3c: {  	[tilespmem:s31], [sflag:$0x2] =	stream.indirect_vreg.gather [hbm4b:s2+s4], $0x80, v5, vm0, $0xb8;
	[tilespmem:$0x11400] =	vst v63  }
0x3d: {  	s23 =	simm.s32 $0x4000  }
0x3e: {  	[tilespmem:s23], [sflag:$0x2] =	stream.indirect_vreg.gather [hbm4b:s2+s4], $0x80, v4, vm0, $0xb8;
	[tilespmem:$0x11400] =	vst v63  }
0x3f: {  	v4 =	vld [tilespmem:$0x200];
	_ =	sdelay $0x4  }
0x40: {  	v5 =	vshll.u32 v4, $0x1  }
0x41: {  	v4 =	vand.u32 $0x7, v4;
	v5 =	vand.u32 $0xFFFFFFF0, v5  }
0x42: {  	v4 =	vor.u32 v4, v5  }
0x43: {  	v5 =	vperm.xlane v4, v0;
	_ =	sdelay $0x1  }
0x44: {  	v4 =	vperm.xlane v4, v2;
	v5 =	vadd.s32 v1, v5;
	_ =	sdelay $0x1  }
0x45: {  	v4 =	vadd.s32 v1, v4;
	_ =	sdelay $0x1  }
0x46: {  	s24 =	simm.s32 $0x4800  }
0x47: {  	[tilespmem:s24], [sflag:$0x2] =	stream.indirect_vreg.gather [hbm4b:s2+s4], $0x80, v5, vm0, $0xb8;
	[tilespmem:$0x11400] =	vst v63  }
0x48: {  	s25 =	simm.s32 $0x5000  }
0x49: {  	[tilespmem:s25], [sflag:$0x2] =	stream.indirect_vreg.gather [hbm4b:s2+s4], $0x80, v4, vm0, $0xb8;
	[tilespmem:$0x11400] =	vst v63  }
0x4a: {  	v4 =	vld [tilespmem:$0x280];
	_ =	sdelay $0x4  }
0x4b: {  	v5 =	vshll.u32 v4, $0x1  }
0x4c: {  	v4 =	vand.u32 $0x7, v4;
	v5 =	vand.u32 $0xFFFFFFF0, v5  }
0x4d: {  	v4 =	vor.u32 v4, v5  }
0x4e: {  	v5 =	vperm.xlane v4, v0;
	_ =	sdelay $0x1  }
0x4f: {  	v4 =	vperm.xlane v4, v2;
	v5 =	vadd.s32 v1, v5;
	_ =	sdelay $0x1  }
0x50: {  	v4 =	vadd.s32 v1, v4;
	_ =	sdelay $0x1  }
0x51: {  	s26 =	simm.s32 $0x5800  }
0x52: {  	[tilespmem:s26], [sflag:$0x3] =	stream.indirect_vreg.gather [hbm4b:s2+s4], $0x80, v5, vm0, $0xb8;
	[tilespmem:$0x11400] =	vst v63  }
0x53: {  	s28 =	simm.s32 $0x6000  }
0x54: {  	[tilespmem:s28], [sflag:$0x3] =	stream.indirect_vreg.gather [hbm4b:s2+s4], $0x80, v4, vm0, $0xb8;
	[tilespmem:$0x11400] =	vst v63  }
0x55: {  	v4 =	vld [tilespmem:$0x380];
	_ =	sdelay $0x4  }
0x56: {  	v5 =	vshll.u32 v4, $0x1  }
0x57: {  	v4 =	vand.u32 $0x7, v4;
	v5 =	vand.u32 $0xFFFFFFF0, v5  }
0x58: {  	v4 =	vor.u32 v4, v5  }
0x59: {  	v5 =	vperm.xlane v4, v0;
	_ =	sdelay $0x1  }
0x5a: {  	v4 =	vperm.xlane v4, v2;
	v5 =	vadd.s32 v1, v5;
	_ =	sdelay $0x1  }
0x5b: {  	v4 =	vadd.s32 v1, v4;
	_ =	sdelay $0x1  }
0x5c: {  	s29 =	simm.s32 $0x6800  }
0x5d: {  	[tilespmem:s29], [sflag:$0x3] =	stream.indirect_vreg.gather [hbm4b:s2+s4], $0x80, v5, vm0, $0xb8;
	[tilespmem:$0x11400] =	vst v63  }
0x5e: {  	s30 =	simm.s32 $0x7000  }
0x5f: {  	[tilespmem:s30], [sflag:$0x3] =	stream.indirect_vreg.gather [hbm4b:s2+s4], $0x80, v4, vm0, $0xb8;
	[tilespmem:$0x11400] =	vst v63  }
0x60: {  	v4 =	vld [tilespmem:$0x300];
	_ =	sdelay $0x6  }
0x61: {  	s31 =	simm.s32 $0xD800  }
0x62: {  	[tilespmem:s31], [sflag:$0x3] =	stream.indirect_vreg.gather [hbm4b:s3+s4], $0x80, v4, vm0, $0xb8;
	[tilespmem:$0x11400] =	vst v63  }
0x63: {  	v4 =	vld [tilespmem:$0x480];
	_ =	sdelay $0x4  }
0x64: {  	v5 =	vshll.u32 v4, $0x1  }
0x65: {  	v4 =	vand.u32 $0x7, v4;
	v5 =	vand.u32 $0xFFFFFFF0, v5  }
0x66: {  	v4 =	vor.u32 v4, v5  }
0x67: {  	v5 =	vperm.xlane v4, v0;
	_ =	sdelay $0x1  }
0x68: {  	v4 =	vperm.xlane v4, v2;
	v5 =	vadd.s32 v1, v5;
	_ =	sdelay $0x1  }
0x69: {  	v4 =	vadd.s32 v1, v4;
	_ =	sdelay $0x1  }
0x6a: {  	s23 =	simm.s32 $0x7800  }
0x6b: {  	[tilespmem:s23], [sflag:$0x4] =	stream.indirect_vreg.gather [hbm4b:s2+s4], $0x80, v5, vm0, $0xb8;
	[tilespmem:$0x11400] =	vst v63  }
0x6c: {  	s24 =	simm.s32 $0x8000  }
0x6d: {  	[tilespmem:s24], [sflag:$0x4] =	stream.indirect_vreg.gather [hbm4b:s2+s4], $0x80, v4, vm0, $0xb8;
	[tilespmem:$0x11400] =	vst v63  }
0x6e: {  	v4 =	vld [tilespmem:$0x500];
	_ =	sdelay $0x4  }
0x6f: {  	v5 =	vshll.u32 v4, $0x1  }
0x70: {  	v4 =	vand.u32 $0x7, v4;
	v5 =	vand.u32 $0xFFFFFFF0, v5  }
0x71: {  	v4 =	vor.u32 v4, v5  }
0x72: {  	v5 =	vperm.xlane v4, v0;
	_ =	sdelay $0x1  }
0x73: {  	v4 =	vperm.xlane v4, v2;
	v5 =	vadd.s32 v1, v5;
	_ =	sdelay $0x1  }
0x74: {  	v4 =	vadd.s32 v1, v4;
	_ =	sdelay $0x1  }
0x75: {  	s25 =	simm.s32 $0x8800  }
0x76: {  	[tilespmem:s25], [sflag:$0x4] =	stream.indirect_vreg.gather [hbm4b:s2+s4], $0x80, v5, vm0, $0xb8;
	[tilespmem:$0x11400] =	vst v63  }
0x77: {  	s26 =	simm.s32 $0x9000  }
0x78: {  	[tilespmem:s26], [sflag:$0x4] =	stream.indirect_vreg.gather [hbm4b:s2+s4], $0x80, v4, vm0, $0xb8;
	[tilespmem:$0x11400] =	vst v63  }
0x79: {  	v4 =	vld [tilespmem:$0x400];
	_ =	sdelay $0x6  }
0x7a: {  	s28 =	simm.s32 $0xE000  }
0x7b: {  	[tilespmem:s28], [sflag:$0x4] =	stream.indirect_vreg.gather [hbm4b:s3+s4], $0x80, v4, vm0, $0xb8;
	[tilespmem:$0x11400] =	vst v63  }
0x7c: {  	v4 =	vld [tilespmem:$0x580];
	_ =	sdelay $0x4  }
0x7d: {  	v5 =	vshll.u32 v4, $0x1  }
0x7e: {  	v4 =	vand.u32 $0x7, v4;
	v5 =	vand.u32 $0xFFFFFFF0, v5  }
0x7f: {  	v4 =	vor.u32 v4, v5  }
0x80: {  	v5 =	vperm.xlane v4, v0;
	_ =	sdelay $0x1  }
0x81: {  	v4 =	vperm.xlane v4, v2;
	v5 =	vadd.s32 v1, v5;
	_ =	sdelay $0x1  }
0x82: {  	v4 =	vadd.s32 v1, v4;
	_ =	sdelay $0x1  }
0x83: {  	s29 =	simm.s32 $0x9800  }
0x84: {  	[tilespmem:s29], [sflag:$0x5] =	stream.indirect_vreg.gather [hbm4b:s2+s4], $0x80, v5, vm0, $0xb8;
	[tilespmem:$0x11400] =	vst v63  }
0x85: {  	s30 =	simm.s32 $0xA000  }
0x86: {  	[tilespmem:s30], [sflag:$0x5] =	stream.indirect_vreg.gather [hbm4b:s2+s4], $0x80, v4, vm0, $0xb8;
	[tilespmem:$0x11400] =	vst v63  }
0x87: {  	v4 =	vld [tilespmem:$0x600];
	_ =	sdelay $0x4  }
0x88: {  	v5 =	vshll.u32 v4, $0x1  }
0x89: {  	v4 =	vand.u32 $0x7, v4;
	v5 =	vand.u32 $0xFFFFFFF0, v5  }
0x8a: {  	v4 =	vor.u32 v4, v5  }
0x8b: {  	v5 =	vperm.xlane v4, v0;
	_ =	sdelay $0x1  }
0x8c: {  	v4 =	vperm.xlane v4, v2;
	v5 =	vadd.s32 v1, v5;
	_ =	sdelay $0x1  }
0x8d: {  	v4 =	vadd.s32 v1, v4;
	_ =	sdelay $0x2  }
0x8e: {  	[tilespmem:s1], [sflag:$0x5] =	stream.indirect_vreg.gather [hbm4b:s2+s4], $0x80, v5, vm0, $0xb8;
	[tilespmem:$0x11400] =	vst v63  }
0x8f: {  	_ = 	snop  }
0x90: {  	[tilespmem:s0], [sflag:$0x5] =	stream.indirect_vreg.gather [hbm4b:s2+s4], $0x80, v4, vm0, $0xb8;
	[tilespmem:$0x11400] =	vst v63  }
0x91: {  	v4 =	vld [tilespmem:$0x680];
	_ =	sdelay $0x4  }
0x92: {  	v5 =	vshll.u32 v4, $0x1  }
0x93: {  	v4 =	vand.u32 $0x7, v4;
	v5 =	vand.u32 $0xFFFFFFF0, v5  }
0x94: {  	v4 =	vor.u32 v4, v5  }
0x95: {  	v5 =	vperm.xlane v4, v0;
	_ =	sdelay $0x1  }
0x96: {  	v4 =	vperm.xlane v4, v2;
	v5 =	vadd.s32 v1, v5;
	_ =	sdelay $0x1  }
0x97: {  	v4 =	vadd.s32 v1, v4;
	_ =	sdelay $0x2  }
0x98: {  	[tilespmem:s9], [sflag:$0x6] =	stream.indirect_vreg.gather [hbm4b:s2+s4], $0x80, v5, vm0, $0xb8;
	[tilespmem:$0x11400] =	vst v63  }
0x99: {  	_ = 	snop  }
0x9a: {  	[tilespmem:s10], [sflag:$0x6] =	stream.indirect_vreg.gather [hbm4b:s2+s4], $0x80, v4, vm0, $0xb8;
	[tilespmem:$0x11400] =	vst v63  }
0x9b: {  	v4 =	vld [tilespmem:$0x780];
	_ =	sdelay $0x4  }
0x9c: {  	v5 =	vshll.u32 v4, $0x1  }
0x9d: {  	v4 =	vand.u32 $0x7, v4;
	v5 =	vand.u32 $0xFFFFFFF0, v5  }
0x9e: {  	v4 =	vor.u32 v4, v5  }
0x9f: {  	v5 =	vperm.xlane v4, v0;
	_ =	sdelay $0x1  }
0xa0: {  	v4 =	vperm.xlane v4, v2;
	v5 =	vadd.s32 v1, v5;
	_ =	sdelay $0x1  }
0xa1: {  	v4 =	vadd.s32 v1, v4;
	_ =	sdelay $0x2  }
0xa2: {  	[tilespmem:s11], [sflag:$0x6] =	stream.indirect_vreg.gather [hbm4b:s2+s4], $0x80, v5, vm0, $0xb8;
	[tilespmem:$0x11400] =	vst v63  }
0xa3: {  	_ = 	snop  }
0xa4: {  	[tilespmem:s12], [sflag:$0x6] =	stream.indirect_vreg.gather [hbm4b:s2+s4], $0x80, v4, vm0, $0xb8;
	[tilespmem:$0x11400] =	vst v63  }
0xa5: {  	v4 =	vld [tilespmem:$0x700];
	_ =	sdelay $0x7  }
0xa6: {  	[tilespmem:s13], [sflag:$0x6] =	stream.indirect_vreg.gather [hbm4b:s3+s4], $0x80, v4, vm0, $0xb8;
	[tilespmem:$0x11400] =	vst v63  }
0xa7: {  	_ =	swait.ge [sflag:s14], $0x1000  }
0xa8: {  	[sflag:s14] =	ssyncset.done $0x0  }
0xa9: {  	[sflag:s14] =	ssyncadd.s32 $0xFFFFF000  }
0xaa: {  	_ =	swait.ge [sflag:s14], $0x1000  }
0xab: {  	s31 =	sand.u32 $0x800, s4;
	s23 =	sand.u32 $0x380, s4;
	[sflag:s14] =	ssyncset.done $0x0  }
0xac: {  	s22 =	sor.u32 s31, s4;
	s23 =	sor.u32 s23, s31;
	[sflag:s14] =	ssyncadd.s32 $0xFFFFF000  }
0xad: {  	s22 =	sor.u32 $0x1400, s22;
	v6 =	vld [tilespmem:s23+$0xC70]  }
0xae: {  	v5 =	vld [tilespmem:s22+$0x860]  }
0xaf: {  	v7 =	vld [tilespmem:s23+$0xC60]  }
0xb0: {  	v8 =	vld [tilespmem:s23+$0x870]  }
0xb1: {  	v10 =	vld [tilespmem:s23+$0x1870]  }
0xb2: {  	v9 =	vld [tilespmem:s22+$0x850]  }
0xb3: {  	v12 =	vld [tilespmem:s23+$0xC50]  }
0xb4: {  	v14 =	vld [tilespmem:s23+$0x860]  }
0xb5: {  	v16 =	vld [tilespmem:s23+$0x1860]  }
0xb6: {  	v15 =	vld [tilespmem:s22+$0x840]  }
0xb7: {  	v19 =	vld [tilespmem:s23+$0xC40]  }
0xb8: {  	v17 =	vld [tilespmem:s23+$0x850]  }
0xb9: {  	v20 =	vld [tilespmem:s23+$0x1850]  }
0xba: {  	v23 =	vld [tilespmem:s22+$0x830]  }
0xbb: {  	v24 =	vld [tilespmem:s23+$0xC30]  }
0xbc: {  	v18 =	vld [tilespmem:s23+$0x840]  }
0xbd: {  	v21 =	vld [tilespmem:s23+$0x1840]  }
0xbe: {  	v13 =	vld [tilespmem:s23+$0xC20]  }
0xbf: {  	v11 =	vld [tilespmem:s23+$0x830]  }
0xc0: {  	v25 =	vld [tilespmem:s23+$0xC10]  }
0xc1: {  	v22 =	vld [tilespmem:s23+$0x820]  }
0xc2: {  	s24 =	simm.s32 $0x100;
	s25 =	simm.s32 $0x0;
	v4 =	vimm.f32 $0.0e+00;
	v26 =	vld [tilespmem:s23+$0xC00]  }
.LBB2_2:
0xc3: {  	p0 =	sne.s32 s24, $0xF00;
	v27 =	vld [tilespmem:s23+$0x800]  }
0xc4: {  	v28 =	vld [tilespmem:s23+$0x1800]  }
0xc5: {  	v29 =	vld [tilespmem:s23+$0x810]  }
0xc6: {  	v31 =	vand.u32 $0x7FFFFFFF, v6;
	v30 =	vld [tilespmem:s23+$0x1810]  }
0xc7: {  	v33 =	vand.u32 $0x7FFFFFFF, v7;
	v34 =	vand.u32 $0x7FFFFFFF, v5;
	v35 =	vsub.f32 v8, v10;
	v32 =	vld [tilespmem:s23+$0x1820]  }
0xc8: {  	v36 =	vand.u32 $0x7FFFFFFF, v12;
	v37 =	vand.u32 $0x7FFFFFFF, v9;
	v38 =	vsub.f32 v14, v16;
	v5 =	vld [tilespmem:s22+$0x800]  }
0xc9: {  	v16 =	vand.u32 $0x7FFFFFFF, v19;
	v19 =	vand.u32 $0x7FFFFFFF, v15;
	v6 =	vsub.f32 v27, v28;
	v8 =	vld [tilespmem:s23+$0x1830]  }
0xca: {  	v12 =	vand.u32 $0x7FFFFFFF, v24;
	v15 =	vand.u32 $0x7FFFFFFF, v23;
	v17 =	vsub.f32 v17, v20;
	s25 =	sadd.s32 $0x80, s25;
	v9 =	vld [tilespmem:s22+$0x810]  }
0xcb: {  	s26 =	sand.u32 $0x800, s24;
	v7 =	vand.u32 $0x7FFFFFFF, v26;
	s23 =	sand.u32 $0x380, s25;
	v6 =	vand.u32 $0x7FFFFFFF, v6;
	v10 =	vsub.f32 v29, v30;
	v26 =	vld [tilespmem:s22+$0x870]  }
0xcc: {  	v18 =	vsub.f32 v18, v21;
	v14 =	vand.u32 $0x7FFFFFFF, v25;
	s23 =	sor.u32 s23, s26;
	s26 =	sor.u32 s26, s25;
	v7 =	vadd.f32 v6, v7;
	v20 =	vld [tilespmem:s22+$0x820]  }
0xcd: {  	s22 =	sor.u32 $0x1400, s26;
	v22 =	vsub.f32 v22, v32;
	v6 =	vld [tilespmem:s23+$0xC70];
	v21 =	vand.u32 $0x7FFFFFFF, v5;
	v10 =	vand.u32 $0x7FFFFFFF, v10  }
0xce: {  	v13 =	vand.u32 $0x7FFFFFFF, v13;
	v5 =	vld [tilespmem:s22+$0x860];
	v21 =	vsub.f32 v7, v21;
	v10 =	vadd.f32 v10, v14  }
0xcf: {  	v14 =	vand.u32 $0x7FFFFFFF, v22;
	v11 =	vsub.f32 v11, v8;
	v7 =	vld [tilespmem:s23+$0xC60];
	v9 =	vand.u32 $0x7FFFFFFF, v9  }
0xd0: {  	v13 =	vadd.f32 v14, v13;
	v8 =	vld [tilespmem:s23+$0x870];
	v21 =	vmax.f32 v21, $0.0e+00;
	v22 =	vsub.f32 v10, v9  }
0xd1: {  	v11 =	vand.u32 $0x7FFFFFFF, v11;
	v10 =	vld [tilespmem:s23+$0x1870];
	v14 =	vmul.f32 v21, v21;
	v20 =	vand.u32 $0x7FFFFFFF, v20  }
0xd2: {  	v11 =	vadd.f32 v11, v12;
	v9 =	vld [tilespmem:s22+$0x850];
	v21 =	vmax.f32 v22, $0.0e+00;
	v13 =	vsub.f32 v13, v20  }
0xd3: {  	v18 =	vand.u32 $0x7FFFFFFF, v18;
	v12 =	vld [tilespmem:s23+$0xC50];
	v4 =	vadd.f32 v14, v4;
	v20 =	vmul.f32 v21, v21  }
0xd4: {  	v18 =	vadd.f32 v18, v16;
	v11 =	vsub.f32 v11, v15;
	v14 =	vld [tilespmem:s23+$0x860];
	v13 =	vmax.f32 v13, $0.0e+00  }
0xd5: {  	v17 =	vand.u32 $0x7FFFFFFF, v17;
	v16 =	vld [tilespmem:s23+$0x1860];
	v4 =	vadd.f32 v20, v4;
	v13 =	vmul.f32 v13, v13  }
0xd6: {  	v18 =	vsub.f32 v18, v19;
	v11 =	vmax.f32 v11, $0.0e+00;
	v20 =	vadd.f32 v17, v36;
	v15 =	vld [tilespmem:s22+$0x840]  }
0xd7: {  	v11 =	vmul.f32 v11, v11;
	v19 =	vld [tilespmem:s23+$0xC40];
	v4 =	vadd.f32 v13, v4;
	v13 =	vand.u32 $0x7FFFFFFF, v38  }
0xd8: {  	v18 =	vmax.f32 v18, $0.0e+00;
	v21 =	vsub.f32 v20, v37;
	v17 =	vld [tilespmem:s23+$0x850];
	v13 =	vadd.f32 v13, v33  }
0xd9: {  	v20 =	vld [tilespmem:s23+$0x1850];
	v4 =	vadd.f32 v11, v4;
	v11 =	vmul.f32 v18, v18;
	v18 =	vand.u32 $0x7FFFFFFF, v35  }
0xda: {  	v21 =	vmax.f32 v21, $0.0e+00;
	v23 =	vld [tilespmem:s22+$0x830];
	v13 =	vsub.f32 v13, v34;
	v22 =	vadd.f32 v18, v31  }
0xdb: {  	v24 =	vld [tilespmem:s23+$0xC30];
	v4 =	vadd.f32 v11, v4;
	v11 =	vmul.f32 v21, v21;
	v21 =	vand.u32 $0x7FFFFFFF, v26  }
0xdc: {  	v18 =	vld [tilespmem:s23+$0x840];
	v13 =	vmax.f32 v13, $0.0e+00;
	v22 =	vsub.f32 v22, v21  }
0xdd: {  	v21 =	vld [tilespmem:s23+$0x1840];
	v4 =	vadd.f32 v11, v4;
	v25 =	vmul.f32 v13, v13  }
.Ltmp0:
0xde: {  	v13 =	vld [tilespmem:s23+$0xC20];
	v22 =	vmax.f32 v22, $0.0e+00;
	(pc) =	sbr.rel @p0 .LBB2_2-.Ltmp0, $4  }
0xdf: {  	v11 =	vld [tilespmem:s23+$0x830];
	v4 =	vadd.f32 v25, v4;
	v26 =	vmul.f32 v22, v22  }
0xe0: {  	v25 =	vld [tilespmem:s23+$0xC10]  }
0xe1: {  	v22 =	vld [tilespmem:s23+$0x820];
	v4 =	vadd.f32 v26, v4  }
0xe2: {  	s24 =	sadd.s32 $0x100, s24;
	v26 =	vld [tilespmem:s23+$0xC00]  }
0xe3: {  	v27 =	vld [tilespmem:s23+$0x800]  }
0xe4: {  	v28 =	vld [tilespmem:s23+$0x1800]  }
0xe5: {  	v29 =	vld [tilespmem:s23+$0x810]  }
0xe6: {  	v30 =	vld [tilespmem:s23+$0x1810]  }
0xe7: {  	v6 =	vand.u32 $0x7FFFFFFF, v6;
	v31 =	vld [tilespmem:s23+$0x1820]  }
0xe8: {  	v7 =	vand.u32 $0x7FFFFFFF, v7;
	v5 =	vand.u32 $0x7FFFFFFF, v5;
	v8 =	vsub.f32 v8, v10;
	v10 =	vld [tilespmem:s22+$0x800]  }
0xe9: {  	v12 =	vand.u32 $0x7FFFFFFF, v12;
	v9 =	vand.u32 $0x7FFFFFFF, v9;
	v14 =	vsub.f32 v14, v16;
	v16 =	vld [tilespmem:s23+$0x1830]  }
0xea: {  	v19 =	vand.u32 $0x7FFFFFFF, v19;
	v15 =	vand.u32 $0x7FFFFFFF, v15;
	v62 =	vld [tilespmem:s22+$0x810];
	v27 =	vsub.f32 v27, v28  }
0xeb: {  	v24 =	vand.u32 $0x7FFFFFFF, v24;
	v23 =	vand.u32 $0x7FFFFFFF, v23;
	v17 =	vsub.f32 v17, v20;
	v20 =	vld [tilespmem:s22+$0x870]  }
0xec: {  	v63 =	vld [tilespmem:s22+$0x820];
	_ =	swait.ge [sflag:s15], $0x1000;
	v26 =	vand.u32 $0x7FFFFFFF, v26;
	v29 =	vsub.f32 v29, v30;
	v27 =	vand.u32 $0x7FFFFFFF, v27  }
0xed: {  	v18 =	vsub.f32 v18, v21;
	[sflag:s15] =	ssyncset.done $0x0;
	v25 =	vand.u32 $0x7FFFFFFF, v25;
	v26 =	vadd.f32 v27, v26  }
0xee: {  	[sflag:s15] =	ssyncadd.s32 $0xFFFFF000;
	v10 =	vand.u32 $0x7FFFFFFF, v10;
	v22 =	vsub.f32 v22, v31;
	v21 =	vand.u32 $0x7FFFFFFF, v29  }
0xef: {  	v13 =	vand.u32 $0x7FFFFFFF, v13;
	_ =	swait.ge [sflag:s15], $0x1000;
	v21 =	vadd.f32 v21, v25;
	v10 =	vsub.f32 v26, v10  }
0xf0: {  	s23 =	simm.s32 $0x0;
	[sflag:s15] =	ssyncset.done $0x0;
	v11 =	vsub.f32 v11, v16;
	v22 =	vand.u32 $0x7FFFFFFF, v22;
	v25 =	vand.u32 $0x7FFFFFFF, v62  }
0xf1: {  	s26 =	sand.u32 $0x800, s23;
	[sflag:s15] =	ssyncadd.s32 $0xFFFFF000;
	v13 =	vadd.f32 v22, v13;
	v16 =	vsub.f32 v21, v25;
	v10 =	vmax.f32 v10, $0.0e+00  }
0xf2: {  	s24 =	sand.u32 $0x380, s23;
	s31 =	sand.u32 $0xFFFFF800, s23;
	_ =	swait.ge [sflag:s15], $0x1000;
	v11 =	vand.u32 $0x7FFFFFFF, v11;
	v21 =	vand.u32 $0x7FFFFFFF, v63;
	v10 =	vmul.f32 v10, v10  }
0xf3: {  	s22 =	sor.u32 s24, s26;
	s24 =	sadd.s32 $0x0, s31;
	[sflag:s15] =	ssyncset.done $0x0;
	v11 =	vadd.f32 v11, v24;
	v13 =	vsub.f32 v13, v21;
	v16 =	vmax.f32 v16, $0.0e+00  }
0xf4: {  	s26 =	sor.u32 $0x3400, s24;
	[sflag:s15] =	ssyncadd.s32 $0xFFFFF000;
	v4 =	vadd.f32 v10, v4;
	v10 =	vmul.f32 v16, v16;
	v16 =	vand.u32 $0x7FFFFFFF, v18  }
0xf5: {  	v11 =	vsub.f32 v11, v23;
	v13 =	vmax.f32 v13, $0.0e+00;
	v18 =	vld [tilespmem:s26+$0x800];
	v16 =	vadd.f32 v16, v19  }
0xf6: {  	v4 =	vadd.f32 v10, v4;
	v10 =	vmul.f32 v13, v13;
	v13 =	vand.u32 $0x7FFFFFFF, v17;
	v17 =	vld [tilespmem:s22+$0x2800]  }
0xf7: {  	s28 =	sor.u32 $0x2400, s24;
	v11 =	vmax.f32 v11, $0.0e+00;
	v15 =	vsub.f32 v16, v15;
	v12 =	vadd.f32 v13, v12;
	v13 =	vld [tilespmem:s22+$0x2830]  }
0xf8: {  	v16 =	vld [tilespmem:s28+$0x800];
	v4 =	vadd.f32 v10, v4;
	v10 =	vmul.f32 v11, v11;
	v11 =	vand.u32 $0x7FFFFFFF, v14  }
0xf9: {  	v15 =	vmax.f32 v15, $0.0e+00;
	v9 =	vsub.f32 v12, v9;
	v7 =	vadd.f32 v11, v7;
	v11 =	vld [tilespmem:s22+$0x2820]  }
0xfa: {  	v8 =	vand.u32 $0x7FFFFFFF, v8;
	v12 =	vld [tilespmem:s22+$0x3830];
	v4 =	vadd.f32 v10, v4;
	v10 =	vmul.f32 v15, v15  }
0xfb: {  	v6 =	vadd.f32 v8, v6;
	v15 =	vld [tilespmem:s28+$0x830];
	v9 =	vmax.f32 v9, $0.0e+00;
	v5 =	vsub.f32 v7, v5  }
0xfc: {  	v7 =	vld [tilespmem:s22+$0x3820];
	v4 =	vadd.f32 v10, v4;
	v8 =	vmul.f32 v9, v9;
	v9 =	vand.u32 $0x7FFFFFFF, v20  }
0xfd: {  	v10 =	vld [tilespmem:s28+$0x820];
	v5 =	vmax.f32 v5, $0.0e+00;
	v6 =	vsub.f32 v6, v9  }
0xfe: {  	v9 =	vld [tilespmem:s26+$0x820];
	v4 =	vadd.f32 v8, v4;
	v5 =	vmul.f32 v5, v5  }
0xff: {  	v8 =	vld [tilespmem:s26+$0x830];
	v6 =	vmax.f32 v6, $0.0e+00  }
0x100: {  	v15 =	vand.u32 $0x7FFFFFFF, v15;
	v4 =	vadd.f32 v5, v4;
	v5 =	vmul.f32 v6, v6;
	v6 =	vld [tilespmem:s26+$0x810]  }
0x101: {  	v14 =	vld [tilespmem:s22+$0x3810];
	v16 =	vand.u32 $0x7FFFFFFF, v16;
	v24 =	vsub.f32 v13, v15  }
0x102: {  	v13 =	vadd.f32 v15, v13;
	v10 =	vand.u32 $0x7FFFFFFF, v10;
	v4 =	vadd.f32 v5, v4  }
0x103: {  	v25 =	vld [tilespmem:s22+$0x3800];
	v9 =	vand.u32 $0x7FFFFFFF, v9;
	v23 =	vadd.f32 v10, v11;
	v10 =	vsub.f32 v11, v10  }
0x104: {  	v5 =	vld [tilespmem:s28+$0x810];
	v11 =	vadd.f32 v16, v17;
	v8 =	vand.u32 $0x7FFFFFFF, v8;
	v20 =	vadd.f32 v9, v7  }
0x105: {  	v19 =	vld [tilespmem:s22+$0x2810];
	v7 =	vsub.f32 v7, v9;
	v21 =	vadd.f32 v8, v12;
	v6 =	vand.u32 $0x7FFFFFFF, v6  }
0x106: {  	v18 =	vand.u32 $0x7FFFFFFF, v18;
	v8 =	vsub.f32 v12, v8;
	v26 =	vsub.f32 v14, v6  }
0x107: {  	v9 =	vmin.f32 v23, v20;
	v6 =	vadd.f32 v6, v14;
	v14 =	vsub.f32 v17, v16  }
0x108: {  	v7 =	vmax.f32 v10, v7;
	v16 =	vadd.f32 v18, v25;
	v18 =	vsub.f32 v25, v18  }
0x109: {  	v17 =	vld [tilespmem:s22+$0x4820];
	v10 =	vadd.f32 v9, v7;
	v7 =	vsub.f32 v7, v9;
	v5 =	vand.u32 $0x7FFFFFFF, v5  }
0x10a: {  	v12 =	vadd.f32 v5, v19;
	v5 =	vsub.f32 v19, v5;
	v11 =	vmin.f32 v11, v16  }
0x10b: {  	s24 =	sor.u32 $0x4400, s24;
	v16 =	vmax.f32 v24, v8;
	v8 =	vmul.f32 $5.000000000e-01, v10;
	v9 =	vand.u32 $0x7FFFFFFF, v7  }
0x10c: {  	v22 =	vld [tilespmem:s24+$0x820];
	v7 =	vmax.f32 v7, $0.0e+00;
	v6 =	vmin.f32 v12, v6;
	v5 =	vmax.f32 v5, v26  }
0x10d: {  	v20 =	vld [tilespmem:s28+$0x840];
	v13 =	vmin.f32 v13, v21;
	v10 =	vmul.f32 v7, v7;
	v21 =	vsub.f32 v5, v6  }
0x10e: {  	v7 =	vmax.f32 v14, v18;
	v14 =	vld [tilespmem:s22+$0x4810];
	v5 =	vadd.f32 v6, v5;
	v6 =	vsub.f32 v8, v17  }
0x10f: {  	v12 =	vld [tilespmem:s26+$0x840];
	v17 =	vmul.f32 $5.000000000e-01, v9  }
0x110: {  	v19 =	vld [tilespmem:s22+$0x3840];
	v8 =	vsub.f32 v16, v13;
	v9 =	vsub.f32 v7, v11;
	v6 =	vand.u32 $0x7FFFFFFF, v6  }
0x111: {  	v15 =	vand.u32 $0x7FFFFFFF, v22;
	v13 =	vadd.f32 v13, v16;
	v6 =	vadd.f32 v6, v17;
	v17 =	vld [tilespmem:s22+$0x2840]  }
0x112: {  	v22 =	vld [tilespmem:s22+$0x4830];
	v7 =	vadd.f32 v11, v7;
	v5 =	vmul.f32 $5.000000000e-01, v5;
	v11 =	vand.u32 $0x7FFFFFFF, v21  }
0x113: {  	v25 =	vld [tilespmem:s28+$0x850];
	v20 =	vand.u32 $0x7FFFFFFF, v20;
	v26 =	vmul.f32 $5.000000000e-01, v11  }
0x114: {  	v24 =	vld [tilespmem:s24+$0x800];
	v11 =	vmul.f32 $5.000000000e-01, v13;
	v12 =	vand.u32 $0x7FFFFFFF, v12;
	v23 =	vsub.f32 v5, v14  }
0x115: {  	v13 =	vld [tilespmem:s22+$0x3850];
	v5 =	vmax.f32 v21, $0.0e+00;
	v18 =	vsub.f32 v19, v12;
	v16 =	vadd.f32 v12, v19  }
0x116: {  	v19 =	vld [tilespmem:s24+$0x830];
	v6 =	vsub.f32 v6, v15;
	v15 =	vmax.f32 v9, $0.0e+00;
	v21 =	vsub.f32 v17, v20  }
0x117: {  	v12 =	vmul.f32 v5, v5;
	v14 =	vmul.f32 v15, v15;
	v27 =	vadd.f32 v20, v17;
	v20 =	vld [tilespmem:s24+$0x810]  }
0x118: {  	v23 =	vand.u32 $0x7FFFFFFF, v23;
	v5 =	vmax.f32 v6, $0.0e+00;
	v21 =	vmax.f32 v21, v18;
	v18 =	vld [tilespmem:s26+$0x850]  }
0x119: {  	v23 =	vadd.f32 v23, v26;
	v17 =	vsub.f32 v11, v22;
	v22 =	vmin.f32 v27, v16;
	v16 =	vld [tilespmem:s22+$0x2850]  }
0x11a: {  	v5 =	vmul.f32 v5, v5;
	v11 =	vmul.f32 $5.000000000e-01, v7;
	v7 =	vand.u32 $0x7FFFFFFF, v24  }
0x11b: {  	s29 =	simm.s32 $0xF800;
	s30 =	simm.s32 $0x100;
	s25 =	simm.s32 $0xF800;
	v6 =	vld [tilespmem:s22+$0x4800];
	v24 =	vand.u32 $0x7FFFFFFF, v8;
	v15 =	vand.u32 $0x7FFFFFFF, v19;
	v19 =	vand.u32 $0x7FFFFFFF, v25  }
.LBB2_4:
0x11c: {  	p0 =	sne.s32 s30, $0xF00;
	v20 =	vand.u32 $0x7FFFFFFF, v20;
	v24 =	vmul.f32 $5.000000000e-01, v24;
	v25 =	vld [tilespmem:s22+$0x4840];
	v26 =	vadd.f32 v22, v21;
	s29 =	sadd.s32 $0x80, s29;
	s23 =	sadd.s32 $0x80, s23  }
0x11d: {  	v21 =	vsub.f32 v21, v22;
	s31 =	smov.u32 s30;
	s30 =	sadd.s32 $0x100, s30;
	v20 =	vsub.f32 v23, v20;
	v18 =	vand.u32 $0x7FFFFFFF, v18;
	v22 =	vld [tilespmem:s28+$0x860]  }
0x11e: {  	v17 =	vand.u32 $0x7FFFFFFF, v17;
	v23 =	vsub.f32 v13, v18;
	v27 =	vadd.f32 v19, v16  }
0x11f: {  	v17 =	vadd.f32 v17, v24;
	v24 =	vand.u32 $0x7FFFFFFF, v21;
	v20 =	vmax.f32 v20, $0.0e+00  }
0x120: {  	v26 =	vmul.f32 $5.000000000e-01, v26;
	v16 =	vsub.f32 v16, v19;
	v13 =	vadd.f32 v18, v13;
	v18 =	vld [tilespmem:s22+$0x2860]  }
0x121: {  	v12 =	vadd.f32 v12, v14;
	v14 =	vsub.f32 v17, v15;
	v15 =	vmax.f32 v21, $0.0e+00;
	v17 =	vld [tilespmem:s22+$0x4850]  }
0x122: {  	v16 =	vmax.f32 v16, v23;
	v19 =	vsub.f32 v26, v25;
	v15 =	vmul.f32 v15, v15;
	v21 =	vld [tilespmem:s26+$0x860]  }
0x123: {  	v10 =	vadd.f32 v10, v12;
	v12 =	vmul.f32 $5.000000000e-01, v24;
	v13 =	vmin.f32 v27, v13;
	v23 =	vld [tilespmem:s22+$0x3860]  }
0x124: {  	v14 =	vmax.f32 v14, $0.0e+00;
	v22 =	vand.u32 $0x7FFFFFFF, v22;
	v19 =	vand.u32 $0x7FFFFFFF, v19;
	v24 =	vld [tilespmem:s24+$0x840]  }
0x125: {  	v25 =	vadd.f32 v13, v16;
	v26 =	vsub.f32 v18, v22  }
0x126: {  	v9 =	vand.u32 $0x7FFFFFFF, v9;
	v13 =	vsub.f32 v16, v13;
	v12 =	vadd.f32 v19, v12;
	v19 =	vld [tilespmem:s24+$0x850]  }
0x127: {  	v8 =	vmax.f32 v8, $0.0e+00;
	v16 =	vmul.f32 $5.000000000e-01, v25;
	v21 =	vand.u32 $0x7FFFFFFF, v21  }
0x128: {  	v25 =	vand.u32 $0x7FFFFFFF, v13;
	v13 =	vmax.f32 v13, $0.0e+00;
	v27 =	vadd.f32 v21, v23;
	v28 =	vld [tilespmem:s28+$0x870]  }
0x129: {  	v16 =	vsub.f32 v16, v17;
	v17 =	vmul.f32 $5.000000000e-01, v25;
	v24 =	vand.u32 $0x7FFFFFFF, v24;
	v25 =	vld [tilespmem:s26+$0x870]  }
0x12a: {  	v8 =	vmul.f32 v8, v8;
	v21 =	vsub.f32 v23, v21;
	v12 =	vsub.f32 v12, v24;
	v23 =	vld [tilespmem:s22+$0x2870]  }
0x12b: {  	v20 =	vmul.f32 v20, v20;
	v16 =	vand.u32 $0x7FFFFFFF, v16;
	v19 =	vand.u32 $0x7FFFFFFF, v19  }
0x12c: {  	v8 =	vadd.f32 v8, v10;
	v10 =	vmax.f32 v12, $0.0e+00;
	v12 =	vadd.f32 v16, v17  }
0x12d: {  	v9 =	vmul.f32 $5.000000000e-01, v9;
	v16 =	vmax.f32 v26, v21;
	v17 =	vadd.f32 v22, v18;
	v18 =	vld [tilespmem:s22+$0x3870]  }
0x12e: {  	v6 =	vsub.f32 v11, v6;
	v10 =	vmul.f32 v10, v10;
	v11 =	vand.u32 $0x7FFFFFFF, v28  }
0x12f: {  	v12 =	vsub.f32 v12, v19;
	v17 =	vmin.f32 v17, v27;
	v19 =	vsub.f32 v23, v11  }
0x130: {  	v6 =	vand.u32 $0x7FFFFFFF, v6;
	v22 =	vsub.f32 v16, v17;
	v11 =	vadd.f32 v11, v23;
	v21 =	vld [tilespmem:s22+$0x4860]  }
0x131: {  	v6 =	vadd.f32 v6, v9;
	v9 =	vadd.f32 v17, v16;
	v16 =	vand.u32 $0x7FFFFFFF, v25  }
0x132: {  	v12 =	vmax.f32 v12, $0.0e+00;
	v17 =	vsub.f32 v18, v16;
	v16 =	vadd.f32 v16, v18  }
0x133: {  	v6 =	vsub.f32 v6, v7;
	v7 =	vadd.f32 v15, v8;
	v8 =	vmul.f32 $5.000000000e-01, v9  }
0x134: {  	v15 =	vand.u32 $0x7FFFFFFF, v22;
	v18 =	vmax.f32 v22, $0.0e+00;
	v9 =	vld [tilespmem:s24+$0x860];
	v11 =	vmin.f32 v11, v16  }
0x135: {  	v6 =	vmax.f32 v6, $0.0e+00;
	v16 =	vmul.f32 v18, v18;
	v8 =	vsub.f32 v8, v21  }
0x136: {  	v6 =	vmul.f32 v6, v6;
	v15 =	vmul.f32 $5.000000000e-01, v15;
	v17 =	vmax.f32 v19, v17;
	v18 =	vld [tilespmem:s22+$0x4870]  }
0x137: {  	v13 =	vmul.f32 v13, v13;
	v19 =	vadd.f32 v11, v17;
	v8 =	vand.u32 $0x7FFFFFFF, v8  }
0x138: {  	v6 =	vadd.f32 v20, v6;
	v8 =	vadd.f32 v8, v15  }
0x139: {  	v7 =	vadd.f32 v13, v7;
	v11 =	vsub.f32 v17, v11;
	v13 =	vmul.f32 $5.000000000e-01, v19  }
0x13a: {  	v5 =	vadd.f32 v5, v6;
	v6 =	vmul.f32 v14, v14;
	v9 =	vand.u32 $0x7FFFFFFF, v9;
	v14 =	vld [tilespmem:s24+$0x870]  }
0x13b: {  	v12 =	vmul.f32 v12, v12;
	v15 =	vand.u32 $0x7FFFFFFF, v11;
	v13 =	vsub.f32 v13, v18  }
0x13c: {  	v5 =	vadd.f32 v6, v5;
	v6 =	vsub.f32 v8, v9;
	v8 =	vmul.f32 $5.000000000e-01, v15  }
0x13d: {  	v11 =	vmax.f32 v11, $0.0e+00;
	v9 =	vand.u32 $0x7FFFFFFF, v13  }
0x13e: {  	v5 =	vadd.f32 v10, v5;
	v8 =	vadd.f32 v9, v8;
	v9 =	vmul.f32 v11, v11  }
0x13f: {  	v7 =	vadd.f32 v16, v7;
	v6 =	vmax.f32 v6, $0.0e+00;
	v10 =	vand.u32 $0x7FFFFFFF, v14  }
0x140: {  	v5 =	vadd.f32 v12, v5;
	v8 =	vsub.f32 v8, v10  }
0x141: {  	s22 =	sand.u32 $0x800, s31;
	s24 =	sand.u32 $0x380, s23;
	v6 =	vmul.f32 v6, v6;
	v7 =	vadd.f32 v9, v7  }
0x142: {  	s22 =	sor.u32 s24, s22;
	v8 =	vmax.f32 v8, $0.0e+00  }
0x143: {  	v5 =	vadd.f32 v6, v5;
	v6 =	vmul.f32 v8, v8;
	[tilespmem:s25+$0x0] =	vst v7;
	_ =	sdelay $0x1  }
0x144: {  	v5 =	vadd.f32 v6, v5;
	_ =	sdelay $0x1  }
0x145: {  	s24 =	sand.u32 $0xFFFFF800, s31;
	[tilespmem:s25+$0xFFFFF800] =	vst v5;
	s25 =	smov.u32 s29  }
0x146: {  	s24 =	sadd.s32 s24, s23;
	v5 =	vld [tilespmem:s22+$0x2800]  }
0x147: {  	s28 =	sor.u32 $0x2400, s24;
	s26 =	sor.u32 $0x3400, s24;
	s24 =	sor.u32 $0x4400, s24;
	v6 =	vld [tilespmem:s22+$0x2830]  }
0x148: {  	v7 =	vld [tilespmem:s22+$0x3810]  }
0x149: {  	v8 =	vld [tilespmem:s22+$0x2820]  }
0x14a: {  	v9 =	vld [tilespmem:s22+$0x3830]  }
0x14b: {  	v10 =	vld [tilespmem:s22+$0x3820]  }
0x14c: {  	v11 =	vld [tilespmem:s28+$0x820]  }
0x14d: {  	v12 =	vld [tilespmem:s26+$0x820]  }
0x14e: {  	v13 =	vld [tilespmem:s26+$0x830]  }
0x14f: {  	v14 =	vld [tilespmem:s28+$0x830]  }
0x150: {  	v15 =	vld [tilespmem:s26+$0x810]  }
0x151: {  	v16 =	vld [tilespmem:s28+$0x800]  }
0x152: {  	v17 =	vld [tilespmem:s28+$0x810];
	v12 =	vand.u32 $0x7FFFFFFF, v12  }
0x153: {  	v11 =	vand.u32 $0x7FFFFFFF, v11;
	v18 =	vld [tilespmem:s26+$0x800];
	v13 =	vand.u32 $0x7FFFFFFF, v13  }
0x154: {  	v20 =	vadd.f32 v12, v10;
	v19 =	vld [tilespmem:s22+$0x2810];
	v14 =	vand.u32 $0x7FFFFFFF, v14;
	v21 =	vadd.f32 v13, v9  }
0x155: {  	v23 =	vadd.f32 v11, v8;
	v15 =	vand.u32 $0x7FFFFFFF, v15;
	v22 =	vld [tilespmem:s24+$0x820];
	v24 =	vsub.f32 v6, v14  }
0x156: {  	v16 =	vand.u32 $0x7FFFFFFF, v16;
	v25 =	vld [tilespmem:s22+$0x3800];
	v26 =	vsub.f32 v7, v15;
	v7 =	vadd.f32 v15, v7  }
0x157: {  	v10 =	vsub.f32 v10, v12;
	v12 =	vmin.f32 v23, v20;
	v15 =	vsub.f32 v5, v16  }
0x158: {  	v6 =	vadd.f32 v14, v6;
	v17 =	vand.u32 $0x7FFFFFFF, v17;
	v18 =	vand.u32 $0x7FFFFFFF, v18  }
0x159: {  	v8 =	vsub.f32 v8, v11;
	v9 =	vsub.f32 v9, v13  }
0x15a: {  	v5 =	vadd.f32 v16, v5;
	v11 =	vadd.f32 v17, v19;
	v13 =	vand.u32 $0x7FFFFFFF, v22;
	v14 =	vld [tilespmem:s22+$0x3840]  }
0x15b: {  	v8 =	vmax.f32 v8, v10;
	v17 =	vsub.f32 v19, v17;
	v16 =	vadd.f32 v18, v25;
	v19 =	vld [tilespmem:s22+$0x4820]  }
0x15c: {  	v10 =	vadd.f32 v12, v8;
	v18 =	vsub.f32 v25, v18;
	v7 =	vmin.f32 v11, v7;
	v11 =	vld [tilespmem:s26+$0x840]  }
0x15d: {  	v8 =	vsub.f32 v8, v12;
	v12 =	vmax.f32 v24, v9;
	v5 =	vmin.f32 v5, v16;
	v16 =	vld [tilespmem:s28+$0x840]  }
0x15e: {  	v10 =	vmul.f32 $5.000000000e-01, v10;
	v9 =	vmax.f32 v17, v26;
	v17 =	vmin.f32 v6, v21  }
0x15f: {  	v21 =	vand.u32 $0x7FFFFFFF, v8;
	v8 =	vmax.f32 v8, $0.0e+00;
	v20 =	vsub.f32 v9, v7;
	v22 =	vld [tilespmem:s22+$0x4830]  }
0x160: {  	v7 =	vadd.f32 v7, v9;
	v6 =	vld [tilespmem:s22+$0x4800];
	v9 =	vsub.f32 v10, v19;
	v10 =	vmul.f32 v8, v8  }
0x161: {  	v15 =	vmax.f32 v15, v18;
	v19 =	vmul.f32 $5.000000000e-01, v21;
	v18 =	vld [tilespmem:s22+$0x4810];
	v11 =	vand.u32 $0x7FFFFFFF, v11  }
0x162: {  	v8 =	vsub.f32 v12, v17;
	v21 =	vand.u32 $0x7FFFFFFF, v9;
	v23 =	vsub.f32 v14, v11  }
0x163: {  	v9 =	vsub.f32 v15, v5;
	v16 =	vand.u32 $0x7FFFFFFF, v16;
	v19 =	vadd.f32 v21, v19;
	v21 =	vld [tilespmem:s22+$0x2840]  }
0x164: {  	v7 =	vmul.f32 $5.000000000e-01, v7;
	v17 =	vadd.f32 v17, v12;
	v25 =	vadd.f32 v11, v14;
	v24 =	vld [tilespmem:s24+$0x830]  }
0x165: {  	v11 =	vadd.f32 v5, v15;
	v5 =	vand.u32 $0x7FFFFFFF, v20;
	v14 =	vsub.f32 v19, v13;
	v13 =	vld [tilespmem:s22+$0x3850]  }
0x166: {  	v12 =	vmax.f32 v20, $0.0e+00;
	v15 =	vmax.f32 v9, $0.0e+00;
	v7 =	vsub.f32 v7, v18;
	v19 =	vld [tilespmem:s28+$0x850]  }
0x167: {  	v12 =	vmul.f32 v12, v12;
	v27 =	vmul.f32 $5.000000000e-01, v5;
	v26 =	vld [tilespmem:s24+$0x800];
	v5 =	vmax.f32 v14, $0.0e+00  }
.Ltmp1:
0x168: {  	v17 =	vmul.f32 $5.000000000e-01, v17;
	v20 =	vld [tilespmem:s24+$0x810];
	v5 =	vmul.f32 v5, v5;
	v28 =	vsub.f32 v21, v16;
	(pc) =	sbr.rel @p0 .LBB2_4-.Ltmp1, $4  }
0x169: {  	v14 =	vmul.f32 v15, v15;
	v7 =	vand.u32 $0x7FFFFFFF, v7;
	v29 =	vadd.f32 v16, v21;
	v18 =	vld [tilespmem:s26+$0x850]  }
0x16a: {  	v17 =	vsub.f32 v17, v22;
	v15 =	vand.u32 $0x7FFFFFFF, v24;
	v21 =	vmax.f32 v28, v23;
	v16 =	vld [tilespmem:s22+$0x2850]  }
0x16b: {  	v11 =	vmul.f32 $5.000000000e-01, v11;
	v23 =	vadd.f32 v7, v27;
	v22 =	vmin.f32 v29, v25  }
0x16c: {  	v24 =	vand.u32 $0x7FFFFFFF, v8;
	v19 =	vand.u32 $0x7FFFFFFF, v19;
	v7 =	vand.u32 $0x7FFFFFFF, v26  }
0x16d: {  	v20 =	vand.u32 $0x7FFFFFFF, v20  }
0x16e: {  	v24 =	vmul.f32 $5.000000000e-01, v24;
	v26 =	vadd.f32 v22, v21;
	v21 =	vsub.f32 v21, v22  }
0x16f: {  	v17 =	vand.u32 $0x7FFFFFFF, v17;
	v12 =	vadd.f32 v12, v14;
	v9 =	vand.u32 $0x7FFFFFFF, v9  }
0x170: {  	v8 =	vmax.f32 v8, $0.0e+00;
	v6 =	vsub.f32 v11, v6;
	v18 =	vand.u32 $0x7FFFFFFF, v18  }
0x171: {  	v25 =	vld [tilespmem:s22+$0x4840];
	v20 =	vsub.f32 v23, v20;
	v8 =	vmul.f32 v8, v8;
	v23 =	vsub.f32 v13, v18  }
0x172: {  	v9 =	vmul.f32 $5.000000000e-01, v9;
	v27 =	vadd.f32 v19, v16;
	v17 =	vadd.f32 v17, v24  }
0x173: {  	v22 =	vld [tilespmem:s28+$0x860];
	v24 =	vmul.f32 $5.000000000e-01, v26;
	v16 =	vsub.f32 v16, v19;
	v26 =	vand.u32 $0x7FFFFFFF, v21  }
0x174: {  	v14 =	vld [tilespmem:s22+$0x4850];
	v13 =	vadd.f32 v18, v13;
	v10 =	vadd.f32 v10, v12;
	v6 =	vand.u32 $0x7FFFFFFF, v6  }
0x175: {  	v12 =	vld [tilespmem:s22+$0x3860];
	v20 =	vmax.f32 v20, $0.0e+00;
	v15 =	vsub.f32 v17, v15;
	v17 =	vmax.f32 v21, $0.0e+00  }
0x176: {  	v21 =	vld [tilespmem:s26+$0x860];
	v16 =	vmax.f32 v16, v23;
	v13 =	vmin.f32 v27, v13;
	v18 =	vsub.f32 v24, v25  }
0x177: {  	v6 =	vadd.f32 v6, v9;
	v23 =	vmul.f32 $5.000000000e-01, v26;
	v24 =	vld [tilespmem:s24+$0x840];
	v25 =	vadd.f32 v13, v16  }
0x178: {  	v27 =	vld [tilespmem:s24+$0x850];
	v20 =	vmul.f32 v20, v20;
	v13 =	vsub.f32 v16, v13;
	v18 =	vand.u32 $0x7FFFFFFF, v18  }
0x179: {  	v19 =	vld [tilespmem:s22+$0x2860];
	v8 =	vadd.f32 v8, v10;
	v16 =	vadd.f32 v18, v23;
	v18 =	vmul.f32 $5.000000000e-01, v25  }
0x17a: {  	v22 =	vand.u32 $0x7FFFFFFF, v22;
	v6 =	vsub.f32 v6, v7;
	v23 =	vand.u32 $0x7FFFFFFF, v13  }
0x17b: {  	v21 =	vand.u32 $0x7FFFFFFF, v21;
	v23 =	vmul.f32 $5.000000000e-01, v23;
	v14 =	vsub.f32 v18, v14;
	v18 =	vld [tilespmem:s28+$0x870]  }
0x17c: {  	v25 =	vadd.f32 v21, v12;
	v24 =	vand.u32 $0x7FFFFFFF, v24;
	v12 =	vsub.f32 v12, v21;
	v21 =	vld [tilespmem:s22+$0x2870]  }
0x17d: {  	v16 =	vsub.f32 v16, v24;
	v24 =	vand.u32 $0x7FFFFFFF, v27;
	v27 =	vld [tilespmem:s26+$0x870];
	v14 =	vand.u32 $0x7FFFFFFF, v14  }
0x17e: {  	v17 =	vmul.f32 v17, v17;
	v26 =	vsub.f32 v19, v22;
	v11 =	vadd.f32 v14, v23;
	v14 =	vld [tilespmem:s22+$0x3870]  }
0x17f: {  	v6 =	vmax.f32 v6, $0.0e+00;
	v10 =	vmax.f32 v16, $0.0e+00;
	v16 =	vadd.f32 v22, v19  }
0x180: {  	v15 =	vmax.f32 v15, $0.0e+00;
	v8 =	vadd.f32 v17, v8;
	v6 =	vmul.f32 v6, v6  }
0x181: {  	v12 =	vmax.f32 v26, v12;
	v18 =	vand.u32 $0x7FFFFFFF, v18;
	v9 =	vmin.f32 v16, v25  }
0x182: {  	v16 =	vsub.f32 v21, v18;
	v18 =	vadd.f32 v18, v21;
	v22 =	vand.u32 $0x7FFFFFFF, v27  }
0x183: {  	v19 =	vld [tilespmem:s22+$0x4860];
	v7 =	vmul.f32 v10, v10;
	v10 =	vsub.f32 v14, v22;
	v14 =	vadd.f32 v22, v14  }
0x184: {  	v17 =	vld [tilespmem:s24+$0x860];
	v15 =	vmul.f32 v15, v15;
	v6 =	vadd.f32 v20, v6;
	v21 =	vadd.f32 v9, v12  }
0x185: {  	v9 =	vsub.f32 v12, v9;
	v14 =	vmin.f32 v18, v14;
	v18 =	vld [tilespmem:s22+$0x4870];
	v10 =	vmax.f32 v16, v10  }
0x186: {  	v13 =	vmax.f32 v13, $0.0e+00;
	v12 =	vmul.f32 $5.000000000e-01, v21;
	v16 =	vadd.f32 v14, v10  }
0x187: {  	v13 =	vmul.f32 v13, v13;
	v5 =	vadd.f32 v5, v6;
	v21 =	vand.u32 $0x7FFFFFFF, v9  }
0x188: {  	v12 =	vsub.f32 v12, v19;
	v10 =	vsub.f32 v10, v14;
	v14 =	vmul.f32 $5.000000000e-01, v16  }
0x189: {  	v6 =	vld [tilespmem:s24+$0x870];
	v17 =	vand.u32 $0x7FFFFFFF, v17;
	v5 =	vadd.f32 v15, v5;
	v16 =	vmul.f32 $5.000000000e-01, v21  }
0x18a: {  	v12 =	vand.u32 $0x7FFFFFFF, v12;
	v14 =	vsub.f32 v14, v18;
	v18 =	vand.u32 $0x7FFFFFFF, v10  }
0x18b: {  	v11 =	vsub.f32 v11, v24;
	v12 =	vadd.f32 v12, v16;
	v16 =	vmul.f32 $5.000000000e-01, v18  }
0x18c: {  	v5 =	vadd.f32 v7, v5;
	v7 =	vadd.f32 v13, v8;
	v14 =	vand.u32 $0x7FFFFFFF, v14  }
0x18d: {  	v11 =	vmax.f32 v11, $0.0e+00;
	v12 =	vsub.f32 v12, v17;
	v14 =	vadd.f32 v14, v16  }
0x18e: {  	v6 =	vand.u32 $0x7FFFFFFF, v6;
	v9 =	vmax.f32 v9, $0.0e+00;
	v11 =	vmul.f32 v11, v11  }
0x18f: {  	v9 =	vmul.f32 v9, v9;
	v8 =	vmax.f32 v12, $0.0e+00;
	v6 =	vsub.f32 v14, v6  }
0x190: {  	v5 =	vadd.f32 v11, v5;
	v10 =	vmax.f32 v10, $0.0e+00;
	v8 =	vmul.f32 v8, v8  }
0x191: {  	v7 =	vadd.f32 v9, v7;
	v10 =	vmul.f32 v10, v10;
	v6 =	vmax.f32 v6, $0.0e+00  }
0x192: {  	v5 =	vadd.f32 v8, v5;
	v6 =	vmul.f32 v6, v6  }
0x193: {  	v7 =	vadd.f32 v10, v7  }
0x194: {  	v5 =	vadd.f32 v6, v5  }
0x195: {  	[tilespmem:s25+$0x0] =	vst v7  }
0x196: {  	[tilespmem:s25+$0xFFFFF800] =	vst v5  }
0x197: {  	_ =	swait.ge [sflag:s16], $0x1000  }
0x198: {  	[sflag:s16] =	ssyncset.done $0x0  }
0x199: {  	[sflag:s16] =	ssyncadd.s32 $0xFFFFF000  }
0x19a: {  	_ =	swait.ge [sflag:s16], $0x1000  }
0x19b: {  	[sflag:s16] =	ssyncset.done $0x0  }
0x19c: {  	[sflag:s16] =	ssyncadd.s32 $0xFFFFF000  }
0x19d: {  	_ =	swait.ge [sflag:s16], $0x800  }
0x19e: {  	[sflag:s16] =	ssyncset.done $0x0  }
0x19f: {  	s22 =	simm.s32 $0xD840;
	[sflag:s16] =	ssyncadd.s32 $0xFFFFF800  }
0x1a0: {  	v7 =	vld [tilespmem:s22+$0x30]  }
0x1a1: {  	v9 =	vld [tilespmem:s22+$0x20]  }
0x1a2: {  	v10 =	vld [tilespmem:s22+$0x10]  }
0x1a3: {  	v8 =	vld [tilespmem:s22+$0x0]  }
0x1a4: {  	s24 =	simm.s32 $0x0;
	v5 =	vld [tilespmem:s22+$0xFFFFFFF0]  }
0x1a5: {  	s23 =	sand.u32 $0xFFFFF800, s24;
	v6 =	vld [tilespmem:s22+$0xFFFFFFE0]  }
0x1a6: {  	s30 =	sadd.s32 $0x0, s23;
	v11 =	vld [tilespmem:s22+$0xFFFFFFD0]  }
0x1a7: {  	s23 =	sor.u32 $0x6400, s30;
	v14 =	vld [tilespmem:s22+$0xFFFFFFC0]  }
0x1a8: {  	s31 =	sand.u32 $0x800, s24;
	s29 =	sand.u32 $0x380, s24;
	s28 =	sor.u32 $0x5400, s30;
	v17 =	vld [tilespmem:s23+$0x860]  }
0x1a9: {  	s26 =	sor.u32 s29, s31;
	v18 =	vld [tilespmem:s28+$0x870]  }
0x1aa: {  	v12 =	vld [tilespmem:s26+$0x6870]  }
0x1ab: {  	v20 =	vld [tilespmem:s23+$0x850]  }
0x1ac: {  	v19 =	vld [tilespmem:s28+$0x860]  }
0x1ad: {  	v13 =	vld [tilespmem:s26+$0x6860]  }
0x1ae: {  	v28 =	vld [tilespmem:s26+$0x5870]  }
0x1af: {  	v25 =	vld [tilespmem:s23+$0x840]  }
0x1b0: {  	v21 =	vld [tilespmem:s28+$0x850]  }
0x1b1: {  	v16 =	vld [tilespmem:s26+$0x6850]  }
0x1b2: {  	v31 =	vld [tilespmem:s26+$0x5860]  }
0x1b3: {  	v30 =	vld [tilespmem:s23+$0x830]  }
0x1b4: {  	v22 =	vld [tilespmem:s28+$0x840]  }
0x1b5: {  	v32 =	vld [tilespmem:s26+$0x5850]  }
0x1b6: {  	v27 =	vld [tilespmem:s23+$0x820]  }
0x1b7: {  	v23 =	vld [tilespmem:s28+$0x830]  }
0x1b8: {  	v33 =	vld [tilespmem:s26+$0x5840]  }
0x1b9: {  	v26 =	vld [tilespmem:s23+$0x810]  }
0x1ba: {  	v29 =	vld [tilespmem:s26+$0x5830]  }
0x1bb: {  	v15 =	vimm.f32 $0.0e+00;
	s25 =	simm.s32 $0x100;
	v24 =	vld [tilespmem:s23+$0x800]  }
.LBB2_6:
0x1bc: {  	p0 =	sne.s32 s25, $0xF00;
	v34 =	vld [tilespmem:s26+$0x6810]  }
0x1bd: {  	v35 =	vld [tilespmem:s26+$0x5800]  }
0x1be: {  	v36 =	vld [tilespmem:s26+$0x6800]  }
0x1bf: {  	v38 =	vand.u32 $0x7FFFFFFF, v20;
	v39 =	vand.u32 $0x7FFFFFFF, v17;
	v40 =	vand.u32 $0x7FFFFFFF, v18;
	v37 =	vld [tilespmem:s26+$0x5810]  }
0x1c0: {  	v20 =	vand.u32 $0x7FFFFFFF, v25;
	v19 =	vand.u32 $0x7FFFFFFF, v19;
	v18 =	vadd.f32 v7, v28;
	v17 =	vld [tilespmem:s26+$0x5820]  }
0x1c1: {  	v28 =	vand.u32 $0x7FFFFFFF, v30;
	v21 =	vand.u32 $0x7FFFFFFF, v21;
	v30 =	vadd.f32 v9, v31;
	v25 =	vld [tilespmem:s28+$0x800]  }
0x1c2: {  	v22 =	vand.u32 $0x7FFFFFFF, v22;
	v7 =	vadd.f32 v14, v35;
	v9 =	vld [tilespmem:s28+$0x810];
	v14 =	vadd.f32 v10, v32  }
0x1c3: {  	v27 =	vand.u32 $0x7FFFFFFF, v27;
	v23 =	vand.u32 $0x7FFFFFFF, v23;
	v31 =	vadd.f32 v8, v33;
	v10 =	vld [tilespmem:s26+$0x6820]  }
0x1c4: {  	v26 =	vand.u32 $0x7FFFFFFF, v26;
	v8 =	vsub.f32 v7, v36;
	v11 =	vadd.f32 v11, v37;
	v32 =	vld [tilespmem:s28+$0x820]  }
0x1c5: {  	s22 =	sadd.s32 $0x80, s22;
	v5 =	vadd.f32 v5, v29;
	v24 =	vand.u32 $0x7FFFFFFF, v24;
	v6 =	vadd.f32 v6, v17;
	v17 =	vld [tilespmem:s26+$0x6830]  }
0x1c6: {  	v7 =	vld [tilespmem:s22+$0x30];
	v25 =	vand.u32 $0x7FFFFFFF, v25;
	v8 =	vand.u32 $0x7FFFFFFF, v8;
	v11 =	vsub.f32 v11, v34  }
0x1c7: {  	v33 =	vsub.f32 v18, v12;
	v8 =	vadd.f32 v8, v25;
	v25 =	vand.u32 $0x7FFFFFFF, v9;
	v29 =	vld [tilespmem:s26+$0x6840]  }
0x1c8: {  	v13 =	vsub.f32 v30, v13;
	v9 =	vld [tilespmem:s22+$0x20];
	v11 =	vand.u32 $0x7FFFFFFF, v11;
	v6 =	vsub.f32 v6, v10  }
0x1c9: {  	v10 =	vld [tilespmem:s22+$0x10];
	v12 =	vsub.f32 v8, v24;
	v11 =	vadd.f32 v11, v25;
	v18 =	vand.u32 $0x7FFFFFFF, v32  }
0x1ca: {  	v16 =	vsub.f32 v14, v16;
	v8 =	vld [tilespmem:s22+$0x0];
	v6 =	vand.u32 $0x7FFFFFFF, v6;
	v17 =	vsub.f32 v5, v17  }
0x1cb: {  	v5 =	vld [tilespmem:s22+$0xFFFFFFF0];
	v12 =	vmax.f32 v12, $0.0e+00;
	v14 =	vsub.f32 v11, v26;
	v18 =	vadd.f32 v6, v18  }
0x1cc: {  	v6 =	vld [tilespmem:s22+$0xFFFFFFE0];
	v12 =	vmul.f32 v12, v12;
	v17 =	vand.u32 $0x7FFFFFFF, v17;
	v24 =	vsub.f32 v31, v29  }
0x1cd: {  	s24 =	sadd.s32 $0x80, s24;
	s26 =	sand.u32 $0xFFFFF800, s25;
	v11 =	vld [tilespmem:s22+$0xFFFFFFD0];
	v25 =	vmax.f32 v14, $0.0e+00;
	v18 =	vsub.f32 v18, v27;
	v17 =	vadd.f32 v17, v23  }
0x1ce: {  	s26 =	sadd.s32 s26, s24;
	v14 =	vld [tilespmem:s22+$0xFFFFFFC0];
	v12 =	vadd.f32 v12, v15;
	v15 =	vmul.f32 v25, v25;
	v23 =	vand.u32 $0x7FFFFFFF, v24  }
0x1cf: {  	v18 =	vmax.f32 v18, $0.0e+00;
	v24 =	vsub.f32 v17, v28;
	v22 =	vadd.f32 v23, v22;
	v23 =	vld [tilespmem:s23+$0x870];
	s23 =	sor.u32 $0x6400, s26  }
0x1d0: {  	s29 =	sand.u32 $0x800, s25;
	s30 =	sand.u32 $0x380, s24;
	s28 =	sor.u32 $0x5400, s26;
	v17 =	vld [tilespmem:s23+$0x860];
	v15 =	vadd.f32 v15, v12;
	v25 =	vmul.f32 v18, v18;
	v12 =	vand.u32 $0x7FFFFFFF, v16  }
0x1d1: {  	s26 =	sor.u32 s30, s29;
	v18 =	vld [tilespmem:s28+$0x870];
	v16 =	vmax.f32 v24, $0.0e+00;
	v22 =	vsub.f32 v22, v20;
	v21 =	vadd.f32 v12, v21  }
0x1d2: {  	v13 =	vand.u32 $0x7FFFFFFF, v13;
	v12 =	vld [tilespmem:s26+$0x6870];
	v15 =	vadd.f32 v25, v15;
	v16 =	vmul.f32 v16, v16  }
0x1d3: {  	v24 =	vadd.f32 v13, v19;
	v20 =	vld [tilespmem:s23+$0x850];
	v22 =	vmax.f32 v22, $0.0e+00;
	v21 =	vsub.f32 v21, v38  }
0x1d4: {  	v19 =	vld [tilespmem:s28+$0x860];
	v15 =	vadd.f32 v16, v15;
	v16 =	vmul.f32 v22, v22;
	v22 =	vand.u32 $0x7FFFFFFF, v33  }
0x1d5: {  	v24 =	vsub.f32 v24, v39;
	v13 =	vld [tilespmem:s26+$0x6860];
	v21 =	vmax.f32 v21, $0.0e+00;
	v22 =	vadd.f32 v22, v40  }
0x1d6: {  	v28 =	vld [tilespmem:s26+$0x5870];
	v15 =	vadd.f32 v16, v15;
	v16 =	vmul.f32 v21, v21;
	v21 =	vand.u32 $0x7FFFFFFF, v23  }
0x1d7: {  	v23 =	vmax.f32 v24, $0.0e+00;
	v25 =	vld [tilespmem:s23+$0x840];
	v22 =	vsub.f32 v22, v21  }
0x1d8: {  	v23 =	vmul.f32 v23, v23;
	v21 =	vld [tilespmem:s28+$0x850];
	v15 =	vadd.f32 v16, v15  }
0x1d9: {  	v16 =	vld [tilespmem:s26+$0x6850];
	v22 =	vmax.f32 v22, $0.0e+00  }
0x1da: {  	v31 =	vld [tilespmem:s26+$0x5860];
	v15 =	vadd.f32 v23, v15;
	v23 =	vmul.f32 v22, v22  }
0x1db: {  	v30 =	vld [tilespmem:s23+$0x830]  }
0x1dc: {  	v22 =	vld [tilespmem:s28+$0x840];
	v15 =	vadd.f32 v23, v15  }
0x1dd: {  	v32 =	vld [tilespmem:s26+$0x5850]  }
0x1de: {  	v27 =	vld [tilespmem:s23+$0x820]  }
.Ltmp2:
0x1df: {  	v23 =	vld [tilespmem:s28+$0x830];
	(pc) =	sbr.rel @p0 .LBB2_6-.Ltmp2, $4  }
0x1e0: {  	v33 =	vld [tilespmem:s26+$0x5840]  }
0x1e1: {  	v26 =	vld [tilespmem:s23+$0x810]  }
0x1e2: {  	v29 =	vld [tilespmem:s26+$0x5830]  }
0x1e3: {  	s25 =	sadd.s32 $0x100, s25;
	v24 =	vld [tilespmem:s23+$0x800]  }
0x1e4: {  	v34 =	vld [tilespmem:s26+$0x6810]  }
0x1e5: {  	v35 =	vld [tilespmem:s26+$0x5800]  }
0x1e6: {  	v36 =	vld [tilespmem:s26+$0x6800]  }
0x1e7: {  	v37 =	vld [tilespmem:s26+$0x5810]  }
0x1e8: {  	v38 =	vld [tilespmem:s26+$0x5820]  }
0x1e9: {  	v39 =	vld [tilespmem:s28+$0x800]  }
0x1ea: {  	v40 =	vld [tilespmem:s28+$0x810]  }
0x1eb: {  	v41 =	vld [tilespmem:s26+$0x6820]  }
0x1ec: {  	v42 =	vld [tilespmem:s28+$0x820]  }
0x1ed: {  	v43 =	vld [tilespmem:s26+$0x6830]  }
0x1ee: {  	v44 =	vld [tilespmem:s26+$0x6840]  }
0x1ef: {  	v45 =	vld [tilespmem:s23+$0x870];
	_ =	swait.ge [sflag:s17], $0x1000  }
0x1f0: {  	[sflag:s17] =	ssyncset.done $0x0  }
0x1f1: {  	[sflag:s17] =	ssyncadd.s32 $0xFFFFF000  }
0x1f2: {  	_ =	swait.ge [sflag:s17], $0x1000  }
0x1f3: {  	[sflag:s17] =	ssyncset.done $0x0  }
0x1f4: {  	[sflag:s17] =	ssyncadd.s32 $0xFFFFF000  }
0x1f5: {  	_ =	swait.ge [sflag:s17], $0x800  }
0x1f6: {  	v28 =	vadd.f32 v7, v28;
	v58 =	vand.u32 $0x7FFFFFFF, v20;
	v7 =	vadd.f32 v14, v35;
	[sflag:s17] =	ssyncset.done $0x0  }
0x1f7: {  	s22 =	simm.s32 $0xE070;
	v17 =	vand.u32 $0x7FFFFFFF, v17;
	v59 =	vand.u32 $0x7FFFFFFF, v18;
	v14 =	vadd.f32 v9, v31;
	[sflag:s17] =	ssyncadd.s32 $0xFFFFF800  }
0x1f8: {  	v25 =	vand.u32 $0x7FFFFFFF, v25;
	v31 =	vadd.f32 v10, v32;
	v10 =	vsub.f32 v7, v36;
	v7 =	vld [tilespmem:s22+$0x0]  }
0x1f9: {  	v60 =	vand.u32 $0x7FFFFFFF, v19;
	v30 =	vand.u32 $0x7FFFFFFF, v30;
	v57 =	vadd.f32 v8, v33;
	v8 =	vld [tilespmem:s22+$0xFFFFFFF0]  }
0x1fa: {  	v61 =	vand.u32 $0x7FFFFFFF, v21;
	v22 =	vand.u32 $0x7FFFFFFF, v22;
	v11 =	vadd.f32 v11, v37;
	v9 =	vld [tilespmem:s22+$0xFFFFFFE0]  }
0x1fb: {  	s24 =	simm.s32 $0x0;
	v21 =	vand.u32 $0x7FFFFFFF, v26;
	v26 =	vsub.f32 v28, v12;
	v19 =	vand.u32 $0x7FFFFFFF, v10;
	v10 =	vld [tilespmem:s22+$0xFFFFFFD0]  }
0x1fc: {  	v27 =	vand.u32 $0x7FFFFFFF, v27;
	s31 =	sand.u32 $0xFFFFF800, s24;
	v5 =	vadd.f32 v5, v29;
	v20 =	vsub.f32 v11, v34;
	v11 =	vld [tilespmem:s22+$0xFFFFFFB0]  }
0x1fd: {  	s28 =	sand.u32 $0x800, s24;
	s29 =	sand.u32 $0x380, s24;
	s25 =	sadd.s32 $0x0, s31;
	v24 =	vand.u32 $0x7FFFFFFF, v24;
	v18 =	vadd.f32 v6, v38;
	v6 =	vand.u32 $0x7FFFFFFF, v39;
	v12 =	vld [tilespmem:s22+$0xFFFFFFA0]  }
0x1fe: {  	s23 =	sor.u32 $0x8400, s25;
	s26 =	sor.u32 $0x7400, s25;
	s25 =	sor.u32 s29, s28;
	v28 =	vand.u32 $0x7FFFFFFF, v40;
	v62 =	vsub.f32 v14, v13;
	v14 =	vld [tilespmem:s22+$0xFFFFFF90];
	v19 =	vadd.f32 v19, v6  }
0x1ff: {  	v5 =	vsub.f32 v5, v43;
	v29 =	vsub.f32 v18, v41;
	v18 =	vand.u32 $0x7FFFFFFF, v20;
	v33 =	vld [tilespmem:s25+$0x7840]  }
0x200: {  	v23 =	vand.u32 $0x7FFFFFFF, v23;
	v32 =	vld [tilespmem:s23+$0x810];
	v20 =	vsub.f32 v19, v24;
	v24 =	vadd.f32 v18, v28  }
0x201: {  	v13 =	vand.u32 $0x7FFFFFFF, v42;
	v16 =	vsub.f32 v31, v16;
	v34 =	vld [tilespmem:s23+$0x800];
	v28 =	vand.u32 $0x7FFFFFFF, v29  }
0x202: {  	v6 =	vld [tilespmem:s22+$0xFFFFFFC0];
	v28 =	vadd.f32 v28, v13;
	v20 =	vmax.f32 v20, $0.0e+00;
	v24 =	vsub.f32 v24, v21  }
0x203: {  	v5 =	vand.u32 $0x7FFFFFFF, v5;
	v31 =	vsub.f32 v57, v44;
	v18 =	vld [tilespmem:s23+$0x860];
	v29 =	vmul.f32 v20, v20  }
0x204: {  	v5 =	vadd.f32 v5, v23;
	v19 =	vld [tilespmem:s26+$0x870];
	v27 =	vsub.f32 v28, v27;
	v24 =	vmax.f32 v24, $0.0e+00  }
0x205: {  	v13 =	vld [tilespmem:s25+$0x8870];
	v28 =	vand.u32 $0x7FFFFFFF, v31;
	v23 =	vadd.f32 v29, v15;
	v24 =	vmul.f32 v24, v24  }
0x206: {  	v5 =	vsub.f32 v5, v30;
	v21 =	vld [tilespmem:s23+$0x850];
	v28 =	vadd.f32 v28, v22;
	v27 =	vmax.f32 v27, $0.0e+00  }
0x207: {  	v16 =	vand.u32 $0x7FFFFFFF, v16;
	v20 =	vld [tilespmem:s26+$0x860];
	v27 =	vmul.f32 v27, v27;
	v29 =	vadd.f32 v24, v23  }
0x208: {  	v5 =	vmax.f32 v5, $0.0e+00;
	v22 =	vld [tilespmem:s25+$0x7870];
	v25 =	vsub.f32 v28, v25;
	v28 =	vadd.f32 v16, v61  }
0x209: {  	v5 =	vmul.f32 v5, v5;
	v15 =	vld [tilespmem:s25+$0x8860];
	v27 =	vadd.f32 v27, v29;
	v29 =	vand.u32 $0x7FFFFFFF, v62  }
0x20a: {  	v16 =	vld [tilespmem:s25+$0x8850];
	v30 =	vmax.f32 v25, $0.0e+00;
	v31 =	vsub.f32 v28, v58;
	v29 =	vadd.f32 v29, v60  }
0x20b: {  	v26 =	vand.u32 $0x7FFFFFFF, v26;
	v24 =	vld [tilespmem:s23+$0x840];
	v5 =	vadd.f32 v5, v27;
	v27 =	vmul.f32 v30, v30  }
0x20c: {  	v23 =	vld [tilespmem:s26+$0x850];
	v30 =	vmax.f32 v31, $0.0e+00;
	v31 =	vadd.f32 v26, v59;
	v17 =	vsub.f32 v29, v17  }
0x20d: {  	v25 =	vld [tilespmem:s25+$0x7860];
	v5 =	vadd.f32 v27, v5;
	v27 =	vmul.f32 v30, v30;
	v30 =	vand.u32 $0x7FFFFFFF, v45  }
0x20e: {  	v28 =	vld [tilespmem:s23+$0x830];
	v17 =	vmax.f32 v17, $0.0e+00;
	v63 =	vsub.f32 v31, v30  }
0x20f: {  	v26 =	vld [tilespmem:s26+$0x840];
	v5 =	vadd.f32 v27, v5;
	v17 =	vmul.f32 v17, v17  }
0x210: {  	v29 =	vld [tilespmem:s25+$0x7850];
	v27 =	vmax.f32 v63, $0.0e+00  }
0x211: {  	v30 =	vld [tilespmem:s23+$0x820];
	v5 =	vadd.f32 v17, v5;
	v17 =	vmul.f32 v27, v27  }
0x212: {  	v31 =	vld [tilespmem:s26+$0x830]  }
0x213: {  	s28 =	simm.s32 $0x100;
	v27 =	vld [tilespmem:s25+$0x7830];
	v5 =	vadd.f32 v17, v5;
	v17 =	vimm.f32 $0.0e+00  }
.LBB2_8:
0x214: {  	p0 =	sne.s32 s28, $0xF00;
	v35 =	vld [tilespmem:s25+$0x8810]  }
0x215: {  	v36 =	vld [tilespmem:s25+$0x7800]  }
0x216: {  	v37 =	vld [tilespmem:s25+$0x8800]  }
0x217: {  	v39 =	vand.u32 $0x7FFFFFFF, v21;
	v40 =	vand.u32 $0x7FFFFFFF, v18;
	v41 =	vand.u32 $0x7FFFFFFF, v19;
	v38 =	vld [tilespmem:s25+$0x7810]  }
0x218: {  	v21 =	vand.u32 $0x7FFFFFFF, v24;
	v20 =	vand.u32 $0x7FFFFFFF, v20;
	v19 =	vsub.f32 v22, v7;
	v18 =	vld [tilespmem:s25+$0x7820]  }
0x219: {  	v24 =	vand.u32 $0x7FFFFFFF, v28;
	v23 =	vand.u32 $0x7FFFFFFF, v23;
	v25 =	vsub.f32 v25, v8;
	v22 =	vld [tilespmem:s26+$0x800]  }
0x21a: {  	v26 =	vand.u32 $0x7FFFFFFF, v26;
	v7 =	vsub.f32 v36, v14;
	v8 =	vld [tilespmem:s26+$0x810];
	v14 =	vsub.f32 v29, v9  }
0x21b: {  	v28 =	vand.u32 $0x7FFFFFFF, v30;
	v30 =	vsub.f32 v33, v10;
	v29 =	vand.u32 $0x7FFFFFFF, v31;
	v9 =	vld [tilespmem:s25+$0x8820]  }
0x21c: {  	v31 =	vand.u32 $0x7FFFFFFF, v32;
	v10 =	vsub.f32 v7, v37;
	v12 =	vsub.f32 v38, v12;
	v32 =	vld [tilespmem:s26+$0x820]  }
0x21d: {  	s22 =	sadd.s32 $0x80, s22;
	v6 =	vsub.f32 v27, v6;
	v33 =	vand.u32 $0x7FFFFFFF, v34;
	v11 =	vsub.f32 v18, v11;
	v18 =	vld [tilespmem:s25+$0x8830]  }
0x21e: {  	v7 =	vld [tilespmem:s22+$0x0];
	v22 =	vand.u32 $0x7FFFFFFF, v22;
	v10 =	vand.u32 $0x7FFFFFFF, v10;
	v12 =	vsub.f32 v12, v35  }
0x21f: {  	v34 =	vsub.f32 v19, v13;
	v10 =	vadd.f32 v10, v22;
	v22 =	vand.u32 $0x7FFFFFFF, v8;
	v27 =	vld [tilespmem:s25+$0x8840]  }
0x220: {  	v15 =	vsub.f32 v25, v15;
	v8 =	vld [tilespmem:s22+$0xFFFFFFF0];
	v12 =	vand.u32 $0x7FFFFFFF, v12;
	v11 =	vsub.f32 v11, v9  }
0x221: {  	v9 =	vld [tilespmem:s22+$0xFFFFFFE0];
	v13 =	vsub.f32 v10, v33;
	v12 =	vadd.f32 v12, v22;
	v19 =	vand.u32 $0x7FFFFFFF, v32  }
0x222: {  	v16 =	vsub.f32 v14, v16;
	v10 =	vld [tilespmem:s22+$0xFFFFFFD0];
	v11 =	vand.u32 $0x7FFFFFFF, v11;
	v18 =	vsub.f32 v6, v18  }
0x223: {  	v6 =	vld [tilespmem:s22+$0xFFFFFFC0];
	v13 =	vmax.f32 v13, $0.0e+00;
	v14 =	vsub.f32 v12, v31;
	v19 =	vadd.f32 v11, v19  }
0x224: {  	v11 =	vld [tilespmem:s22+$0xFFFFFFB0];
	v13 =	vmul.f32 v13, v13;
	v18 =	vand.u32 $0x7FFFFFFF, v18;
	v22 =	vsub.f32 v30, v27  }
0x225: {  	s24 =	sadd.s32 $0x80, s24;
	s25 =	sand.u32 $0xFFFFF800, s28;
	v12 =	vld [tilespmem:s22+$0xFFFFFFA0];
	v25 =	vmax.f32 v14, $0.0e+00;
	v19 =	vsub.f32 v19, v28;
	v18 =	vadd.f32 v18, v29  }
0x226: {  	s25 =	sadd.s32 s25, s24;
	v14 =	vld [tilespmem:s22+$0xFFFFFF90];
	v13 =	vadd.f32 v13, v17;
	v17 =	vmul.f32 v25, v25;
	v22 =	vand.u32 $0x7FFFFFFF, v22  }
0x227: {  	v19 =	vmax.f32 v19, $0.0e+00;
	v24 =	vsub.f32 v18, v24;
	v22 =	vadd.f32 v22, v26;
	v25 =	vld [tilespmem:s23+$0x870];
	s23 =	sor.u32 $0x8400, s25  }
0x228: {  	s29 =	sand.u32 $0x800, s28;
	s30 =	sand.u32 $0x380, s24;
	s26 =	sor.u32 $0x7400, s25;
	v18 =	vld [tilespmem:s23+$0x860];
	v17 =	vadd.f32 v17, v13;
	v26 =	vmul.f32 v19, v19;
	v13 =	vand.u32 $0x7FFFFFFF, v16  }
0x229: {  	s25 =	sor.u32 s30, s29;
	v19 =	vld [tilespmem:s26+$0x870];
	v16 =	vmax.f32 v24, $0.0e+00;
	v22 =	vsub.f32 v22, v21;
	v23 =	vadd.f32 v13, v23  }
0x22a: {  	v15 =	vand.u32 $0x7FFFFFFF, v15;
	v13 =	vld [tilespmem:s25+$0x8870];
	v17 =	vadd.f32 v26, v17;
	v16 =	vmul.f32 v16, v16  }
0x22b: {  	v24 =	vadd.f32 v15, v20;
	v21 =	vld [tilespmem:s23+$0x850];
	v22 =	vmax.f32 v22, $0.0e+00;
	v23 =	vsub.f32 v23, v39  }
0x22c: {  	v20 =	vld [tilespmem:s26+$0x860];
	v16 =	vadd.f32 v16, v17;
	v17 =	vmul.f32 v22, v22;
	v22 =	vand.u32 $0x7FFFFFFF, v34  }
0x22d: {  	v26 =	vsub.f32 v24, v40;
	v15 =	vld [tilespmem:s25+$0x8860];
	v23 =	vmax.f32 v23, $0.0e+00;
	v27 =	vadd.f32 v22, v41  }
0x22e: {  	v22 =	vld [tilespmem:s25+$0x7870];
	v16 =	vadd.f32 v17, v16;
	v17 =	vmul.f32 v23, v23;
	v23 =	vand.u32 $0x7FFFFFFF, v25  }
0x22f: {  	v25 =	vmax.f32 v26, $0.0e+00;
	v24 =	vld [tilespmem:s23+$0x840];
	v26 =	vsub.f32 v27, v23  }
0x230: {  	v27 =	vmul.f32 v25, v25;
	v23 =	vld [tilespmem:s26+$0x850];
	v17 =	vadd.f32 v17, v16  }
0x231: {  	v16 =	vld [tilespmem:s25+$0x8850];
	v26 =	vmax.f32 v26, $0.0e+00  }
0x232: {  	v25 =	vld [tilespmem:s25+$0x7860];
	v17 =	vadd.f32 v27, v17;
	v27 =	vmul.f32 v26, v26  }
0x233: {  	v28 =	vld [tilespmem:s23+$0x830]  }
0x234: {  	v26 =	vld [tilespmem:s26+$0x840];
	v17 =	vadd.f32 v27, v17  }
0x235: {  	v29 =	vld [tilespmem:s25+$0x7850]  }
0x236: {  	v30 =	vld [tilespmem:s23+$0x820]  }
.Ltmp3:
0x237: {  	v31 =	vld [tilespmem:s26+$0x830];
	(pc) =	sbr.rel @p0 .LBB2_8-.Ltmp3, $4  }
0x238: {  	v33 =	vld [tilespmem:s25+$0x7840]  }
0x239: {  	v32 =	vld [tilespmem:s23+$0x810]  }
0x23a: {  	v27 =	vld [tilespmem:s25+$0x7830]  }
0x23b: {  	s28 =	sadd.s32 $0x100, s28;
	v34 =	vld [tilespmem:s23+$0x800]  }
0x23c: {  	v35 =	vld [tilespmem:s25+$0x8810]  }
0x23d: {  	v36 =	vld [tilespmem:s25+$0x7800]  }
0x23e: {  	v37 =	vld [tilespmem:s25+$0x8800]  }
0x23f: {  	v38 =	vld [tilespmem:s25+$0x7810];
	v18 =	vand.u32 $0x7FFFFFFF, v18  }
0x240: {  	v19 =	vand.u32 $0x7FFFFFFF, v19;
	v39 =	vld [tilespmem:s25+$0x7820];
	v24 =	vand.u32 $0x7FFFFFFF, v24;
	v20 =	vand.u32 $0x7FFFFFFF, v20  }
0x241: {  	v7 =	vsub.f32 v22, v7;
	v22 =	vld [tilespmem:s26+$0x800];
	v28 =	vand.u32 $0x7FFFFFFF, v28;
	v23 =	vand.u32 $0x7FFFFFFF, v23  }
0x242: {  	v8 =	vsub.f32 v25, v8;
	v26 =	vand.u32 $0x7FFFFFFF, v26;
	v9 =	vsub.f32 v29, v9;
	v61 =	vld [tilespmem:s25+$0x8830]  }
0x243: {  	v30 =	vand.u32 $0x7FFFFFFF, v30;
	v62 =	vld [tilespmem:s25+$0x8840];
	v10 =	vsub.f32 v33, v10;
	v7 =	vsub.f32 v7, v13  }
0x244: {  	v58 =	vld [tilespmem:s26+$0x810];
	v31 =	vand.u32 $0x7FFFFFFF, v31;
	v8 =	vsub.f32 v8, v15;
	v14 =	vsub.f32 v36, v14  }
0x245: {  	v59 =	vld [tilespmem:s25+$0x8820];
	v32 =	vand.u32 $0x7FFFFFFF, v32;
	v15 =	vsub.f32 v9, v16;
	v6 =	vsub.f32 v27, v6  }
0x246: {  	v8 =	vand.u32 $0x7FFFFFFF, v8;
	v12 =	vsub.f32 v38, v12;
	v14 =	vsub.f32 v14, v37  }
0x247: {  	v60 =	vld [tilespmem:s26+$0x820];
	v11 =	vsub.f32 v39, v11;
	v22 =	vand.u32 $0x7FFFFFFF, v22;
	v6 =	vsub.f32 v6, v61  }
0x248: {  	v63 =	vld [tilespmem:s23+$0x870];
	_ =	swait.ge [sflag:s18], $0x1000;
	v10 =	vsub.f32 v10, v62;
	v12 =	vsub.f32 v12, v35;
	v14 =	vand.u32 $0x7FFFFFFF, v14  }
0x249: {  	s24 =	simm.s32 $0x0;
	[sflag:s18] =	ssyncset.done $0x0;
	v34 =	vand.u32 $0x7FFFFFFF, v34;
	v8 =	vadd.f32 v8, v20;
	v14 =	vadd.f32 v14, v22  }
0x24a: {  	s22 =	sand.u32 $0xFFFFF800, s24;
	[sflag:s18] =	ssyncadd.s32 $0xFFFFF000;
	v11 =	vsub.f32 v11, v59;
	v12 =	vand.u32 $0x7FFFFFFF, v12;
	v22 =	vand.u32 $0x7FFFFFFF, v58  }
0x24b: {  	s30 =	sand.u32 $0x800, s24;
	s26 =	sadd.s32 $0x0, s22;
	_ =	swait.ge [sflag:s18], $0x1000;
	v7 =	vand.u32 $0x7FFFFFFF, v7;
	v12 =	vadd.f32 v12, v22;
	v13 =	vsub.f32 v14, v34  }
0x24c: {  	s31 =	sand.u32 $0x380, s24;
	s22 =	sor.u32 $0xA400, s26;
	[sflag:s18] =	ssyncset.done $0x0;
	v7 =	vadd.f32 v7, v19;
	v11 =	vand.u32 $0x7FFFFFFF, v11;
	v14 =	vand.u32 $0x7FFFFFFF, v60  }
0x24d: {  	s23 =	sor.u32 $0x9400, s26;
	s26 =	sor.u32 s31, s30;
	[sflag:s18] =	ssyncadd.s32 $0xFFFFF000;
	v12 =	vsub.f32 v12, v32;
	v11 =	vadd.f32 v11, v14;
	v9 =	vmax.f32 v13, $0.0e+00  }
0x24e: {  	v20 =	vld [tilespmem:s26+$0xA850];
	v6 =	vand.u32 $0x7FFFFFFF, v6;
	v10 =	vand.u32 $0x7FFFFFFF, v10;
	v13 =	vmul.f32 v9, v9  }
0x24f: {  	v19 =	vld [tilespmem:s26+$0x9850];
	v6 =	vadd.f32 v6, v31;
	v12 =	vmax.f32 v12, $0.0e+00;
	v14 =	vsub.f32 v11, v30  }
0x250: {  	v16 =	vld [tilespmem:s26+$0xA810];
	v8 =	vsub.f32 v8, v18;
	v12 =	vmul.f32 v12, v12;
	v13 =	vadd.f32 v13, v17  }
0x251: {  	v18 =	vld [tilespmem:s26+$0x9820];
	v10 =	vadd.f32 v10, v26;
	v6 =	vsub.f32 v6, v28;
	v14 =	vmax.f32 v14, $0.0e+00  }
0x252: {  	v22 =	vld [tilespmem:s22+$0x830];
	v12 =	vadd.f32 v12, v13;
	v13 =	vmul.f32 v14, v14;
	v14 =	vand.u32 $0x7FFFFFFF, v15  }
0x253: {  	v6 =	vmax.f32 v6, $0.0e+00;
	v9 =	vld [tilespmem:s22+$0x810];
	v15 =	vsub.f32 v10, v24;
	v14 =	vadd.f32 v14, v23  }
0x254: {  	v21 =	vand.u32 $0x7FFFFFFF, v21;
	v6 =	vmul.f32 v6, v6;
	v11 =	vld [tilespmem:s23+$0x800];
	v12 =	vadd.f32 v13, v12  }
0x255: {  	v17 =	vld [tilespmem:s22+$0x850];
	v13 =	vmax.f32 v15, $0.0e+00;
	v14 =	vsub.f32 v14, v21  }
0x256: {  	v10 =	vld [tilespmem:s23+$0x820];
	v6 =	vadd.f32 v6, v12;
	v12 =	vmul.f32 v13, v13  }
0x257: {  	v23 =	vld [tilespmem:s23+$0x850];
	v14 =	vmax.f32 v14, $0.0e+00  }
0x258: {  	v21 =	vld [tilespmem:s26+$0xA830];
	v6 =	vadd.f32 v12, v6;
	v12 =	vmul.f32 v14, v14;
	v14 =	vand.u32 $0x7FFFFFFF, v63  }
0x259: {  	v8 =	vmax.f32 v8, $0.0e+00;
	v7 =	vsub.f32 v7, v14;
	v14 =	vld [tilespmem:s26+$0x9830]  }
0x25a: {  	v8 =	vmul.f32 v8, v8;
	v15 =	vld [tilespmem:s26+$0x9800];
	v6 =	vadd.f32 v12, v6  }
0x25b: {  	v13 =	vld [tilespmem:s23+$0x810];
	v7 =	vmax.f32 v7, $0.0e+00  }
0x25c: {  	v6 =	vadd.f32 v8, v6;
	v7 =	vmul.f32 v7, v7;
	v8 =	vsub.f32 v19, v20;
	v20 =	vld [tilespmem:s26+$0xA820]  }
0x25d: {  	v12 =	vand.u32 $0x7FFFFFFF, v23;
	v19 =	vld [tilespmem:s26+$0x9810]  }
0x25e: {  	v6 =	vadd.f32 v7, v6;
	v14 =	vsub.f32 v14, v21;
	v8 =	vand.u32 $0x7FFFFFFF, v8;
	v21 =	vld [tilespmem:s26+$0xA800]  }
0x25f: {  	s28 =	simm.s32 $0x10000;
	s29 =	simm.s32 $0x100;
	s25 =	simm.s32 $0x10000;
	v7 =	vand.u32 $0x7FFFFFFF, v17;
	v17 =	vld [tilespmem:s22+$0x820];
	v8 =	vsub.f32 v8, v12;
	v12 =	vand.u32 $0x7FFFFFFF, v22  }
.LBB2_10:
0x260: {  	p0 =	sne.s32 s29, $0xF00;
	v11 =	vand.u32 $0x7FFFFFFF, v11;
	v22 =	vld [tilespmem:s22+$0x800];
	s28 =	sadd.s32 $0x80, s28;
	s24 =	sadd.s32 $0x80, s24  }
0x261: {  	v13 =	vand.u32 $0x7FFFFFFF, v13;
	s30 =	smov.u32 s29;
	s29 =	sadd.s32 $0x100, s29;
	v18 =	vsub.f32 v18, v20;
	v20 =	vld [tilespmem:s23+$0x830]  }
0x262: {  	v16 =	vsub.f32 v19, v16;
	v19 =	vld [tilespmem:s26+$0x9840]  }
0x263: {  	v10 =	vand.u32 $0x7FFFFFFF, v10;
	v15 =	vsub.f32 v15, v21;
	v18 =	vand.u32 $0x7FFFFFFF, v18;
	v21 =	vld [tilespmem:s26+$0xA840]  }
0x264: {  	v9 =	vand.u32 $0x7FFFFFFF, v9;
	v16 =	vand.u32 $0x7FFFFFFF, v16;
	v10 =	vsub.f32 v18, v10;
	v18 =	vld [tilespmem:s23+$0x840]  }
0x265: {  	v15 =	vand.u32 $0x7FFFFFFF, v15;
	v13 =	vsub.f32 v16, v13;
	v16 =	vand.u32 $0x7FFFFFFF, v17;
	v17 =	vld [tilespmem:s26+$0xA860]  }
0x266: {  	v14 =	vand.u32 $0x7FFFFFFF, v14;
	v22 =	vand.u32 $0x7FFFFFFF, v22;
	v10 =	vsub.f32 v10, v16;
	v16 =	vld [tilespmem:s22+$0x840]  }
0x267: {  	v11 =	vsub.f32 v15, v11;
	v9 =	vsub.f32 v13, v9;
	v13 =	vand.u32 $0x7FFFFFFF, v20;
	v15 =	vld [tilespmem:s26+$0x9860]  }
0x268: {  	v10 =	vmax.f32 v10, $0.0e+00;
	v13 =	vsub.f32 v14, v13;
	v14 =	vsub.f32 v19, v21;
	v19 =	vld [tilespmem:s26+$0xA870]  }
0x269: {  	v11 =	vsub.f32 v11, v22;
	v9 =	vmax.f32 v9, $0.0e+00;
	v18 =	vand.u32 $0x7FFFFFFF, v18;
	v20 =	vld [tilespmem:s23+$0x860]  }
0x26a: {  	v12 =	vsub.f32 v13, v12;
	v13 =	vand.u32 $0x7FFFFFFF, v14;
	v14 =	vld [tilespmem:s26+$0x9870]  }
0x26b: {  	v11 =	vmax.f32 v11, $0.0e+00;
	v16 =	vand.u32 $0x7FFFFFFF, v16;
	v13 =	vsub.f32 v13, v18;
	v18 =	vld [tilespmem:s22+$0x860]  }
0x26c: {  	v9 =	vmul.f32 v9, v9;
	v11 =	vmul.f32 v11, v11;
	v15 =	vsub.f32 v15, v17  }
0x26d: {  	v10 =	vmul.f32 v10, v10;
	s26 =	sand.u32 $0xFFFFF800, s30;
	v12 =	vmax.f32 v12, $0.0e+00;
	v13 =	vsub.f32 v13, v16;
	v16 =	vld [tilespmem:s23+$0x870]  }
0x26e: {  	s26 =	sadd.s32 s26, s24;
	v9 =	vadd.f32 v9, v11;
	v11 =	vand.u32 $0x7FFFFFFF, v20;
	v15 =	vand.u32 $0x7FFFFFFF, v15  }
0x26f: {  	s23 =	sor.u32 $0x9400, s26;
	v13 =	vmax.f32 v13, $0.0e+00;
	v11 =	vsub.f32 v15, v11;
	v15 =	vld [tilespmem:s22+$0x870];
	s22 =	sor.u32 $0xA400, s26;
	v14 =	vsub.f32 v14, v19  }
0x270: {  	s26 =	sand.u32 $0x800, s30;
	s30 =	sand.u32 $0x380, s24;
	v9 =	vadd.f32 v10, v9;
	v10 =	vmul.f32 v12, v12;
	v12 =	vmul.f32 v13, v13  }
0x271: {  	v7 =	vsub.f32 v8, v7;
	s26 =	sor.u32 s30, s26;
	v8 =	vand.u32 $0x7FFFFFFF, v18;
	v13 =	vand.u32 $0x7FFFFFFF, v14  }
0x272: {  	v9 =	vadd.f32 v10, v9;
	v8 =	vsub.f32 v11, v8;
	v10 =	vand.u32 $0x7FFFFFFF, v16  }
0x273: {  	v7 =	vmax.f32 v7, $0.0e+00;
	v10 =	vsub.f32 v13, v10  }
0x274: {  	v7 =	vmul.f32 v7, v7;
	v9 =	vadd.f32 v12, v9;
	v11 =	vand.u32 $0x7FFFFFFF, v15  }
0x275: {  	v8 =	vmax.f32 v8, $0.0e+00;
	v10 =	vsub.f32 v10, v11  }
0x276: {  	v8 =	vmul.f32 v8, v8;
	v7 =	vadd.f32 v7, v9  }
0x277: {  	v9 =	vmax.f32 v10, $0.0e+00  }
0x278: {  	v7 =	vadd.f32 v8, v7;
	v8 =	vmul.f32 v9, v9;
	_ =	sdelay $0x1  }
0x279: {  	v7 =	vadd.f32 v8, v7;
	_ =	sdelay $0x1  }
0x27a: {  	[tilespmem:s25+$0x0] =	vst v7;
	s25 =	smov.u32 s28  }
0x27b: {  	v9 =	vld [tilespmem:s22+$0x810]  }
0x27c: {  	v11 =	vld [tilespmem:s23+$0x800]  }
0x27d: {  	v12 =	vld [tilespmem:s22+$0x830]  }
0x27e: {  	v7 =	vld [tilespmem:s22+$0x850]  }
0x27f: {  	v10 =	vld [tilespmem:s23+$0x820]  }
0x280: {  	v8 =	vld [tilespmem:s23+$0x850]  }
0x281: {  	v14 =	vld [tilespmem:s26+$0xA850]  }
0x282: {  	v13 =	vld [tilespmem:s23+$0x810]  }
0x283: {  	v17 =	vld [tilespmem:s26+$0x9850]  }
0x284: {  	v21 =	vld [tilespmem:s26+$0xA830]  }
0x285: {  	v22 =	vld [tilespmem:s26+$0x9830]  }
0x286: {  	v15 =	vld [tilespmem:s26+$0x9800]  }
0x287: {  	v18 =	vld [tilespmem:s26+$0x9820]  }
.Ltmp4:
0x288: {  	v8 =	vand.u32 $0x7FFFFFFF, v8;
	v16 =	vld [tilespmem:s26+$0xA810];
	v17 =	vsub.f32 v17, v14;
	(pc) =	sbr.rel @p0 .LBB2_10-.Ltmp4, $4  }
0x289: {  	v20 =	vld [tilespmem:s26+$0xA820]  }
0x28a: {  	v7 =	vand.u32 $0x7FFFFFFF, v7;
	v19 =	vld [tilespmem:s26+$0x9810];
	v14 =	vsub.f32 v22, v21;
	v17 =	vand.u32 $0x7FFFFFFF, v17  }
0x28b: {  	v21 =	vld [tilespmem:s26+$0xA800];
	v8 =	vsub.f32 v17, v8  }
0x28c: {  	v12 =	vand.u32 $0x7FFFFFFF, v12;
	v17 =	vld [tilespmem:s22+$0x820]  }
0x28d: {  	v22 =	vld [tilespmem:s22+$0x800]  }
0x28e: {  	v23 =	vld [tilespmem:s23+$0x830]  }
0x28f: {  	v11 =	vand.u32 $0x7FFFFFFF, v11;
	v36 =	vld [tilespmem:s26+$0x9840];
	v18 =	vsub.f32 v18, v20  }
0x290: {  	v13 =	vand.u32 $0x7FFFFFFF, v13;
	v37 =	vld [tilespmem:s26+$0xA840];
	v10 =	vand.u32 $0x7FFFFFFF, v10;
	v16 =	vsub.f32 v19, v16  }
0x291: {  	v9 =	vand.u32 $0x7FFFFFFF, v9;
	v38 =	vld [tilespmem:s23+$0x840];
	v15 =	vsub.f32 v15, v21;
	v18 =	vand.u32 $0x7FFFFFFF, v18  }
0x292: {  	v40 =	vld [tilespmem:s22+$0x840];
	v14 =	vand.u32 $0x7FFFFFFF, v14;
	v16 =	vand.u32 $0x7FFFFFFF, v16;
	v10 =	vsub.f32 v18, v10  }
0x293: {  	v39 =	vld [tilespmem:s26+$0xA860];
	v15 =	vand.u32 $0x7FFFFFFF, v15;
	v13 =	vsub.f32 v16, v13;
	v16 =	vand.u32 $0x7FFFFFFF, v17  }
0x294: {  	v17 =	vand.u32 $0x7FFFFFFF, v22;
	v10 =	vsub.f32 v10, v16;
	v11 =	vsub.f32 v15, v11;
	v15 =	vld [tilespmem:s26+$0x9860]  }
0x295: {  	v16 =	vsub.f32 v36, v37;
	v9 =	vsub.f32 v13, v9;
	v13 =	vand.u32 $0x7FFFFFFF, v23  }
0x296: {  	v41 =	vand.u32 $0x7FFFFFFF, v38;
	v13 =	vsub.f32 v14, v13;
	v11 =	vsub.f32 v11, v17;
	v14 =	vld [tilespmem:s23+$0x860]  }
0x297: {  	v42 =	vld [tilespmem:s26+$0x9870];
	v43 =	vand.u32 $0x7FFFFFFF, v40;
	v10 =	vmax.f32 v10, $0.0e+00;
	v16 =	vand.u32 $0x7FFFFFFF, v16  }
0x298: {  	v17 =	vld [tilespmem:s26+$0xA870];
	v9 =	vmax.f32 v9, $0.0e+00;
	v16 =	vsub.f32 v16, v41;
	v11 =	vmax.f32 v11, $0.0e+00  }
0x299: {  	v44 =	vld [tilespmem:s22+$0x860];
	v9 =	vmul.f32 v9, v9;
	v11 =	vmul.f32 v11, v11;
	v15 =	vsub.f32 v15, v39  }
0x29a: {  	v10 =	vmul.f32 v10, v10;
	v12 =	vsub.f32 v13, v12;
	v13 =	vsub.f32 v16, v43;
	v16 =	vld [tilespmem:s23+$0x870]  }
0x29b: {  	v9 =	vadd.f32 v9, v11;
	v11 =	vand.u32 $0x7FFFFFFF, v14;
	v14 =	vand.u32 $0x7FFFFFFF, v15  }
0x29c: {  	v12 =	vmax.f32 v12, $0.0e+00;
	v13 =	vmax.f32 v13, $0.0e+00;
	v11 =	vsub.f32 v14, v11;
	v14 =	vld [tilespmem:s22+$0x870]  }
0x29d: {  	v15 =	vsub.f32 v42, v17;
	v9 =	vadd.f32 v10, v9;
	v10 =	vmul.f32 v12, v12  }
0x29e: {  	v7 =	vsub.f32 v8, v7;
	v8 =	vand.u32 $0x7FFFFFFF, v44;
	v12 =	vmul.f32 v13, v13  }
0x29f: {  	v13 =	vand.u32 $0x7FFFFFFF, v15;
	v9 =	vadd.f32 v10, v9;
	v10 =	vand.u32 $0x7FFFFFFF, v16  }
0x2a0: {  	v7 =	vmax.f32 v7, $0.0e+00;
	v8 =	vsub.f32 v11, v8;
	v10 =	vsub.f32 v13, v10  }
0x2a1: {  	v7 =	vmul.f32 v7, v7;
	v9 =	vadd.f32 v12, v9;
	v11 =	vand.u32 $0x7FFFFFFF, v14  }
0x2a2: {  	v8 =	vmax.f32 v8, $0.0e+00;
	v10 =	vsub.f32 v10, v11  }
0x2a3: {  	v8 =	vmul.f32 v8, v8;
	v7 =	vadd.f32 v7, v9  }
0x2a4: {  	v9 =	vmax.f32 v10, $0.0e+00  }
0x2a5: {  	v7 =	vadd.f32 v8, v7;
	v8 =	vmul.f32 v9, v9;
	_ =	sdelay $0x1  }
0x2a6: {  	v7 =	vadd.f32 v8, v7;
	_ =	sdelay $0x1  }
0x2a7: {  	[tilespmem:s25+$0x0] =	vst v7  }
0x2a8: {  	_ =	swait.ge [sflag:s19], $0x1000  }
0x2a9: {  	[sflag:s19] =	ssyncset.done $0x0  }
0x2aa: {  	[sflag:s19] =	ssyncadd.s32 $0xFFFFF000  }
0x2ab: {  	_ =	swait.ge [sflag:s19], $0x1000  }
0x2ac: {  	[sflag:s19] =	ssyncset.done $0x0  }
0x2ad: {  	[sflag:s19] =	ssyncadd.s32 $0xFFFFF000  }
0x2ae: {  	_ =	swait.ge [sflag:s19], $0x800  }
0x2af: {  	[sflag:s19] =	ssyncset.done $0x0  }
0x2b0: {  	s22 =	simm.s32 $0xE870;
	[sflag:s19] =	ssyncadd.s32 $0xFFFFF800  }
0x2b1: {  	v7 =	vld [tilespmem:s22+$0x0]  }
0x2b2: {  	v8 =	vld [tilespmem:s22+$0xFFFFFFF0]  }
0x2b3: {  	v9 =	vld [tilespmem:s22+$0xFFFFFFE0]  }
0x2b4: {  	v10 =	vld [tilespmem:s22+$0xFFFFFFB0]  }
0x2b5: {  	s23 =	simm.s32 $0x0;
	v11 =	vld [tilespmem:s22+$0xFFFFFFD0]  }
0x2b6: {  	s24 =	sand.u32 $0xFFFFF800, s23;
	v12 =	vld [tilespmem:s22+$0xFFFFFF90]  }
0x2b7: {  	s30 =	sadd.s32 $0x0, s24;
	v13 =	vld [tilespmem:s22+$0xFFFFFFC0]  }
0x2b8: {  	s24 =	sor.u32 $0xC400, s30;
	v14 =	vld [tilespmem:s22+$0xFFFFFFA0]  }
0x2b9: {  	v15 =	vld [tilespmem:s24+$0x830]  }
0x2ba: {  	v16 =	vld [tilespmem:s24+$0x810]  }
0x2bb: {  	s25 =	sor.u32 $0xB400, s30;
	v17 =	vld [tilespmem:s24+$0x820]  }
0x2bc: {  	s31 =	sand.u32 $0x800, s23;
	s28 =	sand.u32 $0x380, s23;
	v46 =	vld [tilespmem:s25+$0x800]  }
0x2bd: {  	s26 =	sor.u32 s28, s31;
	v47 =	vld [tilespmem:s25+$0x810]  }
0x2be: {  	v48 =	vld [tilespmem:s26+$0xC800]  }
0x2bf: {  	v49 =	vld [tilespmem:s26+$0xB820]  }
0x2c0: {  	v50 =	vld [tilespmem:s26+$0xB800]  }
0x2c1: {  	v24 =	vld [tilespmem:s26+$0xB810]  }
0x2c2: {  	v25 =	vld [tilespmem:s26+$0xC820]  }
0x2c3: {  	v26 =	vld [tilespmem:s26+$0xC810]  }
0x2c4: {  	v27 =	vld [tilespmem:s25+$0x820]  }
0x2c5: {  	v51 =	vld [tilespmem:s24+$0x800]  }
0x2c6: {  	v45 =	vld [tilespmem:s25+$0x830];
	v12 =	vadd.f32 v12, v50;
	v14 =	vadd.f32 v14, v24  }
0x2c7: {  	v28 =	vld [tilespmem:s26+$0xB830];
	v10 =	vadd.f32 v10, v49  }
0x2c8: {  	v52 =	vld [tilespmem:s26+$0xB840];
	v19 =	vand.u32 $0x7FFFFFFF, v46;
	v12 =	vsub.f32 v12, v48;
	v14 =	vsub.f32 v14, v26  }
0x2c9: {  	v55 =	vld [tilespmem:s26+$0xB850];
	v20 =	vand.u32 $0x7FFFFFFF, v47;
	v54 =	vand.u32 $0x7FFFFFFF, v27;
	v10 =	vsub.f32 v10, v25  }
0x2ca: {  	v53 =	vld [tilespmem:s26+$0xC830];
	v22 =	vand.u32 $0x7FFFFFFF, v51;
	v12 =	vand.u32 $0x7FFFFFFF, v12;
	v14 =	vand.u32 $0x7FFFFFFF, v14  }
0x2cb: {  	v56 =	vld [tilespmem:s26+$0xC840];
	v10 =	vand.u32 $0x7FFFFFFF, v10;
	v12 =	vsub.f32 v12, v19;
	v14 =	vsub.f32 v14, v20  }
0x2cc: {  	v57 =	vld [tilespmem:s26+$0xC850];
	v13 =	vadd.f32 v13, v28;
	v16 =	vand.u32 $0x7FFFFFFF, v16;
	v10 =	vsub.f32 v10, v54  }
0x2cd: {  	v60 =	vld [tilespmem:s26+$0xB870];
	v17 =	vand.u32 $0x7FFFFFFF, v17;
	v12 =	vsub.f32 v12, v22;
	v14 =	vsub.f32 v14, v16  }
0x2ce: {  	v58 =	vld [tilespmem:s25+$0x840];
	v11 =	vadd.f32 v11, v52;
	v9 =	vadd.f32 v9, v55;
	v18 =	vand.u32 $0x7FFFFFFF, v45  }
0x2cf: {  	v10 =	vsub.f32 v10, v17;
	v17 =	vld [tilespmem:s26+$0xB860];
	v12 =	vmax.f32 v12, $0.0e+00;
	v14 =	vmax.f32 v14, $0.0e+00  }
0x2d0: {  	v59 =	vld [tilespmem:s25+$0x850];
	v13 =	vsub.f32 v13, v53;
	v12 =	vmul.f32 v12, v12;
	v14 =	vmul.f32 v14, v14  }
0x2d1: {  	v11 =	vsub.f32 v11, v56;
	v9 =	vsub.f32 v9, v57;
	v16 =	vld [tilespmem:s24+$0x840];
	v10 =	vmax.f32 v10, $0.0e+00  }
0x2d2: {  	v61 =	vld [tilespmem:s26+$0xC860];
	v7 =	vadd.f32 v7, v60;
	v10 =	vmul.f32 v10, v10;
	v12 =	vadd.f32 v14, v12  }
0x2d3: {  	v62 =	vld [tilespmem:s26+$0xC870];
	v11 =	vand.u32 $0x7FFFFFFF, v11;
	v13 =	vand.u32 $0x7FFFFFFF, v13;
	v9 =	vand.u32 $0x7FFFFFFF, v9  }
0x2d4: {  	v20 =	vand.u32 $0x7FFFFFFF, v58;
	v17 =	vadd.f32 v8, v17;
	v8 =	vadd.f32 v10, v12;
	v10 =	vld [tilespmem:s24+$0x850]  }
0x2d5: {  	v11 =	vsub.f32 v11, v20;
	v14 =	vand.u32 $0x7FFFFFFF, v59;
	v12 =	vsub.f32 v13, v18  }
0x2d6: {  	v9 =	vsub.f32 v9, v14;
	v14 =	vand.u32 $0x7FFFFFFF, v15;
	v13 =	vand.u32 $0x7FFFFFFF, v16  }
0x2d7: {  	v63 =	vld [tilespmem:s25+$0x860];
	v11 =	vsub.f32 v11, v13;
	v12 =	vsub.f32 v12, v14  }
0x2d8: {  	v16 =	vld [tilespmem:s25+$0x870];
	v13 =	vsub.f32 v17, v61;
	v17 =	vsub.f32 v7, v62  }
0x2d9: {  	v7 =	vmax.f32 v11, $0.0e+00;
	v11 =	vmax.f32 v12, $0.0e+00;
	v12 =	vand.u32 $0x7FFFFFFF, v10;
	v10 =	vld [tilespmem:s24+$0x860];
	_ =	sdelay $0x1  }
0x2da: {  	v15 =	vmul.f32 v11, v11;
	v11 =	vsub.f32 v9, v12;
	v9 =	vld [tilespmem:s24+$0x870]  }
0x2db: {  	v14 =	vand.u32 $0x7FFFFFFF, v63;
	v13 =	vand.u32 $0x7FFFFFFF, v13;
	v7 =	vmul.f32 v7, v7  }
0x2dc: {  	s26 =	simm.s32 $0x100;
	s25 =	simm.s32 $0x10800;
	v12 =	vsub.f32 v13, v14;
	v13 =	vand.u32 $0x7FFFFFFF, v16;
	v14 =	vand.u32 $0x7FFFFFFF, v17;
	s24 =	simm.s32 $0x10800  }
.LBB2_12:
0x2dd: {  	v8 =	vadd.f32 v15, v8;
	v10 =	vand.u32 $0x7FFFFFFF, v10;
	s25 =	sadd.s32 $0x80, s25;
	s23 =	sadd.s32 $0x80, s23;
	s22 =	sadd.s32 $0x80, s22  }
0x2de: {  	p0 =	sne.s32 s26, $0xF00;
	v11 =	vmax.f32 v11, $0.0e+00;
	s30 =	smov.u32 s26;
	s26 =	sadd.s32 $0x100, s26;
	v10 =	vsub.f32 v12, v10;
	v12 =	vsub.f32 v14, v13  }
0x2df: {  	v7 =	vadd.f32 v7, v8;
	v8 =	vmul.f32 v11, v11;
	v9 =	vand.u32 $0x7FFFFFFF, v9  }
0x2e0: {  	v10 =	vmax.f32 v10, $0.0e+00;
	v9 =	vsub.f32 v12, v9  }
0x2e1: {  	v7 =	vadd.f32 v8, v7;
	v8 =	vmul.f32 v10, v10  }
0x2e2: {  	v9 =	vmax.f32 v9, $0.0e+00  }
0x2e3: {  	v7 =	vadd.f32 v8, v7;
	v8 =	vmul.f32 v9, v9;
	_ =	sdelay $0x1  }
0x2e4: {  	v7 =	vadd.f32 v8, v7;
	_ =	sdelay $0x1  }
0x2e5: {  	[tilespmem:s24+$0x0] =	vst v7;
	s24 =	smov.u32 s25;
	_ =	sdelay $0x1  }
0x2e6: {  	v7 =	vld [tilespmem:s22+$0x0]  }
0x2e7: {  	v8 =	vld [tilespmem:s22+$0xFFFFFFF0]  }
0x2e8: {  	v9 =	vld [tilespmem:s22+$0xFFFFFFE0]  }
0x2e9: {  	v10 =	vld [tilespmem:s22+$0xFFFFFFB0]  }
0x2ea: {  	v11 =	vld [tilespmem:s22+$0xFFFFFFD0]  }
0x2eb: {  	s28 =	sand.u32 $0xFFFFF800, s30;
	v12 =	vld [tilespmem:s22+$0xFFFFFF90]  }
0x2ec: {  	s29 =	sadd.s32 s28, s23;
	v13 =	vld [tilespmem:s22+$0xFFFFFFC0]  }
0x2ed: {  	s28 =	sor.u32 $0xC400, s29;
	v14 =	vld [tilespmem:s22+$0xFFFFFFA0]  }
0x2ee: {  	v15 =	vld [tilespmem:s28+$0x830]  }
0x2ef: {  	s29 =	sor.u32 $0xB400, s29;
	v16 =	vld [tilespmem:s28+$0x810]  }
0x2f0: {  	v17 =	vld [tilespmem:s28+$0x820]  }
0x2f1: {  	v18 =	vld [tilespmem:s29+$0x830]  }
0x2f2: {  	s30 =	sand.u32 $0x800, s30;
	s31 =	sand.u32 $0x380, s23;
	v19 =	vld [tilespmem:s29+$0x800]  }
0x2f3: {  	s30 =	sor.u32 s31, s30;
	v20 =	vld [tilespmem:s29+$0x810]  }
0x2f4: {  	v21 =	vld [tilespmem:s30+$0xC800]  }
0x2f5: {  	v22 =	vld [tilespmem:s30+$0xC820]  }
0x2f6: {  	v23 =	vld [tilespmem:s30+$0xB820]  }
0x2f7: {  	v24 =	vld [tilespmem:s30+$0xB800]  }
0x2f8: {  	v25 =	vld [tilespmem:s30+$0xB810]  }
0x2f9: {  	v26 =	vld [tilespmem:s30+$0xC810]  }
0x2fa: {  	v27 =	vld [tilespmem:s29+$0x820]  }
0x2fb: {  	v10 =	vadd.f32 v10, v23;
	v23 =	vld [tilespmem:s30+$0xB830]  }
0x2fc: {  	v28 =	vld [tilespmem:s28+$0x800];
	v12 =	vadd.f32 v12, v24  }
0x2fd: {  	v17 =	vand.u32 $0x7FFFFFFF, v17;
	v14 =	vadd.f32 v14, v25;
	v10 =	vsub.f32 v10, v22;
	v22 =	vld [tilespmem:s30+$0xB840]  }
0x2fe: {  	v19 =	vand.u32 $0x7FFFFFFF, v19;
	v20 =	vand.u32 $0x7FFFFFFF, v20;
	v12 =	vsub.f32 v12, v21;
	v21 =	vld [tilespmem:s30+$0xC830]  }
0x2ff: {  	v14 =	vsub.f32 v14, v26;
	v24 =	vand.u32 $0x7FFFFFFF, v27;
	v10 =	vand.u32 $0x7FFFFFFF, v10;
	v25 =	vld [tilespmem:s30+$0xB850]  }
0x300: {  	v12 =	vand.u32 $0x7FFFFFFF, v12;
	v10 =	vsub.f32 v10, v24;
	v13 =	vadd.f32 v13, v23;
	v23 =	vld [tilespmem:s30+$0xC840]  }
0x301: {  	v16 =	vand.u32 $0x7FFFFFFF, v16;
	v12 =	vsub.f32 v12, v19;
	v14 =	vand.u32 $0x7FFFFFFF, v14;
	v19 =	vld [tilespmem:s30+$0xC850]  }
0x302: {  	v24 =	vand.u32 $0x7FFFFFFF, v28;
	v14 =	vsub.f32 v14, v20;
	v20 =	vld [tilespmem:s29+$0x840];
	v11 =	vadd.f32 v11, v22  }
0x303: {  	v10 =	vsub.f32 v10, v17;
	v12 =	vsub.f32 v12, v24;
	v17 =	vld [tilespmem:s29+$0x850]  }
0x304: {  	v15 =	vand.u32 $0x7FFFFFFF, v15;
	v14 =	vsub.f32 v14, v16;
	v16 =	vld [tilespmem:s28+$0x840];
	v9 =	vadd.f32 v9, v25  }
0x305: {  	v13 =	vsub.f32 v13, v21;
	v12 =	vmax.f32 v12, $0.0e+00;
	v11 =	vsub.f32 v11, v23;
	v21 =	vld [tilespmem:s30+$0xB860]  }
0x306: {  	v10 =	vmax.f32 v10, $0.0e+00;
	v12 =	vmul.f32 v12, v12;
	v14 =	vmax.f32 v14, $0.0e+00;
	v22 =	vld [tilespmem:s30+$0xB870]  }
0x307: {  	v9 =	vsub.f32 v9, v19;
	v14 =	vmul.f32 v14, v14;
	v11 =	vand.u32 $0x7FFFFFFF, v11;
	v19 =	vld [tilespmem:s30+$0xC860]  }
0x308: {  	v18 =	vand.u32 $0x7FFFFFFF, v18;
	v20 =	vand.u32 $0x7FFFFFFF, v20;
	v17 =	vand.u32 $0x7FFFFFFF, v17;
	v23 =	vld [tilespmem:s30+$0xC870]  }
0x309: {  	v10 =	vmul.f32 v10, v10;
	v11 =	vsub.f32 v11, v20;
	v12 =	vadd.f32 v14, v12;
	v14 =	vld [tilespmem:s29+$0x860]  }
0x30a: {  	v13 =	vand.u32 $0x7FFFFFFF, v13;
	v9 =	vand.u32 $0x7FFFFFFF, v9;
	v20 =	vadd.f32 v8, v21  }
0x30b: {  	v17 =	vsub.f32 v9, v17;
	v8 =	vadd.f32 v10, v12;
	v12 =	vld [tilespmem:s28+$0x850]  }
0x30c: {  	v9 =	vsub.f32 v13, v18;
	v10 =	vand.u32 $0x7FFFFFFF, v16;
	v7 =	vadd.f32 v7, v22;
	v13 =	vld [tilespmem:s29+$0x870]  }
0x30d: {  	v11 =	vsub.f32 v11, v10;
	v16 =	vsub.f32 v20, v19  }
.Ltmp5:
0x30e: {  	v9 =	vsub.f32 v9, v15;
	v18 =	vsub.f32 v7, v23;
	v14 =	vand.u32 $0x7FFFFFFF, v14;
	v10 =	vld [tilespmem:s28+$0x860];
	(pc) =	sbr.rel @p0 .LBB2_12-.Ltmp5, $4  }
0x30f: {  	v7 =	vmax.f32 v11, $0.0e+00;
	v16 =	vand.u32 $0x7FFFFFFF, v16  }
0x310: {  	v11 =	vmax.f32 v9, $0.0e+00;
	v7 =	vmul.f32 v7, v7;
	v12 =	vand.u32 $0x7FFFFFFF, v12;
	v9 =	vld [tilespmem:s28+$0x870]  }
0x311: {  	v15 =	vmul.f32 v11, v11;
	v11 =	vsub.f32 v17, v12;
	v12 =	vsub.f32 v16, v14  }
0x312: {  	v13 =	vand.u32 $0x7FFFFFFF, v13;
	v14 =	vand.u32 $0x7FFFFFFF, v18  }
0x313: {  	v8 =	vadd.f32 v15, v8;
	v10 =	vand.u32 $0x7FFFFFFF, v10  }
0x314: {  	v11 =	vmax.f32 v11, $0.0e+00;
	v60 =	vsub.f32 v14, v13;
	v10 =	vsub.f32 v12, v10  }
0x315: {  	v61 =	vmul.f32 v11, v11;
	v7 =	vadd.f32 v7, v8;
	v9 =	vand.u32 $0x7FFFFFFF, v9  }
0x316: {  	v10 =	vmax.f32 v10, $0.0e+00;
	v9 =	vsub.f32 v60, v9  }
0x317: {  	v7 =	vadd.f32 v61, v7;
	v62 =	vmul.f32 v10, v10  }
0x318: {  	v9 =	vmax.f32 v9, $0.0e+00  }
0x319: {  	v7 =	vadd.f32 v62, v7;
	v63 =	vmul.f32 v9, v9;
	_ =	sdelay $0x1  }
0x31a: {  	v7 =	vadd.f32 v63, v7;
	_ =	sdelay $0x1  }
0x31b: {  	[tilespmem:s24+$0x0] =	vst v7  }
0x31c: {  	[tilespmem:$0x11000] =	vst v4  }
0x31d: {  	s21 =	sadd.s32 $0x1, s21;
	[tilespmem:$0x11080] =	vst v5  }
0x31e: {  	p0 =	sne.s32 s21, s7;
	[tilespmem:$0x11100] =	vst v6  }
.Ltmp6:
0x31f: {  	[tilespmem:$0x11180] =	vst v3;
	(pc) =	sbr.rel @p0 .LBB2_1-.Ltmp6, $4  }
0x320: {  	[hbm4b:s6+s4] =	stream.linear.scatter [tilespmem:s20], [sflag:$0x7], $0x2200, $0x38;
	[tilespmem:$0x11400] =	vst v63  }
0x321: {  	_ =	swait.ge [sflag:s8], $0x2200  }
0x322: {  	[sflag:s8] =	ssyncset.done $0x0  }
0x323: {  	[sflag:s8] =	ssyncadd.s32 $0xFFFFDE00  }
0x324: {  	_ =	sfence.sel $0x180000  }
0x325: {  	[bflag:$0x0] =	sbarrier.arrive $0xFFFF  }
0x326: {  	_ =	strace $0x90000047  }
0x327: {  	s0 =	stileid.u32;
	[bflag:$0x2] =	sbarrier.arrive $0xFFFF  }
0x328: {  	p0 =	sne.s32 s0, $0x0;
	s0 =	rddreg [dreg:$0x3]  }
0x329: {  	s0 =	sadd.s32 @!p0 $0x100000, s0  }
0x32a: {  	[sflag:s0] =	ssyncadd.tile.s32 @!p0 $0x1;
	_ =	shalt  }
.Lfunc_end2:
_tile_overlayer_lowered:
.L_overlay_start_2:
0x32b: {  	(tag) =	ssettag $0x2  }
0x32c: {  	s0 =	rddreg [dreg:$0x0];
	s2 =	stileid.u32  }
0x32d: {  	s1 =	rddreg [dreg:$0x1];
	p0 =	sne.s32 s2, $0x0  }
0x32e: {  	s3 =	rddreg [dreg:$0x2];
	[bflag:$0x3] =	sbarrier.arrive $0xFFFF;
	s2 =	simm.s32 @!p0 $0x1C07  }
0x32f: {  	[timem:s3], [sflag:s2] =	dma.local @!p0 [hbm:s0], s1  }
0x330: {  	s0 =	simm.s32 @!p0 $0x7  }
0x331: {  	_ =	swait.ge @!p0 [sflag:s0], s1  }
0x332: {  	s1 =	ssub.s32 @!p0 $0x0, s1;
	[sflag:s0] =	ssyncset.done @!p0 $0x0  }
0x333: {  	[sflag:s0] =	ssyncadd.s32 @!p0 s1  }
0x334: {  	[bflag:$0x3] =	sbarrier.arrive $0xFFFF  }
0x335: {  	_ =	shalt  }

</sc_bundles>
